<compile_context>
chip_gen: v7x
topology: tpu7x:2x2x1
jax: 0.10.2.dev20260603
libtpu: 0.0.44.dev20260713+nightly
codegen_flags: <defaults>
</compile_context>

<pallas_src>
import functools

import jax
import jax.numpy as jnp
from jax import lax
from jax.experimental import pallas as pl
from jax.experimental.pallas import tpu as pltpu
from jax.experimental.pallas import tpu_sc as plsc

_SMOOTH = 0.1

_NC, _NS, _L = 2, 16, 16
_NW = _NC * _NS
_NCHAINS = 4


def _tc_body(y_ref, out_ref, *, n_rows_total, n_cols):
    a = _SMOOTH / (n_cols - 1.0)
    b = (1.0 - _SMOOTH) - a

    y = y_ref[...]
    saug = jnp.sum(y, axis=1)
    my = jnp.max(y, axis=1, keepdims=True)
    ly = jnp.log(jnp.sum(jnp.exp(y - my), axis=1))
    mpl = my[:, 0] + ly

    block_tot = -a * jnp.sum(saug) + (a * n_cols + b) * jnp.sum(mpl)

    @pl.when(pl.program_id(0) == 0)
    def _():
        out_ref[0, 0] = 0.0

    out_ref[0, 0] += block_tot / n_rows_total


def _sc_argmax_pick(n_rows, n_cols, rows_per_tile, chunk):
    n_chunks = rows_per_tile // chunk
    n_full = n_cols // _L
    n_tail = n_cols - n_full * _L
    mesh = plsc.VectorSubcoreMesh(core_axis_name="c", subcore_axis_name="s")

    @functools.partial(
        pl.kernel,
        out_type=jax.ShapeDtypeStruct((_NW, _L), jnp.float32),
        mesh=mesh,
        compiler_params=pltpu.CompilerParams(
            needs_layout_passes=False, use_tc_tiling_on_sc=True),
        scratch_types=[
            pltpu.VMEM((chunk, n_cols), jnp.float32),
            pltpu.VMEM((chunk, n_cols), jnp.float32),
            pltpu.VMEM((chunk, n_cols), jnp.float32),
            pltpu.VMEM((chunk, n_cols), jnp.float32),
            pltpu.VMEM((_L,), jnp.float32),
            pltpu.SemaphoreType.DMA,
            pltpu.SemaphoreType.DMA,
            pltpu.SemaphoreType.DMA,
            pltpu.SemaphoreType.DMA,
        ],
    )
    def body(x_hbm, aug_hbm, out_hbm, xb0, xb1, ab0, ab1, accref,
             sx0, sx1, sa0, sa1):
        wid = lax.axis_index("s") * _NC + lax.axis_index("c")
        row0 = wid * rows_per_tile
        iota = lax.iota(jnp.int32, _L)

        def x_copy(c, xb, sem):
            return pltpu.make_async_copy(
                x_hbm.at[pl.ds(row0 + c * chunk, chunk)], xb, sem)

        def a_copy(c, ab, sem):
            return pltpu.make_async_copy(
                aug_hbm.at[pl.ds(row0 + c * chunk, chunk)], ab, sem)

        def compute_chunk(xb, ab):
            def row_fn(r, acc):
                maxs = [None] * _NCHAINS
                idxs = [None] * _NCHAINS
                nsteps = n_full + (1 if n_tail else 0)
                for k in range(nsteps):
                    off = n_cols - _L if k == nsteps - 1 else k * _L
                    v = xb[r, pl.ds(off, _L)]
                    ci = k % _NCHAINS
                    if maxs[ci] is None:
                        maxs[ci] = v
                        idxs[ci] = iota + off
                    else:
                        gt = v > maxs[ci]
                        idxs[ci] = jnp.where(gt, iota + off, idxs[ci])
                        maxs[ci] = jnp.where(gt, v, maxs[ci])
                maxv, idxv = maxs[0], idxs[0]
                for ci in range(1, _NCHAINS):
                    better = (maxs[ci] > maxv) | (
                        (maxs[ci] == maxv) & (idxs[ci] < idxv))
                    idxv = jnp.where(better, idxs[ci], idxv)
                    maxv = jnp.where(better, maxs[ci], maxv)
                m = jnp.max(maxv)
                ti = jnp.min(jnp.where(maxv == m, idxv, jnp.int32(1 << 30)))
                pick = jnp.zeros((_L,), jnp.float32)
                for k in range(nsteps):
                    off = n_cols - _L if k == nsteps - 1 else k * _L
                    augv = ab[r, pl.ds(off, _L)]
                    sel = (iota + off) == ti
                    if k == nsteps - 1 and n_tail:
                        sel = sel & (iota >= (_L - n_tail))
                    pick = pick + jnp.where(sel, augv, 0.0)
                return acc + pick

            return lax.fori_loop(
                0, chunk, row_fn, jnp.zeros((_L,), jnp.float32))

        accref[...] = jnp.zeros((_L,), jnp.float32)
        x_copy(0, xb0, sx0).start()
        a_copy(0, ab0, sa0).start()

        def chunk_body(c, carry):
            @pl.when((c % 2 == 0) & (c + 1 < n_chunks))
            def _():
                x_copy(c + 1, xb1, sx1).start()
                a_copy(c + 1, ab1, sa1).start()

            @pl.when((c % 2 == 1) & (c + 1 < n_chunks))
            def _():
                x_copy(c + 1, xb0, sx0).start()
                a_copy(c + 1, ab0, sa0).start()

            @pl.when(c % 2 == 0)
            def _():
                x_copy(c, xb0, sx0).wait()
                a_copy(c, ab0, sa0).wait()
                accref[...] = accref[...] + compute_chunk(xb0, ab0)

            @pl.when(c % 2 == 1)
            def _():
                x_copy(c, xb1, sx1).wait()
                a_copy(c, ab1, sa1).wait()
                accref[...] = accref[...] + compute_chunk(xb1, ab1)

            return carry

        lax.fori_loop(0, n_chunks, chunk_body, 0)
        pltpu.sync_copy(accref, out_hbm.at[wid])

    return body


def kernel(input, input_aug):
    n_rows, n_cols = input.shape
    block_rows = 256
    grid = n_rows // block_rows
    a = _SMOOTH / (n_cols - 1.0)
    b = (1.0 - _SMOOTH) - a

    sc_partials = _sc_argmax_pick(n_rows, n_cols, n_rows // _NW, 16)(
        input, input_aug
    )

    tc_tot = pl.pallas_call(
        functools.partial(_tc_body, n_rows_total=float(n_rows), n_cols=n_cols),
        grid=(grid,),
        in_specs=[pl.BlockSpec((block_rows, n_cols), lambda i: (i, 0))],
        out_specs=pl.BlockSpec(memory_space=pltpu.SMEM),
        out_shape=jax.ShapeDtypeStruct((1, 1), jnp.float32),
    )(input_aug)

    s3 = jnp.sum(sc_partials)
    return tc_tot[0, 0] - b * s3 / float(n_rows)

# --- scband reference (transcript-rebuilt; emitter-appended) ---
"""Pipeline reference for scband-label-smooth-loss-88347477278858 (READ-ONLY COPY).

The authoritative reference and input builder live on the scoring server;
editing this copy changes nothing except your own understanding.
"""

import jax, jax.numpy as jnp
import numpy as np

SMOOTHING = 0.1
THRESHOLD = 0.0

def setup_inputs(seed: int = 0) -> dict:
    key = jax.random.key(seed)
    k1, k2 = jax.random.split(key)
    inp = jax.random.normal(k1, (4096, 1000), dtype=jnp.float32)
    inp_aug = jax.random.normal(k2, (4096, 1000), dtype=jnp.float32)
    return {"input": inp, "input_aug": inp_aug}

def reference(input, input_aug):
    weak_anchors_prob = jax.nn.softmax(input, axis=1)
    max_prob = jnp.max(weak_anchors_prob, axis=1)
    target = jnp.argmax(weak_anchors_prob, axis=1)
    mask = max_prob > THRESHOLD
    b, c = input.shape
    log_prob = jax.nn.log_softmax(input_aug, axis=-1)
    weight = jnp.full(input_aug.shape, SMOOTHING / (c - 1.0), dtype=input_aug.dtype)
    weight = weight.at[jnp.arange(b), target].set(1.0 - SMOOTHING)
    row_loss = jnp.sum(-weight * log_prob, axis=-1)
    maskf = mask.astype(input.dtype)
    n_sel = jnp.sum(maskf)
    loss = jnp.sum(row_loss * maskf) / jnp.maximum(n_sel, 1.0)
    return jnp.where(jnp.any(mask), loss, jnp.asarray(0.0, dtype=input.dtype))

if __name__ == "__main__":
    import jax
    _d = setup_inputs()
    print(jax.jit(kernel)(*tuple(_d.values())))

</pallas_src>

<mosaic_0001>
#map = affine_map<(d0, d1) -> (0, 0)>
module attributes {stable_mosaic.version = 14 : i64} {
  func.func @body(%arg0: i32, %arg1: i32, %arg2: memref<4096x1000xf32, #tpu.memory_space<hbm>>, %arg3: memref<4096x1000xf32, #tpu.memory_space<hbm>>, %arg4: memref<32x16xf32, #tpu.memory_space<hbm>>, %arg5: memref<16x1000xf32, #tpu.memory_space<vmem>>, %arg6: memref<16x1000xf32, #tpu.memory_space<vmem>>, %arg7: memref<16x1000xf32, #tpu.memory_space<vmem>>, %arg8: memref<16x1000xf32, #tpu.memory_space<vmem>>, %arg9: memref<16xf32, #tpu.memory_space<vmem>>, %arg10: memref<!tpu.dma_semaphore, #tpu.memory_space<semaphore_mem>>, %arg11: memref<!tpu.dma_semaphore, #tpu.memory_space<semaphore_mem>>, %arg12: memref<!tpu.dma_semaphore, #tpu.memory_space<semaphore_mem>>, %arg13: memref<!tpu.dma_semaphore, #tpu.memory_space<semaphore_mem>>) attributes {dimension_semantics = [#tpu.dimension_semantics<core_parallel>, #tpu.dimension_semantics<subcore_parallel>], iteration_bounds = array<i64: 2, 16>, scalar_prefetch = 0 : i64, scratch_operands = 9 : i64, tpu.core_type = #tpu.core_type<sc_vector_subcore>, window_params = [{transform_indices = #map}, {transform_indices = #map}, {transform_indices = #map}]} {
    %mul3A = arith.constant 2 : i32
    %mul3A_0 = arith.muli %arg1, %mul3A : i32
    %add3A = arith.addi %mul3A_0, %arg0 : i32
    %mul3A_1 = arith.constant 128 : i32
    %mul3A_2 = arith.muli %add3A, %mul3A_1 : i32
    %iota3A = tpu.iota {dimensions = array<i32: 0>} : vector<16xi32>
    %broadcast_in_dim3A = arith.constant 0.000000e+00 : f32
    %broadcast_in_dim3A_3 = vector.broadcast %broadcast_in_dim3A : f32 to vector<16xf32>
    %swap3A = arith.constant 0 : index
    %swap3A_4 = tpu.vector_load %arg9[%swap3A] {strides = array<i32>} : memref<16xf32, #tpu.memory_space<vmem>>, vector<16xf32>,
    tpu.vector_store %arg9[%swap3A], %broadcast_in_dim3A_3 {strides = array<i32>} : memref<16xf32, #tpu.memory_space<vmem>>, vector<16xf32>,
    %add3A_5 = arith.constant 0 : i32
    %add3A_6 = arith.addi %mul3A_2, %add3A_5 : i32
    %dma_start3A = arith.constant 0 : i32
    %dma_start3A_7 = tpu.memref_slice %arg2[%add3A_6, %dma_start3A] : memref<4096x1000xf32, #tpu.memory_space<hbm>> -> memref<16x1000xf32, #tpu.memory_space<hbm>>
    %dma_start3A_8 = arith.constant 0 : i32
    %dma_start3A_9 = tpu.memref_slice %arg2[%add3A_6, %dma_start3A_8] : memref<4096x1000xf32, #tpu.memory_space<hbm>> -> memref<16x1000xf32, #tpu.memory_space<hbm>>
    tpu.enqueue_dma source(%dma_start3A_9 : memref<16x1000xf32, #tpu.memory_space<hbm>>) target(%arg5 : memref<16x1000xf32, #tpu.memory_space<vmem>>) target_semaphore(%arg10 : memref<!tpu.dma_semaphore, #tpu.memory_space<semaphore_mem>>)
    %add3A_10 = arith.constant 0 : i32
    %add3A_11 = arith.addi %mul3A_2, %add3A_10 : i32
    %dma_start3A_12 = arith.constant 0 : i32
    %dma_start3A_13 = tpu.memref_slice %arg3[%add3A_11, %dma_start3A_12] : memref<4096x1000xf32, #tpu.memory_space<hbm>> -> memref<16x1000xf32, #tpu.memory_space<hbm>>
    %dma_start3A_14 = arith.constant 0 : i32
    %dma_start3A_15 = tpu.memref_slice %arg3[%add3A_11, %dma_start3A_14] : memref<4096x1000xf32, #tpu.memory_space<hbm>> -> memref<16x1000xf32, #tpu.memory_space<hbm>>
    tpu.enqueue_dma source(%dma_start3A_15 : memref<16x1000xf32, #tpu.memory_space<hbm>>) target(%arg7 : memref<16x1000xf32, #tpu.memory_space<vmem>>) target_semaphore(%arg12 : memref<!tpu.dma_semaphore, #tpu.memory_space<semaphore_mem>>)
    %scan3A = arith.constant 0 : i32
    %scan3A_16 = arith.constant 0 : i32
    %scan3A_17 = arith.constant 8 : i32
    %scan3A_18 = arith.addi %scan3A_16, %scan3A_17 : i32
    %scan3A_19 = arith.constant 1 : i32
    scf.for %scan3A_21 = %scan3A_16 to %scan3A_18 step %scan3A_19  : i32 {
      %jit3A = arith.constant 2 : i32
      %eq3A = arith.constant 0 : i32
      %eq3A_22 = arith.cmpi eq, %jit3A, %eq3A : i32
      %jit3A_23 = arith.constant 1 : i32
      %select_n3A = arith.select %eq3A_22, %jit3A_23, %jit3A : i32
      %rem3A = arith.remsi %scan3A_21, %select_n3A : i32
      %ne3A = arith.constant 0 : i32
      %ne3A_24 = arith.cmpi ne, %rem3A, %ne3A : i32
      %lt3A = arith.constant 0 : i32
      %lt3A_25 = arith.cmpi slt, %rem3A, %lt3A : i32
      %lt3A_26 = arith.constant 0 : i32
      %lt3A_27 = arith.cmpi slt, %select_n3A, %lt3A_26 : i32
      %ne3A_28 = arith.xori %lt3A_25, %lt3A_27 : i1
      %and3A = arith.andi %ne3A_28, %ne3A_24 : i1
      %add3A_29 = arith.addi %rem3A, %select_n3A : i32
      %select_n3A_30 = arith.select %and3A, %add3A_29, %rem3A : i32
      %eq3A_31 = arith.constant 0 : i32
      %eq3A_32 = arith.cmpi eq, %select_n3A_30, %eq3A_31 : i32
      %add3A_33 = arith.constant 1 : i32
      %add3A_34 = arith.addi %scan3A_21, %add3A_33 : i32
      %lt3A_35 = arith.constant 8 : i32
      %lt3A_36 = arith.cmpi slt, %add3A_34, %lt3A_35 : i32
      %and3A_37 = arith.andi %eq3A_32, %lt3A_36 : i1
      %convert_element_type3A = arith.extui %and3A_37 : i1 to i32
      %cond3A = arith.constant 0 : i32
      %cond3A_38 = arith.cmpi ne, %convert_element_type3A, %cond3A : i32
      scf.if %cond3A_38 {
        %add3A_107 = arith.constant 1 : i32
        %add3A_108 = arith.addi %scan3A_21, %add3A_107 : i32
        %mul3A_109 = arith.constant 16 : i32
        %mul3A_110 = arith.muli %add3A_108, %mul3A_109 : i32
        %add3A_111 = arith.addi %mul3A_2, %mul3A_110 : i32
        %dma_start3A_112 = arith.constant 0 : i32
        %dma_start3A_113 = tpu.memref_slice %arg2[%add3A_111, %dma_start3A_112] : memref<4096x1000xf32, #tpu.memory_space<hbm>> -> memref<16x1000xf32, #tpu.memory_space<hbm>>
        %dma_start3A_114 = arith.constant 0 : i32
        %dma_start3A_115 = tpu.memref_slice %arg2[%add3A_111, %dma_start3A_114] : memref<4096x1000xf32, #tpu.memory_space<hbm>> -> memref<16x1000xf32, #tpu.memory_space<hbm>>
        tpu.enqueue_dma source(%dma_start3A_115 : memref<16x1000xf32, #tpu.memory_space<hbm>>) target(%arg6 : memref<16x1000xf32, #tpu.memory_space<vmem>>) target_semaphore(%arg11 : memref<!tpu.dma_semaphore, #tpu.memory_space<semaphore_mem>>)
        %add3A_116 = arith.constant 1 : i32
        %add3A_117 = arith.addi %scan3A_21, %add3A_116 : i32
        %mul3A_118 = arith.constant 16 : i32
        %mul3A_119 = arith.muli %add3A_117, %mul3A_118 : i32
        %add3A_120 = arith.addi %mul3A_2, %mul3A_119 : i32
        %dma_start3A_121 = arith.constant 0 : i32
        %dma_start3A_122 = tpu.memref_slice %arg3[%add3A_120, %dma_start3A_121] : memref<4096x1000xf32, #tpu.memory_space<hbm>> -> memref<16x1000xf32, #tpu.memory_space<hbm>>
        %dma_start3A_123 = arith.constant 0 : i32
        %dma_start3A_124 = tpu.memref_slice %arg3[%add3A_120, %dma_start3A_123] : memref<4096x1000xf32, #tpu.memory_space<hbm>> -> memref<16x1000xf32, #tpu.memory_space<hbm>>
        tpu.enqueue_dma source(%dma_start3A_124 : memref<16x1000xf32, #tpu.memory_space<hbm>>) target(%arg8 : memref<16x1000xf32, #tpu.memory_space<vmem>>) target_semaphore(%arg13 : memref<!tpu.dma_semaphore, #tpu.memory_space<semaphore_mem>>)
      } else {
      }
      %jit3A_39 = arith.constant 2 : i32
      %eq3A_40 = arith.constant 0 : i32
      %eq3A_41 = arith.cmpi eq, %jit3A_39, %eq3A_40 : i32
      %jit3A_42 = arith.constant 1 : i32
      %select_n3A_43 = arith.select %eq3A_41, %jit3A_42, %jit3A_39 : i32
      %rem3A_44 = arith.remsi %scan3A_21, %select_n3A_43 : i32
      %ne3A_45 = arith.constant 0 : i32
      %ne3A_46 = arith.cmpi ne, %rem3A_44, %ne3A_45 : i32
      %lt3A_47 = arith.constant 0 : i32
      %lt3A_48 = arith.cmpi slt, %rem3A_44, %lt3A_47 : i32
      %lt3A_49 = arith.constant 0 : i32
      %lt3A_50 = arith.cmpi slt, %select_n3A_43, %lt3A_49 : i32
      %ne3A_51 = arith.xori %lt3A_48, %lt3A_50 : i1
      %and3A_52 = arith.andi %ne3A_51, %ne3A_46 : i1
      %add3A_53 = arith.addi %rem3A_44, %select_n3A_43 : i32
      %select_n3A_54 = arith.select %and3A_52, %add3A_53, %rem3A_44 : i32
      %eq3A_55 = arith.constant 1 : i32
      %eq3A_56 = arith.cmpi eq, %select_n3A_54, %eq3A_55 : i32
      %add3A_57 = arith.constant 1 : i32
      %add3A_58 = arith.addi %scan3A_21, %add3A_57 : i32
      %lt3A_59 = arith.constant 8 : i32
      %lt3A_60 = arith.cmpi slt, %add3A_58, %lt3A_59 : i32
      %and3A_61 = arith.andi %eq3A_56, %lt3A_60 : i1
      %convert_element_type3A_62 = arith.extui %and3A_61 : i1 to i32
      %cond3A_63 = arith.constant 0 : i32
      %cond3A_64 = arith.cmpi ne, %convert_element_type3A_62, %cond3A_63 : i32
      scf.if %cond3A_64 {
        %add3A_107 = arith.constant 1 : i32
        %add3A_108 = arith.addi %scan3A_21, %add3A_107 : i32
        %mul3A_109 = arith.constant 16 : i32
        %mul3A_110 = arith.muli %add3A_108, %mul3A_109 : i32
        %add3A_111 = arith.addi %mul3A_2, %mul3A_110 : i32
        %dma_start3A_112 = arith.constant 0 : i32
        %dma_start3A_113 = tpu.memref_slice %arg2[%add3A_111, %dma_start3A_112] : memref<4096x1000xf32, #tpu.memory_space<hbm>> -> memref<16x1000xf32, #tpu.memory_space<hbm>>
        %dma_start3A_114 = arith.constant 0 : i32
        %dma_start3A_115 = tpu.memref_slice %arg2[%add3A_111, %dma_start3A_114] : memref<4096x1000xf32, #tpu.memory_space<hbm>> -> memref<16x1000xf32, #tpu.memory_space<hbm>>
        tpu.enqueue_dma source(%dma_start3A_115 : memref<16x1000xf32, #tpu.memory_space<hbm>>) target(%arg5 : memref<16x1000xf32, #tpu.memory_space<vmem>>) target_semaphore(%arg10 : memref<!tpu.dma_semaphore, #tpu.memory_space<semaphore_mem>>)
        %add3A_116 = arith.constant 1 : i32
        %add3A_117 = arith.addi %scan3A_21, %add3A_116 : i32
        %mul3A_118 = arith.constant 16 : i32
        %mul3A_119 = arith.muli %add3A_117, %mul3A_118 : i32
        %add3A_120 = arith.addi %mul3A_2, %mul3A_119 : i32
        %dma_start3A_121 = arith.constant 0 : i32
        %dma_start3A_122 = tpu.memref_slice %arg3[%add3A_120, %dma_start3A_121] : memref<4096x1000xf32, #tpu.memory_space<hbm>> -> memref<16x1000xf32, #tpu.memory_space<hbm>>
        %dma_start3A_123 = arith.constant 0 : i32
        %dma_start3A_124 = tpu.memref_slice %arg3[%add3A_120, %dma_start3A_123] : memref<4096x1000xf32, #tpu.memory_space<hbm>> -> memref<16x1000xf32, #tpu.memory_space<hbm>>
        tpu.enqueue_dma source(%dma_start3A_124 : memref<16x1000xf32, #tpu.memory_space<hbm>>) target(%arg7 : memref<16x1000xf32, #tpu.memory_space<vmem>>) target_semaphore(%arg12 : memref<!tpu.dma_semaphore, #tpu.memory_space<semaphore_mem>>)
      } else {
      }
      %jit3A_65 = arith.constant 2 : i32
      %eq3A_66 = arith.constant 0 : i32
      %eq3A_67 = arith.cmpi eq, %jit3A_65, %eq3A_66 : i32
      %jit3A_68 = arith.constant 1 : i32
      %select_n3A_69 = arith.select %eq3A_67, %jit3A_68, %jit3A_65 : i32
      %rem3A_70 = arith.remsi %scan3A_21, %select_n3A_69 : i32
      %ne3A_71 = arith.constant 0 : i32
      %ne3A_72 = arith.cmpi ne, %rem3A_70, %ne3A_71 : i32
      %lt3A_73 = arith.constant 0 : i32
      %lt3A_74 = arith.cmpi slt, %rem3A_70, %lt3A_73 : i32
      %lt3A_75 = arith.constant 0 : i32
      %lt3A_76 = arith.cmpi slt, %select_n3A_69, %lt3A_75 : i32
      %ne3A_77 = arith.xori %lt3A_74, %lt3A_76 : i1
      %and3A_78 = arith.andi %ne3A_77, %ne3A_72 : i1
      %add3A_79 = arith.addi %rem3A_70, %select_n3A_69 : i32
      %select_n3A_80 = arith.select %and3A_78, %add3A_79, %rem3A_70 : i32
      %eq3A_81 = arith.constant 0 : i32
      %eq3A_82 = arith.cmpi eq, %select_n3A_80, %eq3A_81 : i32
      %convert_element_type3A_83 = arith.extui %eq3A_82 : i1 to i32
      %cond3A_84 = arith.constant 0 : i32
      %cond3A_85 = arith.cmpi ne, %convert_element_type3A_83, %cond3A_84 : i32
      scf.if %cond3A_85 {
        %mul3A_107 = arith.constant 16 : i32
        %mul3A_108 = arith.muli %scan3A_21, %mul3A_107 : i32
        %add3A_109 = arith.addi %mul3A_2, %mul3A_108 : i32
        %dma_wait3A = arith.constant 0 : i32
        %dma_wait3A_110 = tpu.memref_slice %arg2[%add3A_109, %dma_wait3A] : memref<4096x1000xf32, #tpu.memory_space<hbm>> -> memref<16x1000xf32, #tpu.memory_space<hbm>>
        %dma_wait3A_111 = arith.constant 0 : i32
        %dma_wait3A_112 = tpu.memref_slice %arg2[%add3A_109, %dma_wait3A_111] : memref<4096x1000xf32, #tpu.memory_space<hbm>> -> memref<16x1000xf32, #tpu.memory_space<hbm>>
        tpu.wait_dma2 semaphore(%arg10 : memref<!tpu.dma_semaphore, #tpu.memory_space<semaphore_mem>>) src(%dma_wait3A_112 : memref<16x1000xf32, #tpu.memory_space<hbm>>) dst(%arg5 : memref<16x1000xf32, #tpu.memory_space<vmem>>)
        %mul3A_113 = arith.constant 16 : i32
        %mul3A_114 = arith.muli %scan3A_21, %mul3A_113 : i32
        %add3A_115 = arith.addi %mul3A_2, %mul3A_114 : i32
        %dma_wait3A_116 = arith.constant 0 : i32
        %dma_wait3A_117 = tpu.memref_slice %arg3[%add3A_115, %dma_wait3A_116] : memref<4096x1000xf32, #tpu.memory_space<hbm>> -> memref<16x1000xf32, #tpu.memory_space<hbm>>
        %dma_wait3A_118 = arith.constant 0 : i32
        %dma_wait3A_119 = tpu.memref_slice %arg3[%add3A_115, %dma_wait3A_118] : memref<4096x1000xf32, #tpu.memory_space<hbm>> -> memref<16x1000xf32, #tpu.memory_space<hbm>>
        tpu.wait_dma2 semaphore(%arg12 : memref<!tpu.dma_semaphore, #tpu.memory_space<semaphore_mem>>) src(%dma_wait3A_119 : memref<16x1000xf32, #tpu.memory_space<hbm>>) dst(%arg7 : memref<16x1000xf32, #tpu.memory_space<vmem>>)
        %get3A = arith.constant 0 : index
        %get3A_120 = tpu.vector_load %arg9[%get3A] {strides = array<i32>} : memref<16xf32, #tpu.memory_space<vmem>>, vector<16xf32>,
        %broadcast_in_dim3A_121 = arith.constant 0.000000e+00 : f32
        %broadcast_in_dim3A_122 = vector.broadcast %broadcast_in_dim3A_121 : f32 to vector<16xf32>
        %scan3A_123 = arith.constant 0 : i32
        %scan3A_124 = arith.constant 16 : i32
        %scan3A_125 = arith.addi %scan3A_123, %scan3A_124 : i32
        %scan3A_126 = arith.constant 1 : i32
        %scan3A_127 = scf.for %scan3A_132 = %scan3A_123 to %scan3A_125 step %scan3A_126 iter_args(%scan3A_133 = %broadcast_in_dim3A_122) -> (vector<16xf32>)  : i32 {
          %get3A_134 = arith.index_cast %scan3A_132 : i32 to index
          %get3A_135 = arith.constant 0 : index
          %get3A_136 = tpu.vector_load %arg5[%get3A_134, %get3A_135] {strides = array<i32>} : memref<16x1000xf32, #tpu.memory_space<vmem>>, vector<16xf32>,
          %add3A_137 = arith.constant 0 : i32
          %add3A_138 = vector.broadcast %add3A_137 : i32 to vector<16xi32>
          %add3A_139 = arith.addi %iota3A, %add3A_138 : vector<16xi32>
          %get3A_140 = arith.index_cast %scan3A_132 : i32 to index
          %get3A_141 = arith.constant 16 : index
          %get3A_142 = tpu.vector_load %arg5[%get3A_140, %get3A_141] {strides = array<i32>} : memref<16x1000xf32, #tpu.memory_space<vmem>>, vector<16xf32>,
          %add3A_143 = arith.constant 16 : i32
          %add3A_144 = vector.broadcast %add3A_143 : i32 to vector<16xi32>
          %add3A_145 = arith.addi %iota3A, %add3A_144 : vector<16xi32>
          %get3A_146 = arith.index_cast %scan3A_132 : i32 to index
          %get3A_147 = arith.constant 32 : index
          %get3A_148 = tpu.vector_load %arg5[%get3A_146, %get3A_147] {strides = array<i32>} : memref<16x1000xf32, #tpu.memory_space<vmem>>, vector<16xf32>,
          %add3A_149 = arith.constant 32 : i32
          %add3A_150 = vector.broadcast %add3A_149 : i32 to vector<16xi32>
          %add3A_151 = arith.addi %iota3A, %add3A_150 : vector<16xi32>
          %get3A_152 = arith.index_cast %scan3A_132 : i32 to index
          %get3A_153 = arith.constant 48 : index
          %get3A_154 = tpu.vector_load %arg5[%get3A_152, %get3A_153] {strides = array<i32>} : memref<16x1000xf32, #tpu.memory_space<vmem>>, vector<16xf32>,
          %add3A_155 = arith.constant 48 : i32
          %add3A_156 = vector.broadcast %add3A_155 : i32 to vector<16xi32>
          %add3A_157 = arith.addi %iota3A, %add3A_156 : vector<16xi32>
          %get3A_158 = arith.index_cast %scan3A_132 : i32 to index
          %get3A_159 = arith.constant 64 : index
          %get3A_160 = tpu.vector_load %arg5[%get3A_158, %get3A_159] {strides = array<i32>} : memref<16x1000xf32, #tpu.memory_space<vmem>>, vector<16xf32>,
          %gt3A = arith.cmpf ogt, %get3A_160, %get3A_136 : vector<16xf32>
          %add3A_161 = arith.constant 64 : i32
          %add3A_162 = vector.broadcast %add3A_161 : i32 to vector<16xi32>
          %add3A_163 = arith.addi %iota3A, %add3A_162 : vector<16xi32>
          %select_n3A_164 = arith.select %gt3A, %add3A_163, %add3A_139 : vector<16xi1>, vector<16xi32>
          %select_n3A_165 = arith.select %gt3A, %get3A_160, %get3A_136 : vector<16xi1>, vector<16xf32>
          %get3A_166 = arith.index_cast %scan3A_132 : i32 to index
          %get3A_167 = arith.constant 80 : index
          %get3A_168 = tpu.vector_load %arg5[%get3A_166, %get3A_167] {strides = array<i32>} : memref<16x1000xf32, #tpu.memory_space<vmem>>, vector<16xf32>,
          %gt3A_169 = arith.cmpf ogt, %get3A_168, %get3A_142 : vector<16xf32>
          %add3A_170 = arith.constant 80 : i32
          %add3A_171 = vector.broadcast %add3A_170 : i32 to vector<16xi32>
          %add3A_172 = arith.addi %iota3A, %add3A_171 : vector<16xi32>
          %select_n3A_173 = arith.select %gt3A_169, %add3A_172, %add3A_145 : vector<16xi1>, vector<16xi32>
          %select_n3A_174 = arith.select %gt3A_169, %get3A_168, %get3A_142 : vector<16xi1>, vector<16xf32>
          %get3A_175 = arith.index_cast %scan3A_132 : i32 to index
          %get3A_176 = arith.constant 96 : index
          %get3A_177 = tpu.vector_load %arg5[%get3A_175, %get3A_176] {strides = array<i32>} : memref<16x1000xf32, #tpu.memory_space<vmem>>, vector<16xf32>,
          %gt3A_178 = arith.cmpf ogt, %get3A_177, %get3A_148 : vector<16xf32>
          %add3A_179 = arith.constant 96 : i32
          %add3A_180 = vector.broadcast %add3A_179 : i32 to vector<16xi32>
          %add3A_181 = arith.addi %iota3A, %add3A_180 : vector<16xi32>
          %select_n3A_182 = arith.select %gt3A_178, %add3A_181, %add3A_151 : vector<16xi1>, vector<16xi32>
          %select_n3A_183 = arith.select %gt3A_178, %get3A_177, %get3A_148 : vector<16xi1>, vector<16xf32>
          %get3A_184 = arith.index_cast %scan3A_132 : i32 to index
          %get3A_185 = arith.constant 112 : index
          %get3A_186 = tpu.vector_load %arg5[%get3A_184, %get3A_185] {strides = array<i32>} : memref<16x1000xf32, #tpu.memory_space<vmem>>, vector<16xf32>,
          %gt3A_187 = arith.cmpf ogt, %get3A_186, %get3A_154 : vector<16xf32>
          %add3A_188 = arith.constant 112 : i32
          %add3A_189 = vector.broadcast %add3A_188 : i32 to vector<16xi32>
          %add3A_190 = arith.addi %iota3A, %add3A_189 : vector<16xi32>
          %select_n3A_191 = arith.select %gt3A_187, %add3A_190, %add3A_157 : vector<16xi1>, vector<16xi32>
          %select_n3A_192 = arith.select %gt3A_187, %get3A_186, %get3A_154 : vector<16xi1>, vector<16xf32>
          %get3A_193 = arith.index_cast %scan3A_132 : i32 to index
          %get3A_194 = arith.constant 128 : index
          %get3A_195 = tpu.vector_load %arg5[%get3A_193, %get3A_194] {strides = array<i32>} : memref<16x1000xf32, #tpu.memory_space<vmem>>, vector<16xf32>,
          %gt3A_196 = arith.cmpf ogt, %get3A_195, %select_n3A_165 : vector<16xf32>
          %add3A_197 = arith.constant 128 : i32
          %add3A_198 = vector.broadcast %add3A_197 : i32 to vector<16xi32>
          %add3A_199 = arith.addi %iota3A, %add3A_198 : vector<16xi32>
          %select_n3A_200 = arith.select %gt3A_196, %add3A_199, %select_n3A_164 : vector<16xi1>, vector<16xi32>
          %select_n3A_201 = arith.select %gt3A_196, %get3A_195, %select_n3A_165 : vector<16xi1>, vector<16xf32>
          %get3A_202 = arith.index_cast %scan3A_132 : i32 to index
          %get3A_203 = arith.constant 144 : index
          %get3A_204 = tpu.vector_load %arg5[%get3A_202, %get3A_203] {strides = array<i32>} : memref<16x1000xf32, #tpu.memory_space<vmem>>, vector<16xf32>,
          %gt3A_205 = arith.cmpf ogt, %get3A_204, %select_n3A_174 : vector<16xf32>
          %add3A_206 = arith.constant 144 : i32
          %add3A_207 = vector.broadcast %add3A_206 : i32 to vector<16xi32>
          %add3A_208 = arith.addi %iota3A, %add3A_207 : vector<16xi32>
          %select_n3A_209 = arith.select %gt3A_205, %add3A_208, %select_n3A_173 : vector<16xi1>, vector<16xi32>
          %select_n3A_210 = arith.select %gt3A_205, %get3A_204, %select_n3A_174 : vector<16xi1>, vector<16xf32>
          %get3A_211 = arith.index_cast %scan3A_132 : i32 to index
          %get3A_212 = arith.constant 160 : index
          %get3A_213 = tpu.vector_load %arg5[%get3A_211, %get3A_212] {strides = array<i32>} : memref<16x1000xf32, #tpu.memory_space<vmem>>, vector<16xf32>,
          %gt3A_214 = arith.cmpf ogt, %get3A_213, %select_n3A_183 : vector<16xf32>
          %add3A_215 = arith.constant 160 : i32
          %add3A_216 = vector.broadcast %add3A_215 : i32 to vector<16xi32>
          %add3A_217 = arith.addi %iota3A, %add3A_216 : vector<16xi32>
          %select_n3A_218 = arith.select %gt3A_214, %add3A_217, %select_n3A_182 : vector<16xi1>, vector<16xi32>
          %select_n3A_219 = arith.select %gt3A_214, %get3A_213, %select_n3A_183 : vector<16xi1>, vector<16xf32>
          %get3A_220 = arith.index_cast %scan3A_132 : i32 to index
          %get3A_221 = arith.constant 176 : index
          %get3A_222 = tpu.vector_load %arg5[%get3A_220, %get3A_221] {strides = array<i32>} : memref<16x1000xf32, #tpu.memory_space<vmem>>, vector<16xf32>,
          %gt3A_223 = arith.cmpf ogt, %get3A_222, %select_n3A_192 : vector<16xf32>
          %add3A_224 = arith.constant 176 : i32
          %add3A_225 = vector.broadcast %add3A_224 : i32 to vector<16xi32>
          %add3A_226 = arith.addi %iota3A, %add3A_225 : vector<16xi32>
          %select_n3A_227 = arith.select %gt3A_223, %add3A_226, %select_n3A_191 : vector<16xi1>, vector<16xi32>
          %select_n3A_228 = arith.select %gt3A_223, %get3A_222, %select_n3A_192 : vector<16xi1>, vector<16xf32>
          %get3A_229 = arith.index_cast %scan3A_132 : i32 to index
          %get3A_230 = arith.constant 192 : index
          %get3A_231 = tpu.vector_load %arg5[%get3A_229, %get3A_230] {strides = array<i32>} : memref<16x1000xf32, #tpu.memory_space<vmem>>, vector<16xf32>,
          %gt3A_232 = arith.cmpf ogt, %get3A_231, %select_n3A_201 : vector<16xf32>
          %add3A_233 = arith.constant 192 : i32
          %add3A_234 = vector.broadcast %add3A_233 : i32 to vector<16xi32>
          %add3A_235 = arith.addi %iota3A, %add3A_234 : vector<16xi32>
          %select_n3A_236 = arith.select %gt3A_232, %add3A_235, %select_n3A_200 : vector<16xi1>, vector<16xi32>
          %select_n3A_237 = arith.select %gt3A_232, %get3A_231, %select_n3A_201 : vector<16xi1>, vector<16xf32>
          %get3A_238 = arith.index_cast %scan3A_132 : i32 to index
          %get3A_239 = arith.constant 208 : index
          %get3A_240 = tpu.vector_load %arg5[%get3A_238, %get3A_239] {strides = array<i32>} : memref<16x1000xf32, #tpu.memory_space<vmem>>, vector<16xf32>,
          %gt3A_241 = arith.cmpf ogt, %get3A_240, %select_n3A_210 : vector<16xf32>
          %add3A_242 = arith.constant 208 : i32
          %add3A_243 = vector.broadcast %add3A_242 : i32 to vector<16xi32>
          %add3A_244 = arith.addi %iota3A, %add3A_243 : vector<16xi32>
          %select_n3A_245 = arith.select %gt3A_241, %add3A_244, %select_n3A_209 : vector<16xi1>, vector<16xi32>
          %select_n3A_246 = arith.select %gt3A_241, %get3A_240, %select_n3A_210 : vector<16xi1>, vector<16xf32>
          %get3A_247 = arith.index_cast %scan3A_132 : i32 to index
          %get3A_248 = arith.constant 224 : index
          %get3A_249 = tpu.vector_load %arg5[%get3A_247, %get3A_248] {strides = array<i32>} : memref<16x1000xf32, #tpu.memory_space<vmem>>, vector<16xf32>,
          %gt3A_250 = arith.cmpf ogt, %get3A_249, %select_n3A_219 : vector<16xf32>
          %add3A_251 = arith.constant 224 : i32
          %add3A_252 = vector.broadcast %add3A_251 : i32 to vector<16xi32>
          %add3A_253 = arith.addi %iota3A, %add3A_252 : vector<16xi32>
          %select_n3A_254 = arith.select %gt3A_250, %add3A_253, %select_n3A_218 : vector<16xi1>, vector<16xi32>
          %select_n3A_255 = arith.select %gt3A_250, %get3A_249, %select_n3A_219 : vector<16xi1>, vector<16xf32>
          %get3A_256 = arith.index_cast %scan3A_132 : i32 to index
          %get3A_257 = arith.constant 240 : index
          %get3A_258 = tpu.vector_load %arg5[%get3A_256, %get3A_257] {strides = array<i32>} : memref<16x1000xf32, #tpu.memory_space<vmem>>, vector<16xf32>,
          %gt3A_259 = arith.cmpf ogt, %get3A_258, %select_n3A_228 : vector<16xf32>
          %add3A_260 = arith.constant 240 : i32
          %add3A_261 = vector.broadcast %add3A_260 : i32 to vector<16xi32>
          %add3A_262 = arith.addi %iota3A, %add3A_261 : vector<16xi32>
          %select_n3A_263 = arith.select %gt3A_259, %add3A_262, %select_n3A_227 : vector<16xi1>, vector<16xi32>
          %select_n3A_264 = arith.select %gt3A_259, %get3A_258, %select_n3A_228 : vector<16xi1>, vector<16xf32>
          %get3A_265 = arith.index_cast %scan3A_132 : i32 to index
          %get3A_266 = arith.constant 256 : index
          %get3A_267 = tpu.vector_load %arg5[%get3A_265, %get3A_266] {strides = array<i32>} : memref<16x1000xf32, #tpu.memory_space<vmem>>, vector<16xf32>,
          %gt3A_268 = arith.cmpf ogt, %get3A_267, %select_n3A_237 : vector<16xf32>
          %add3A_269 = arith.constant 256 : i32
          %add3A_270 = vector.broadcast %add3A_269 : i32 to vector<16xi32>
          %add3A_271 = arith.addi %iota3A, %add3A_270 : vector<16xi32>
          %select_n3A_272 = arith.select %gt3A_268, %add3A_271, %select_n3A_236 : vector<16xi1>, vector<16xi32>
          %select_n3A_273 = arith.select %gt3A_268, %get3A_267, %select_n3A_237 : vector<16xi1>, vector<16xf32>
          %get3A_274 = arith.index_cast %scan3A_132 : i32 to index
          %get3A_275 = arith.constant 272 : index
          %get3A_276 = tpu.vector_load %arg5[%get3A_274, %get3A_275] {strides = array<i32>} : memref<16x1000xf32, #tpu.memory_space<vmem>>, vector<16xf32>,
          %gt3A_277 = arith.cmpf ogt, %get3A_276, %select_n3A_246 : vector<16xf32>
          %add3A_278 = arith.constant 272 : i32
          %add3A_279 = vector.broadcast %add3A_278 : i32 to vector<16xi32>
          %add3A_280 = arith.addi %iota3A, %add3A_279 : vector<16xi32>
          %select_n3A_281 = arith.select %gt3A_277, %add3A_280, %select_n3A_245 : vector<16xi1>, vector<16xi32>
          %select_n3A_282 = arith.select %gt3A_277, %get3A_276, %select_n3A_246 : vector<16xi1>, vector<16xf32>
          %get3A_283 = arith.index_cast %scan3A_132 : i32 to index
          %get3A_284 = arith.constant 288 : index
          %get3A_285 = tpu.vector_load %arg5[%get3A_283, %get3A_284] {strides = array<i32>} : memref<16x1000xf32, #tpu.memory_space<vmem>>, vector<16xf32>,
          %gt3A_286 = arith.cmpf ogt, %get3A_285, %select_n3A_255 : vector<16xf32>
          %add3A_287 = arith.constant 288 : i32
          %add3A_288 = vector.broadcast %add3A_287 : i32 to vector<16xi32>
          %add3A_289 = arith.addi %iota3A, %add3A_288 : vector<16xi32>
          %select_n3A_290 = arith.select %gt3A_286, %add3A_289, %select_n3A_254 : vector<16xi1>, vector<16xi32>
          %select_n3A_291 = arith.select %gt3A_286, %get3A_285, %select_n3A_255 : vector<16xi1>, vector<16xf32>
          %get3A_292 = arith.index_cast %scan3A_132 : i32 to index
          %get3A_293 = arith.constant 304 : index
          %get3A_294 = tpu.vector_load %arg5[%get3A_292, %get3A_293] {strides = array<i32>} : memref<16x1000xf32, #tpu.memory_space<vmem>>, vector<16xf32>,
          %gt3A_295 = arith.cmpf ogt, %get3A_294, %select_n3A_264 : vector<16xf32>
          %add3A_296 = arith.constant 304 : i32
          %add3A_297 = vector.broadcast %add3A_296 : i32 to vector<16xi32>
          %add3A_298 = arith.addi %iota3A, %add3A_297 : vector<16xi32>
          %select_n3A_299 = arith.select %gt3A_295, %add3A_298, %select_n3A_263 : vector<16xi1>, vector<16xi32>
          %select_n3A_300 = arith.select %gt3A_295, %get3A_294, %select_n3A_264 : vector<16xi1>, vector<16xf32>
          %get3A_301 = arith.index_cast %scan3A_132 : i32 to index
          %get3A_302 = arith.constant 320 : index
          %get3A_303 = tpu.vector_load %arg5[%get3A_301, %get3A_302] {strides = array<i32>} : memref<16x1000xf32, #tpu.memory_space<vmem>>, vector<16xf32>,
          %gt3A_304 = arith.cmpf ogt, %get3A_303, %select_n3A_273 : vector<16xf32>
          %add3A_305 = arith.constant 320 : i32
          %add3A_306 = vector.broadcast %add3A_305 : i32 to vector<16xi32>
          %add3A_307 = arith.addi %iota3A, %add3A_306 : vector<16xi32>
          %select_n3A_308 = arith.select %gt3A_304, %add3A_307, %select_n3A_272 : vector<16xi1>, vector<16xi32>
          %select_n3A_309 = arith.select %gt3A_304, %get3A_303, %select_n3A_273 : vector<16xi1>, vector<16xf32>
          %get3A_310 = arith.index_cast %scan3A_132 : i32 to index
          %get3A_311 = arith.constant 336 : index
          %get3A_312 = tpu.vector_load %arg5[%get3A_310, %get3A_311] {strides = array<i32>} : memref<16x1000xf32, #tpu.memory_space<vmem>>, vector<16xf32>,
          %gt3A_313 = arith.cmpf ogt, %get3A_312, %select_n3A_282 : vector<16xf32>
          %add3A_314 = arith.constant 336 : i32
          %add3A_315 = vector.broadcast %add3A_314 : i32 to vector<16xi32>
          %add3A_316 = arith.addi %iota3A, %add3A_315 : vector<16xi32>
          %select_n3A_317 = arith.select %gt3A_313, %add3A_316, %select_n3A_281 : vector<16xi1>, vector<16xi32>
          %select_n3A_318 = arith.select %gt3A_313, %get3A_312, %select_n3A_282 : vector<16xi1>, vector<16xf32>
          %get3A_319 = arith.index_cast %scan3A_132 : i32 to index
          %get3A_320 = arith.constant 352 : index
          %get3A_321 = tpu.vector_load %arg5[%get3A_319, %get3A_320] {strides = array<i32>} : memref<16x1000xf32, #tpu.memory_space<vmem>>, vector<16xf32>,
          %gt3A_322 = arith.cmpf ogt, %get3A_321, %select_n3A_291 : vector<16xf32>
          %add3A_323 = arith.constant 352 : i32
          %add3A_324 = vector.broadcast %add3A_323 : i32 to vector<16xi32>
          %add3A_325 = arith.addi %iota3A, %add3A_324 : vector<16xi32>
          %select_n3A_326 = arith.select %gt3A_322, %add3A_325, %select_n3A_290 : vector<16xi1>, vector<16xi32>
          %select_n3A_327 = arith.select %gt3A_322, %get3A_321, %select_n3A_291 : vector<16xi1>, vector<16xf32>
          %get3A_328 = arith.index_cast %scan3A_132 : i32 to index
          %get3A_329 = arith.constant 368 : index
          %get3A_330 = tpu.vector_load %arg5[%get3A_328, %get3A_329] {strides = array<i32>} : memref<16x1000xf32, #tpu.memory_space<vmem>>, vector<16xf32>,
          %gt3A_331 = arith.cmpf ogt, %get3A_330, %select_n3A_300 : vector<16xf32>
          %add3A_332 = arith.constant 368 : i32
          %add3A_333 = vector.broadcast %add3A_332 : i32 to vector<16xi32>
          %add3A_334 = arith.addi %iota3A, %add3A_333 : vector<16xi32>
          %select_n3A_335 = arith.select %gt3A_331, %add3A_334, %select_n3A_299 : vector<16xi1>, vector<16xi32>
          %select_n3A_336 = arith.select %gt3A_331, %get3A_330, %select_n3A_300 : vector<16xi1>, vector<16xf32>
          %get3A_337 = arith.index_cast %scan3A_132 : i32 to index
          %get3A_338 = arith.constant 384 : index
          %get3A_339 = tpu.vector_load %arg5[%get3A_337, %get3A_338] {strides = array<i32>} : memref<16x1000xf32, #tpu.memory_space<vmem>>, vector<16xf32>,
          %gt3A_340 = arith.cmpf ogt, %get3A_339, %select_n3A_309 : vector<16xf32>
          %add3A_341 = arith.constant 384 : i32
          %add3A_342 = vector.broadcast %add3A_341 : i32 to vector<16xi32>
          %add3A_343 = arith.addi %iota3A, %add3A_342 : vector<16xi32>
          %select_n3A_344 = arith.select %gt3A_340, %add3A_343, %select_n3A_308 : vector<16xi1>, vector<16xi32>
          %select_n3A_345 = arith.select %gt3A_340, %get3A_339, %select_n3A_309 : vector<16xi1>, vector<16xf32>
          %get3A_346 = arith.index_cast %scan3A_132 : i32 to index
          %get3A_347 = arith.constant 400 : index
          %get3A_348 = tpu.vector_load %arg5[%get3A_346, %get3A_347] {strides = array<i32>} : memref<16x1000xf32, #tpu.memory_space<vmem>>, vector<16xf32>,
          %gt3A_349 = arith.cmpf ogt, %get3A_348, %select_n3A_318 : vector<16xf32>
          %add3A_350 = arith.constant 400 : i32
          %add3A_351 = vector.broadcast %add3A_350 : i32 to vector<16xi32>
          %add3A_352 = arith.addi %iota3A, %add3A_351 : vector<16xi32>
          %select_n3A_353 = arith.select %gt3A_349, %add3A_352, %select_n3A_317 : vector<16xi1>, vector<16xi32>
          %select_n3A_354 = arith.select %gt3A_349, %get3A_348, %select_n3A_318 : vector<16xi1>, vector<16xf32>
          %get3A_355 = arith.index_cast %scan3A_132 : i32 to index
          %get3A_356 = arith.constant 416 : index
          %get3A_357 = tpu.vector_load %arg5[%get3A_355, %get3A_356] {strides = array<i32>} : memref<16x1000xf32, #tpu.memory_space<vmem>>, vector<16xf32>,
          %gt3A_358 = arith.cmpf ogt, %get3A_357, %select_n3A_327 : vector<16xf32>
          %add3A_359 = arith.constant 416 : i32
          %add3A_360 = vector.broadcast %add3A_359 : i32 to vector<16xi32>
          %add3A_361 = arith.addi %iota3A, %add3A_360 : vector<16xi32>
          %select_n3A_362 = arith.select %gt3A_358, %add3A_361, %select_n3A_326 : vector<16xi1>, vector<16xi32>
          %select_n3A_363 = arith.select %gt3A_358, %get3A_357, %select_n3A_327 : vector<16xi1>, vector<16xf32>
          %get3A_364 = arith.index_cast %scan3A_132 : i32 to index
          %get3A_365 = arith.constant 432 : index
          %get3A_366 = tpu.vector_load %arg5[%get3A_364, %get3A_365] {strides = array<i32>} : memref<16x1000xf32, #tpu.memory_space<vmem>>, vector<16xf32>,
          %gt3A_367 = arith.cmpf ogt, %get3A_366, %select_n3A_336 : vector<16xf32>
          %add3A_368 = arith.constant 432 : i32
          %add3A_369 = vector.broadcast %add3A_368 : i32 to vector<16xi32>
          %add3A_370 = arith.addi %iota3A, %add3A_369 : vector<16xi32>
          %select_n3A_371 = arith.select %gt3A_367, %add3A_370, %select_n3A_335 : vector<16xi1>, vector<16xi32>
          %select_n3A_372 = arith.select %gt3A_367, %get3A_366, %select_n3A_336 : vector<16xi1>, vector<16xf32>
          %get3A_373 = arith.index_cast %scan3A_132 : i32 to index
          %get3A_374 = arith.constant 448 : index
          %get3A_375 = tpu.vector_load %arg5[%get3A_373, %get3A_374] {strides = array<i32>} : memref<16x1000xf32, #tpu.memory_space<vmem>>, vector<16xf32>,
          %gt3A_376 = arith.cmpf ogt, %get3A_375, %select_n3A_345 : vector<16xf32>
          %add3A_377 = arith.constant 448 : i32
          %add3A_378 = vector.broadcast %add3A_377 : i32 to vector<16xi32>
          %add3A_379 = arith.addi %iota3A, %add3A_378 : vector<16xi32>
          %select_n3A_380 = arith.select %gt3A_376, %add3A_379, %select_n3A_344 : vector<16xi1>, vector<16xi32>
          %select_n3A_381 = arith.select %gt3A_376, %get3A_375, %select_n3A_345 : vector<16xi1>, vector<16xf32>
          %get3A_382 = arith.index_cast %scan3A_132 : i32 to index
          %get3A_383 = arith.constant 464 : index
          %get3A_384 = tpu.vector_load %arg5[%get3A_382, %get3A_383] {strides = array<i32>} : memref<16x1000xf32, #tpu.memory_space<vmem>>, vector<16xf32>,
          %gt3A_385 = arith.cmpf ogt, %get3A_384, %select_n3A_354 : vector<16xf32>
          %add3A_386 = arith.constant 464 : i32
          %add3A_387 = vector.broadcast %add3A_386 : i32 to vector<16xi32>
          %add3A_388 = arith.addi %iota3A, %add3A_387 : vector<16xi32>
          %select_n3A_389 = arith.select %gt3A_385, %add3A_388, %select_n3A_353 : vector<16xi1>, vector<16xi32>
          %select_n3A_390 = arith.select %gt3A_385, %get3A_384, %select_n3A_354 : vector<16xi1>, vector<16xf32>
          %get3A_391 = arith.index_cast %scan3A_132 : i32 to index
          %get3A_392 = arith.constant 480 : index
          %get3A_393 = tpu.vector_load %arg5[%get3A_391, %get3A_392] {strides = array<i32>} : memref<16x1000xf32, #tpu.memory_space<vmem>>, vector<16xf32>,
          %gt3A_394 = arith.cmpf ogt, %get3A_393, %select_n3A_363 : vector<16xf32>
          %add3A_395 = arith.constant 480 : i32
          %add3A_396 = vector.broadcast %add3A_395 : i32 to vector<16xi32>
          %add3A_397 = arith.addi %iota3A, %add3A_396 : vector<16xi32>
          %select_n3A_398 = arith.select %gt3A_394, %add3A_397, %select_n3A_362 : vector<16xi1>, vector<16xi32>
          %select_n3A_399 = arith.select %gt3A_394, %get3A_393, %select_n3A_363 : vector<16xi1>, vector<16xf32>
          %get3A_400 = arith.index_cast %scan3A_132 : i32 to index
          %get3A_401 = arith.constant 496 : index
          %get3A_402 = tpu.vector_load %arg5[%get3A_400, %get3A_401] {strides = array<i32>} : memref<16x1000xf32, #tpu.memory_space<vmem>>, vector<16xf32>,
          %gt3A_403 = arith.cmpf ogt, %get3A_402, %select_n3A_372 : vector<16xf32>
          %add3A_404 = arith.constant 496 : i32
          %add3A_405 = vector.broadcast %add3A_404 : i32 to vector<16xi32>
          %add3A_406 = arith.addi %iota3A, %add3A_405 : vector<16xi32>
          %select_n3A_407 = arith.select %gt3A_403, %add3A_406, %select_n3A_371 : vector<16xi1>, vector<16xi32>
          %select_n3A_408 = arith.select %gt3A_403, %get3A_402, %select_n3A_372 : vector<16xi1>, vector<16xf32>
          %get3A_409 = arith.index_cast %scan3A_132 : i32 to index
          %get3A_410 = arith.constant 512 : index
          %get3A_411 = tpu.vector_load %arg5[%get3A_409, %get3A_410] {strides = array<i32>} : memref<16x1000xf32, #tpu.memory_space<vmem>>, vector<16xf32>,
          %gt3A_412 = arith.cmpf ogt, %get3A_411, %select_n3A_381 : vector<16xf32>
          %add3A_413 = arith.constant 512 : i32
          %add3A_414 = vector.broadcast %add3A_413 : i32 to vector<16xi32>
          %add3A_415 = arith.addi %iota3A, %add3A_414 : vector<16xi32>
          %select_n3A_416 = arith.select %gt3A_412, %add3A_415, %select_n3A_380 : vector<16xi1>, vector<16xi32>
          %select_n3A_417 = arith.select %gt3A_412, %get3A_411, %select_n3A_381 : vector<16xi1>, vector<16xf32>
          %get3A_418 = arith.index_cast %scan3A_132 : i32 to index
          %get3A_419 = arith.constant 528 : index
          %get3A_420 = tpu.vector_load %arg5[%get3A_418, %get3A_419] {strides = array<i32>} : memref<16x1000xf32, #tpu.memory_space<vmem>>, vector<16xf32>,
          %gt3A_421 = arith.cmpf ogt, %get3A_420, %select_n3A_390 : vector<16xf32>
          %add3A_422 = arith.constant 528 : i32
          %add3A_423 = vector.broadcast %add3A_422 : i32 to vector<16xi32>
          %add3A_424 = arith.addi %iota3A, %add3A_423 : vector<16xi32>
          %select_n3A_425 = arith.select %gt3A_421, %add3A_424, %select_n3A_389 : vector<16xi1>, vector<16xi32>
          %select_n3A_426 = arith.select %gt3A_421, %get3A_420, %select_n3A_390 : vector<16xi1>, vector<16xf32>
          %get3A_427 = arith.index_cast %scan3A_132 : i32 to index
          %get3A_428 = arith.constant 544 : index
          %get3A_429 = tpu.vector_load %arg5[%get3A_427, %get3A_428] {strides = array<i32>} : memref<16x1000xf32, #tpu.memory_space<vmem>>, vector<16xf32>,
          %gt3A_430 = arith.cmpf ogt, %get3A_429, %select_n3A_399 : vector<16xf32>
          %add3A_431 = arith.constant 544 : i32
          %add3A_432 = vector.broadcast %add3A_431 : i32 to vector<16xi32>
          %add3A_433 = arith.addi %iota3A, %add3A_432 : vector<16xi32>
          %select_n3A_434 = arith.select %gt3A_430, %add3A_433, %select_n3A_398 : vector<16xi1>, vector<16xi32>
          %select_n3A_435 = arith.select %gt3A_430, %get3A_429, %select_n3A_399 : vector<16xi1>, vector<16xf32>
          %get3A_436 = arith.index_cast %scan3A_132 : i32 to index
          %get3A_437 = arith.constant 560 : index
          %get3A_438 = tpu.vector_load %arg5[%get3A_436, %get3A_437] {strides = array<i32>} : memref<16x1000xf32, #tpu.memory_space<vmem>>, vector<16xf32>,
          %gt3A_439 = arith.cmpf ogt, %get3A_438, %select_n3A_408 : vector<16xf32>
          %add3A_440 = arith.constant 560 : i32
          %add3A_441 = vector.broadcast %add3A_440 : i32 to vector<16xi32>
          %add3A_442 = arith.addi %iota3A, %add3A_441 : vector<16xi32>
          %select_n3A_443 = arith.select %gt3A_439, %add3A_442, %select_n3A_407 : vector<16xi1>, vector<16xi32>
          %select_n3A_444 = arith.select %gt3A_439, %get3A_438, %select_n3A_408 : vector<16xi1>, vector<16xf32>
          %get3A_445 = arith.index_cast %scan3A_132 : i32 to index
          %get3A_446 = arith.constant 576 : index
          %get3A_447 = tpu.vector_load %arg5[%get3A_445, %get3A_446] {strides = array<i32>} : memref<16x1000xf32, #tpu.memory_space<vmem>>, vector<16xf32>,
          %gt3A_448 = arith.cmpf ogt, %get3A_447, %select_n3A_417 : vector<16xf32>
          %add3A_449 = arith.constant 576 : i32
          %add3A_450 = vector.broadcast %add3A_449 : i32 to vector<16xi32>
          %add3A_451 = arith.addi %iota3A, %add3A_450 : vector<16xi32>
          %select_n3A_452 = arith.select %gt3A_448, %add3A_451, %select_n3A_416 : vector<16xi1>, vector<16xi32>
          %select_n3A_453 = arith.select %gt3A_448, %get3A_447, %select_n3A_417 : vector<16xi1>, vector<16xf32>
          %get3A_454 = arith.index_cast %scan3A_132 : i32 to index
          %get3A_455 = arith.constant 592 : index
          %get3A_456 = tpu.vector_load %arg5[%get3A_454, %get3A_455] {strides = array<i32>} : memref<16x1000xf32, #tpu.memory_space<vmem>>, vector<16xf32>,
          %gt3A_457 = arith.cmpf ogt, %get3A_456, %select_n3A_426 : vector<16xf32>
          %add3A_458 = arith.constant 592 : i32
          %add3A_459 = vector.broadcast %add3A_458 : i32 to vector<16xi32>
          %add3A_460 = arith.addi %iota3A, %add3A_459 : vector<16xi32>
          %select_n3A_461 = arith.select %gt3A_457, %add3A_460, %select_n3A_425 : vector<16xi1>, vector<16xi32>
          %select_n3A_462 = arith.select %gt3A_457, %get3A_456, %select_n3A_426 : vector<16xi1>, vector<16xf32>
          %get3A_463 = arith.index_cast %scan3A_132 : i32 to index
          %get3A_464 = arith.constant 608 : index
          %get3A_465 = tpu.vector_load %arg5[%get3A_463, %get3A_464] {strides = array<i32>} : memref<16x1000xf32, #tpu.memory_space<vmem>>, vector<16xf32>,
          %gt3A_466 = arith.cmpf ogt, %get3A_465, %select_n3A_435 : vector<16xf32>
          %add3A_467 = arith.constant 608 : i32
          %add3A_468 = vector.broadcast %add3A_467 : i32 to vector<16xi32>
          %add3A_469 = arith.addi %iota3A, %add3A_468 : vector<16xi32>
          %select_n3A_470 = arith.select %gt3A_466, %add3A_469, %select_n3A_434 : vector<16xi1>, vector<16xi32>
          %select_n3A_471 = arith.select %gt3A_466, %get3A_465, %select_n3A_435 : vector<16xi1>, vector<16xf32>
          %get3A_472 = arith.index_cast %scan3A_132 : i32 to index
          %get3A_473 = arith.constant 624 : index
          %get3A_474 = tpu.vector_load %arg5[%get3A_472, %get3A_473] {strides = array<i32>} : memref<16x1000xf32, #tpu.memory_space<vmem>>, vector<16xf32>,
          %gt3A_475 = arith.cmpf ogt, %get3A_474, %select_n3A_444 : vector<16xf32>
          %add3A_476 = arith.constant 624 : i32
          %add3A_477 = vector.broadcast %add3A_476 : i32 to vector<16xi32>
          %add3A_478 = arith.addi %iota3A, %add3A_477 : vector<16xi32>
          %select_n3A_479 = arith.select %gt3A_475, %add3A_478, %select_n3A_443 : vector<16xi1>, vector<16xi32>
          %select_n3A_480 = arith.select %gt3A_475, %get3A_474, %select_n3A_444 : vector<16xi1>, vector<16xf32>
          %get3A_481 = arith.index_cast %scan3A_132 : i32 to index
          %get3A_482 = arith.constant 640 : index
          %get3A_483 = tpu.vector_load %arg5[%get3A_481, %get3A_482] {strides = array<i32>} : memref<16x1000xf32, #tpu.memory_space<vmem>>, vector<16xf32>,
          %gt3A_484 = arith.cmpf ogt, %get3A_483, %select_n3A_453 : vector<16xf32>
          %add3A_485 = arith.constant 640 : i32
          %add3A_486 = vector.broadcast %add3A_485 : i32 to vector<16xi32>
          %add3A_487 = arith.addi %iota3A, %add3A_486 : vector<16xi32>
          %select_n3A_488 = arith.select %gt3A_484, %add3A_487, %select_n3A_452 : vector<16xi1>, vector<16xi32>
          %select_n3A_489 = arith.select %gt3A_484, %get3A_483, %select_n3A_453 : vector<16xi1>, vector<16xf32>
          %get3A_490 = arith.index_cast %scan3A_132 : i32 to index
          %get3A_491 = arith.constant 656 : index
          %get3A_492 = tpu.vector_load %arg5[%get3A_490, %get3A_491] {strides = array<i32>} : memref<16x1000xf32, #tpu.memory_space<vmem>>, vector<16xf32>,
          %gt3A_493 = arith.cmpf ogt, %get3A_492, %select_n3A_462 : vector<16xf32>
          %add3A_494 = arith.constant 656 : i32
          %add3A_495 = vector.broadcast %add3A_494 : i32 to vector<16xi32>
          %add3A_496 = arith.addi %iota3A, %add3A_495 : vector<16xi32>
          %select_n3A_497 = arith.select %gt3A_493, %add3A_496, %select_n3A_461 : vector<16xi1>, vector<16xi32>
          %select_n3A_498 = arith.select %gt3A_493, %get3A_492, %select_n3A_462 : vector<16xi1>, vector<16xf32>
          %get3A_499 = arith.index_cast %scan3A_132 : i32 to index
          %get3A_500 = arith.constant 672 : index
          %get3A_501 = tpu.vector_load %arg5[%get3A_499, %get3A_500] {strides = array<i32>} : memref<16x1000xf32, #tpu.memory_space<vmem>>, vector<16xf32>,
          %gt3A_502 = arith.cmpf ogt, %get3A_501, %select_n3A_471 : vector<16xf32>
          %add3A_503 = arith.constant 672 : i32
          %add3A_504 = vector.broadcast %add3A_503 : i32 to vector<16xi32>
          %add3A_505 = arith.addi %iota3A, %add3A_504 : vector<16xi32>
          %select_n3A_506 = arith.select %gt3A_502, %add3A_505, %select_n3A_470 : vector<16xi1>, vector<16xi32>
          %select_n3A_507 = arith.select %gt3A_502, %get3A_501, %select_n3A_471 : vector<16xi1>, vector<16xf32>
          %get3A_508 = arith.index_cast %scan3A_132 : i32 to index
          %get3A_509 = arith.constant 688 : index
          %get3A_510 = tpu.vector_load %arg5[%get3A_508, %get3A_509] {strides = array<i32>} : memref<16x1000xf32, #tpu.memory_space<vmem>>, vector<16xf32>,
          %gt3A_511 = arith.cmpf ogt, %get3A_510, %select_n3A_480 : vector<16xf32>
          %add3A_512 = arith.constant 688 : i32
          %add3A_513 = vector.broadcast %add3A_512 : i32 to vector<16xi32>
          %add3A_514 = arith.addi %iota3A, %add3A_513 : vector<16xi32>
          %select_n3A_515 = arith.select %gt3A_511, %add3A_514, %select_n3A_479 : vector<16xi1>, vector<16xi32>
          %select_n3A_516 = arith.select %gt3A_511, %get3A_510, %select_n3A_480 : vector<16xi1>, vector<16xf32>
          %get3A_517 = arith.index_cast %scan3A_132 : i32 to index
          %get3A_518 = arith.constant 704 : index
          %get3A_519 = tpu.vector_load %arg5[%get3A_517, %get3A_518] {strides = array<i32>} : memref<16x1000xf32, #tpu.memory_space<vmem>>, vector<16xf32>,
          %gt3A_520 = arith.cmpf ogt, %get3A_519, %select_n3A_489 : vector<16xf32>
          %add3A_521 = arith.constant 704 : i32
          %add3A_522 = vector.broadcast %add3A_521 : i32 to vector<16xi32>
          %add3A_523 = arith.addi %iota3A, %add3A_522 : vector<16xi32>
          %select_n3A_524 = arith.select %gt3A_520, %add3A_523, %select_n3A_488 : vector<16xi1>, vector<16xi32>
          %select_n3A_525 = arith.select %gt3A_520, %get3A_519, %select_n3A_489 : vector<16xi1>, vector<16xf32>
          %get3A_526 = arith.index_cast %scan3A_132 : i32 to index
          %get3A_527 = arith.constant 720 : index
          %get3A_528 = tpu.vector_load %arg5[%get3A_526, %get3A_527] {strides = array<i32>} : memref<16x1000xf32, #tpu.memory_space<vmem>>, vector<16xf32>,
          %gt3A_529 = arith.cmpf ogt, %get3A_528, %select_n3A_498 : vector<16xf32>
          %add3A_530 = arith.constant 720 : i32
          %add3A_531 = vector.broadcast %add3A_530 : i32 to vector<16xi32>
          %add3A_532 = arith.addi %iota3A, %add3A_531 : vector<16xi32>
          %select_n3A_533 = arith.select %gt3A_529, %add3A_532, %select_n3A_497 : vector<16xi1>, vector<16xi32>
          %select_n3A_534 = arith.select %gt3A_529, %get3A_528, %select_n3A_498 : vector<16xi1>, vector<16xf32>
          %get3A_535 = arith.index_cast %scan3A_132 : i32 to index
          %get3A_536 = arith.constant 736 : index
          %get3A_537 = tpu.vector_load %arg5[%get3A_535, %get3A_536] {strides = array<i32>} : memref<16x1000xf32, #tpu.memory_space<vmem>>, vector<16xf32>,
          %gt3A_538 = arith.cmpf ogt, %get3A_537, %select_n3A_507 : vector<16xf32>
          %add3A_539 = arith.constant 736 : i32
          %add3A_540 = vector.broadcast %add3A_539 : i32 to vector<16xi32>
          %add3A_541 = arith.addi %iota3A, %add3A_540 : vector<16xi32>
          %select_n3A_542 = arith.select %gt3A_538, %add3A_541, %select_n3A_506 : vector<16xi1>, vector<16xi32>
          %select_n3A_543 = arith.select %gt3A_538, %get3A_537, %select_n3A_507 : vector<16xi1>, vector<16xf32>
          %get3A_544 = arith.index_cast %scan3A_132 : i32 to index
          %get3A_545 = arith.constant 752 : index
          %get3A_546 = tpu.vector_load %arg5[%get3A_544, %get3A_545] {strides = array<i32>} : memref<16x1000xf32, #tpu.memory_space<vmem>>, vector<16xf32>,
          %gt3A_547 = arith.cmpf ogt, %get3A_546, %select_n3A_516 : vector<16xf32>
          %add3A_548 = arith.constant 752 : i32
          %add3A_549 = vector.broadcast %add3A_548 : i32 to vector<16xi32>
          %add3A_550 = arith.addi %iota3A, %add3A_549 : vector<16xi32>
          %select_n3A_551 = arith.select %gt3A_547, %add3A_550, %select_n3A_515 : vector<16xi1>, vector<16xi32>
          %select_n3A_552 = arith.select %gt3A_547, %get3A_546, %select_n3A_516 : vector<16xi1>, vector<16xf32>
          %get3A_553 = arith.index_cast %scan3A_132 : i32 to index
          %get3A_554 = arith.constant 768 : index
          %get3A_555 = tpu.vector_load %arg5[%get3A_553, %get3A_554] {strides = array<i32>} : memref<16x1000xf32, #tpu.memory_space<vmem>>, vector<16xf32>,
          %gt3A_556 = arith.cmpf ogt, %get3A_555, %select_n3A_525 : vector<16xf32>
          %add3A_557 = arith.constant 768 : i32
          %add3A_558 = vector.broadcast %add3A_557 : i32 to vector<16xi32>
          %add3A_559 = arith.addi %iota3A, %add3A_558 : vector<16xi32>
          %select_n3A_560 = arith.select %gt3A_556, %add3A_559, %select_n3A_524 : vector<16xi1>, vector<16xi32>
          %select_n3A_561 = arith.select %gt3A_556, %get3A_555, %select_n3A_525 : vector<16xi1>, vector<16xf32>
          %get3A_562 = arith.index_cast %scan3A_132 : i32 to index
          %get3A_563 = arith.constant 784 : index
          %get3A_564 = tpu.vector_load %arg5[%get3A_562, %get3A_563] {strides = array<i32>} : memref<16x1000xf32, #tpu.memory_space<vmem>>, vector<16xf32>,
          %gt3A_565 = arith.cmpf ogt, %get3A_564, %select_n3A_534 : vector<16xf32>
          %add3A_566 = arith.constant 784 : i32
          %add3A_567 = vector.broadcast %add3A_566 : i32 to vector<16xi32>
          %add3A_568 = arith.addi %iota3A, %add3A_567 : vector<16xi32>
          %select_n3A_569 = arith.select %gt3A_565, %add3A_568, %select_n3A_533 : vector<16xi1>, vector<16xi32>
          %select_n3A_570 = arith.select %gt3A_565, %get3A_564, %select_n3A_534 : vector<16xi1>, vector<16xf32>
          %get3A_571 = arith.index_cast %scan3A_132 : i32 to index
          %get3A_572 = arith.constant 800 : index
          %get3A_573 = tpu.vector_load %arg5[%get3A_571, %get3A_572] {strides = array<i32>} : memref<16x1000xf32, #tpu.memory_space<vmem>>, vector<16xf32>,
          %gt3A_574 = arith.cmpf ogt, %get3A_573, %select_n3A_543 : vector<16xf32>
          %add3A_575 = arith.constant 800 : i32
          %add3A_576 = vector.broadcast %add3A_575 : i32 to vector<16xi32>
          %add3A_577 = arith.addi %iota3A, %add3A_576 : vector<16xi32>
          %select_n3A_578 = arith.select %gt3A_574, %add3A_577, %select_n3A_542 : vector<16xi1>, vector<16xi32>
          %select_n3A_579 = arith.select %gt3A_574, %get3A_573, %select_n3A_543 : vector<16xi1>, vector<16xf32>
          %get3A_580 = arith.index_cast %scan3A_132 : i32 to index
          %get3A_581 = arith.constant 816 : index
          %get3A_582 = tpu.vector_load %arg5[%get3A_580, %get3A_581] {strides = array<i32>} : memref<16x1000xf32, #tpu.memory_space<vmem>>, vector<16xf32>,
          %gt3A_583 = arith.cmpf ogt, %get3A_582, %select_n3A_552 : vector<16xf32>
          %add3A_584 = arith.constant 816 : i32
          %add3A_585 = vector.broadcast %add3A_584 : i32 to vector<16xi32>
          %add3A_586 = arith.addi %iota3A, %add3A_585 : vector<16xi32>
          %select_n3A_587 = arith.select %gt3A_583, %add3A_586, %select_n3A_551 : vector<16xi1>, vector<16xi32>
          %select_n3A_588 = arith.select %gt3A_583, %get3A_582, %select_n3A_552 : vector<16xi1>, vector<16xf32>
          %get3A_589 = arith.index_cast %scan3A_132 : i32 to index
          %get3A_590 = arith.constant 832 : index
          %get3A_591 = tpu.vector_load %arg5[%get3A_589, %get3A_590] {strides = array<i32>} : memref<16x1000xf32, #tpu.memory_space<vmem>>, vector<16xf32>,
          %gt3A_592 = arith.cmpf ogt, %get3A_591, %select_n3A_561 : vector<16xf32>
          %add3A_593 = arith.constant 832 : i32
          %add3A_594 = vector.broadcast %add3A_593 : i32 to vector<16xi32>
          %add3A_595 = arith.addi %iota3A, %add3A_594 : vector<16xi32>
          %select_n3A_596 = arith.select %gt3A_592, %add3A_595, %select_n3A_560 : vector<16xi1>, vector<16xi32>
          %select_n3A_597 = arith.select %gt3A_592, %get3A_591, %select_n3A_561 : vector<16xi1>, vector<16xf32>
          %get3A_598 = arith.index_cast %scan3A_132 : i32 to index
          %get3A_599 = arith.constant 848 : index
          %get3A_600 = tpu.vector_load %arg5[%get3A_598, %get3A_599] {strides = array<i32>} : memref<16x1000xf32, #tpu.memory_space<vmem>>, vector<16xf32>,
          %gt3A_601 = arith.cmpf ogt, %get3A_600, %select_n3A_570 : vector<16xf32>
          %add3A_602 = arith.constant 848 : i32
          %add3A_603 = vector.broadcast %add3A_602 : i32 to vector<16xi32>
          %add3A_604 = arith.addi %iota3A, %add3A_603 : vector<16xi32>
          %select_n3A_605 = arith.select %gt3A_601, %add3A_604, %select_n3A_569 : vector<16xi1>, vector<16xi32>
          %select_n3A_606 = arith.select %gt3A_601, %get3A_600, %select_n3A_570 : vector<16xi1>, vector<16xf32>
          %get3A_607 = arith.index_cast %scan3A_132 : i32 to index
          %get3A_608 = arith.constant 864 : index
          %get3A_609 = tpu.vector_load %arg5[%get3A_607, %get3A_608] {strides = array<i32>} : memref<16x1000xf32, #tpu.memory_space<vmem>>, vector<16xf32>,
          %gt3A_610 = arith.cmpf ogt, %get3A_609, %select_n3A_579 : vector<16xf32>
          %add3A_611 = arith.constant 864 : i32
          %add3A_612 = vector.broadcast %add3A_611 : i32 to vector<16xi32>
          %add3A_613 = arith.addi %iota3A, %add3A_612 : vector<16xi32>
          %select_n3A_614 = arith.select %gt3A_610, %add3A_613, %select_n3A_578 : vector<16xi1>, vector<16xi32>
          %select_n3A_615 = arith.select %gt3A_610, %get3A_609, %select_n3A_579 : vector<16xi1>, vector<16xf32>
          %get3A_616 = arith.index_cast %scan3A_132 : i32 to index
          %get3A_617 = arith.constant 880 : index
          %get3A_618 = tpu.vector_load %arg5[%get3A_616, %get3A_617] {strides = array<i32>} : memref<16x1000xf32, #tpu.memory_space<vmem>>, vector<16xf32>,
          %gt3A_619 = arith.cmpf ogt, %get3A_618, %select_n3A_588 : vector<16xf32>
          %add3A_620 = arith.constant 880 : i32
          %add3A_621 = vector.broadcast %add3A_620 : i32 to vector<16xi32>
          %add3A_622 = arith.addi %iota3A, %add3A_621 : vector<16xi32>
          %select_n3A_623 = arith.select %gt3A_619, %add3A_622, %select_n3A_587 : vector<16xi1>, vector<16xi32>
          %select_n3A_624 = arith.select %gt3A_619, %get3A_618, %select_n3A_588 : vector<16xi1>, vector<16xf32>
          %get3A_625 = arith.index_cast %scan3A_132 : i32 to index
          %get3A_626 = arith.constant 896 : index
          %get3A_627 = tpu.vector_load %arg5[%get3A_625, %get3A_626] {strides = array<i32>} : memref<16x1000xf32, #tpu.memory_space<vmem>>, vector<16xf32>,
          %gt3A_628 = arith.cmpf ogt, %get3A_627, %select_n3A_597 : vector<16xf32>
          %add3A_629 = arith.constant 896 : i32
          %add3A_630 = vector.broadcast %add3A_629 : i32 to vector<16xi32>
          %add3A_631 = arith.addi %iota3A, %add3A_630 : vector<16xi32>
          %select_n3A_632 = arith.select %gt3A_628, %add3A_631, %select_n3A_596 : vector<16xi1>, vector<16xi32>
          %select_n3A_633 = arith.select %gt3A_628, %get3A_627, %select_n3A_597 : vector<16xi1>, vector<16xf32>
          %get3A_634 = arith.index_cast %scan3A_132 : i32 to index
          %get3A_635 = arith.constant 912 : index
          %get3A_636 = tpu.vector_load %arg5[%get3A_634, %get3A_635] {strides = array<i32>} : memref<16x1000xf32, #tpu.memory_space<vmem>>, vector<16xf32>,
          %gt3A_637 = arith.cmpf ogt, %get3A_636, %select_n3A_606 : vector<16xf32>
          %add3A_638 = arith.constant 912 : i32
          %add3A_639 = vector.broadcast %add3A_638 : i32 to vector<16xi32>
          %add3A_640 = arith.addi %iota3A, %add3A_639 : vector<16xi32>
          %select_n3A_641 = arith.select %gt3A_637, %add3A_640, %select_n3A_605 : vector<16xi1>, vector<16xi32>
          %select_n3A_642 = arith.select %gt3A_637, %get3A_636, %select_n3A_606 : vector<16xi1>, vector<16xf32>
          %get3A_643 = arith.index_cast %scan3A_132 : i32 to index
          %get3A_644 = arith.constant 928 : index
          %get3A_645 = tpu.vector_load %arg5[%get3A_643, %get3A_644] {strides = array<i32>} : memref<16x1000xf32, #tpu.memory_space<vmem>>, vector<16xf32>,
          %gt3A_646 = arith.cmpf ogt, %get3A_645, %select_n3A_615 : vector<16xf32>
          %add3A_647 = arith.constant 928 : i32
          %add3A_648 = vector.broadcast %add3A_647 : i32 to vector<16xi32>
          %add3A_649 = arith.addi %iota3A, %add3A_648 : vector<16xi32>
          %select_n3A_650 = arith.select %gt3A_646, %add3A_649, %select_n3A_614 : vector<16xi1>, vector<16xi32>
          %select_n3A_651 = arith.select %gt3A_646, %get3A_645, %select_n3A_615 : vector<16xi1>, vector<16xf32>
          %get3A_652 = arith.index_cast %scan3A_132 : i32 to index
          %get3A_653 = arith.constant 944 : index
          %get3A_654 = tpu.vector_load %arg5[%get3A_652, %get3A_653] {strides = array<i32>} : memref<16x1000xf32, #tpu.memory_space<vmem>>, vector<16xf32>,
          %gt3A_655 = arith.cmpf ogt, %get3A_654, %select_n3A_624 : vector<16xf32>
          %add3A_656 = arith.constant 944 : i32
          %add3A_657 = vector.broadcast %add3A_656 : i32 to vector<16xi32>
          %add3A_658 = arith.addi %iota3A, %add3A_657 : vector<16xi32>
          %select_n3A_659 = arith.select %gt3A_655, %add3A_658, %select_n3A_623 : vector<16xi1>, vector<16xi32>
          %select_n3A_660 = arith.select %gt3A_655, %get3A_654, %select_n3A_624 : vector<16xi1>, vector<16xf32>
          %get3A_661 = arith.index_cast %scan3A_132 : i32 to index
          %get3A_662 = arith.constant 960 : index
          %get3A_663 = tpu.vector_load %arg5[%get3A_661, %get3A_662] {strides = array<i32>} : memref<16x1000xf32, #tpu.memory_space<vmem>>, vector<16xf32>,
          %gt3A_664 = arith.cmpf ogt, %get3A_663, %select_n3A_633 : vector<16xf32>
          %add3A_665 = arith.constant 960 : i32
          %add3A_666 = vector.broadcast %add3A_665 : i32 to vector<16xi32>
          %add3A_667 = arith.addi %iota3A, %add3A_666 : vector<16xi32>
          %select_n3A_668 = arith.select %gt3A_664, %add3A_667, %select_n3A_632 : vector<16xi1>, vector<16xi32>
          %select_n3A_669 = arith.select %gt3A_664, %get3A_663, %select_n3A_633 : vector<16xi1>, vector<16xf32>
          %get3A_670 = arith.index_cast %scan3A_132 : i32 to index
          %get3A_671 = arith.constant 976 : index
          %get3A_672 = tpu.vector_load %arg5[%get3A_670, %get3A_671] {strides = array<i32>} : memref<16x1000xf32, #tpu.memory_space<vmem>>, vector<16xf32>,
          %gt3A_673 = arith.cmpf ogt, %get3A_672, %select_n3A_642 : vector<16xf32>
          %add3A_674 = arith.constant 976 : i32
          %add3A_675 = vector.broadcast %add3A_674 : i32 to vector<16xi32>
          %add3A_676 = arith.addi %iota3A, %add3A_675 : vector<16xi32>
          %select_n3A_677 = arith.select %gt3A_673, %add3A_676, %select_n3A_641 : vector<16xi1>, vector<16xi32>
          %select_n3A_678 = arith.select %gt3A_673, %get3A_672, %select_n3A_642 : vector<16xi1>, vector<16xf32>
          %get3A_679 = arith.index_cast %scan3A_132 : i32 to index
          %get3A_680 = arith.constant 984 : index
          %get3A_681 = tpu.vector_load %arg5[%get3A_679, %get3A_680] {strides = array<i32>} : memref<16x1000xf32, #tpu.memory_space<vmem>>, vector<16xf32>,
          %gt3A_682 = arith.cmpf ogt, %get3A_681, %select_n3A_651 : vector<16xf32>
          %add3A_683 = arith.constant 984 : i32
          %add3A_684 = vector.broadcast %add3A_683 : i32 to vector<16xi32>
          %add3A_685 = arith.addi %iota3A, %add3A_684 : vector<16xi32>
          %select_n3A_686 = arith.select %gt3A_682, %add3A_685, %select_n3A_650 : vector<16xi1>, vector<16xi32>
          %select_n3A_687 = arith.select %gt3A_682, %get3A_681, %select_n3A_651 : vector<16xi1>, vector<16xf32>
          %gt3A_688 = arith.cmpf ogt, %select_n3A_678, %select_n3A_669 : vector<16xf32>
          %eq3A_689 = arith.cmpf oeq, %select_n3A_678, %select_n3A_669 : vector<16xf32>
          %lt3A_690 = arith.cmpi slt, %select_n3A_677, %select_n3A_668 : vector<16xi32>
          %and3A_691 = arith.andi %eq3A_689, %lt3A_690 : vector<16xi1>
          %or3A = arith.ori %gt3A_688, %and3A_691 : vector<16xi1>
          %select_n3A_692 = arith.select %or3A, %select_n3A_677, %select_n3A_668 : vector<16xi1>, vector<16xi32>
          %select_n3A_693 = arith.select %or3A, %select_n3A_678, %select_n3A_669 : vector<16xi1>, vector<16xf32>
          %gt3A_694 = arith.cmpf ogt, %select_n3A_687, %select_n3A_693 : vector<16xf32>
          %eq3A_695 = arith.cmpf oeq, %select_n3A_687, %select_n3A_693 : vector<16xf32>
          %lt3A_696 = arith.cmpi slt, %select_n3A_686, %select_n3A_692 : vector<16xi32>
          %and3A_697 = arith.andi %eq3A_695, %lt3A_696 : vector<16xi1>
          %or3A_698 = arith.ori %gt3A_694, %and3A_697 : vector<16xi1>
          %select_n3A_699 = arith.select %or3A_698, %select_n3A_686, %select_n3A_692 : vector<16xi1>, vector<16xi32>
          %select_n3A_700 = arith.select %or3A_698, %select_n3A_687, %select_n3A_693 : vector<16xi1>, vector<16xf32>
          %gt3A_701 = arith.cmpf ogt, %select_n3A_660, %select_n3A_700 : vector<16xf32>
          %eq3A_702 = arith.cmpf oeq, %select_n3A_660, %select_n3A_700 : vector<16xf32>
          %lt3A_703 = arith.cmpi slt, %select_n3A_659, %select_n3A_699 : vector<16xi32>
          %and3A_704 = arith.andi %eq3A_702, %lt3A_703 : vector<16xi1>
          %or3A_705 = arith.ori %gt3A_701, %and3A_704 : vector<16xi1>
          %select_n3A_706 = arith.select %or3A_705, %select_n3A_659, %select_n3A_699 : vector<16xi1>, vector<16xi32>
          %select_n3A_707 = arith.select %or3A_705, %select_n3A_660, %select_n3A_700 : vector<16xi1>, vector<16xf32>
          %reduce_max3A = arith.constant true
          %reduce_max3A_708 = vector.broadcast %reduce_max3A : i1 to vector<16xi1>
          %reduce_max3A_709 = tpu.scan <max>, %select_n3A_707 masked %reduce_max3A_708 : vector<16xf32>, vector<16xi1> -> vector<16xf32>
          %reduce_max3A_710 = vector.extract %reduce_max3A_709[15] : f32 from vector<16xf32>
          %eq3A_711 = vector.broadcast %reduce_max3A_710 : f32 to vector<16xf32>
          %eq3A_712 = arith.cmpf oeq, %select_n3A_707, %eq3A_711 : vector<16xf32>
          %jit3A_713 = arith.constant 1073741824 : i32
          %broadcast_in_dim3A_714 = vector.broadcast %jit3A_713 : i32 to vector<16xi32>
          %select_n3A_715 = arith.select %eq3A_712, %select_n3A_706, %broadcast_in_dim3A_714 : vector<16xi1>, vector<16xi32>
          %reduce_min3A = arith.constant true
          %reduce_min3A_716 = vector.broadcast %reduce_min3A : i1 to vector<16xi1>
          %reduce_min3A_717 = arith.constant -2147483648 : i32
          %reduce_min3A_718 = vector.broadcast %reduce_min3A_717 : i32 to vector<16xi32>
          %reduce_min3A_719 = arith.xori %select_n3A_715, %reduce_min3A_718 : vector<16xi32>
          %reduce_min3A_720 = tpu.scan <min>, %reduce_min3A_719 masked %reduce_min3A_716 : vector<16xi32>, vector<16xi1> -> vector<16xi32>
          %reduce_min3A_721 = arith.xori %reduce_min3A_720, %reduce_min3A_718 : vector<16xi32>
          %reduce_min3A_722 = vector.extract %reduce_min3A_721[15] : i32 from vector<16xi32>
          %broadcast_in_dim3A_723 = arith.constant 0.000000e+00 : f32
          %broadcast_in_dim3A_724 = vector.broadcast %broadcast_in_dim3A_723 : f32 to vector<16xf32>
          %get3A_725 = arith.index_cast %scan3A_132 : i32 to index
          %get3A_726 = arith.constant 0 : index
          %get3A_727 = tpu.vector_load %arg7[%get3A_725, %get3A_726] {strides = array<i32>} : memref<16x1000xf32, #tpu.memory_space<vmem>>, vector<16xf32>,
          %add3A_728 = arith.constant 0 : i32
          %add3A_729 = vector.broadcast %add3A_728 : i32 to vector<16xi32>
          %add3A_730 = arith.addi %iota3A, %add3A_729 : vector<16xi32>
          %eq3A_731 = vector.broadcast %reduce_min3A_722 : i32 to vector<16xi32>
          %eq3A_732 = arith.cmpi eq, %add3A_730, %eq3A_731 : vector<16xi32>
          %jit3A_733 = arith.constant 0.000000e+00 : f32
          %broadcast_in_dim3A_734 = vector.broadcast %jit3A_733 : f32 to vector<16xf32>
          %select_n3A_735 = arith.select %eq3A_732, %get3A_727, %broadcast_in_dim3A_734 : vector<16xi1>, vector<16xf32>
          %add3A_736 = arith.addf %broadcast_in_dim3A_724, %select_n3A_735 : vector<16xf32>
          %get3A_737 = arith.index_cast %scan3A_132 : i32 to index
          %get3A_738 = arith.constant 16 : index
          %get3A_739 = tpu.vector_load %arg7[%get3A_737, %get3A_738] {strides = array<i32>} : memref<16x1000xf32, #tpu.memory_space<vmem>>, vector<16xf32>,
          %add3A_740 = arith.constant 16 : i32
          %add3A_741 = vector.broadcast %add3A_740 : i32 to vector<16xi32>
          %add3A_742 = arith.addi %iota3A, %add3A_741 : vector<16xi32>
          %eq3A_743 = vector.broadcast %reduce_min3A_722 : i32 to vector<16xi32>
          %eq3A_744 = arith.cmpi eq, %add3A_742, %eq3A_743 : vector<16xi32>
          %jit3A_745 = arith.constant 0.000000e+00 : f32
          %broadcast_in_dim3A_746 = vector.broadcast %jit3A_745 : f32 to vector<16xf32>
          %select_n3A_747 = arith.select %eq3A_744, %get3A_739, %broadcast_in_dim3A_746 : vector<16xi1>, vector<16xf32>
          %add3A_748 = arith.addf %add3A_736, %select_n3A_747 : vector<16xf32>
          %get3A_749 = arith.index_cast %scan3A_132 : i32 to index
          %get3A_750 = arith.constant 32 : index
          %get3A_751 = tpu.vector_load %arg7[%get3A_749, %get3A_750] {strides = array<i32>} : memref<16x1000xf32, #tpu.memory_space<vmem>>, vector<16xf32>,
          %add3A_752 = arith.constant 32 : i32
          %add3A_753 = vector.broadcast %add3A_752 : i32 to vector<16xi32>
          %add3A_754 = arith.addi %iota3A, %add3A_753 : vector<16xi32>
          %eq3A_755 = vector.broadcast %reduce_min3A_722 : i32 to vector<16xi32>
          %eq3A_756 = arith.cmpi eq, %add3A_754, %eq3A_755 : vector<16xi32>
          %jit3A_757 = arith.constant 0.000000e+00 : f32
          %broadcast_in_dim3A_758 = vector.broadcast %jit3A_757 : f32 to vector<16xf32>
          %select_n3A_759 = arith.select %eq3A_756, %get3A_751, %broadcast_in_dim3A_758 : vector<16xi1>, vector<16xf32>
          %add3A_760 = arith.addf %add3A_748, %select_n3A_759 : vector<16xf32>
          %get3A_761 = arith.index_cast %scan3A_132 : i32 to index
          %get3A_762 = arith.constant 48 : index
          %get3A_763 = tpu.vector_load %arg7[%get3A_761, %get3A_762] {strides = array<i32>} : memref<16x1000xf32, #tpu.memory_space<vmem>>, vector<16xf32>,
          %add3A_764 = arith.constant 48 : i32
          %add3A_765 = vector.broadcast %add3A_764 : i32 to vector<16xi32>
          %add3A_766 = arith.addi %iota3A, %add3A_765 : vector<16xi32>
          %eq3A_767 = vector.broadcast %reduce_min3A_722 : i32 to vector<16xi32>
          %eq3A_768 = arith.cmpi eq, %add3A_766, %eq3A_767 : vector<16xi32>
          %jit3A_769 = arith.constant 0.000000e+00 : f32
          %broadcast_in_dim3A_770 = vector.broadcast %jit3A_769 : f32 to vector<16xf32>
          %select_n3A_771 = arith.select %eq3A_768, %get3A_763, %broadcast_in_dim3A_770 : vector<16xi1>, vector<16xf32>
          %add3A_772 = arith.addf %add3A_760, %select_n3A_771 : vector<16xf32>
          %get3A_773 = arith.index_cast %scan3A_132 : i32 to index
          %get3A_774 = arith.constant 64 : index
          %get3A_775 = tpu.vector_load %arg7[%get3A_773, %get3A_774] {strides = array<i32>} : memref<16x1000xf32, #tpu.memory_space<vmem>>, vector<16xf32>,
          %add3A_776 = arith.constant 64 : i32
          %add3A_777 = vector.broadcast %add3A_776 : i32 to vector<16xi32>
          %add3A_778 = arith.addi %iota3A, %add3A_777 : vector<16xi32>
          %eq3A_779 = vector.broadcast %reduce_min3A_722 : i32 to vector<16xi32>
          %eq3A_780 = arith.cmpi eq, %add3A_778, %eq3A_779 : vector<16xi32>
          %jit3A_781 = arith.constant 0.000000e+00 : f32
          %broadcast_in_dim3A_782 = vector.broadcast %jit3A_781 : f32 to vector<16xf32>
          %select_n3A_783 = arith.select %eq3A_780, %get3A_775, %broadcast_in_dim3A_782 : vector<16xi1>, vector<16xf32>
          %add3A_784 = arith.addf %add3A_772, %select_n3A_783 : vector<16xf32>
          %get3A_785 = arith.index_cast %scan3A_132 : i32 to index
          %get3A_786 = arith.constant 80 : index
          %get3A_787 = tpu.vector_load %arg7[%get3A_785, %get3A_786] {strides = array<i32>} : memref<16x1000xf32, #tpu.memory_space<vmem>>, vector<16xf32>,
          %add3A_788 = arith.constant 80 : i32
          %add3A_789 = vector.broadcast %add3A_788 : i32 to vector<16xi32>
          %add3A_790 = arith.addi %iota3A, %add3A_789 : vector<16xi32>
          %eq3A_791 = vector.broadcast %reduce_min3A_722 : i32 to vector<16xi32>
          %eq3A_792 = arith.cmpi eq, %add3A_790, %eq3A_791 : vector<16xi32>
          %jit3A_793 = arith.constant 0.000000e+00 : f32
          %broadcast_in_dim3A_794 = vector.broadcast %jit3A_793 : f32 to vector<16xf32>
          %select_n3A_795 = arith.select %eq3A_792, %get3A_787, %broadcast_in_dim3A_794 : vector<16xi1>, vector<16xf32>
          %add3A_796 = arith.addf %add3A_784, %select_n3A_795 : vector<16xf32>
          %get3A_797 = arith.index_cast %scan3A_132 : i32 to index
          %get3A_798 = arith.constant 96 : index
          %get3A_799 = tpu.vector_load %arg7[%get3A_797, %get3A_798] {strides = array<i32>} : memref<16x1000xf32, #tpu.memory_space<vmem>>, vector<16xf32>,
          %add3A_800 = arith.constant 96 : i32
          %add3A_801 = vector.broadcast %add3A_800 : i32 to vector<16xi32>
          %add3A_802 = arith.addi %iota3A, %add3A_801 : vector<16xi32>
          %eq3A_803 = vector.broadcast %reduce_min3A_722 : i32 to vector<16xi32>
          %eq3A_804 = arith.cmpi eq, %add3A_802, %eq3A_803 : vector<16xi32>
          %jit3A_805 = arith.constant 0.000000e+00 : f32
          %broadcast_in_dim3A_806 = vector.broadcast %jit3A_805 : f32 to vector<16xf32>
          %select_n3A_807 = arith.select %eq3A_804, %get3A_799, %broadcast_in_dim3A_806 : vector<16xi1>, vector<16xf32>
          %add3A_808 = arith.addf %add3A_796, %select_n3A_807 : vector<16xf32>
          %get3A_809 = arith.index_cast %scan3A_132 : i32 to index
          %get3A_810 = arith.constant 112 : index
          %get3A_811 = tpu.vector_load %arg7[%get3A_809, %get3A_810] {strides = array<i32>} : memref<16x1000xf32, #tpu.memory_space<vmem>>, vector<16xf32>,
          %add3A_812 = arith.constant 112 : i32
          %add3A_813 = vector.broadcast %add3A_812 : i32 to vector<16xi32>
          %add3A_814 = arith.addi %iota3A, %add3A_813 : vector<16xi32>
          %eq3A_815 = vector.broadcast %reduce_min3A_722 : i32 to vector<16xi32>
          %eq3A_816 = arith.cmpi eq, %add3A_814, %eq3A_815 : vector<16xi32>
          %jit3A_817 = arith.constant 0.000000e+00 : f32
          %broadcast_in_dim3A_818 = vector.broadcast %jit3A_817 : f32 to vector<16xf32>
          %select_n3A_819 = arith.select %eq3A_816, %get3A_811, %broadcast_in_dim3A_818 : vector<16xi1>, vector<16xf32>
          %add3A_820 = arith.addf %add3A_808, %select_n3A_819 : vector<16xf32>
          %get3A_821 = arith.index_cast %scan3A_132 : i32 to index
          %get3A_822 = arith.constant 128 : index
          %get3A_823 = tpu.vector_load %arg7[%get3A_821, %get3A_822] {strides = array<i32>} : memref<16x1000xf32, #tpu.memory_space<vmem>>, vector<16xf32>,
          %add3A_824 = arith.constant 128 : i32
          %add3A_825 = vector.broadcast %add3A_824 : i32 to vector<16xi32>
          %add3A_826 = arith.addi %iota3A, %add3A_825 : vector<16xi32>
          %eq3A_827 = vector.broadcast %reduce_min3A_722 : i32 to vector<16xi32>
          %eq3A_828 = arith.cmpi eq, %add3A_826, %eq3A_827 : vector<16xi32>
          %jit3A_829 = arith.constant 0.000000e+00 : f32
          %broadcast_in_dim3A_830 = vector.broadcast %jit3A_829 : f32 to vector<16xf32>
          %select_n3A_831 = arith.select %eq3A_828, %get3A_823, %broadcast_in_dim3A_830 : vector<16xi1>, vector<16xf32>
          %add3A_832 = arith.addf %add3A_820, %select_n3A_831 : vector<16xf32>
          %get3A_833 = arith.index_cast %scan3A_132 : i32 to index
          %get3A_834 = arith.constant 144 : index
          %get3A_835 = tpu.vector_load %arg7[%get3A_833, %get3A_834] {strides = array<i32>} : memref<16x1000xf32, #tpu.memory_space<vmem>>, vector<16xf32>,
          %add3A_836 = arith.constant 144 : i32
          %add3A_837 = vector.broadcast %add3A_836 : i32 to vector<16xi32>
          %add3A_838 = arith.addi %iota3A, %add3A_837 : vector<16xi32>
          %eq3A_839 = vector.broadcast %reduce_min3A_722 : i32 to vector<16xi32>
          %eq3A_840 = arith.cmpi eq, %add3A_838, %eq3A_839 : vector<16xi32>
          %jit3A_841 = arith.constant 0.000000e+00 : f32
          %broadcast_in_dim3A_842 = vector.broadcast %jit3A_841 : f32 to vector<16xf32>
          %select_n3A_843 = arith.select %eq3A_840, %get3A_835, %broadcast_in_dim3A_842 : vector<16xi1>, vector<16xf32>
          %add3A_844 = arith.addf %add3A_832, %select_n3A_843 : vector<16xf32>
          %get3A_845 = arith.index_cast %scan3A_132 : i32 to index
          %get3A_846 = arith.constant 160 : index
          %get3A_847 = tpu.vector_load %arg7[%get3A_845, %get3A_846] {strides = array<i32>} : memref<16x1000xf32, #tpu.memory_space<vmem>>, vector<16xf32>,
          %add3A_848 = arith.constant 160 : i32
          %add3A_849 = vector.broadcast %add3A_848 : i32 to vector<16xi32>
          %add3A_850 = arith.addi %iota3A, %add3A_849 : vector<16xi32>
          %eq3A_851 = vector.broadcast %reduce_min3A_722 : i32 to vector<16xi32>
          %eq3A_852 = arith.cmpi eq, %add3A_850, %eq3A_851 : vector<16xi32>
          %jit3A_853 = arith.constant 0.000000e+00 : f32
          %broadcast_in_dim3A_854 = vector.broadcast %jit3A_853 : f32 to vector<16xf32>
          %select_n3A_855 = arith.select %eq3A_852, %get3A_847, %broadcast_in_dim3A_854 : vector<16xi1>, vector<16xf32>
          %add3A_856 = arith.addf %add3A_844, %select_n3A_855 : vector<16xf32>
          %get3A_857 = arith.index_cast %scan3A_132 : i32 to index
          %get3A_858 = arith.constant 176 : index
          %get3A_859 = tpu.vector_load %arg7[%get3A_857, %get3A_858] {strides = array<i32>} : memref<16x1000xf32, #tpu.memory_space<vmem>>, vector<16xf32>,
          %add3A_860 = arith.constant 176 : i32
          %add3A_861 = vector.broadcast %add3A_860 : i32 to vector<16xi32>
          %add3A_862 = arith.addi %iota3A, %add3A_861 : vector<16xi32>
          %eq3A_863 = vector.broadcast %reduce_min3A_722 : i32 to vector<16xi32>
          %eq3A_864 = arith.cmpi eq, %add3A_862, %eq3A_863 : vector<16xi32>
          %jit3A_865 = arith.constant 0.000000e+00 : f32
          %broadcast_in_dim3A_866 = vector.broadcast %jit3A_865 : f32 to vector<16xf32>
          %select_n3A_867 = arith.select %eq3A_864, %get3A_859, %broadcast_in_dim3A_866 : vector<16xi1>, vector<16xf32>
          %add3A_868 = arith.addf %add3A_856, %select_n3A_867 : vector<16xf32>
          %get3A_869 = arith.index_cast %scan3A_132 : i32 to index
          %get3A_870 = arith.constant 192 : index
          %get3A_871 = tpu.vector_load %arg7[%get3A_869, %get3A_870] {strides = array<i32>} : memref<16x1000xf32, #tpu.memory_space<vmem>>, vector<16xf32>,
          %add3A_872 = arith.constant 192 : i32
          %add3A_873 = vector.broadcast %add3A_872 : i32 to vector<16xi32>
          %add3A_874 = arith.addi %iota3A, %add3A_873 : vector<16xi32>
          %eq3A_875 = vector.broadcast %reduce_min3A_722 : i32 to vector<16xi32>
          %eq3A_876 = arith.cmpi eq, %add3A_874, %eq3A_875 : vector<16xi32>
          %jit3A_877 = arith.constant 0.000000e+00 : f32
          %broadcast_in_dim3A_878 = vector.broadcast %jit3A_877 : f32 to vector<16xf32>
          %select_n3A_879 = arith.select %eq3A_876, %get3A_871, %broadcast_in_dim3A_878 : vector<16xi1>, vector<16xf32>
          %add3A_880 = arith.addf %add3A_868, %select_n3A_879 : vector<16xf32>
          %get3A_881 = arith.index_cast %scan3A_132 : i32 to index
          %get3A_882 = arith.constant 208 : index
          %get3A_883 = tpu.vector_load %arg7[%get3A_881, %get3A_882] {strides = array<i32>} : memref<16x1000xf32, #tpu.memory_space<vmem>>, vector<16xf32>,
          %add3A_884 = arith.constant 208 : i32
          %add3A_885 = vector.broadcast %add3A_884 : i32 to vector<16xi32>
          %add3A_886 = arith.addi %iota3A, %add3A_885 : vector<16xi32>
          %eq3A_887 = vector.broadcast %reduce_min3A_722 : i32 to vector<16xi32>
          %eq3A_888 = arith.cmpi eq, %add3A_886, %eq3A_887 : vector<16xi32>
          %jit3A_889 = arith.constant 0.000000e+00 : f32
          %broadcast_in_dim3A_890 = vector.broadcast %jit3A_889 : f32 to vector<16xf32>
          %select_n3A_891 = arith.select %eq3A_888, %get3A_883, %broadcast_in_dim3A_890 : vector<16xi1>, vector<16xf32>
          %add3A_892 = arith.addf %add3A_880, %select_n3A_891 : vector<16xf32>
          %get3A_893 = arith.index_cast %scan3A_132 : i32 to index
          %get3A_894 = arith.constant 224 : index
          %get3A_895 = tpu.vector_load %arg7[%get3A_893, %get3A_894] {strides = array<i32>} : memref<16x1000xf32, #tpu.memory_space<vmem>>, vector<16xf32>,
          %add3A_896 = arith.constant 224 : i32
          %add3A_897 = vector.broadcast %add3A_896 : i32 to vector<16xi32>
          %add3A_898 = arith.addi %iota3A, %add3A_897 : vector<16xi32>
          %eq3A_899 = vector.broadcast %reduce_min3A_722 : i32 to vector<16xi32>
          %eq3A_900 = arith.cmpi eq, %add3A_898, %eq3A_899 : vector<16xi32>
          %jit3A_901 = arith.constant 0.000000e+00 : f32
          %broadcast_in_dim3A_902 = vector.broadcast %jit3A_901 : f32 to vector<16xf32>
          %select_n3A_903 = arith.select %eq3A_900, %get3A_895, %broadcast_in_dim3A_902 : vector<16xi1>, vector<16xf32>
          %add3A_904 = arith.addf %add3A_892, %select_n3A_903 : vector<16xf32>
          %get3A_905 = arith.index_cast %scan3A_132 : i32 to index
          %get3A_906 = arith.constant 240 : index
          %get3A_907 = tpu.vector_load %arg7[%get3A_905, %get3A_906] {strides = array<i32>} : memref<16x1000xf32, #tpu.memory_space<vmem>>, vector<16xf32>,
          %add3A_908 = arith.constant 240 : i32
          %add3A_909 = vector.broadcast %add3A_908 : i32 to vector<16xi32>
          %add3A_910 = arith.addi %iota3A, %add3A_909 : vector<16xi32>
          %eq3A_911 = vector.broadcast %reduce_min3A_722 : i32 to vector<16xi32>
          %eq3A_912 = arith.cmpi eq, %add3A_910, %eq3A_911 : vector<16xi32>
          %jit3A_913 = arith.constant 0.000000e+00 : f32
          %broadcast_in_dim3A_914 = vector.broadcast %jit3A_913 : f32 to vector<16xf32>
          %select_n3A_915 = arith.select %eq3A_912, %get3A_907, %broadcast_in_dim3A_914 : vector<16xi1>, vector<16xf32>
          %add3A_916 = arith.addf %add3A_904, %select_n3A_915 : vector<16xf32>
          %get3A_917 = arith.index_cast %scan3A_132 : i32 to index
          %get3A_918 = arith.constant 256 : index
          %get3A_919 = tpu.vector_load %arg7[%get3A_917, %get3A_918] {strides = array<i32>} : memref<16x1000xf32, #tpu.memory_space<vmem>>, vector<16xf32>,
          %add3A_920 = arith.constant 256 : i32
          %add3A_921 = vector.broadcast %add3A_920 : i32 to vector<16xi32>
          %add3A_922 = arith.addi %iota3A, %add3A_921 : vector<16xi32>
          %eq3A_923 = vector.broadcast %reduce_min3A_722 : i32 to vector<16xi32>
          %eq3A_924 = arith.cmpi eq, %add3A_922, %eq3A_923 : vector<16xi32>
          %jit3A_925 = arith.constant 0.000000e+00 : f32
          %broadcast_in_dim3A_926 = vector.broadcast %jit3A_925 : f32 to vector<16xf32>
          %select_n3A_927 = arith.select %eq3A_924, %get3A_919, %broadcast_in_dim3A_926 : vector<16xi1>, vector<16xf32>
          %add3A_928 = arith.addf %add3A_916, %select_n3A_927 : vector<16xf32>
          %get3A_929 = arith.index_cast %scan3A_132 : i32 to index
          %get3A_930 = arith.constant 272 : index
          %get3A_931 = tpu.vector_load %arg7[%get3A_929, %get3A_930] {strides = array<i32>} : memref<16x1000xf32, #tpu.memory_space<vmem>>, vector<16xf32>,
          %add3A_932 = arith.constant 272 : i32
          %add3A_933 = vector.broadcast %add3A_932 : i32 to vector<16xi32>
          %add3A_934 = arith.addi %iota3A, %add3A_933 : vector<16xi32>
          %eq3A_935 = vector.broadcast %reduce_min3A_722 : i32 to vector<16xi32>
          %eq3A_936 = arith.cmpi eq, %add3A_934, %eq3A_935 : vector<16xi32>
          %jit3A_937 = arith.constant 0.000000e+00 : f32
          %broadcast_in_dim3A_938 = vector.broadcast %jit3A_937 : f32 to vector<16xf32>
          %select_n3A_939 = arith.select %eq3A_936, %get3A_931, %broadcast_in_dim3A_938 : vector<16xi1>, vector<16xf32>
          %add3A_940 = arith.addf %add3A_928, %select_n3A_939 : vector<16xf32>
          %get3A_941 = arith.index_cast %scan3A_132 : i32 to index
          %get3A_942 = arith.constant 288 : index
          %get3A_943 = tpu.vector_load %arg7[%get3A_941, %get3A_942] {strides = array<i32>} : memref<16x1000xf32, #tpu.memory_space<vmem>>, vector<16xf32>,
          %add3A_944 = arith.constant 288 : i32
          %add3A_945 = vector.broadcast %add3A_944 : i32 to vector<16xi32>
          %add3A_946 = arith.addi %iota3A, %add3A_945 : vector<16xi32>
          %eq3A_947 = vector.broadcast %reduce_min3A_722 : i32 to vector<16xi32>
          %eq3A_948 = arith.cmpi eq, %add3A_946, %eq3A_947 : vector<16xi32>
          %jit3A_949 = arith.constant 0.000000e+00 : f32
          %broadcast_in_dim3A_950 = vector.broadcast %jit3A_949 : f32 to vector<16xf32>
          %select_n3A_951 = arith.select %eq3A_948, %get3A_943, %broadcast_in_dim3A_950 : vector<16xi1>, vector<16xf32>
          %add3A_952 = arith.addf %add3A_940, %select_n3A_951 : vector<16xf32>
          %get3A_953 = arith.index_cast %scan3A_132 : i32 to index
          %get3A_954 = arith.constant 304 : index
          %get3A_955 = tpu.vector_load %arg7[%get3A_953, %get3A_954] {strides = array<i32>} : memref<16x1000xf32, #tpu.memory_space<vmem>>, vector<16xf32>,
          %add3A_956 = arith.constant 304 : i32
          %add3A_957 = vector.broadcast %add3A_956 : i32 to vector<16xi32>
          %add3A_958 = arith.addi %iota3A, %add3A_957 : vector<16xi32>
          %eq3A_959 = vector.broadcast %reduce_min3A_722 : i32 to vector<16xi32>
          %eq3A_960 = arith.cmpi eq, %add3A_958, %eq3A_959 : vector<16xi32>
          %jit3A_961 = arith.constant 0.000000e+00 : f32
          %broadcast_in_dim3A_962 = vector.broadcast %jit3A_961 : f32 to vector<16xf32>
          %select_n3A_963 = arith.select %eq3A_960, %get3A_955, %broadcast_in_dim3A_962 : vector<16xi1>, vector<16xf32>
          %add3A_964 = arith.addf %add3A_952, %select_n3A_963 : vector<16xf32>
          %get3A_965 = arith.index_cast %scan3A_132 : i32 to index
          %get3A_966 = arith.constant 320 : index
          %get3A_967 = tpu.vector_load %arg7[%get3A_965, %get3A_966] {strides = array<i32>} : memref<16x1000xf32, #tpu.memory_space<vmem>>, vector<16xf32>,
          %add3A_968 = arith.constant 320 : i32
          %add3A_969 = vector.broadcast %add3A_968 : i32 to vector<16xi32>
          %add3A_970 = arith.addi %iota3A, %add3A_969 : vector<16xi32>
          %eq3A_971 = vector.broadcast %reduce_min3A_722 : i32 to vector<16xi32>
          %eq3A_972 = arith.cmpi eq, %add3A_970, %eq3A_971 : vector<16xi32>
          %jit3A_973 = arith.constant 0.000000e+00 : f32
          %broadcast_in_dim3A_974 = vector.broadcast %jit3A_973 : f32 to vector<16xf32>
          %select_n3A_975 = arith.select %eq3A_972, %get3A_967, %broadcast_in_dim3A_974 : vector<16xi1>, vector<16xf32>
          %add3A_976 = arith.addf %add3A_964, %select_n3A_975 : vector<16xf32>
          %get3A_977 = arith.index_cast %scan3A_132 : i32 to index
          %get3A_978 = arith.constant 336 : index
          %get3A_979 = tpu.vector_load %arg7[%get3A_977, %get3A_978] {strides = array<i32>} : memref<16x1000xf32, #tpu.memory_space<vmem>>, vector<16xf32>,
          %add3A_980 = arith.constant 336 : i32
          %add3A_981 = vector.broadcast %add3A_980 : i32 to vector<16xi32>
          %add3A_982 = arith.addi %iota3A, %add3A_981 : vector<16xi32>
          %eq3A_983 = vector.broadcast %reduce_min3A_722 : i32 to vector<16xi32>
          %eq3A_984 = arith.cmpi eq, %add3A_982, %eq3A_983 : vector<16xi32>
          %jit3A_985 = arith.constant 0.000000e+00 : f32
          %broadcast_in_dim3A_986 = vector.broadcast %jit3A_985 : f32 to vector<16xf32>
          %select_n3A_987 = arith.select %eq3A_984, %get3A_979, %broadcast_in_dim3A_986 : vector<16xi1>, vector<16xf32>
          %add3A_988 = arith.addf %add3A_976, %select_n3A_987 : vector<16xf32>
          %get3A_989 = arith.index_cast %scan3A_132 : i32 to index
          %get3A_990 = arith.constant 352 : index
          %get3A_991 = tpu.vector_load %arg7[%get3A_989, %get3A_990] {strides = array<i32>} : memref<16x1000xf32, #tpu.memory_space<vmem>>, vector<16xf32>,
          %add3A_992 = arith.constant 352 : i32
          %add3A_993 = vector.broadcast %add3A_992 : i32 to vector<16xi32>
          %add3A_994 = arith.addi %iota3A, %add3A_993 : vector<16xi32>
          %eq3A_995 = vector.broadcast %reduce_min3A_722 : i32 to vector<16xi32>
          %eq3A_996 = arith.cmpi eq, %add3A_994, %eq3A_995 : vector<16xi32>
          %jit3A_997 = arith.constant 0.000000e+00 : f32
          %broadcast_in_dim3A_998 = vector.broadcast %jit3A_997 : f32 to vector<16xf32>
          %select_n3A_999 = arith.select %eq3A_996, %get3A_991, %broadcast_in_dim3A_998 : vector<16xi1>, vector<16xf32>
          %add3A_1000 = arith.addf %add3A_988, %select_n3A_999 : vector<16xf32>
          %get3A_1001 = arith.index_cast %scan3A_132 : i32 to index
          %get3A_1002 = arith.constant 368 : index
          %get3A_1003 = tpu.vector_load %arg7[%get3A_1001, %get3A_1002] {strides = array<i32>} : memref<16x1000xf32, #tpu.memory_space<vmem>>, vector<16xf32>,
          %add3A_1004 = arith.constant 368 : i32
          %add3A_1005 = vector.broadcast %add3A_1004 : i32 to vector<16xi32>
          %add3A_1006 = arith.addi %iota3A, %add3A_1005 : vector<16xi32>
          %eq3A_1007 = vector.broadcast %reduce_min3A_722 : i32 to vector<16xi32>
          %eq3A_1008 = arith.cmpi eq, %add3A_1006, %eq3A_1007 : vector<16xi32>
          %jit3A_1009 = arith.constant 0.000000e+00 : f32
          %broadcast_in_dim3A_1010 = vector.broadcast %jit3A_1009 : f32 to vector<16xf32>
          %select_n3A_1011 = arith.select %eq3A_1008, %get3A_1003, %broadcast_in_dim3A_1010 : vector<16xi1>, vector<16xf32>
          %add3A_1012 = arith.addf %add3A_1000, %select_n3A_1011 : vector<16xf32>
          %get3A_1013 = arith.index_cast %scan3A_132 : i32 to index
          %get3A_1014 = arith.constant 384 : index
          %get3A_1015 = tpu.vector_load %arg7[%get3A_1013, %get3A_1014] {strides = array<i32>} : memref<16x1000xf32, #tpu.memory_space<vmem>>, vector<16xf32>,
          %add3A_1016 = arith.constant 384 : i32
          %add3A_1017 = vector.broadcast %add3A_1016 : i32 to vector<16xi32>
          %add3A_1018 = arith.addi %iota3A, %add3A_1017 : vector<16xi32>
          %eq3A_1019 = vector.broadcast %reduce_min3A_722 : i32 to vector<16xi32>
          %eq3A_1020 = arith.cmpi eq, %add3A_1018, %eq3A_1019 : vector<16xi32>
          %jit3A_1021 = arith.constant 0.000000e+00 : f32
          %broadcast_in_dim3A_1022 = vector.broadcast %jit3A_1021 : f32 to vector<16xf32>
          %select_n3A_1023 = arith.select %eq3A_1020, %get3A_1015, %broadcast_in_dim3A_1022 : vector<16xi1>, vector<16xf32>
          %add3A_1024 = arith.addf %add3A_1012, %select_n3A_1023 : vector<16xf32>
          %get3A_1025 = arith.index_cast %scan3A_132 : i32 to index
          %get3A_1026 = arith.constant 400 : index
          %get3A_1027 = tpu.vector_load %arg7[%get3A_1025, %get3A_1026] {strides = array<i32>} : memref<16x1000xf32, #tpu.memory_space<vmem>>, vector<16xf32>,
          %add3A_1028 = arith.constant 400 : i32
          %add3A_1029 = vector.broadcast %add3A_1028 : i32 to vector<16xi32>
          %add3A_1030 = arith.addi %iota3A, %add3A_1029 : vector<16xi32>
          %eq3A_1031 = vector.broadcast %reduce_min3A_722 : i32 to vector<16xi32>
          %eq3A_1032 = arith.cmpi eq, %add3A_1030, %eq3A_1031 : vector<16xi32>
          %jit3A_1033 = arith.constant 0.000000e+00 : f32
          %broadcast_in_dim3A_1034 = vector.broadcast %jit3A_1033 : f32 to vector<16xf32>
          %select_n3A_1035 = arith.select %eq3A_1032, %get3A_1027, %broadcast_in_dim3A_1034 : vector<16xi1>, vector<16xf32>
          %add3A_1036 = arith.addf %add3A_1024, %select_n3A_1035 : vector<16xf32>
          %get3A_1037 = arith.index_cast %scan3A_132 : i32 to index
          %get3A_1038 = arith.constant 416 : index
          %get3A_1039 = tpu.vector_load %arg7[%get3A_1037, %get3A_1038] {strides = array<i32>} : memref<16x1000xf32, #tpu.memory_space<vmem>>, vector<16xf32>,
          %add3A_1040 = arith.constant 416 : i32
          %add3A_1041 = vector.broadcast %add3A_1040 : i32 to vector<16xi32>
          %add3A_1042 = arith.addi %iota3A, %add3A_1041 : vector<16xi32>
          %eq3A_1043 = vector.broadcast %reduce_min3A_722 : i32 to vector<16xi32>
          %eq3A_1044 = arith.cmpi eq, %add3A_1042, %eq3A_1043 : vector<16xi32>
          %jit3A_1045 = arith.constant 0.000000e+00 : f32
          %broadcast_in_dim3A_1046 = vector.broadcast %jit3A_1045 : f32 to vector<16xf32>
          %select_n3A_1047 = arith.select %eq3A_1044, %get3A_1039, %broadcast_in_dim3A_1046 : vector<16xi1>, vector<16xf32>
          %add3A_1048 = arith.addf %add3A_1036, %select_n3A_1047 : vector<16xf32>
          %get3A_1049 = arith.index_cast %scan3A_132 : i32 to index
          %get3A_1050 = arith.constant 432 : index
          %get3A_1051 = tpu.vector_load %arg7[%get3A_1049, %get3A_1050] {strides = array<i32>} : memref<16x1000xf32, #tpu.memory_space<vmem>>, vector<16xf32>,
          %add3A_1052 = arith.constant 432 : i32
          %add3A_1053 = vector.broadcast %add3A_1052 : i32 to vector<16xi32>
          %add3A_1054 = arith.addi %iota3A, %add3A_1053 : vector<16xi32>
          %eq3A_1055 = vector.broadcast %reduce_min3A_722 : i32 to vector<16xi32>
          %eq3A_1056 = arith.cmpi eq, %add3A_1054, %eq3A_1055 : vector<16xi32>
          %jit3A_1057 = arith.constant 0.000000e+00 : f32
          %broadcast_in_dim3A_1058 = vector.broadcast %jit3A_1057 : f32 to vector<16xf32>
          %select_n3A_1059 = arith.select %eq3A_1056, %get3A_1051, %broadcast_in_dim3A_1058 : vector<16xi1>, vector<16xf32>
          %add3A_1060 = arith.addf %add3A_1048, %select_n3A_1059 : vector<16xf32>
          %get3A_1061 = arith.index_cast %scan3A_132 : i32 to index
          %get3A_1062 = arith.constant 448 : index
          %get3A_1063 = tpu.vector_load %arg7[%get3A_1061, %get3A_1062] {strides = array<i32>} : memref<16x1000xf32, #tpu.memory_space<vmem>>, vector<16xf32>,
          %add3A_1064 = arith.constant 448 : i32
          %add3A_1065 = vector.broadcast %add3A_1064 : i32 to vector<16xi32>
          %add3A_1066 = arith.addi %iota3A, %add3A_1065 : vector<16xi32>
          %eq3A_1067 = vector.broadcast %reduce_min3A_722 : i32 to vector<16xi32>
          %eq3A_1068 = arith.cmpi eq, %add3A_1066, %eq3A_1067 : vector<16xi32>
          %jit3A_1069 = arith.constant 0.000000e+00 : f32
          %broadcast_in_dim3A_1070 = vector.broadcast %jit3A_1069 : f32 to vector<16xf32>
          %select_n3A_1071 = arith.select %eq3A_1068, %get3A_1063, %broadcast_in_dim3A_1070 : vector<16xi1>, vector<16xf32>
          %add3A_1072 = arith.addf %add3A_1060, %select_n3A_1071 : vector<16xf32>
          %get3A_1073 = arith.index_cast %scan3A_132 : i32 to index
          %get3A_1074 = arith.constant 464 : index
          %get3A_1075 = tpu.vector_load %arg7[%get3A_1073, %get3A_1074] {strides = array<i32>} : memref<16x1000xf32, #tpu.memory_space<vmem>>, vector<16xf32>,
          %add3A_1076 = arith.constant 464 : i32
          %add3A_1077 = vector.broadcast %add3A_1076 : i32 to vector<16xi32>
          %add3A_1078 = arith.addi %iota3A, %add3A_1077 : vector<16xi32>
          %eq3A_1079 = vector.broadcast %reduce_min3A_722 : i32 to vector<16xi32>
          %eq3A_1080 = arith.cmpi eq, %add3A_1078, %eq3A_1079 : vector<16xi32>
          %jit3A_1081 = arith.constant 0.000000e+00 : f32
          %broadcast_in_dim3A_1082 = vector.broadcast %jit3A_1081 : f32 to vector<16xf32>
          %select_n3A_1083 = arith.select %eq3A_1080, %get3A_1075, %broadcast_in_dim3A_1082 : vector<16xi1>, vector<16xf32>
          %add3A_1084 = arith.addf %add3A_1072, %select_n3A_1083 : vector<16xf32>
          %get3A_1085 = arith.index_cast %scan3A_132 : i32 to index
          %get3A_1086 = arith.constant 480 : index
          %get3A_1087 = tpu.vector_load %arg7[%get3A_1085, %get3A_1086] {strides = array<i32>} : memref<16x1000xf32, #tpu.memory_space<vmem>>, vector<16xf32>,
          %add3A_1088 = arith.constant 480 : i32
          %add3A_1089 = vector.broadcast %add3A_1088 : i32 to vector<16xi32>
          %add3A_1090 = arith.addi %iota3A, %add3A_1089 : vector<16xi32>
          %eq3A_1091 = vector.broadcast %reduce_min3A_722 : i32 to vector<16xi32>
          %eq3A_1092 = arith.cmpi eq, %add3A_1090, %eq3A_1091 : vector<16xi32>
          %jit3A_1093 = arith.constant 0.000000e+00 : f32
          %broadcast_in_dim3A_1094 = vector.broadcast %jit3A_1093 : f32 to vector<16xf32>
          %select_n3A_1095 = arith.select %eq3A_1092, %get3A_1087, %broadcast_in_dim3A_1094 : vector<16xi1>, vector<16xf32>
          %add3A_1096 = arith.addf %add3A_1084, %select_n3A_1095 : vector<16xf32>
          %get3A_1097 = arith.index_cast %scan3A_132 : i32 to index
          %get3A_1098 = arith.constant 496 : index
          %get3A_1099 = tpu.vector_load %arg7[%get3A_1097, %get3A_1098] {strides = array<i32>} : memref<16x1000xf32, #tpu.memory_space<vmem>>, vector<16xf32>,
          %add3A_1100 = arith.constant 496 : i32
          %add3A_1101 = vector.broadcast %add3A_1100 : i32 to vector<16xi32>
          %add3A_1102 = arith.addi %iota3A, %add3A_1101 : vector<16xi32>
          %eq3A_1103 = vector.broadcast %reduce_min3A_722 : i32 to vector<16xi32>
          %eq3A_1104 = arith.cmpi eq, %add3A_1102, %eq3A_1103 : vector<16xi32>
          %jit3A_1105 = arith.constant 0.000000e+00 : f32
          %broadcast_in_dim3A_1106 = vector.broadcast %jit3A_1105 : f32 to vector<16xf32>
          %select_n3A_1107 = arith.select %eq3A_1104, %get3A_1099, %broadcast_in_dim3A_1106 : vector<16xi1>, vector<16xf32>
          %add3A_1108 = arith.addf %add3A_1096, %select_n3A_1107 : vector<16xf32>
          %get3A_1109 = arith.index_cast %scan3A_132 : i32 to index
          %get3A_1110 = arith.constant 512 : index
          %get3A_1111 = tpu.vector_load %arg7[%get3A_1109, %get3A_1110] {strides = array<i32>} : memref<16x1000xf32, #tpu.memory_space<vmem>>, vector<16xf32>,
          %add3A_1112 = arith.constant 512 : i32
          %add3A_1113 = vector.broadcast %add3A_1112 : i32 to vector<16xi32>
          %add3A_1114 = arith.addi %iota3A, %add3A_1113 : vector<16xi32>
          %eq3A_1115 = vector.broadcast %reduce_min3A_722 : i32 to vector<16xi32>
          %eq3A_1116 = arith.cmpi eq, %add3A_1114, %eq3A_1115 : vector<16xi32>
          %jit3A_1117 = arith.constant 0.000000e+00 : f32
          %broadcast_in_dim3A_1118 = vector.broadcast %jit3A_1117 : f32 to vector<16xf32>
          %select_n3A_1119 = arith.select %eq3A_1116, %get3A_1111, %broadcast_in_dim3A_1118 : vector<16xi1>, vector<16xf32>
          %add3A_1120 = arith.addf %add3A_1108, %select_n3A_1119 : vector<16xf32>
          %get3A_1121 = arith.index_cast %scan3A_132 : i32 to index
          %get3A_1122 = arith.constant 528 : index
          %get3A_1123 = tpu.vector_load %arg7[%get3A_1121, %get3A_1122] {strides = array<i32>} : memref<16x1000xf32, #tpu.memory_space<vmem>>, vector<16xf32>,
          %add3A_1124 = arith.constant 528 : i32
          %add3A_1125 = vector.broadcast %add3A_1124 : i32 to vector<16xi32>
          %add3A_1126 = arith.addi %iota3A, %add3A_1125 : vector<16xi32>
          %eq3A_1127 = vector.broadcast %reduce_min3A_722 : i32 to vector<16xi32>
          %eq3A_1128 = arith.cmpi eq, %add3A_1126, %eq3A_1127 : vector<16xi32>
          %jit3A_1129 = arith.constant 0.000000e+00 : f32
          %broadcast_in_dim3A_1130 = vector.broadcast %jit3A_1129 : f32 to vector<16xf32>
          %select_n3A_1131 = arith.select %eq3A_1128, %get3A_1123, %broadcast_in_dim3A_1130 : vector<16xi1>, vector<16xf32>
          %add3A_1132 = arith.addf %add3A_1120, %select_n3A_1131 : vector<16xf32>
          %get3A_1133 = arith.index_cast %scan3A_132 : i32 to index
          %get3A_1134 = arith.constant 544 : index
          %get3A_1135 = tpu.vector_load %arg7[%get3A_1133, %get3A_1134] {strides = array<i32>} : memref<16x1000xf32, #tpu.memory_space<vmem>>, vector<16xf32>,
          %add3A_1136 = arith.constant 544 : i32
          %add3A_1137 = vector.broadcast %add3A_1136 : i32 to vector<16xi32>
          %add3A_1138 = arith.addi %iota3A, %add3A_1137 : vector<16xi32>
          %eq3A_1139 = vector.broadcast %reduce_min3A_722 : i32 to vector<16xi32>
          %eq3A_1140 = arith.cmpi eq, %add3A_1138, %eq3A_1139 : vector<16xi32>
          %jit3A_1141 = arith.constant 0.000000e+00 : f32
          %broadcast_in_dim3A_1142 = vector.broadcast %jit3A_1141 : f32 to vector<16xf32>
          %select_n3A_1143 = arith.select %eq3A_1140, %get3A_1135, %broadcast_in_dim3A_1142 : vector<16xi1>, vector<16xf32>
          %add3A_1144 = arith.addf %add3A_1132, %select_n3A_1143 : vector<16xf32>
          %get3A_1145 = arith.index_cast %scan3A_132 : i32 to index
          %get3A_1146 = arith.constant 560 : index
          %get3A_1147 = tpu.vector_load %arg7[%get3A_1145, %get3A_1146] {strides = array<i32>} : memref<16x1000xf32, #tpu.memory_space<vmem>>, vector<16xf32>,
          %add3A_1148 = arith.constant 560 : i32
          %add3A_1149 = vector.broadcast %add3A_1148 : i32 to vector<16xi32>
          %add3A_1150 = arith.addi %iota3A, %add3A_1149 : vector<16xi32>
          %eq3A_1151 = vector.broadcast %reduce_min3A_722 : i32 to vector<16xi32>
          %eq3A_1152 = arith.cmpi eq, %add3A_1150, %eq3A_1151 : vector<16xi32>
          %jit3A_1153 = arith.constant 0.000000e+00 : f32
          %broadcast_in_dim3A_1154 = vector.broadcast %jit3A_1153 : f32 to vector<16xf32>
          %select_n3A_1155 = arith.select %eq3A_1152, %get3A_1147, %broadcast_in_dim3A_1154 : vector<16xi1>, vector<16xf32>
          %add3A_1156 = arith.addf %add3A_1144, %select_n3A_1155 : vector<16xf32>
          %get3A_1157 = arith.index_cast %scan3A_132 : i32 to index
          %get3A_1158 = arith.constant 576 : index
          %get3A_1159 = tpu.vector_load %arg7[%get3A_1157, %get3A_1158] {strides = array<i32>} : memref<16x1000xf32, #tpu.memory_space<vmem>>, vector<16xf32>,
          %add3A_1160 = arith.constant 576 : i32
          %add3A_1161 = vector.broadcast %add3A_1160 : i32 to vector<16xi32>
          %add3A_1162 = arith.addi %iota3A, %add3A_1161 : vector<16xi32>
          %eq3A_1163 = vector.broadcast %reduce_min3A_722 : i32 to vector<16xi32>
          %eq3A_1164 = arith.cmpi eq, %add3A_1162, %eq3A_1163 : vector<16xi32>
          %jit3A_1165 = arith.constant 0.000000e+00 : f32
          %broadcast_in_dim3A_1166 = vector.broadcast %jit3A_1165 : f32 to vector<16xf32>
          %select_n3A_1167 = arith.select %eq3A_1164, %get3A_1159, %broadcast_in_dim3A_1166 : vector<16xi1>, vector<16xf32>
          %add3A_1168 = arith.addf %add3A_1156, %select_n3A_1167 : vector<16xf32>
          %get3A_1169 = arith.index_cast %scan3A_132 : i32 to index
          %get3A_1170 = arith.constant 592 : index
          %get3A_1171 = tpu.vector_load %arg7[%get3A_1169, %get3A_1170] {strides = array<i32>} : memref<16x1000xf32, #tpu.memory_space<vmem>>, vector<16xf32>,
          %add3A_1172 = arith.constant 592 : i32
          %add3A_1173 = vector.broadcast %add3A_1172 : i32 to vector<16xi32>
          %add3A_1174 = arith.addi %iota3A, %add3A_1173 : vector<16xi32>
          %eq3A_1175 = vector.broadcast %reduce_min3A_722 : i32 to vector<16xi32>
          %eq3A_1176 = arith.cmpi eq, %add3A_1174, %eq3A_1175 : vector<16xi32>
          %jit3A_1177 = arith.constant 0.000000e+00 : f32
          %broadcast_in_dim3A_1178 = vector.broadcast %jit3A_1177 : f32 to vector<16xf32>
          %select_n3A_1179 = arith.select %eq3A_1176, %get3A_1171, %broadcast_in_dim3A_1178 : vector<16xi1>, vector<16xf32>
          %add3A_1180 = arith.addf %add3A_1168, %select_n3A_1179 : vector<16xf32>
          %get3A_1181 = arith.index_cast %scan3A_132 : i32 to index
          %get3A_1182 = arith.constant 608 : index
          %get3A_1183 = tpu.vector_load %arg7[%get3A_1181, %get3A_1182] {strides = array<i32>} : memref<16x1000xf32, #tpu.memory_space<vmem>>, vector<16xf32>,
          %add3A_1184 = arith.constant 608 : i32
          %add3A_1185 = vector.broadcast %add3A_1184 : i32 to vector<16xi32>
          %add3A_1186 = arith.addi %iota3A, %add3A_1185 : vector<16xi32>
          %eq3A_1187 = vector.broadcast %reduce_min3A_722 : i32 to vector<16xi32>
          %eq3A_1188 = arith.cmpi eq, %add3A_1186, %eq3A_1187 : vector<16xi32>
          %jit3A_1189 = arith.constant 0.000000e+00 : f32
          %broadcast_in_dim3A_1190 = vector.broadcast %jit3A_1189 : f32 to vector<16xf32>
          %select_n3A_1191 = arith.select %eq3A_1188, %get3A_1183, %broadcast_in_dim3A_1190 : vector<16xi1>, vector<16xf32>
          %add3A_1192 = arith.addf %add3A_1180, %select_n3A_1191 : vector<16xf32>
          %get3A_1193 = arith.index_cast %scan3A_132 : i32 to index
          %get3A_1194 = arith.constant 624 : index
          %get3A_1195 = tpu.vector_load %arg7[%get3A_1193, %get3A_1194] {strides = array<i32>} : memref<16x1000xf32, #tpu.memory_space<vmem>>, vector<16xf32>,
          %add3A_1196 = arith.constant 624 : i32
          %add3A_1197 = vector.broadcast %add3A_1196 : i32 to vector<16xi32>
          %add3A_1198 = arith.addi %iota3A, %add3A_1197 : vector<16xi32>
          %eq3A_1199 = vector.broadcast %reduce_min3A_722 : i32 to vector<16xi32>
          %eq3A_1200 = arith.cmpi eq, %add3A_1198, %eq3A_1199 : vector<16xi32>
          %jit3A_1201 = arith.constant 0.000000e+00 : f32
          %broadcast_in_dim3A_1202 = vector.broadcast %jit3A_1201 : f32 to vector<16xf32>
          %select_n3A_1203 = arith.select %eq3A_1200, %get3A_1195, %broadcast_in_dim3A_1202 : vector<16xi1>, vector<16xf32>
          %add3A_1204 = arith.addf %add3A_1192, %select_n3A_1203 : vector<16xf32>
          %get3A_1205 = arith.index_cast %scan3A_132 : i32 to index
          %get3A_1206 = arith.constant 640 : index
          %get3A_1207 = tpu.vector_load %arg7[%get3A_1205, %get3A_1206] {strides = array<i32>} : memref<16x1000xf32, #tpu.memory_space<vmem>>, vector<16xf32>,
          %add3A_1208 = arith.constant 640 : i32
          %add3A_1209 = vector.broadcast %add3A_1208 : i32 to vector<16xi32>
          %add3A_1210 = arith.addi %iota3A, %add3A_1209 : vector<16xi32>
          %eq3A_1211 = vector.broadcast %reduce_min3A_722 : i32 to vector<16xi32>
          %eq3A_1212 = arith.cmpi eq, %add3A_1210, %eq3A_1211 : vector<16xi32>
          %jit3A_1213 = arith.constant 0.000000e+00 : f32
          %broadcast_in_dim3A_1214 = vector.broadcast %jit3A_1213 : f32 to vector<16xf32>
          %select_n3A_1215 = arith.select %eq3A_1212, %get3A_1207, %broadcast_in_dim3A_1214 : vector<16xi1>, vector<16xf32>
          %add3A_1216 = arith.addf %add3A_1204, %select_n3A_1215 : vector<16xf32>
          %get3A_1217 = arith.index_cast %scan3A_132 : i32 to index
          %get3A_1218 = arith.constant 656 : index
          %get3A_1219 = tpu.vector_load %arg7[%get3A_1217, %get3A_1218] {strides = array<i32>} : memref<16x1000xf32, #tpu.memory_space<vmem>>, vector<16xf32>,
          %add3A_1220 = arith.constant 656 : i32
          %add3A_1221 = vector.broadcast %add3A_1220 : i32 to vector<16xi32>
          %add3A_1222 = arith.addi %iota3A, %add3A_1221 : vector<16xi32>
          %eq3A_1223 = vector.broadcast %reduce_min3A_722 : i32 to vector<16xi32>
          %eq3A_1224 = arith.cmpi eq, %add3A_1222, %eq3A_1223 : vector<16xi32>
          %jit3A_1225 = arith.constant 0.000000e+00 : f32
          %broadcast_in_dim3A_1226 = vector.broadcast %jit3A_1225 : f32 to vector<16xf32>
          %select_n3A_1227 = arith.select %eq3A_1224, %get3A_1219, %broadcast_in_dim3A_1226 : vector<16xi1>, vector<16xf32>
          %add3A_1228 = arith.addf %add3A_1216, %select_n3A_1227 : vector<16xf32>
          %get3A_1229 = arith.index_cast %scan3A_132 : i32 to index
          %get3A_1230 = arith.constant 672 : index
          %get3A_1231 = tpu.vector_load %arg7[%get3A_1229, %get3A_1230] {strides = array<i32>} : memref<16x1000xf32, #tpu.memory_space<vmem>>, vector<16xf32>,
          %add3A_1232 = arith.constant 672 : i32
          %add3A_1233 = vector.broadcast %add3A_1232 : i32 to vector<16xi32>
          %add3A_1234 = arith.addi %iota3A, %add3A_1233 : vector<16xi32>
          %eq3A_1235 = vector.broadcast %reduce_min3A_722 : i32 to vector<16xi32>
          %eq3A_1236 = arith.cmpi eq, %add3A_1234, %eq3A_1235 : vector<16xi32>
          %jit3A_1237 = arith.constant 0.000000e+00 : f32
          %broadcast_in_dim3A_1238 = vector.broadcast %jit3A_1237 : f32 to vector<16xf32>
          %select_n3A_1239 = arith.select %eq3A_1236, %get3A_1231, %broadcast_in_dim3A_1238 : vector<16xi1>, vector<16xf32>
          %add3A_1240 = arith.addf %add3A_1228, %select_n3A_1239 : vector<16xf32>
          %get3A_1241 = arith.index_cast %scan3A_132 : i32 to index
          %get3A_1242 = arith.constant 688 : index
          %get3A_1243 = tpu.vector_load %arg7[%get3A_1241, %get3A_1242] {strides = array<i32>} : memref<16x1000xf32, #tpu.memory_space<vmem>>, vector<16xf32>,
          %add3A_1244 = arith.constant 688 : i32
          %add3A_1245 = vector.broadcast %add3A_1244 : i32 to vector<16xi32>
          %add3A_1246 = arith.addi %iota3A, %add3A_1245 : vector<16xi32>
          %eq3A_1247 = vector.broadcast %reduce_min3A_722 : i32 to vector<16xi32>
          %eq3A_1248 = arith.cmpi eq, %add3A_1246, %eq3A_1247 : vector<16xi32>
          %jit3A_1249 = arith.constant 0.000000e+00 : f32
          %broadcast_in_dim3A_1250 = vector.broadcast %jit3A_1249 : f32 to vector<16xf32>
          %select_n3A_1251 = arith.select %eq3A_1248, %get3A_1243, %broadcast_in_dim3A_1250 : vector<16xi1>, vector<16xf32>
          %add3A_1252 = arith.addf %add3A_1240, %select_n3A_1251 : vector<16xf32>
          %get3A_1253 = arith.index_cast %scan3A_132 : i32 to index
          %get3A_1254 = arith.constant 704 : index
          %get3A_1255 = tpu.vector_load %arg7[%get3A_1253, %get3A_1254] {strides = array<i32>} : memref<16x1000xf32, #tpu.memory_space<vmem>>, vector<16xf32>,
          %add3A_1256 = arith.constant 704 : i32
          %add3A_1257 = vector.broadcast %add3A_1256 : i32 to vector<16xi32>
          %add3A_1258 = arith.addi %iota3A, %add3A_1257 : vector<16xi32>
          %eq3A_1259 = vector.broadcast %reduce_min3A_722 : i32 to vector<16xi32>
          %eq3A_1260 = arith.cmpi eq, %add3A_1258, %eq3A_1259 : vector<16xi32>
          %jit3A_1261 = arith.constant 0.000000e+00 : f32
          %broadcast_in_dim3A_1262 = vector.broadcast %jit3A_1261 : f32 to vector<16xf32>
          %select_n3A_1263 = arith.select %eq3A_1260, %get3A_1255, %broadcast_in_dim3A_1262 : vector<16xi1>, vector<16xf32>
          %add3A_1264 = arith.addf %add3A_1252, %select_n3A_1263 : vector<16xf32>
          %get3A_1265 = arith.index_cast %scan3A_132 : i32 to index
          %get3A_1266 = arith.constant 720 : index
          %get3A_1267 = tpu.vector_load %arg7[%get3A_1265, %get3A_1266] {strides = array<i32>} : memref<16x1000xf32, #tpu.memory_space<vmem>>, vector<16xf32>,
          %add3A_1268 = arith.constant 720 : i32
          %add3A_1269 = vector.broadcast %add3A_1268 : i32 to vector<16xi32>
          %add3A_1270 = arith.addi %iota3A, %add3A_1269 : vector<16xi32>
          %eq3A_1271 = vector.broadcast %reduce_min3A_722 : i32 to vector<16xi32>
          %eq3A_1272 = arith.cmpi eq, %add3A_1270, %eq3A_1271 : vector<16xi32>
          %jit3A_1273 = arith.constant 0.000000e+00 : f32
          %broadcast_in_dim3A_1274 = vector.broadcast %jit3A_1273 : f32 to vector<16xf32>
          %select_n3A_1275 = arith.select %eq3A_1272, %get3A_1267, %broadcast_in_dim3A_1274 : vector<16xi1>, vector<16xf32>
          %add3A_1276 = arith.addf %add3A_1264, %select_n3A_1275 : vector<16xf32>
          %get3A_1277 = arith.index_cast %scan3A_132 : i32 to index
          %get3A_1278 = arith.constant 736 : index
          %get3A_1279 = tpu.vector_load %arg7[%get3A_1277, %get3A_1278] {strides = array<i32>} : memref<16x1000xf32, #tpu.memory_space<vmem>>, vector<16xf32>,
          %add3A_1280 = arith.constant 736 : i32
          %add3A_1281 = vector.broadcast %add3A_1280 : i32 to vector<16xi32>
          %add3A_1282 = arith.addi %iota3A, %add3A_1281 : vector<16xi32>
          %eq3A_1283 = vector.broadcast %reduce_min3A_722 : i32 to vector<16xi32>
          %eq3A_1284 = arith.cmpi eq, %add3A_1282, %eq3A_1283 : vector<16xi32>
          %jit3A_1285 = arith.constant 0.000000e+00 : f32
          %broadcast_in_dim3A_1286 = vector.broadcast %jit3A_1285 : f32 to vector<16xf32>
          %select_n3A_1287 = arith.select %eq3A_1284, %get3A_1279, %broadcast_in_dim3A_1286 : vector<16xi1>, vector<16xf32>
          %add3A_1288 = arith.addf %add3A_1276, %select_n3A_1287 : vector<16xf32>
          %get3A_1289 = arith.index_cast %scan3A_132 : i32 to index
          %get3A_1290 = arith.constant 752 : index
          %get3A_1291 = tpu.vector_load %arg7[%get3A_1289, %get3A_1290] {strides = array<i32>} : memref<16x1000xf32, #tpu.memory_space<vmem>>, vector<16xf32>,
          %add3A_1292 = arith.constant 752 : i32
          %add3A_1293 = vector.broadcast %add3A_1292 : i32 to vector<16xi32>
          %add3A_1294 = arith.addi %iota3A, %add3A_1293 : vector<16xi32>
          %eq3A_1295 = vector.broadcast %reduce_min3A_722 : i32 to vector<16xi32>
          %eq3A_1296 = arith.cmpi eq, %add3A_1294, %eq3A_1295 : vector<16xi32>
          %jit3A_1297 = arith.constant 0.000000e+00 : f32
          %broadcast_in_dim3A_1298 = vector.broadcast %jit3A_1297 : f32 to vector<16xf32>
          %select_n3A_1299 = arith.select %eq3A_1296, %get3A_1291, %broadcast_in_dim3A_1298 : vector<16xi1>, vector<16xf32>
          %add3A_1300 = arith.addf %add3A_1288, %select_n3A_1299 : vector<16xf32>
          %get3A_1301 = arith.index_cast %scan3A_132 : i32 to index
          %get3A_1302 = arith.constant 768 : index
          %get3A_1303 = tpu.vector_load %arg7[%get3A_1301, %get3A_1302] {strides = array<i32>} : memref<16x1000xf32, #tpu.memory_space<vmem>>, vector<16xf32>,
          %add3A_1304 = arith.constant 768 : i32
          %add3A_1305 = vector.broadcast %add3A_1304 : i32 to vector<16xi32>
          %add3A_1306 = arith.addi %iota3A, %add3A_1305 : vector<16xi32>
          %eq3A_1307 = vector.broadcast %reduce_min3A_722 : i32 to vector<16xi32>
          %eq3A_1308 = arith.cmpi eq, %add3A_1306, %eq3A_1307 : vector<16xi32>
          %jit3A_1309 = arith.constant 0.000000e+00 : f32
          %broadcast_in_dim3A_1310 = vector.broadcast %jit3A_1309 : f32 to vector<16xf32>
          %select_n3A_1311 = arith.select %eq3A_1308, %get3A_1303, %broadcast_in_dim3A_1310 : vector<16xi1>, vector<16xf32>
          %add3A_1312 = arith.addf %add3A_1300, %select_n3A_1311 : vector<16xf32>
          %get3A_1313 = arith.index_cast %scan3A_132 : i32 to index
          %get3A_1314 = arith.constant 784 : index
          %get3A_1315 = tpu.vector_load %arg7[%get3A_1313, %get3A_1314] {strides = array<i32>} : memref<16x1000xf32, #tpu.memory_space<vmem>>, vector<16xf32>,
          %add3A_1316 = arith.constant 784 : i32
          %add3A_1317 = vector.broadcast %add3A_1316 : i32 to vector<16xi32>
          %add3A_1318 = arith.addi %iota3A, %add3A_1317 : vector<16xi32>
          %eq3A_1319 = vector.broadcast %reduce_min3A_722 : i32 to vector<16xi32>
          %eq3A_1320 = arith.cmpi eq, %add3A_1318, %eq3A_1319 : vector<16xi32>
          %jit3A_1321 = arith.constant 0.000000e+00 : f32
          %broadcast_in_dim3A_1322 = vector.broadcast %jit3A_1321 : f32 to vector<16xf32>
          %select_n3A_1323 = arith.select %eq3A_1320, %get3A_1315, %broadcast_in_dim3A_1322 : vector<16xi1>, vector<16xf32>
          %add3A_1324 = arith.addf %add3A_1312, %select_n3A_1323 : vector<16xf32>
          %get3A_1325 = arith.index_cast %scan3A_132 : i32 to index
          %get3A_1326 = arith.constant 800 : index
          %get3A_1327 = tpu.vector_load %arg7[%get3A_1325, %get3A_1326] {strides = array<i32>} : memref<16x1000xf32, #tpu.memory_space<vmem>>, vector<16xf32>,
          %add3A_1328 = arith.constant 800 : i32
          %add3A_1329 = vector.broadcast %add3A_1328 : i32 to vector<16xi32>
          %add3A_1330 = arith.addi %iota3A, %add3A_1329 : vector<16xi32>
          %eq3A_1331 = vector.broadcast %reduce_min3A_722 : i32 to vector<16xi32>
          %eq3A_1332 = arith.cmpi eq, %add3A_1330, %eq3A_1331 : vector<16xi32>
          %jit3A_1333 = arith.constant 0.000000e+00 : f32
          %broadcast_in_dim3A_1334 = vector.broadcast %jit3A_1333 : f32 to vector<16xf32>
          %select_n3A_1335 = arith.select %eq3A_1332, %get3A_1327, %broadcast_in_dim3A_1334 : vector<16xi1>, vector<16xf32>
          %add3A_1336 = arith.addf %add3A_1324, %select_n3A_1335 : vector<16xf32>
          %get3A_1337 = arith.index_cast %scan3A_132 : i32 to index
          %get3A_1338 = arith.constant 816 : index
          %get3A_1339 = tpu.vector_load %arg7[%get3A_1337, %get3A_1338] {strides = array<i32>} : memref<16x1000xf32, #tpu.memory_space<vmem>>, vector<16xf32>,
          %add3A_1340 = arith.constant 816 : i32
          %add3A_1341 = vector.broadcast %add3A_1340 : i32 to vector<16xi32>
          %add3A_1342 = arith.addi %iota3A, %add3A_1341 : vector<16xi32>
          %eq3A_1343 = vector.broadcast %reduce_min3A_722 : i32 to vector<16xi32>
          %eq3A_1344 = arith.cmpi eq, %add3A_1342, %eq3A_1343 : vector<16xi32>
          %jit3A_1345 = arith.constant 0.000000e+00 : f32
          %broadcast_in_dim3A_1346 = vector.broadcast %jit3A_1345 : f32 to vector<16xf32>
          %select_n3A_1347 = arith.select %eq3A_1344, %get3A_1339, %broadcast_in_dim3A_1346 : vector<16xi1>, vector<16xf32>
          %add3A_1348 = arith.addf %add3A_1336, %select_n3A_1347 : vector<16xf32>
          %get3A_1349 = arith.index_cast %scan3A_132 : i32 to index
          %get3A_1350 = arith.constant 832 : index
          %get3A_1351 = tpu.vector_load %arg7[%get3A_1349, %get3A_1350] {strides = array<i32>} : memref<16x1000xf32, #tpu.memory_space<vmem>>, vector<16xf32>,
          %add3A_1352 = arith.constant 832 : i32
          %add3A_1353 = vector.broadcast %add3A_1352 : i32 to vector<16xi32>
          %add3A_1354 = arith.addi %iota3A, %add3A_1353 : vector<16xi32>
          %eq3A_1355 = vector.broadcast %reduce_min3A_722 : i32 to vector<16xi32>
          %eq3A_1356 = arith.cmpi eq, %add3A_1354, %eq3A_1355 : vector<16xi32>
          %jit3A_1357 = arith.constant 0.000000e+00 : f32
          %broadcast_in_dim3A_1358 = vector.broadcast %jit3A_1357 : f32 to vector<16xf32>
          %select_n3A_1359 = arith.select %eq3A_1356, %get3A_1351, %broadcast_in_dim3A_1358 : vector<16xi1>, vector<16xf32>
          %add3A_1360 = arith.addf %add3A_1348, %select_n3A_1359 : vector<16xf32>
          %get3A_1361 = arith.index_cast %scan3A_132 : i32 to index
          %get3A_1362 = arith.constant 848 : index
          %get3A_1363 = tpu.vector_load %arg7[%get3A_1361, %get3A_1362] {strides = array<i32>} : memref<16x1000xf32, #tpu.memory_space<vmem>>, vector<16xf32>,
          %add3A_1364 = arith.constant 848 : i32
          %add3A_1365 = vector.broadcast %add3A_1364 : i32 to vector<16xi32>
          %add3A_1366 = arith.addi %iota3A, %add3A_1365 : vector<16xi32>
          %eq3A_1367 = vector.broadcast %reduce_min3A_722 : i32 to vector<16xi32>
          %eq3A_1368 = arith.cmpi eq, %add3A_1366, %eq3A_1367 : vector<16xi32>
          %jit3A_1369 = arith.constant 0.000000e+00 : f32
          %broadcast_in_dim3A_1370 = vector.broadcast %jit3A_1369 : f32 to vector<16xf32>
          %select_n3A_1371 = arith.select %eq3A_1368, %get3A_1363, %broadcast_in_dim3A_1370 : vector<16xi1>, vector<16xf32>
          %add3A_1372 = arith.addf %add3A_1360, %select_n3A_1371 : vector<16xf32>
          %get3A_1373 = arith.index_cast %scan3A_132 : i32 to index
          %get3A_1374 = arith.constant 864 : index
          %get3A_1375 = tpu.vector_load %arg7[%get3A_1373, %get3A_1374] {strides = array<i32>} : memref<16x1000xf32, #tpu.memory_space<vmem>>, vector<16xf32>,
          %add3A_1376 = arith.constant 864 : i32
          %add3A_1377 = vector.broadcast %add3A_1376 : i32 to vector<16xi32>
          %add3A_1378 = arith.addi %iota3A, %add3A_1377 : vector<16xi32>
          %eq3A_1379 = vector.broadcast %reduce_min3A_722 : i32 to vector<16xi32>
          %eq3A_1380 = arith.cmpi eq, %add3A_1378, %eq3A_1379 : vector<16xi32>
          %jit3A_1381 = arith.constant 0.000000e+00 : f32
          %broadcast_in_dim3A_1382 = vector.broadcast %jit3A_1381 : f32 to vector<16xf32>
          %select_n3A_1383 = arith.select %eq3A_1380, %get3A_1375, %broadcast_in_dim3A_1382 : vector<16xi1>, vector<16xf32>
          %add3A_1384 = arith.addf %add3A_1372, %select_n3A_1383 : vector<16xf32>
          %get3A_1385 = arith.index_cast %scan3A_132 : i32 to index
          %get3A_1386 = arith.constant 880 : index
          %get3A_1387 = tpu.vector_load %arg7[%get3A_1385, %get3A_1386] {strides = array<i32>} : memref<16x1000xf32, #tpu.memory_space<vmem>>, vector<16xf32>,
          %add3A_1388 = arith.constant 880 : i32
          %add3A_1389 = vector.broadcast %add3A_1388 : i32 to vector<16xi32>
          %add3A_1390 = arith.addi %iota3A, %add3A_1389 : vector<16xi32>
          %eq3A_1391 = vector.broadcast %reduce_min3A_722 : i32 to vector<16xi32>
          %eq3A_1392 = arith.cmpi eq, %add3A_1390, %eq3A_1391 : vector<16xi32>
          %jit3A_1393 = arith.constant 0.000000e+00 : f32
          %broadcast_in_dim3A_1394 = vector.broadcast %jit3A_1393 : f32 to vector<16xf32>
          %select_n3A_1395 = arith.select %eq3A_1392, %get3A_1387, %broadcast_in_dim3A_1394 : vector<16xi1>, vector<16xf32>
          %add3A_1396 = arith.addf %add3A_1384, %select_n3A_1395 : vector<16xf32>
          %get3A_1397 = arith.index_cast %scan3A_132 : i32 to index
          %get3A_1398 = arith.constant 896 : index
          %get3A_1399 = tpu.vector_load %arg7[%get3A_1397, %get3A_1398] {strides = array<i32>} : memref<16x1000xf32, #tpu.memory_space<vmem>>, vector<16xf32>,
          %add3A_1400 = arith.constant 896 : i32
          %add3A_1401 = vector.broadcast %add3A_1400 : i32 to vector<16xi32>
          %add3A_1402 = arith.addi %iota3A, %add3A_1401 : vector<16xi32>
          %eq3A_1403 = vector.broadcast %reduce_min3A_722 : i32 to vector<16xi32>
          %eq3A_1404 = arith.cmpi eq, %add3A_1402, %eq3A_1403 : vector<16xi32>
          %jit3A_1405 = arith.constant 0.000000e+00 : f32
          %broadcast_in_dim3A_1406 = vector.broadcast %jit3A_1405 : f32 to vector<16xf32>
          %select_n3A_1407 = arith.select %eq3A_1404, %get3A_1399, %broadcast_in_dim3A_1406 : vector<16xi1>, vector<16xf32>
          %add3A_1408 = arith.addf %add3A_1396, %select_n3A_1407 : vector<16xf32>
          %get3A_1409 = arith.index_cast %scan3A_132 : i32 to index
          %get3A_1410 = arith.constant 912 : index
          %get3A_1411 = tpu.vector_load %arg7[%get3A_1409, %get3A_1410] {strides = array<i32>} : memref<16x1000xf32, #tpu.memory_space<vmem>>, vector<16xf32>,
          %add3A_1412 = arith.constant 912 : i32
          %add3A_1413 = vector.broadcast %add3A_1412 : i32 to vector<16xi32>
          %add3A_1414 = arith.addi %iota3A, %add3A_1413 : vector<16xi32>
          %eq3A_1415 = vector.broadcast %reduce_min3A_722 : i32 to vector<16xi32>
          %eq3A_1416 = arith.cmpi eq, %add3A_1414, %eq3A_1415 : vector<16xi32>
          %jit3A_1417 = arith.constant 0.000000e+00 : f32
          %broadcast_in_dim3A_1418 = vector.broadcast %jit3A_1417 : f32 to vector<16xf32>
          %select_n3A_1419 = arith.select %eq3A_1416, %get3A_1411, %broadcast_in_dim3A_1418 : vector<16xi1>, vector<16xf32>
          %add3A_1420 = arith.addf %add3A_1408, %select_n3A_1419 : vector<16xf32>
          %get3A_1421 = arith.index_cast %scan3A_132 : i32 to index
          %get3A_1422 = arith.constant 928 : index
          %get3A_1423 = tpu.vector_load %arg7[%get3A_1421, %get3A_1422] {strides = array<i32>} : memref<16x1000xf32, #tpu.memory_space<vmem>>, vector<16xf32>,
          %add3A_1424 = arith.constant 928 : i32
          %add3A_1425 = vector.broadcast %add3A_1424 : i32 to vector<16xi32>
          %add3A_1426 = arith.addi %iota3A, %add3A_1425 : vector<16xi32>
          %eq3A_1427 = vector.broadcast %reduce_min3A_722 : i32 to vector<16xi32>
          %eq3A_1428 = arith.cmpi eq, %add3A_1426, %eq3A_1427 : vector<16xi32>
          %jit3A_1429 = arith.constant 0.000000e+00 : f32
          %broadcast_in_dim3A_1430 = vector.broadcast %jit3A_1429 : f32 to vector<16xf32>
          %select_n3A_1431 = arith.select %eq3A_1428, %get3A_1423, %broadcast_in_dim3A_1430 : vector<16xi1>, vector<16xf32>
          %add3A_1432 = arith.addf %add3A_1420, %select_n3A_1431 : vector<16xf32>
          %get3A_1433 = arith.index_cast %scan3A_132 : i32 to index
          %get3A_1434 = arith.constant 944 : index
          %get3A_1435 = tpu.vector_load %arg7[%get3A_1433, %get3A_1434] {strides = array<i32>} : memref<16x1000xf32, #tpu.memory_space<vmem>>, vector<16xf32>,
          %add3A_1436 = arith.constant 944 : i32
          %add3A_1437 = vector.broadcast %add3A_1436 : i32 to vector<16xi32>
          %add3A_1438 = arith.addi %iota3A, %add3A_1437 : vector<16xi32>
          %eq3A_1439 = vector.broadcast %reduce_min3A_722 : i32 to vector<16xi32>
          %eq3A_1440 = arith.cmpi eq, %add3A_1438, %eq3A_1439 : vector<16xi32>
          %jit3A_1441 = arith.constant 0.000000e+00 : f32
          %broadcast_in_dim3A_1442 = vector.broadcast %jit3A_1441 : f32 to vector<16xf32>
          %select_n3A_1443 = arith.select %eq3A_1440, %get3A_1435, %broadcast_in_dim3A_1442 : vector<16xi1>, vector<16xf32>
          %add3A_1444 = arith.addf %add3A_1432, %select_n3A_1443 : vector<16xf32>
          %get3A_1445 = arith.index_cast %scan3A_132 : i32 to index
          %get3A_1446 = arith.constant 960 : index
          %get3A_1447 = tpu.vector_load %arg7[%get3A_1445, %get3A_1446] {strides = array<i32>} : memref<16x1000xf32, #tpu.memory_space<vmem>>, vector<16xf32>,
          %add3A_1448 = arith.constant 960 : i32
          %add3A_1449 = vector.broadcast %add3A_1448 : i32 to vector<16xi32>
          %add3A_1450 = arith.addi %iota3A, %add3A_1449 : vector<16xi32>
          %eq3A_1451 = vector.broadcast %reduce_min3A_722 : i32 to vector<16xi32>
          %eq3A_1452 = arith.cmpi eq, %add3A_1450, %eq3A_1451 : vector<16xi32>
          %jit3A_1453 = arith.constant 0.000000e+00 : f32
          %broadcast_in_dim3A_1454 = vector.broadcast %jit3A_1453 : f32 to vector<16xf32>
          %select_n3A_1455 = arith.select %eq3A_1452, %get3A_1447, %broadcast_in_dim3A_1454 : vector<16xi1>, vector<16xf32>
          %add3A_1456 = arith.addf %add3A_1444, %select_n3A_1455 : vector<16xf32>
          %get3A_1457 = arith.index_cast %scan3A_132 : i32 to index
          %get3A_1458 = arith.constant 976 : index
          %get3A_1459 = tpu.vector_load %arg7[%get3A_1457, %get3A_1458] {strides = array<i32>} : memref<16x1000xf32, #tpu.memory_space<vmem>>, vector<16xf32>,
          %add3A_1460 = arith.constant 976 : i32
          %add3A_1461 = vector.broadcast %add3A_1460 : i32 to vector<16xi32>
          %add3A_1462 = arith.addi %iota3A, %add3A_1461 : vector<16xi32>
          %eq3A_1463 = vector.broadcast %reduce_min3A_722 : i32 to vector<16xi32>
          %eq3A_1464 = arith.cmpi eq, %add3A_1462, %eq3A_1463 : vector<16xi32>
          %jit3A_1465 = arith.constant 0.000000e+00 : f32
          %broadcast_in_dim3A_1466 = vector.broadcast %jit3A_1465 : f32 to vector<16xf32>
          %select_n3A_1467 = arith.select %eq3A_1464, %get3A_1459, %broadcast_in_dim3A_1466 : vector<16xi1>, vector<16xf32>
          %add3A_1468 = arith.addf %add3A_1456, %select_n3A_1467 : vector<16xf32>
          %get3A_1469 = arith.index_cast %scan3A_132 : i32 to index
          %get3A_1470 = arith.constant 984 : index
          %get3A_1471 = tpu.vector_load %arg7[%get3A_1469, %get3A_1470] {strides = array<i32>} : memref<16x1000xf32, #tpu.memory_space<vmem>>, vector<16xf32>,
          %add3A_1472 = arith.constant 984 : i32
          %add3A_1473 = vector.broadcast %add3A_1472 : i32 to vector<16xi32>
          %add3A_1474 = arith.addi %iota3A, %add3A_1473 : vector<16xi32>
          %eq3A_1475 = vector.broadcast %reduce_min3A_722 : i32 to vector<16xi32>
          %eq3A_1476 = arith.cmpi eq, %add3A_1474, %eq3A_1475 : vector<16xi32>
          %ge3A = arith.constant 8 : i32
          %ge3A_1477 = vector.broadcast %ge3A : i32 to vector<16xi32>
          %ge3A_1478 = arith.cmpi sge, %iota3A, %ge3A_1477 : vector<16xi32>
          %and3A_1479 = arith.andi %eq3A_1476, %ge3A_1478 : vector<16xi1>
          %jit3A_1480 = arith.constant 0.000000e+00 : f32
          %broadcast_in_dim3A_1481 = vector.broadcast %jit3A_1480 : f32 to vector<16xf32>
          %select_n3A_1482 = arith.select %and3A_1479, %get3A_1471, %broadcast_in_dim3A_1481 : vector<16xi1>, vector<16xf32>
          %add3A_1483 = arith.addf %add3A_1468, %select_n3A_1482 : vector<16xf32>
          %add3A_1484 = arith.addf %scan3A_133, %add3A_1483 : vector<16xf32>
          scf.yield %add3A_1484 : vector<16xf32>
        }
        %scan3A_128 = arith.constant 16 : i32
        %add3A_129 = arith.addf %get3A_120, %scan3A_127 : vector<16xf32>
        %swap3A_130 = arith.constant 0 : index
        %swap3A_131 = tpu.vector_load %arg9[%swap3A_130] {strides = array<i32>} : memref<16xf32, #tpu.memory_space<vmem>>, vector<16xf32>,
        tpu.vector_store %arg9[%swap3A_130], %add3A_129 {strides = array<i32>} : memref<16xf32, #tpu.memory_space<vmem>>, vector<16xf32>,
      } else {
      }
      %jit3A_86 = arith.constant 2 : i32
      %eq3A_87 = arith.constant 0 : i32
      %eq3A_88 = arith.cmpi eq, %jit3A_86, %eq3A_87 : i32
      %jit3A_89 = arith.constant 1 : i32
      %select_n3A_90 = arith.select %eq3A_88, %jit3A_89, %jit3A_86 : i32
      %rem3A_91 = arith.remsi %scan3A_21, %select_n3A_90 : i32
      %ne3A_92 = arith.constant 0 : i32
      %ne3A_93 = arith.cmpi ne, %rem3A_91, %ne3A_92 : i32
      %lt3A_94 = arith.constant 0 : i32
      %lt3A_95 = arith.cmpi slt, %rem3A_91, %lt3A_94 : i32
      %lt3A_96 = arith.constant 0 : i32
      %lt3A_97 = arith.cmpi slt, %select_n3A_90, %lt3A_96 : i32
      %ne3A_98 = arith.xori %lt3A_95, %lt3A_97 : i1
      %and3A_99 = arith.andi %ne3A_98, %ne3A_93 : i1
      %add3A_100 = arith.addi %rem3A_91, %select_n3A_90 : i32
      %select_n3A_101 = arith.select %and3A_99, %add3A_100, %rem3A_91 : i32
      %eq3A_102 = arith.constant 1 : i32
      %eq3A_103 = arith.cmpi eq, %select_n3A_101, %eq3A_102 : i32
      %convert_element_type3A_104 = arith.extui %eq3A_103 : i1 to i32
      %cond3A_105 = arith.constant 0 : i32
      %cond3A_106 = arith.cmpi ne, %convert_element_type3A_104, %cond3A_105 : i32
      scf.if %cond3A_106 {
        %mul3A_107 = arith.constant 16 : i32
        %mul3A_108 = arith.muli %scan3A_21, %mul3A_107 : i32
        %add3A_109 = arith.addi %mul3A_2, %mul3A_108 : i32
        %dma_wait3A = arith.constant 0 : i32
        %dma_wait3A_110 = tpu.memref_slice %arg2[%add3A_109, %dma_wait3A] : memref<4096x1000xf32, #tpu.memory_space<hbm>> -> memref<16x1000xf32, #tpu.memory_space<hbm>>
        %dma_wait3A_111 = arith.constant 0 : i32
        %dma_wait3A_112 = tpu.memref_slice %arg2[%add3A_109, %dma_wait3A_111] : memref<4096x1000xf32, #tpu.memory_space<hbm>> -> memref<16x1000xf32, #tpu.memory_space<hbm>>
        tpu.wait_dma2 semaphore(%arg11 : memref<!tpu.dma_semaphore, #tpu.memory_space<semaphore_mem>>) src(%dma_wait3A_112 : memref<16x1000xf32, #tpu.memory_space<hbm>>) dst(%arg6 : memref<16x1000xf32, #tpu.memory_space<vmem>>)
        %mul3A_113 = arith.constant 16 : i32
        %mul3A_114 = arith.muli %scan3A_21, %mul3A_113 : i32
        %add3A_115 = arith.addi %mul3A_2, %mul3A_114 : i32
        %dma_wait3A_116 = arith.constant 0 : i32
        %dma_wait3A_117 = tpu.memref_slice %arg3[%add3A_115, %dma_wait3A_116] : memref<4096x1000xf32, #tpu.memory_space<hbm>> -> memref<16x1000xf32, #tpu.memory_space<hbm>>
        %dma_wait3A_118 = arith.constant 0 : i32
        %dma_wait3A_119 = tpu.memref_slice %arg3[%add3A_115, %dma_wait3A_118] : memref<4096x1000xf32, #tpu.memory_space<hbm>> -> memref<16x1000xf32, #tpu.memory_space<hbm>>
        tpu.wait_dma2 semaphore(%arg13 : memref<!tpu.dma_semaphore, #tpu.memory_space<semaphore_mem>>) src(%dma_wait3A_119 : memref<16x1000xf32, #tpu.memory_space<hbm>>) dst(%arg8 : memref<16x1000xf32, #tpu.memory_space<vmem>>)
        %get3A = arith.constant 0 : index
        %get3A_120 = tpu.vector_load %arg9[%get3A] {strides = array<i32>} : memref<16xf32, #tpu.memory_space<vmem>>, vector<16xf32>,
        %broadcast_in_dim3A_121 = arith.constant 0.000000e+00 : f32
        %broadcast_in_dim3A_122 = vector.broadcast %broadcast_in_dim3A_121 : f32 to vector<16xf32>
        %scan3A_123 = arith.constant 0 : i32
        %scan3A_124 = arith.constant 16 : i32
        %scan3A_125 = arith.addi %scan3A_123, %scan3A_124 : i32
        %scan3A_126 = arith.constant 1 : i32
        %scan3A_127 = scf.for %scan3A_132 = %scan3A_123 to %scan3A_125 step %scan3A_126 iter_args(%scan3A_133 = %broadcast_in_dim3A_122) -> (vector<16xf32>)  : i32 {
          %get3A_134 = arith.index_cast %scan3A_132 : i32 to index
          %get3A_135 = arith.constant 0 : index
          %get3A_136 = tpu.vector_load %arg6[%get3A_134, %get3A_135] {strides = array<i32>} : memref<16x1000xf32, #tpu.memory_space<vmem>>, vector<16xf32>,
          %add3A_137 = arith.constant 0 : i32
          %add3A_138 = vector.broadcast %add3A_137 : i32 to vector<16xi32>
          %add3A_139 = arith.addi %iota3A, %add3A_138 : vector<16xi32>
          %get3A_140 = arith.index_cast %scan3A_132 : i32 to index
          %get3A_141 = arith.constant 16 : index
          %get3A_142 = tpu.vector_load %arg6[%get3A_140, %get3A_141] {strides = array<i32>} : memref<16x1000xf32, #tpu.memory_space<vmem>>, vector<16xf32>,
          %add3A_143 = arith.constant 16 : i32
          %add3A_144 = vector.broadcast %add3A_143 : i32 to vector<16xi32>
          %add3A_145 = arith.addi %iota3A, %add3A_144 : vector<16xi32>
          %get3A_146 = arith.index_cast %scan3A_132 : i32 to index
          %get3A_147 = arith.constant 32 : index
          %get3A_148 = tpu.vector_load %arg6[%get3A_146, %get3A_147] {strides = array<i32>} : memref<16x1000xf32, #tpu.memory_space<vmem>>, vector<16xf32>,
          %add3A_149 = arith.constant 32 : i32
          %add3A_150 = vector.broadcast %add3A_149 : i32 to vector<16xi32>
          %add3A_151 = arith.addi %iota3A, %add3A_150 : vector<16xi32>
          %get3A_152 = arith.index_cast %scan3A_132 : i32 to index
          %get3A_153 = arith.constant 48 : index
          %get3A_154 = tpu.vector_load %arg6[%get3A_152, %get3A_153] {strides = array<i32>} : memref<16x1000xf32, #tpu.memory_space<vmem>>, vector<16xf32>,
          %add3A_155 = arith.constant 48 : i32
          %add3A_156 = vector.broadcast %add3A_155 : i32 to vector<16xi32>
          %add3A_157 = arith.addi %iota3A, %add3A_156 : vector<16xi32>
          %get3A_158 = arith.index_cast %scan3A_132 : i32 to index
          %get3A_159 = arith.constant 64 : index
          %get3A_160 = tpu.vector_load %arg6[%get3A_158, %get3A_159] {strides = array<i32>} : memref<16x1000xf32, #tpu.memory_space<vmem>>, vector<16xf32>,
          %gt3A = arith.cmpf ogt, %get3A_160, %get3A_136 : vector<16xf32>
          %add3A_161 = arith.constant 64 : i32
          %add3A_162 = vector.broadcast %add3A_161 : i32 to vector<16xi32>
          %add3A_163 = arith.addi %iota3A, %add3A_162 : vector<16xi32>
          %select_n3A_164 = arith.select %gt3A, %add3A_163, %add3A_139 : vector<16xi1>, vector<16xi32>
          %select_n3A_165 = arith.select %gt3A, %get3A_160, %get3A_136 : vector<16xi1>, vector<16xf32>
          %get3A_166 = arith.index_cast %scan3A_132 : i32 to index
          %get3A_167 = arith.constant 80 : index
          %get3A_168 = tpu.vector_load %arg6[%get3A_166, %get3A_167] {strides = array<i32>} : memref<16x1000xf32, #tpu.memory_space<vmem>>, vector<16xf32>,
          %gt3A_169 = arith.cmpf ogt, %get3A_168, %get3A_142 : vector<16xf32>
          %add3A_170 = arith.constant 80 : i32
          %add3A_171 = vector.broadcast %add3A_170 : i32 to vector<16xi32>
          %add3A_172 = arith.addi %iota3A, %add3A_171 : vector<16xi32>
          %select_n3A_173 = arith.select %gt3A_169, %add3A_172, %add3A_145 : vector<16xi1>, vector<16xi32>
          %select_n3A_174 = arith.select %gt3A_169, %get3A_168, %get3A_142 : vector<16xi1>, vector<16xf32>
          %get3A_175 = arith.index_cast %scan3A_132 : i32 to index
          %get3A_176 = arith.constant 96 : index
          %get3A_177 = tpu.vector_load %arg6[%get3A_175, %get3A_176] {strides = array<i32>} : memref<16x1000xf32, #tpu.memory_space<vmem>>, vector<16xf32>,
          %gt3A_178 = arith.cmpf ogt, %get3A_177, %get3A_148 : vector<16xf32>
          %add3A_179 = arith.constant 96 : i32
          %add3A_180 = vector.broadcast %add3A_179 : i32 to vector<16xi32>
          %add3A_181 = arith.addi %iota3A, %add3A_180 : vector<16xi32>
          %select_n3A_182 = arith.select %gt3A_178, %add3A_181, %add3A_151 : vector<16xi1>, vector<16xi32>
          %select_n3A_183 = arith.select %gt3A_178, %get3A_177, %get3A_148 : vector<16xi1>, vector<16xf32>
          %get3A_184 = arith.index_cast %scan3A_132 : i32 to index
          %get3A_185 = arith.constant 112 : index
          %get3A_186 = tpu.vector_load %arg6[%get3A_184, %get3A_185] {strides = array<i32>} : memref<16x1000xf32, #tpu.memory_space<vmem>>, vector<16xf32>,
          %gt3A_187 = arith.cmpf ogt, %get3A_186, %get3A_154 : vector<16xf32>
          %add3A_188 = arith.constant 112 : i32
          %add3A_189 = vector.broadcast %add3A_188 : i32 to vector<16xi32>
          %add3A_190 = arith.addi %iota3A, %add3A_189 : vector<16xi32>
          %select_n3A_191 = arith.select %gt3A_187, %add3A_190, %add3A_157 : vector<16xi1>, vector<16xi32>
          %select_n3A_192 = arith.select %gt3A_187, %get3A_186, %get3A_154 : vector<16xi1>, vector<16xf32>
          %get3A_193 = arith.index_cast %scan3A_132 : i32 to index
          %get3A_194 = arith.constant 128 : index
          %get3A_195 = tpu.vector_load %arg6[%get3A_193, %get3A_194] {strides = array<i32>} : memref<16x1000xf32, #tpu.memory_space<vmem>>, vector<16xf32>,
          %gt3A_196 = arith.cmpf ogt, %get3A_195, %select_n3A_165 : vector<16xf32>
          %add3A_197 = arith.constant 128 : i32
          %add3A_198 = vector.broadcast %add3A_197 : i32 to vector<16xi32>
          %add3A_199 = arith.addi %iota3A, %add3A_198 : vector<16xi32>
          %select_n3A_200 = arith.select %gt3A_196, %add3A_199, %select_n3A_164 : vector<16xi1>, vector<16xi32>
          %select_n3A_201 = arith.select %gt3A_196, %get3A_195, %select_n3A_165 : vector<16xi1>, vector<16xf32>
          %get3A_202 = arith.index_cast %scan3A_132 : i32 to index
          %get3A_203 = arith.constant 144 : index
          %get3A_204 = tpu.vector_load %arg6[%get3A_202, %get3A_203] {strides = array<i32>} : memref<16x1000xf32, #tpu.memory_space<vmem>>, vector<16xf32>,
          %gt3A_205 = arith.cmpf ogt, %get3A_204, %select_n3A_174 : vector<16xf32>
          %add3A_206 = arith.constant 144 : i32
          %add3A_207 = vector.broadcast %add3A_206 : i32 to vector<16xi32>
          %add3A_208 = arith.addi %iota3A, %add3A_207 : vector<16xi32>
          %select_n3A_209 = arith.select %gt3A_205, %add3A_208, %select_n3A_173 : vector<16xi1>, vector<16xi32>
          %select_n3A_210 = arith.select %gt3A_205, %get3A_204, %select_n3A_174 : vector<16xi1>, vector<16xf32>
          %get3A_211 = arith.index_cast %scan3A_132 : i32 to index
          %get3A_212 = arith.constant 160 : index
          %get3A_213 = tpu.vector_load %arg6[%get3A_211, %get3A_212] {strides = array<i32>} : memref<16x1000xf32, #tpu.memory_space<vmem>>, vector<16xf32>,
          %gt3A_214 = arith.cmpf ogt, %get3A_213, %select_n3A_183 : vector<16xf32>
          %add3A_215 = arith.constant 160 : i32
          %add3A_216 = vector.broadcast %add3A_215 : i32 to vector<16xi32>
          %add3A_217 = arith.addi %iota3A, %add3A_216 : vector<16xi32>
          %select_n3A_218 = arith.select %gt3A_214, %add3A_217, %select_n3A_182 : vector<16xi1>, vector<16xi32>
          %select_n3A_219 = arith.select %gt3A_214, %get3A_213, %select_n3A_183 : vector<16xi1>, vector<16xf32>
          %get3A_220 = arith.index_cast %scan3A_132 : i32 to index
          %get3A_221 = arith.constant 176 : index
          %get3A_222 = tpu.vector_load %arg6[%get3A_220, %get3A_221] {strides = array<i32>} : memref<16x1000xf32, #tpu.memory_space<vmem>>, vector<16xf32>,
          %gt3A_223 = arith.cmpf ogt, %get3A_222, %select_n3A_192 : vector<16xf32>
          %add3A_224 = arith.constant 176 : i32
          %add3A_225 = vector.broadcast %add3A_224 : i32 to vector<16xi32>
          %add3A_226 = arith.addi %iota3A, %add3A_225 : vector<16xi32>
          %select_n3A_227 = arith.select %gt3A_223, %add3A_226, %select_n3A_191 : vector<16xi1>, vector<16xi32>
          %select_n3A_228 = arith.select %gt3A_223, %get3A_222, %select_n3A_192 : vector<16xi1>, vector<16xf32>
          %get3A_229 = arith.index_cast %scan3A_132 : i32 to index
          %get3A_230 = arith.constant 192 : index
          %get3A_231 = tpu.vector_load %arg6[%get3A_229, %get3A_230] {strides = array<i32>} : memref<16x1000xf32, #tpu.memory_space<vmem>>, vector<16xf32>,
          %gt3A_232 = arith.cmpf ogt, %get3A_231, %select_n3A_201 : vector<16xf32>
          %add3A_233 = arith.constant 192 : i32
          %add3A_234 = vector.broadcast %add3A_233 : i32 to vector<16xi32>
          %add3A_235 = arith.addi %iota3A, %add3A_234 : vector<16xi32>
          %select_n3A_236 = arith.select %gt3A_232, %add3A_235, %select_n3A_200 : vector<16xi1>, vector<16xi32>
          %select_n3A_237 = arith.select %gt3A_232, %get3A_231, %select_n3A_201 : vector<16xi1>, vector<16xf32>
          %get3A_238 = arith.index_cast %scan3A_132 : i32 to index
          %get3A_239 = arith.constant 208 : index
          %get3A_240 = tpu.vector_load %arg6[%get3A_238, %get3A_239] {strides = array<i32>} : memref<16x1000xf32, #tpu.memory_space<vmem>>, vector<16xf32>,
          %gt3A_241 = arith.cmpf ogt, %get3A_240, %select_n3A_210 : vector<16xf32>
          %add3A_242 = arith.constant 208 : i32
          %add3A_243 = vector.broadcast %add3A_242 : i32 to vector<16xi32>
          %add3A_244 = arith.addi %iota3A, %add3A_243 : vector<16xi32>
          %select_n3A_245 = arith.select %gt3A_241, %add3A_244, %select_n3A_209 : vector<16xi1>, vector<16xi32>
          %select_n3A_246 = arith.select %gt3A_241, %get3A_240, %select_n3A_210 : vector<16xi1>, vector<16xf32>
          %get3A_247 = arith.index_cast %scan3A_132 : i32 to index
          %get3A_248 = arith.constant 224 : index
          %get3A_249 = tpu.vector_load %arg6[%get3A_247, %get3A_248] {strides = array<i32>} : memref<16x1000xf32, #tpu.memory_space<vmem>>, vector<16xf32>,
          %gt3A_250 = arith.cmpf ogt, %get3A_249, %select_n3A_219 : vector<16xf32>
          %add3A_251 = arith.constant 224 : i32
          %add3A_252 = vector.broadcast %add3A_251 : i32 to vector<16xi32>
          %add3A_253 = arith.addi %iota3A, %add3A_252 : vector<16xi32>
          %select_n3A_254 = arith.select %gt3A_250, %add3A_253, %select_n3A_218 : vector<16xi1>, vector<16xi32>
          %select_n3A_255 = arith.select %gt3A_250, %get3A_249, %select_n3A_219 : vector<16xi1>, vector<16xf32>
          %get3A_256 = arith.index_cast %scan3A_132 : i32 to index
          %get3A_257 = arith.constant 240 : index
          %get3A_258 = tpu.vector_load %arg6[%get3A_256, %get3A_257] {strides = array<i32>} : memref<16x1000xf32, #tpu.memory_space<vmem>>, vector<16xf32>,
          %gt3A_259 = arith.cmpf ogt, %get3A_258, %select_n3A_228 : vector<16xf32>
          %add3A_260 = arith.constant 240 : i32
          %add3A_261 = vector.broadcast %add3A_260 : i32 to vector<16xi32>
          %add3A_262 = arith.addi %iota3A, %add3A_261 : vector<16xi32>
          %select_n3A_263 = arith.select %gt3A_259, %add3A_262, %select_n3A_227 : vector<16xi1>, vector<16xi32>
          %select_n3A_264 = arith.select %gt3A_259, %get3A_258, %select_n3A_228 : vector<16xi1>, vector<16xf32>
          %get3A_265 = arith.index_cast %scan3A_132 : i32 to index
          %get3A_266 = arith.constant 256 : index
          %get3A_267 = tpu.vector_load %arg6[%get3A_265, %get3A_266] {strides = array<i32>} : memref<16x1000xf32, #tpu.memory_space<vmem>>, vector<16xf32>,
          %gt3A_268 = arith.cmpf ogt, %get3A_267, %select_n3A_237 : vector<16xf32>
          %add3A_269 = arith.constant 256 : i32
          %add3A_270 = vector.broadcast %add3A_269 : i32 to vector<16xi32>
          %add3A_271 = arith.addi %iota3A, %add3A_270 : vector<16xi32>
          %select_n3A_272 = arith.select %gt3A_268, %add3A_271, %select_n3A_236 : vector<16xi1>, vector<16xi32>
          %select_n3A_273 = arith.select %gt3A_268, %get3A_267, %select_n3A_237 : vector<16xi1>, vector<16xf32>
          %get3A_274 = arith.index_cast %scan3A_132 : i32 to index
          %get3A_275 = arith.constant 272 : index
          %get3A_276 = tpu.vector_load %arg6[%get3A_274, %get3A_275] {strides = array<i32>} : memref<16x1000xf32, #tpu.memory_space<vmem>>, vector<16xf32>,
          %gt3A_277 = arith.cmpf ogt, %get3A_276, %select_n3A_246 : vector<16xf32>
          %add3A_278 = arith.constant 272 : i32
          %add3A_279 = vector.broadcast %add3A_278 : i32 to vector<16xi32>
          %add3A_280 = arith.addi %iota3A, %add3A_279 : vector<16xi32>
          %select_n3A_281 = arith.select %gt3A_277, %add3A_280, %select_n3A_245 : vector<16xi1>, vector<16xi32>
          %select_n3A_282 = arith.select %gt3A_277, %get3A_276, %select_n3A_246 : vector<16xi1>, vector<16xf32>
          %get3A_283 = arith.index_cast %scan3A_132 : i32 to index
          %get3A_284 = arith.constant 288 : index
          %get3A_285 = tpu.vector_load %arg6[%get3A_283, %get3A_284] {strides = array<i32>} : memref<16x1000xf32, #tpu.memory_space<vmem>>, vector<16xf32>,
          %gt3A_286 = arith.cmpf ogt, %get3A_285, %select_n3A_255 : vector<16xf32>
          %add3A_287 = arith.constant 288 : i32
          %add3A_288 = vector.broadcast %add3A_287 : i32 to vector<16xi32>
          %add3A_289 = arith.addi %iota3A, %add3A_288 : vector<16xi32>
          %select_n3A_290 = arith.select %gt3A_286, %add3A_289, %select_n3A_254 : vector<16xi1>, vector<16xi32>
          %select_n3A_291 = arith.select %gt3A_286, %get3A_285, %select_n3A_255 : vector<16xi1>, vector<16xf32>
          %get3A_292 = arith.index_cast %scan3A_132 : i32 to index
          %get3A_293 = arith.constant 304 : index
          %get3A_294 = tpu.vector_load %arg6[%get3A_292, %get3A_293] {strides = array<i32>} : memref<16x1000xf32, #tpu.memory_space<vmem>>, vector<16xf32>,
          %gt3A_295 = arith.cmpf ogt, %get3A_294, %select_n3A_264 : vector<16xf32>
          %add3A_296 = arith.constant 304 : i32
          %add3A_297 = vector.broadcast %add3A_296 : i32 to vector<16xi32>
          %add3A_298 = arith.addi %iota3A, %add3A_297 : vector<16xi32>
          %select_n3A_299 = arith.select %gt3A_295, %add3A_298, %select_n3A_263 : vector<16xi1>, vector<16xi32>
          %select_n3A_300 = arith.select %gt3A_295, %get3A_294, %select_n3A_264 : vector<16xi1>, vector<16xf32>
          %get3A_301 = arith.index_cast %scan3A_132 : i32 to index
          %get3A_302 = arith.constant 320 : index
          %get3A_303 = tpu.vector_load %arg6[%get3A_301, %get3A_302] {strides = array<i32>} : memref<16x1000xf32, #tpu.memory_space<vmem>>, vector<16xf32>,
          %gt3A_304 = arith.cmpf ogt, %get3A_303, %select_n3A_273 : vector<16xf32>
          %add3A_305 = arith.constant 320 : i32
          %add3A_306 = vector.broadcast %add3A_305 : i32 to vector<16xi32>
          %add3A_307 = arith.addi %iota3A, %add3A_306 : vector<16xi32>
          %select_n3A_308 = arith.select %gt3A_304, %add3A_307, %select_n3A_272 : vector<16xi1>, vector<16xi32>
          %select_n3A_309 = arith.select %gt3A_304, %get3A_303, %select_n3A_273 : vector<16xi1>, vector<16xf32>
          %get3A_310 = arith.index_cast %scan3A_132 : i32 to index
          %get3A_311 = arith.constant 336 : index
          %get3A_312 = tpu.vector_load %arg6[%get3A_310, %get3A_311] {strides = array<i32>} : memref<16x1000xf32, #tpu.memory_space<vmem>>, vector<16xf32>,
          %gt3A_313 = arith.cmpf ogt, %get3A_312, %select_n3A_282 : vector<16xf32>
          %add3A_314 = arith.constant 336 : i32
          %add3A_315 = vector.broadcast %add3A_314 : i32 to vector<16xi32>
          %add3A_316 = arith.addi %iota3A, %add3A_315 : vector<16xi32>
          %select_n3A_317 = arith.select %gt3A_313, %add3A_316, %select_n3A_281 : vector<16xi1>, vector<16xi32>
          %select_n3A_318 = arith.select %gt3A_313, %get3A_312, %select_n3A_282 : vector<16xi1>, vector<16xf32>
          %get3A_319 = arith.index_cast %scan3A_132 : i32 to index
          %get3A_320 = arith.constant 352 : index
          %get3A_321 = tpu.vector_load %arg6[%get3A_319, %get3A_320] {strides = array<i32>} : memref<16x1000xf32, #tpu.memory_space<vmem>>, vector<16xf32>,
          %gt3A_322 = arith.cmpf ogt, %get3A_321, %select_n3A_291 : vector<16xf32>
          %add3A_323 = arith.constant 352 : i32
          %add3A_324 = vector.broadcast %add3A_323 : i32 to vector<16xi32>
          %add3A_325 = arith.addi %iota3A, %add3A_324 : vector<16xi32>
          %select_n3A_326 = arith.select %gt3A_322, %add3A_325, %select_n3A_290 : vector<16xi1>, vector<16xi32>
          %select_n3A_327 = arith.select %gt3A_322, %get3A_321, %select_n3A_291 : vector<16xi1>, vector<16xf32>
          %get3A_328 = arith.index_cast %scan3A_132 : i32 to index
          %get3A_329 = arith.constant 368 : index
          %get3A_330 = tpu.vector_load %arg6[%get3A_328, %get3A_329] {strides = array<i32>} : memref<16x1000xf32, #tpu.memory_space<vmem>>, vector<16xf32>,
          %gt3A_331 = arith.cmpf ogt, %get3A_330, %select_n3A_300 : vector<16xf32>
          %add3A_332 = arith.constant 368 : i32
          %add3A_333 = vector.broadcast %add3A_332 : i32 to vector<16xi32>
          %add3A_334 = arith.addi %iota3A, %add3A_333 : vector<16xi32>
          %select_n3A_335 = arith.select %gt3A_331, %add3A_334, %select_n3A_299 : vector<16xi1>, vector<16xi32>
          %select_n3A_336 = arith.select %gt3A_331, %get3A_330, %select_n3A_300 : vector<16xi1>, vector<16xf32>
          %get3A_337 = arith.index_cast %scan3A_132 : i32 to index
          %get3A_338 = arith.constant 384 : index
          %get3A_339 = tpu.vector_load %arg6[%get3A_337, %get3A_338] {strides = array<i32>} : memref<16x1000xf32, #tpu.memory_space<vmem>>, vector<16xf32>,
          %gt3A_340 = arith.cmpf ogt, %get3A_339, %select_n3A_309 : vector<16xf32>
          %add3A_341 = arith.constant 384 : i32
          %add3A_342 = vector.broadcast %add3A_341 : i32 to vector<16xi32>
          %add3A_343 = arith.addi %iota3A, %add3A_342 : vector<16xi32>
          %select_n3A_344 = arith.select %gt3A_340, %add3A_343, %select_n3A_308 : vector<16xi1>, vector<16xi32>
          %select_n3A_345 = arith.select %gt3A_340, %get3A_339, %select_n3A_309 : vector<16xi1>, vector<16xf32>
          %get3A_346 = arith.index_cast %scan3A_132 : i32 to index
          %get3A_347 = arith.constant 400 : index
          %get3A_348 = tpu.vector_load %arg6[%get3A_346, %get3A_347] {strides = array<i32>} : memref<16x1000xf32, #tpu.memory_space<vmem>>, vector<16xf32>,
          %gt3A_349 = arith.cmpf ogt, %get3A_348, %select_n3A_318 : vector<16xf32>
          %add3A_350 = arith.constant 400 : i32
          %add3A_351 = vector.broadcast %add3A_350 : i32 to vector<16xi32>
          %add3A_352 = arith.addi %iota3A, %add3A_351 : vector<16xi32>
          %select_n3A_353 = arith.select %gt3A_349, %add3A_352, %select_n3A_317 : vector<16xi1>, vector<16xi32>
          %select_n3A_354 = arith.select %gt3A_349, %get3A_348, %select_n3A_318 : vector<16xi1>, vector<16xf32>
          %get3A_355 = arith.index_cast %scan3A_132 : i32 to index
          %get3A_356 = arith.constant 416 : index
          %get3A_357 = tpu.vector_load %arg6[%get3A_355, %get3A_356] {strides = array<i32>} : memref<16x1000xf32, #tpu.memory_space<vmem>>, vector<16xf32>,
          %gt3A_358 = arith.cmpf ogt, %get3A_357, %select_n3A_327 : vector<16xf32>
          %add3A_359 = arith.constant 416 : i32
          %add3A_360 = vector.broadcast %add3A_359 : i32 to vector<16xi32>
          %add3A_361 = arith.addi %iota3A, %add3A_360 : vector<16xi32>
          %select_n3A_362 = arith.select %gt3A_358, %add3A_361, %select_n3A_326 : vector<16xi1>, vector<16xi32>
          %select_n3A_363 = arith.select %gt3A_358, %get3A_357, %select_n3A_327 : vector<16xi1>, vector<16xf32>
          %get3A_364 = arith.index_cast %scan3A_132 : i32 to index
          %get3A_365 = arith.constant 432 : index
          %get3A_366 = tpu.vector_load %arg6[%get3A_364, %get3A_365] {strides = array<i32>} : memref<16x1000xf32, #tpu.memory_space<vmem>>, vector<16xf32>,
          %gt3A_367 = arith.cmpf ogt, %get3A_366, %select_n3A_336 : vector<16xf32>
          %add3A_368 = arith.constant 432 : i32
          %add3A_369 = vector.broadcast %add3A_368 : i32 to vector<16xi32>
          %add3A_370 = arith.addi %iota3A, %add3A_369 : vector<16xi32>
          %select_n3A_371 = arith.select %gt3A_367, %add3A_370, %select_n3A_335 : vector<16xi1>, vector<16xi32>
          %select_n3A_372 = arith.select %gt3A_367, %get3A_366, %select_n3A_336 : vector<16xi1>, vector<16xf32>
          %get3A_373 = arith.index_cast %scan3A_132 : i32 to index
          %get3A_374 = arith.constant 448 : index
          %get3A_375 = tpu.vector_load %arg6[%get3A_373, %get3A_374] {strides = array<i32>} : memref<16x1000xf32, #tpu.memory_space<vmem>>, vector<16xf32>,
          %gt3A_376 = arith.cmpf ogt, %get3A_375, %select_n3A_345 : vector<16xf32>
          %add3A_377 = arith.constant 448 : i32
          %add3A_378 = vector.broadcast %add3A_377 : i32 to vector<16xi32>
          %add3A_379 = arith.addi %iota3A, %add3A_378 : vector<16xi32>
          %select_n3A_380 = arith.select %gt3A_376, %add3A_379, %select_n3A_344 : vector<16xi1>, vector<16xi32>
          %select_n3A_381 = arith.select %gt3A_376, %get3A_375, %select_n3A_345 : vector<16xi1>, vector<16xf32>
          %get3A_382 = arith.index_cast %scan3A_132 : i32 to index
          %get3A_383 = arith.constant 464 : index
          %get3A_384 = tpu.vector_load %arg6[%get3A_382, %get3A_383] {strides = array<i32>} : memref<16x1000xf32, #tpu.memory_space<vmem>>, vector<16xf32>,
          %gt3A_385 = arith.cmpf ogt, %get3A_384, %select_n3A_354 : vector<16xf32>
          %add3A_386 = arith.constant 464 : i32
          %add3A_387 = vector.broadcast %add3A_386 : i32 to vector<16xi32>
          %add3A_388 = arith.addi %iota3A, %add3A_387 : vector<16xi32>
          %select_n3A_389 = arith.select %gt3A_385, %add3A_388, %select_n3A_353 : vector<16xi1>, vector<16xi32>
          %select_n3A_390 = arith.select %gt3A_385, %get3A_384, %select_n3A_354 : vector<16xi1>, vector<16xf32>
          %get3A_391 = arith.index_cast %scan3A_132 : i32 to index
          %get3A_392 = arith.constant 480 : index
          %get3A_393 = tpu.vector_load %arg6[%get3A_391, %get3A_392] {strides = array<i32>} : memref<16x1000xf32, #tpu.memory_space<vmem>>, vector<16xf32>,
          %gt3A_394 = arith.cmpf ogt, %get3A_393, %select_n3A_363 : vector<16xf32>
          %add3A_395 = arith.constant 480 : i32
          %add3A_396 = vector.broadcast %add3A_395 : i32 to vector<16xi32>
          %add3A_397 = arith.addi %iota3A, %add3A_396 : vector<16xi32>
          %select_n3A_398 = arith.select %gt3A_394, %add3A_397, %select_n3A_362 : vector<16xi1>, vector<16xi32>
          %select_n3A_399 = arith.select %gt3A_394, %get3A_393, %select_n3A_363 : vector<16xi1>, vector<16xf32>
          %get3A_400 = arith.index_cast %scan3A_132 : i32 to index
          %get3A_401 = arith.constant 496 : index
          %get3A_402 = tpu.vector_load %arg6[%get3A_400, %get3A_401] {strides = array<i32>} : memref<16x1000xf32, #tpu.memory_space<vmem>>, vector<16xf32>,
          %gt3A_403 = arith.cmpf ogt, %get3A_402, %select_n3A_372 : vector<16xf32>
          %add3A_404 = arith.constant 496 : i32
          %add3A_405 = vector.broadcast %add3A_404 : i32 to vector<16xi32>
          %add3A_406 = arith.addi %iota3A, %add3A_405 : vector<16xi32>
          %select_n3A_407 = arith.select %gt3A_403, %add3A_406, %select_n3A_371 : vector<16xi1>, vector<16xi32>
          %select_n3A_408 = arith.select %gt3A_403, %get3A_402, %select_n3A_372 : vector<16xi1>, vector<16xf32>
          %get3A_409 = arith.index_cast %scan3A_132 : i32 to index
          %get3A_410 = arith.constant 512 : index
          %get3A_411 = tpu.vector_load %arg6[%get3A_409, %get3A_410] {strides = array<i32>} : memref<16x1000xf32, #tpu.memory_space<vmem>>, vector<16xf32>,
          %gt3A_412 = arith.cmpf ogt, %get3A_411, %select_n3A_381 : vector<16xf32>
          %add3A_413 = arith.constant 512 : i32
          %add3A_414 = vector.broadcast %add3A_413 : i32 to vector<16xi32>
          %add3A_415 = arith.addi %iota3A, %add3A_414 : vector<16xi32>
          %select_n3A_416 = arith.select %gt3A_412, %add3A_415, %select_n3A_380 : vector<16xi1>, vector<16xi32>
          %select_n3A_417 = arith.select %gt3A_412, %get3A_411, %select_n3A_381 : vector<16xi1>, vector<16xf32>
          %get3A_418 = arith.index_cast %scan3A_132 : i32 to index
          %get3A_419 = arith.constant 528 : index
          %get3A_420 = tpu.vector_load %arg6[%get3A_418, %get3A_419] {strides = array<i32>} : memref<16x1000xf32, #tpu.memory_space<vmem>>, vector<16xf32>,
          %gt3A_421 = arith.cmpf ogt, %get3A_420, %select_n3A_390 : vector<16xf32>
          %add3A_422 = arith.constant 528 : i32
          %add3A_423 = vector.broadcast %add3A_422 : i32 to vector<16xi32>
          %add3A_424 = arith.addi %iota3A, %add3A_423 : vector<16xi32>
          %select_n3A_425 = arith.select %gt3A_421, %add3A_424, %select_n3A_389 : vector<16xi1>, vector<16xi32>
          %select_n3A_426 = arith.select %gt3A_421, %get3A_420, %select_n3A_390 : vector<16xi1>, vector<16xf32>
          %get3A_427 = arith.index_cast %scan3A_132 : i32 to index
          %get3A_428 = arith.constant 544 : index
          %get3A_429 = tpu.vector_load %arg6[%get3A_427, %get3A_428] {strides = array<i32>} : memref<16x1000xf32, #tpu.memory_space<vmem>>, vector<16xf32>,
          %gt3A_430 = arith.cmpf ogt, %get3A_429, %select_n3A_399 : vector<16xf32>
          %add3A_431 = arith.constant 544 : i32
          %add3A_432 = vector.broadcast %add3A_431 : i32 to vector<16xi32>
          %add3A_433 = arith.addi %iota3A, %add3A_432 : vector<16xi32>
          %select_n3A_434 = arith.select %gt3A_430, %add3A_433, %select_n3A_398 : vector<16xi1>, vector<16xi32>
          %select_n3A_435 = arith.select %gt3A_430, %get3A_429, %select_n3A_399 : vector<16xi1>, vector<16xf32>
          %get3A_436 = arith.index_cast %scan3A_132 : i32 to index
          %get3A_437 = arith.constant 560 : index
          %get3A_438 = tpu.vector_load %arg6[%get3A_436, %get3A_437] {strides = array<i32>} : memref<16x1000xf32, #tpu.memory_space<vmem>>, vector<16xf32>,
          %gt3A_439 = arith.cmpf ogt, %get3A_438, %select_n3A_408 : vector<16xf32>
          %add3A_440 = arith.constant 560 : i32
          %add3A_441 = vector.broadcast %add3A_440 : i32 to vector<16xi32>
          %add3A_442 = arith.addi %iota3A, %add3A_441 : vector<16xi32>
          %select_n3A_443 = arith.select %gt3A_439, %add3A_442, %select_n3A_407 : vector<16xi1>, vector<16xi32>
          %select_n3A_444 = arith.select %gt3A_439, %get3A_438, %select_n3A_408 : vector<16xi1>, vector<16xf32>
          %get3A_445 = arith.index_cast %scan3A_132 : i32 to index
          %get3A_446 = arith.constant 576 : index
          %get3A_447 = tpu.vector_load %arg6[%get3A_445, %get3A_446] {strides = array<i32>} : memref<16x1000xf32, #tpu.memory_space<vmem>>, vector<16xf32>,
          %gt3A_448 = arith.cmpf ogt, %get3A_447, %select_n3A_417 : vector<16xf32>
          %add3A_449 = arith.constant 576 : i32
          %add3A_450 = vector.broadcast %add3A_449 : i32 to vector<16xi32>
          %add3A_451 = arith.addi %iota3A, %add3A_450 : vector<16xi32>
          %select_n3A_452 = arith.select %gt3A_448, %add3A_451, %select_n3A_416 : vector<16xi1>, vector<16xi32>
          %select_n3A_453 = arith.select %gt3A_448, %get3A_447, %select_n3A_417 : vector<16xi1>, vector<16xf32>
          %get3A_454 = arith.index_cast %scan3A_132 : i32 to index
          %get3A_455 = arith.constant 592 : index
          %get3A_456 = tpu.vector_load %arg6[%get3A_454, %get3A_455] {strides = array<i32>} : memref<16x1000xf32, #tpu.memory_space<vmem>>, vector<16xf32>,
          %gt3A_457 = arith.cmpf ogt, %get3A_456, %select_n3A_426 : vector<16xf32>
          %add3A_458 = arith.constant 592 : i32
          %add3A_459 = vector.broadcast %add3A_458 : i32 to vector<16xi32>
          %add3A_460 = arith.addi %iota3A, %add3A_459 : vector<16xi32>
          %select_n3A_461 = arith.select %gt3A_457, %add3A_460, %select_n3A_425 : vector<16xi1>, vector<16xi32>
          %select_n3A_462 = arith.select %gt3A_457, %get3A_456, %select_n3A_426 : vector<16xi1>, vector<16xf32>
          %get3A_463 = arith.index_cast %scan3A_132 : i32 to index
          %get3A_464 = arith.constant 608 : index
          %get3A_465 = tpu.vector_load %arg6[%get3A_463, %get3A_464] {strides = array<i32>} : memref<16x1000xf32, #tpu.memory_space<vmem>>, vector<16xf32>,
          %gt3A_466 = arith.cmpf ogt, %get3A_465, %select_n3A_435 : vector<16xf32>
          %add3A_467 = arith.constant 608 : i32
          %add3A_468 = vector.broadcast %add3A_467 : i32 to vector<16xi32>
          %add3A_469 = arith.addi %iota3A, %add3A_468 : vector<16xi32>
          %select_n3A_470 = arith.select %gt3A_466, %add3A_469, %select_n3A_434 : vector<16xi1>, vector<16xi32>
          %select_n3A_471 = arith.select %gt3A_466, %get3A_465, %select_n3A_435 : vector<16xi1>, vector<16xf32>
          %get3A_472 = arith.index_cast %scan3A_132 : i32 to index
          %get3A_473 = arith.constant 624 : index
          %get3A_474 = tpu.vector_load %arg6[%get3A_472, %get3A_473] {strides = array<i32>} : memref<16x1000xf32, #tpu.memory_space<vmem>>, vector<16xf32>,
          %gt3A_475 = arith.cmpf ogt, %get3A_474, %select_n3A_444 : vector<16xf32>
          %add3A_476 = arith.constant 624 : i32
          %add3A_477 = vector.broadcast %add3A_476 : i32 to vector<16xi32>
          %add3A_478 = arith.addi %iota3A, %add3A_477 : vector<16xi32>
          %select_n3A_479 = arith.select %gt3A_475, %add3A_478, %select_n3A_443 : vector<16xi1>, vector<16xi32>
          %select_n3A_480 = arith.select %gt3A_475, %get3A_474, %select_n3A_444 : vector<16xi1>, vector<16xf32>
          %get3A_481 = arith.index_cast %scan3A_132 : i32 to index
          %get3A_482 = arith.constant 640 : index
          %get3A_483 = tpu.vector_load %arg6[%get3A_481, %get3A_482] {strides = array<i32>} : memref<16x1000xf32, #tpu.memory_space<vmem>>, vector<16xf32>,
          %gt3A_484 = arith.cmpf ogt, %get3A_483, %select_n3A_453 : vector<16xf32>
          %add3A_485 = arith.constant 640 : i32
          %add3A_486 = vector.broadcast %add3A_485 : i32 to vector<16xi32>
          %add3A_487 = arith.addi %iota3A, %add3A_486 : vector<16xi32>
          %select_n3A_488 = arith.select %gt3A_484, %add3A_487, %select_n3A_452 : vector<16xi1>, vector<16xi32>
          %select_n3A_489 = arith.select %gt3A_484, %get3A_483, %select_n3A_453 : vector<16xi1>, vector<16xf32>
          %get3A_490 = arith.index_cast %scan3A_132 : i32 to index
          %get3A_491 = arith.constant 656 : index
          %get3A_492 = tpu.vector_load %arg6[%get3A_490, %get3A_491] {strides = array<i32>} : memref<16x1000xf32, #tpu.memory_space<vmem>>, vector<16xf32>,
          %gt3A_493 = arith.cmpf ogt, %get3A_492, %select_n3A_462 : vector<16xf32>
          %add3A_494 = arith.constant 656 : i32
          %add3A_495 = vector.broadcast %add3A_494 : i32 to vector<16xi32>
          %add3A_496 = arith.addi %iota3A, %add3A_495 : vector<16xi32>
          %select_n3A_497 = arith.select %gt3A_493, %add3A_496, %select_n3A_461 : vector<16xi1>, vector<16xi32>
          %select_n3A_498 = arith.select %gt3A_493, %get3A_492, %select_n3A_462 : vector<16xi1>, vector<16xf32>
          %get3A_499 = arith.index_cast %scan3A_132 : i32 to index
          %get3A_500 = arith.constant 672 : index
          %get3A_501 = tpu.vector_load %arg6[%get3A_499, %get3A_500] {strides = array<i32>} : memref<16x1000xf32, #tpu.memory_space<vmem>>, vector<16xf32>,
          %gt3A_502 = arith.cmpf ogt, %get3A_501, %select_n3A_471 : vector<16xf32>
          %add3A_503 = arith.constant 672 : i32
          %add3A_504 = vector.broadcast %add3A_503 : i32 to vector<16xi32>
          %add3A_505 = arith.addi %iota3A, %add3A_504 : vector<16xi32>
          %select_n3A_506 = arith.select %gt3A_502, %add3A_505, %select_n3A_470 : vector<16xi1>, vector<16xi32>
          %select_n3A_507 = arith.select %gt3A_502, %get3A_501, %select_n3A_471 : vector<16xi1>, vector<16xf32>
          %get3A_508 = arith.index_cast %scan3A_132 : i32 to index
          %get3A_509 = arith.constant 688 : index
          %get3A_510 = tpu.vector_load %arg6[%get3A_508, %get3A_509] {strides = array<i32>} : memref<16x1000xf32, #tpu.memory_space<vmem>>, vector<16xf32>,
          %gt3A_511 = arith.cmpf ogt, %get3A_510, %select_n3A_480 : vector<16xf32>
          %add3A_512 = arith.constant 688 : i32
          %add3A_513 = vector.broadcast %add3A_512 : i32 to vector<16xi32>
          %add3A_514 = arith.addi %iota3A, %add3A_513 : vector<16xi32>
          %select_n3A_515 = arith.select %gt3A_511, %add3A_514, %select_n3A_479 : vector<16xi1>, vector<16xi32>
          %select_n3A_516 = arith.select %gt3A_511, %get3A_510, %select_n3A_480 : vector<16xi1>, vector<16xf32>
          %get3A_517 = arith.index_cast %scan3A_132 : i32 to index
          %get3A_518 = arith.constant 704 : index
          %get3A_519 = tpu.vector_load %arg6[%get3A_517, %get3A_518] {strides = array<i32>} : memref<16x1000xf32, #tpu.memory_space<vmem>>, vector<16xf32>,
          %gt3A_520 = arith.cmpf ogt, %get3A_519, %select_n3A_489 : vector<16xf32>
          %add3A_521 = arith.constant 704 : i32
          %add3A_522 = vector.broadcast %add3A_521 : i32 to vector<16xi32>
          %add3A_523 = arith.addi %iota3A, %add3A_522 : vector<16xi32>
          %select_n3A_524 = arith.select %gt3A_520, %add3A_523, %select_n3A_488 : vector<16xi1>, vector<16xi32>
          %select_n3A_525 = arith.select %gt3A_520, %get3A_519, %select_n3A_489 : vector<16xi1>, vector<16xf32>
          %get3A_526 = arith.index_cast %scan3A_132 : i32 to index
          %get3A_527 = arith.constant 720 : index
          %get3A_528 = tpu.vector_load %arg6[%get3A_526, %get3A_527] {strides = array<i32>} : memref<16x1000xf32, #tpu.memory_space<vmem>>, vector<16xf32>,
          %gt3A_529 = arith.cmpf ogt, %get3A_528, %select_n3A_498 : vector<16xf32>
          %add3A_530 = arith.constant 720 : i32
          %add3A_531 = vector.broadcast %add3A_530 : i32 to vector<16xi32>
          %add3A_532 = arith.addi %iota3A, %add3A_531 : vector<16xi32>
          %select_n3A_533 = arith.select %gt3A_529, %add3A_532, %select_n3A_497 : vector<16xi1>, vector<16xi32>
          %select_n3A_534 = arith.select %gt3A_529, %get3A_528, %select_n3A_498 : vector<16xi1>, vector<16xf32>
          %get3A_535 = arith.index_cast %scan3A_132 : i32 to index
          %get3A_536 = arith.constant 736 : index
          %get3A_537 = tpu.vector_load %arg6[%get3A_535, %get3A_536] {strides = array<i32>} : memref<16x1000xf32, #tpu.memory_space<vmem>>, vector<16xf32>,
          %gt3A_538 = arith.cmpf ogt, %get3A_537, %select_n3A_507 : vector<16xf32>
          %add3A_539 = arith.constant 736 : i32
          %add3A_540 = vector.broadcast %add3A_539 : i32 to vector<16xi32>
          %add3A_541 = arith.addi %iota3A, %add3A_540 : vector<16xi32>
          %select_n3A_542 = arith.select %gt3A_538, %add3A_541, %select_n3A_506 : vector<16xi1>, vector<16xi32>
          %select_n3A_543 = arith.select %gt3A_538, %get3A_537, %select_n3A_507 : vector<16xi1>, vector<16xf32>
          %get3A_544 = arith.index_cast %scan3A_132 : i32 to index
          %get3A_545 = arith.constant 752 : index
          %get3A_546 = tpu.vector_load %arg6[%get3A_544, %get3A_545] {strides = array<i32>} : memref<16x1000xf32, #tpu.memory_space<vmem>>, vector<16xf32>,
          %gt3A_547 = arith.cmpf ogt, %get3A_546, %select_n3A_516 : vector<16xf32>
          %add3A_548 = arith.constant 752 : i32
          %add3A_549 = vector.broadcast %add3A_548 : i32 to vector<16xi32>
          %add3A_550 = arith.addi %iota3A, %add3A_549 : vector<16xi32>
          %select_n3A_551 = arith.select %gt3A_547, %add3A_550, %select_n3A_515 : vector<16xi1>, vector<16xi32>
          %select_n3A_552 = arith.select %gt3A_547, %get3A_546, %select_n3A_516 : vector<16xi1>, vector<16xf32>
          %get3A_553 = arith.index_cast %scan3A_132 : i32 to index
          %get3A_554 = arith.constant 768 : index
          %get3A_555 = tpu.vector_load %arg6[%get3A_553, %get3A_554] {strides = array<i32>} : memref<16x1000xf32, #tpu.memory_space<vmem>>, vector<16xf32>,
          %gt3A_556 = arith.cmpf ogt, %get3A_555, %select_n3A_525 : vector<16xf32>
          %add3A_557 = arith.constant 768 : i32
          %add3A_558 = vector.broadcast %add3A_557 : i32 to vector<16xi32>
          %add3A_559 = arith.addi %iota3A, %add3A_558 : vector<16xi32>
          %select_n3A_560 = arith.select %gt3A_556, %add3A_559, %select_n3A_524 : vector<16xi1>, vector<16xi32>
          %select_n3A_561 = arith.select %gt3A_556, %get3A_555, %select_n3A_525 : vector<16xi1>, vector<16xf32>
          %get3A_562 = arith.index_cast %scan3A_132 : i32 to index
          %get3A_563 = arith.constant 784 : index
          %get3A_564 = tpu.vector_load %arg6[%get3A_562, %get3A_563] {strides = array<i32>} : memref<16x1000xf32, #tpu.memory_space<vmem>>, vector<16xf32>,
          %gt3A_565 = arith.cmpf ogt, %get3A_564, %select_n3A_534 : vector<16xf32>
          %add3A_566 = arith.constant 784 : i32
          %add3A_567 = vector.broadcast %add3A_566 : i32 to vector<16xi32>
          %add3A_568 = arith.addi %iota3A, %add3A_567 : vector<16xi32>
          %select_n3A_569 = arith.select %gt3A_565, %add3A_568, %select_n3A_533 : vector<16xi1>, vector<16xi32>
          %select_n3A_570 = arith.select %gt3A_565, %get3A_564, %select_n3A_534 : vector<16xi1>, vector<16xf32>
          %get3A_571 = arith.index_cast %scan3A_132 : i32 to index
          %get3A_572 = arith.constant 800 : index
          %get3A_573 = tpu.vector_load %arg6[%get3A_571, %get3A_572] {strides = array<i32>} : memref<16x1000xf32, #tpu.memory_space<vmem>>, vector<16xf32>,
          %gt3A_574 = arith.cmpf ogt, %get3A_573, %select_n3A_543 : vector<16xf32>
          %add3A_575 = arith.constant 800 : i32
          %add3A_576 = vector.broadcast %add3A_575 : i32 to vector<16xi32>
          %add3A_577 = arith.addi %iota3A, %add3A_576 : vector<16xi32>
          %select_n3A_578 = arith.select %gt3A_574, %add3A_577, %select_n3A_542 : vector<16xi1>, vector<16xi32>
          %select_n3A_579 = arith.select %gt3A_574, %get3A_573, %select_n3A_543 : vector<16xi1>, vector<16xf32>
          %get3A_580 = arith.index_cast %scan3A_132 : i32 to index
          %get3A_581 = arith.constant 816 : index
          %get3A_582 = tpu.vector_load %arg6[%get3A_580, %get3A_581] {strides = array<i32>} : memref<16x1000xf32, #tpu.memory_space<vmem>>, vector<16xf32>,
          %gt3A_583 = arith.cmpf ogt, %get3A_582, %select_n3A_552 : vector<16xf32>
          %add3A_584 = arith.constant 816 : i32
          %add3A_585 = vector.broadcast %add3A_584 : i32 to vector<16xi32>
          %add3A_586 = arith.addi %iota3A, %add3A_585 : vector<16xi32>
          %select_n3A_587 = arith.select %gt3A_583, %add3A_586, %select_n3A_551 : vector<16xi1>, vector<16xi32>
          %select_n3A_588 = arith.select %gt3A_583, %get3A_582, %select_n3A_552 : vector<16xi1>, vector<16xf32>
          %get3A_589 = arith.index_cast %scan3A_132 : i32 to index
          %get3A_590 = arith.constant 832 : index
          %get3A_591 = tpu.vector_load %arg6[%get3A_589, %get3A_590] {strides = array<i32>} : memref<16x1000xf32, #tpu.memory_space<vmem>>, vector<16xf32>,
          %gt3A_592 = arith.cmpf ogt, %get3A_591, %select_n3A_561 : vector<16xf32>
          %add3A_593 = arith.constant 832 : i32
          %add3A_594 = vector.broadcast %add3A_593 : i32 to vector<16xi32>
          %add3A_595 = arith.addi %iota3A, %add3A_594 : vector<16xi32>
          %select_n3A_596 = arith.select %gt3A_592, %add3A_595, %select_n3A_560 : vector<16xi1>, vector<16xi32>
          %select_n3A_597 = arith.select %gt3A_592, %get3A_591, %select_n3A_561 : vector<16xi1>, vector<16xf32>
          %get3A_598 = arith.index_cast %scan3A_132 : i32 to index
          %get3A_599 = arith.constant 848 : index
          %get3A_600 = tpu.vector_load %arg6[%get3A_598, %get3A_599] {strides = array<i32>} : memref<16x1000xf32, #tpu.memory_space<vmem>>, vector<16xf32>,
          %gt3A_601 = arith.cmpf ogt, %get3A_600, %select_n3A_570 : vector<16xf32>
          %add3A_602 = arith.constant 848 : i32
          %add3A_603 = vector.broadcast %add3A_602 : i32 to vector<16xi32>
          %add3A_604 = arith.addi %iota3A, %add3A_603 : vector<16xi32>
          %select_n3A_605 = arith.select %gt3A_601, %add3A_604, %select_n3A_569 : vector<16xi1>, vector<16xi32>
          %select_n3A_606 = arith.select %gt3A_601, %get3A_600, %select_n3A_570 : vector<16xi1>, vector<16xf32>
          %get3A_607 = arith.index_cast %scan3A_132 : i32 to index
          %get3A_608 = arith.constant 864 : index
          %get3A_609 = tpu.vector_load %arg6[%get3A_607, %get3A_608] {strides = array<i32>} : memref<16x1000xf32, #tpu.memory_space<vmem>>, vector<16xf32>,
          %gt3A_610 = arith.cmpf ogt, %get3A_609, %select_n3A_579 : vector<16xf32>
          %add3A_611 = arith.constant 864 : i32
          %add3A_612 = vector.broadcast %add3A_611 : i32 to vector<16xi32>
          %add3A_613 = arith.addi %iota3A, %add3A_612 : vector<16xi32>
          %select_n3A_614 = arith.select %gt3A_610, %add3A_613, %select_n3A_578 : vector<16xi1>, vector<16xi32>
          %select_n3A_615 = arith.select %gt3A_610, %get3A_609, %select_n3A_579 : vector<16xi1>, vector<16xf32>
          %get3A_616 = arith.index_cast %scan3A_132 : i32 to index
          %get3A_617 = arith.constant 880 : index
          %get3A_618 = tpu.vector_load %arg6[%get3A_616, %get3A_617] {strides = array<i32>} : memref<16x1000xf32, #tpu.memory_space<vmem>>, vector<16xf32>,
          %gt3A_619 = arith.cmpf ogt, %get3A_618, %select_n3A_588 : vector<16xf32>
          %add3A_620 = arith.constant 880 : i32
          %add3A_621 = vector.broadcast %add3A_620 : i32 to vector<16xi32>
          %add3A_622 = arith.addi %iota3A, %add3A_621 : vector<16xi32>
          %select_n3A_623 = arith.select %gt3A_619, %add3A_622, %select_n3A_587 : vector<16xi1>, vector<16xi32>
          %select_n3A_624 = arith.select %gt3A_619, %get3A_618, %select_n3A_588 : vector<16xi1>, vector<16xf32>
          %get3A_625 = arith.index_cast %scan3A_132 : i32 to index
          %get3A_626 = arith.constant 896 : index
          %get3A_627 = tpu.vector_load %arg6[%get3A_625, %get3A_626] {strides = array<i32>} : memref<16x1000xf32, #tpu.memory_space<vmem>>, vector<16xf32>,
          %gt3A_628 = arith.cmpf ogt, %get3A_627, %select_n3A_597 : vector<16xf32>
          %add3A_629 = arith.constant 896 : i32
          %add3A_630 = vector.broadcast %add3A_629 : i32 to vector<16xi32>
          %add3A_631 = arith.addi %iota3A, %add3A_630 : vector<16xi32>
          %select_n3A_632 = arith.select %gt3A_628, %add3A_631, %select_n3A_596 : vector<16xi1>, vector<16xi32>
          %select_n3A_633 = arith.select %gt3A_628, %get3A_627, %select_n3A_597 : vector<16xi1>, vector<16xf32>
          %get3A_634 = arith.index_cast %scan3A_132 : i32 to index
          %get3A_635 = arith.constant 912 : index
          %get3A_636 = tpu.vector_load %arg6[%get3A_634, %get3A_635] {strides = array<i32>} : memref<16x1000xf32, #tpu.memory_space<vmem>>, vector<16xf32>,
          %gt3A_637 = arith.cmpf ogt, %get3A_636, %select_n3A_606 : vector<16xf32>
          %add3A_638 = arith.constant 912 : i32
          %add3A_639 = vector.broadcast %add3A_638 : i32 to vector<16xi32>
          %add3A_640 = arith.addi %iota3A, %add3A_639 : vector<16xi32>
          %select_n3A_641 = arith.select %gt3A_637, %add3A_640, %select_n3A_605 : vector<16xi1>, vector<16xi32>
          %select_n3A_642 = arith.select %gt3A_637, %get3A_636, %select_n3A_606 : vector<16xi1>, vector<16xf32>
          %get3A_643 = arith.index_cast %scan3A_132 : i32 to index
          %get3A_644 = arith.constant 928 : index
          %get3A_645 = tpu.vector_load %arg6[%get3A_643, %get3A_644] {strides = array<i32>} : memref<16x1000xf32, #tpu.memory_space<vmem>>, vector<16xf32>,
          %gt3A_646 = arith.cmpf ogt, %get3A_645, %select_n3A_615 : vector<16xf32>
          %add3A_647 = arith.constant 928 : i32
          %add3A_648 = vector.broadcast %add3A_647 : i32 to vector<16xi32>
          %add3A_649 = arith.addi %iota3A, %add3A_648 : vector<16xi32>
          %select_n3A_650 = arith.select %gt3A_646, %add3A_649, %select_n3A_614 : vector<16xi1>, vector<16xi32>
          %select_n3A_651 = arith.select %gt3A_646, %get3A_645, %select_n3A_615 : vector<16xi1>, vector<16xf32>
          %get3A_652 = arith.index_cast %scan3A_132 : i32 to index
          %get3A_653 = arith.constant 944 : index
          %get3A_654 = tpu.vector_load %arg6[%get3A_652, %get3A_653] {strides = array<i32>} : memref<16x1000xf32, #tpu.memory_space<vmem>>, vector<16xf32>,
          %gt3A_655 = arith.cmpf ogt, %get3A_654, %select_n3A_624 : vector<16xf32>
          %add3A_656 = arith.constant 944 : i32
          %add3A_657 = vector.broadcast %add3A_656 : i32 to vector<16xi32>
          %add3A_658 = arith.addi %iota3A, %add3A_657 : vector<16xi32>
          %select_n3A_659 = arith.select %gt3A_655, %add3A_658, %select_n3A_623 : vector<16xi1>, vector<16xi32>
          %select_n3A_660 = arith.select %gt3A_655, %get3A_654, %select_n3A_624 : vector<16xi1>, vector<16xf32>
          %get3A_661 = arith.index_cast %scan3A_132 : i32 to index
          %get3A_662 = arith.constant 960 : index
          %get3A_663 = tpu.vector_load %arg6[%get3A_661, %get3A_662] {strides = array<i32>} : memref<16x1000xf32, #tpu.memory_space<vmem>>, vector<16xf32>,
          %gt3A_664 = arith.cmpf ogt, %get3A_663, %select_n3A_633 : vector<16xf32>
          %add3A_665 = arith.constant 960 : i32
          %add3A_666 = vector.broadcast %add3A_665 : i32 to vector<16xi32>
          %add3A_667 = arith.addi %iota3A, %add3A_666 : vector<16xi32>
          %select_n3A_668 = arith.select %gt3A_664, %add3A_667, %select_n3A_632 : vector<16xi1>, vector<16xi32>
          %select_n3A_669 = arith.select %gt3A_664, %get3A_663, %select_n3A_633 : vector<16xi1>, vector<16xf32>
          %get3A_670 = arith.index_cast %scan3A_132 : i32 to index
          %get3A_671 = arith.constant 976 : index
          %get3A_672 = tpu.vector_load %arg6[%get3A_670, %get3A_671] {strides = array<i32>} : memref<16x1000xf32, #tpu.memory_space<vmem>>, vector<16xf32>,
          %gt3A_673 = arith.cmpf ogt, %get3A_672, %select_n3A_642 : vector<16xf32>
          %add3A_674 = arith.constant 976 : i32
          %add3A_675 = vector.broadcast %add3A_674 : i32 to vector<16xi32>
          %add3A_676 = arith.addi %iota3A, %add3A_675 : vector<16xi32>
          %select_n3A_677 = arith.select %gt3A_673, %add3A_676, %select_n3A_641 : vector<16xi1>, vector<16xi32>
          %select_n3A_678 = arith.select %gt3A_673, %get3A_672, %select_n3A_642 : vector<16xi1>, vector<16xf32>
          %get3A_679 = arith.index_cast %scan3A_132 : i32 to index
          %get3A_680 = arith.constant 984 : index
          %get3A_681 = tpu.vector_load %arg6[%get3A_679, %get3A_680] {strides = array<i32>} : memref<16x1000xf32, #tpu.memory_space<vmem>>, vector<16xf32>,
          %gt3A_682 = arith.cmpf ogt, %get3A_681, %select_n3A_651 : vector<16xf32>
          %add3A_683 = arith.constant 984 : i32
          %add3A_684 = vector.broadcast %add3A_683 : i32 to vector<16xi32>
          %add3A_685 = arith.addi %iota3A, %add3A_684 : vector<16xi32>
          %select_n3A_686 = arith.select %gt3A_682, %add3A_685, %select_n3A_650 : vector<16xi1>, vector<16xi32>
          %select_n3A_687 = arith.select %gt3A_682, %get3A_681, %select_n3A_651 : vector<16xi1>, vector<16xf32>
          %gt3A_688 = arith.cmpf ogt, %select_n3A_678, %select_n3A_669 : vector<16xf32>
          %eq3A_689 = arith.cmpf oeq, %select_n3A_678, %select_n3A_669 : vector<16xf32>
          %lt3A_690 = arith.cmpi slt, %select_n3A_677, %select_n3A_668 : vector<16xi32>
          %and3A_691 = arith.andi %eq3A_689, %lt3A_690 : vector<16xi1>
          %or3A = arith.ori %gt3A_688, %and3A_691 : vector<16xi1>
          %select_n3A_692 = arith.select %or3A, %select_n3A_677, %select_n3A_668 : vector<16xi1>, vector<16xi32>
          %select_n3A_693 = arith.select %or3A, %select_n3A_678, %select_n3A_669 : vector<16xi1>, vector<16xf32>
          %gt3A_694 = arith.cmpf ogt, %select_n3A_687, %select_n3A_693 : vector<16xf32>
          %eq3A_695 = arith.cmpf oeq, %select_n3A_687, %select_n3A_693 : vector<16xf32>
          %lt3A_696 = arith.cmpi slt, %select_n3A_686, %select_n3A_692 : vector<16xi32>
          %and3A_697 = arith.andi %eq3A_695, %lt3A_696 : vector<16xi1>
          %or3A_698 = arith.ori %gt3A_694, %and3A_697 : vector<16xi1>
          %select_n3A_699 = arith.select %or3A_698, %select_n3A_686, %select_n3A_692 : vector<16xi1>, vector<16xi32>
          %select_n3A_700 = arith.select %or3A_698, %select_n3A_687, %select_n3A_693 : vector<16xi1>, vector<16xf32>
          %gt3A_701 = arith.cmpf ogt, %select_n3A_660, %select_n3A_700 : vector<16xf32>
          %eq3A_702 = arith.cmpf oeq, %select_n3A_660, %select_n3A_700 : vector<16xf32>
          %lt3A_703 = arith.cmpi slt, %select_n3A_659, %select_n3A_699 : vector<16xi32>
          %and3A_704 = arith.andi %eq3A_702, %lt3A_703 : vector<16xi1>
          %or3A_705 = arith.ori %gt3A_701, %and3A_704 : vector<16xi1>
          %select_n3A_706 = arith.select %or3A_705, %select_n3A_659, %select_n3A_699 : vector<16xi1>, vector<16xi32>
          %select_n3A_707 = arith.select %or3A_705, %select_n3A_660, %select_n3A_700 : vector<16xi1>, vector<16xf32>
          %reduce_max3A = arith.constant true
          %reduce_max3A_708 = vector.broadcast %reduce_max3A : i1 to vector<16xi1>
          %reduce_max3A_709 = tpu.scan <max>, %select_n3A_707 masked %reduce_max3A_708 : vector<16xf32>, vector<16xi1> -> vector<16xf32>
          %reduce_max3A_710 = vector.extract %reduce_max3A_709[15] : f32 from vector<16xf32>
          %eq3A_711 = vector.broadcast %reduce_max3A_710 : f32 to vector<16xf32>
          %eq3A_712 = arith.cmpf oeq, %select_n3A_707, %eq3A_711 : vector<16xf32>
          %jit3A_713 = arith.constant 1073741824 : i32
          %broadcast_in_dim3A_714 = vector.broadcast %jit3A_713 : i32 to vector<16xi32>
          %select_n3A_715 = arith.select %eq3A_712, %select_n3A_706, %broadcast_in_dim3A_714 : vector<16xi1>, vector<16xi32>
          %reduce_min3A = arith.constant true
          %reduce_min3A_716 = vector.broadcast %reduce_min3A : i1 to vector<16xi1>
          %reduce_min3A_717 = arith.constant -2147483648 : i32
          %reduce_min3A_718 = vector.broadcast %reduce_min3A_717 : i32 to vector<16xi32>
          %reduce_min3A_719 = arith.xori %select_n3A_715, %reduce_min3A_718 : vector<16xi32>
          %reduce_min3A_720 = tpu.scan <min>, %reduce_min3A_719 masked %reduce_min3A_716 : vector<16xi32>, vector<16xi1> -> vector<16xi32>
          %reduce_min3A_721 = arith.xori %reduce_min3A_720, %reduce_min3A_718 : vector<16xi32>
          %reduce_min3A_722 = vector.extract %reduce_min3A_721[15] : i32 from vector<16xi32>
          %broadcast_in_dim3A_723 = arith.constant 0.000000e+00 : f32
          %broadcast_in_dim3A_724 = vector.broadcast %broadcast_in_dim3A_723 : f32 to vector<16xf32>
          %get3A_725 = arith.index_cast %scan3A_132 : i32 to index
          %get3A_726 = arith.constant 0 : index
          %get3A_727 = tpu.vector_load %arg8[%get3A_725, %get3A_726] {strides = array<i32>} : memref<16x1000xf32, #tpu.memory_space<vmem>>, vector<16xf32>,
          %add3A_728 = arith.constant 0 : i32
          %add3A_729 = vector.broadcast %add3A_728 : i32 to vector<16xi32>
          %add3A_730 = arith.addi %iota3A, %add3A_729 : vector<16xi32>
          %eq3A_731 = vector.broadcast %reduce_min3A_722 : i32 to vector<16xi32>
          %eq3A_732 = arith.cmpi eq, %add3A_730, %eq3A_731 : vector<16xi32>
          %jit3A_733 = arith.constant 0.000000e+00 : f32
          %broadcast_in_dim3A_734 = vector.broadcast %jit3A_733 : f32 to vector<16xf32>
          %select_n3A_735 = arith.select %eq3A_732, %get3A_727, %broadcast_in_dim3A_734 : vector<16xi1>, vector<16xf32>
          %add3A_736 = arith.addf %broadcast_in_dim3A_724, %select_n3A_735 : vector<16xf32>
          %get3A_737 = arith.index_cast %scan3A_132 : i32 to index
          %get3A_738 = arith.constant 16 : index
          %get3A_739 = tpu.vector_load %arg8[%get3A_737, %get3A_738] {strides = array<i32>} : memref<16x1000xf32, #tpu.memory_space<vmem>>, vector<16xf32>,
          %add3A_740 = arith.constant 16 : i32
          %add3A_741 = vector.broadcast %add3A_740 : i32 to vector<16xi32>
          %add3A_742 = arith.addi %iota3A, %add3A_741 : vector<16xi32>
          %eq3A_743 = vector.broadcast %reduce_min3A_722 : i32 to vector<16xi32>
          %eq3A_744 = arith.cmpi eq, %add3A_742, %eq3A_743 : vector<16xi32>
          %jit3A_745 = arith.constant 0.000000e+00 : f32
          %broadcast_in_dim3A_746 = vector.broadcast %jit3A_745 : f32 to vector<16xf32>
          %select_n3A_747 = arith.select %eq3A_744, %get3A_739, %broadcast_in_dim3A_746 : vector<16xi1>, vector<16xf32>
          %add3A_748 = arith.addf %add3A_736, %select_n3A_747 : vector<16xf32>
          %get3A_749 = arith.index_cast %scan3A_132 : i32 to index
          %get3A_750 = arith.constant 32 : index
          %get3A_751 = tpu.vector_load %arg8[%get3A_749, %get3A_750] {strides = array<i32>} : memref<16x1000xf32, #tpu.memory_space<vmem>>, vector<16xf32>,
          %add3A_752 = arith.constant 32 : i32
          %add3A_753 = vector.broadcast %add3A_752 : i32 to vector<16xi32>
          %add3A_754 = arith.addi %iota3A, %add3A_753 : vector<16xi32>
          %eq3A_755 = vector.broadcast %reduce_min3A_722 : i32 to vector<16xi32>
          %eq3A_756 = arith.cmpi eq, %add3A_754, %eq3A_755 : vector<16xi32>
          %jit3A_757 = arith.constant 0.000000e+00 : f32
          %broadcast_in_dim3A_758 = vector.broadcast %jit3A_757 : f32 to vector<16xf32>
          %select_n3A_759 = arith.select %eq3A_756, %get3A_751, %broadcast_in_dim3A_758 : vector<16xi1>, vector<16xf32>
          %add3A_760 = arith.addf %add3A_748, %select_n3A_759 : vector<16xf32>
          %get3A_761 = arith.index_cast %scan3A_132 : i32 to index
          %get3A_762 = arith.constant 48 : index
          %get3A_763 = tpu.vector_load %arg8[%get3A_761, %get3A_762] {strides = array<i32>} : memref<16x1000xf32, #tpu.memory_space<vmem>>, vector<16xf32>,
          %add3A_764 = arith.constant 48 : i32
          %add3A_765 = vector.broadcast %add3A_764 : i32 to vector<16xi32>
          %add3A_766 = arith.addi %iota3A, %add3A_765 : vector<16xi32>
          %eq3A_767 = vector.broadcast %reduce_min3A_722 : i32 to vector<16xi32>
          %eq3A_768 = arith.cmpi eq, %add3A_766, %eq3A_767 : vector<16xi32>
          %jit3A_769 = arith.constant 0.000000e+00 : f32
          %broadcast_in_dim3A_770 = vector.broadcast %jit3A_769 : f32 to vector<16xf32>
          %select_n3A_771 = arith.select %eq3A_768, %get3A_763, %broadcast_in_dim3A_770 : vector<16xi1>, vector<16xf32>
          %add3A_772 = arith.addf %add3A_760, %select_n3A_771 : vector<16xf32>
          %get3A_773 = arith.index_cast %scan3A_132 : i32 to index
          %get3A_774 = arith.constant 64 : index
          %get3A_775 = tpu.vector_load %arg8[%get3A_773, %get3A_774] {strides = array<i32>} : memref<16x1000xf32, #tpu.memory_space<vmem>>, vector<16xf32>,
          %add3A_776 = arith.constant 64 : i32
          %add3A_777 = vector.broadcast %add3A_776 : i32 to vector<16xi32>
          %add3A_778 = arith.addi %iota3A, %add3A_777 : vector<16xi32>
          %eq3A_779 = vector.broadcast %reduce_min3A_722 : i32 to vector<16xi32>
          %eq3A_780 = arith.cmpi eq, %add3A_778, %eq3A_779 : vector<16xi32>
          %jit3A_781 = arith.constant 0.000000e+00 : f32
          %broadcast_in_dim3A_782 = vector.broadcast %jit3A_781 : f32 to vector<16xf32>
          %select_n3A_783 = arith.select %eq3A_780, %get3A_775, %broadcast_in_dim3A_782 : vector<16xi1>, vector<16xf32>
          %add3A_784 = arith.addf %add3A_772, %select_n3A_783 : vector<16xf32>
          %get3A_785 = arith.index_cast %scan3A_132 : i32 to index
          %get3A_786 = arith.constant 80 : index
          %get3A_787 = tpu.vector_load %arg8[%get3A_785, %get3A_786] {strides = array<i32>} : memref<16x1000xf32, #tpu.memory_space<vmem>>, vector<16xf32>,
          %add3A_788 = arith.constant 80 : i32
          %add3A_789 = vector.broadcast %add3A_788 : i32 to vector<16xi32>
          %add3A_790 = arith.addi %iota3A, %add3A_789 : vector<16xi32>
          %eq3A_791 = vector.broadcast %reduce_min3A_722 : i32 to vector<16xi32>
          %eq3A_792 = arith.cmpi eq, %add3A_790, %eq3A_791 : vector<16xi32>
          %jit3A_793 = arith.constant 0.000000e+00 : f32
          %broadcast_in_dim3A_794 = vector.broadcast %jit3A_793 : f32 to vector<16xf32>
          %select_n3A_795 = arith.select %eq3A_792, %get3A_787, %broadcast_in_dim3A_794 : vector<16xi1>, vector<16xf32>
          %add3A_796 = arith.addf %add3A_784, %select_n3A_795 : vector<16xf32>
          %get3A_797 = arith.index_cast %scan3A_132 : i32 to index
          %get3A_798 = arith.constant 96 : index
          %get3A_799 = tpu.vector_load %arg8[%get3A_797, %get3A_798] {strides = array<i32>} : memref<16x1000xf32, #tpu.memory_space<vmem>>, vector<16xf32>,
          %add3A_800 = arith.constant 96 : i32
          %add3A_801 = vector.broadcast %add3A_800 : i32 to vector<16xi32>
          %add3A_802 = arith.addi %iota3A, %add3A_801 : vector<16xi32>
          %eq3A_803 = vector.broadcast %reduce_min3A_722 : i32 to vector<16xi32>
          %eq3A_804 = arith.cmpi eq, %add3A_802, %eq3A_803 : vector<16xi32>
          %jit3A_805 = arith.constant 0.000000e+00 : f32
          %broadcast_in_dim3A_806 = vector.broadcast %jit3A_805 : f32 to vector<16xf32>
          %select_n3A_807 = arith.select %eq3A_804, %get3A_799, %broadcast_in_dim3A_806 : vector<16xi1>, vector<16xf32>
          %add3A_808 = arith.addf %add3A_796, %select_n3A_807 : vector<16xf32>
          %get3A_809 = arith.index_cast %scan3A_132 : i32 to index
          %get3A_810 = arith.constant 112 : index
          %get3A_811 = tpu.vector_load %arg8[%get3A_809, %get3A_810] {strides = array<i32>} : memref<16x1000xf32, #tpu.memory_space<vmem>>, vector<16xf32>,
          %add3A_812 = arith.constant 112 : i32
          %add3A_813 = vector.broadcast %add3A_812 : i32 to vector<16xi32>
          %add3A_814 = arith.addi %iota3A, %add3A_813 : vector<16xi32>
          %eq3A_815 = vector.broadcast %reduce_min3A_722 : i32 to vector<16xi32>
          %eq3A_816 = arith.cmpi eq, %add3A_814, %eq3A_815 : vector<16xi32>
          %jit3A_817 = arith.constant 0.000000e+00 : f32
          %broadcast_in_dim3A_818 = vector.broadcast %jit3A_817 : f32 to vector<16xf32>
          %select_n3A_819 = arith.select %eq3A_816, %get3A_811, %broadcast_in_dim3A_818 : vector<16xi1>, vector<16xf32>
          %add3A_820 = arith.addf %add3A_808, %select_n3A_819 : vector<16xf32>
          %get3A_821 = arith.index_cast %scan3A_132 : i32 to index
          %get3A_822 = arith.constant 128 : index
          %get3A_823 = tpu.vector_load %arg8[%get3A_821, %get3A_822] {strides = array<i32>} : memref<16x1000xf32, #tpu.memory_space<vmem>>, vector<16xf32>,
          %add3A_824 = arith.constant 128 : i32
          %add3A_825 = vector.broadcast %add3A_824 : i32 to vector<16xi32>
          %add3A_826 = arith.addi %iota3A, %add3A_825 : vector<16xi32>
          %eq3A_827 = vector.broadcast %reduce_min3A_722 : i32 to vector<16xi32>
          %eq3A_828 = arith.cmpi eq, %add3A_826, %eq3A_827 : vector<16xi32>
          %jit3A_829 = arith.constant 0.000000e+00 : f32
          %broadcast_in_dim3A_830 = vector.broadcast %jit3A_829 : f32 to vector<16xf32>
          %select_n3A_831 = arith.select %eq3A_828, %get3A_823, %broadcast_in_dim3A_830 : vector<16xi1>, vector<16xf32>
          %add3A_832 = arith.addf %add3A_820, %select_n3A_831 : vector<16xf32>
          %get3A_833 = arith.index_cast %scan3A_132 : i32 to index
          %get3A_834 = arith.constant 144 : index
          %get3A_835 = tpu.vector_load %arg8[%get3A_833, %get3A_834] {strides = array<i32>} : memref<16x1000xf32, #tpu.memory_space<vmem>>, vector<16xf32>,
          %add3A_836 = arith.constant 144 : i32
          %add3A_837 = vector.broadcast %add3A_836 : i32 to vector<16xi32>
          %add3A_838 = arith.addi %iota3A, %add3A_837 : vector<16xi32>
          %eq3A_839 = vector.broadcast %reduce_min3A_722 : i32 to vector<16xi32>
          %eq3A_840 = arith.cmpi eq, %add3A_838, %eq3A_839 : vector<16xi32>
          %jit3A_841 = arith.constant 0.000000e+00 : f32
          %broadcast_in_dim3A_842 = vector.broadcast %jit3A_841 : f32 to vector<16xf32>
          %select_n3A_843 = arith.select %eq3A_840, %get3A_835, %broadcast_in_dim3A_842 : vector<16xi1>, vector<16xf32>
          %add3A_844 = arith.addf %add3A_832, %select_n3A_843 : vector<16xf32>
          %get3A_845 = arith.index_cast %scan3A_132 : i32 to index
          %get3A_846 = arith.constant 160 : index
          %get3A_847 = tpu.vector_load %arg8[%get3A_845, %get3A_846] {strides = array<i32>} : memref<16x1000xf32, #tpu.memory_space<vmem>>, vector<16xf32>,
          %add3A_848 = arith.constant 160 : i32
          %add3A_849 = vector.broadcast %add3A_848 : i32 to vector<16xi32>
          %add3A_850 = arith.addi %iota3A, %add3A_849 : vector<16xi32>
          %eq3A_851 = vector.broadcast %reduce_min3A_722 : i32 to vector<16xi32>
          %eq3A_852 = arith.cmpi eq, %add3A_850, %eq3A_851 : vector<16xi32>
          %jit3A_853 = arith.constant 0.000000e+00 : f32
          %broadcast_in_dim3A_854 = vector.broadcast %jit3A_853 : f32 to vector<16xf32>
          %select_n3A_855 = arith.select %eq3A_852, %get3A_847, %broadcast_in_dim3A_854 : vector<16xi1>, vector<16xf32>
          %add3A_856 = arith.addf %add3A_844, %select_n3A_855 : vector<16xf32>
          %get3A_857 = arith.index_cast %scan3A_132 : i32 to index
          %get3A_858 = arith.constant 176 : index
          %get3A_859 = tpu.vector_load %arg8[%get3A_857, %get3A_858] {strides = array<i32>} : memref<16x1000xf32, #tpu.memory_space<vmem>>, vector<16xf32>,
          %add3A_860 = arith.constant 176 : i32
          %add3A_861 = vector.broadcast %add3A_860 : i32 to vector<16xi32>
          %add3A_862 = arith.addi %iota3A, %add3A_861 : vector<16xi32>
          %eq3A_863 = vector.broadcast %reduce_min3A_722 : i32 to vector<16xi32>
          %eq3A_864 = arith.cmpi eq, %add3A_862, %eq3A_863 : vector<16xi32>
          %jit3A_865 = arith.constant 0.000000e+00 : f32
          %broadcast_in_dim3A_866 = vector.broadcast %jit3A_865 : f32 to vector<16xf32>
          %select_n3A_867 = arith.select %eq3A_864, %get3A_859, %broadcast_in_dim3A_866 : vector<16xi1>, vector<16xf32>
          %add3A_868 = arith.addf %add3A_856, %select_n3A_867 : vector<16xf32>
          %get3A_869 = arith.index_cast %scan3A_132 : i32 to index
          %get3A_870 = arith.constant 192 : index
          %get3A_871 = tpu.vector_load %arg8[%get3A_869, %get3A_870] {strides = array<i32>} : memref<16x1000xf32, #tpu.memory_space<vmem>>, vector<16xf32>,
          %add3A_872 = arith.constant 192 : i32
          %add3A_873 = vector.broadcast %add3A_872 : i32 to vector<16xi32>
          %add3A_874 = arith.addi %iota3A, %add3A_873 : vector<16xi32>
          %eq3A_875 = vector.broadcast %reduce_min3A_722 : i32 to vector<16xi32>
          %eq3A_876 = arith.cmpi eq, %add3A_874, %eq3A_875 : vector<16xi32>
          %jit3A_877 = arith.constant 0.000000e+00 : f32
          %broadcast_in_dim3A_878 = vector.broadcast %jit3A_877 : f32 to vector<16xf32>
          %select_n3A_879 = arith.select %eq3A_876, %get3A_871, %broadcast_in_dim3A_878 : vector<16xi1>, vector<16xf32>
          %add3A_880 = arith.addf %add3A_868, %select_n3A_879 : vector<16xf32>
          %get3A_881 = arith.index_cast %scan3A_132 : i32 to index
          %get3A_882 = arith.constant 208 : index
          %get3A_883 = tpu.vector_load %arg8[%get3A_881, %get3A_882] {strides = array<i32>} : memref<16x1000xf32, #tpu.memory_space<vmem>>, vector<16xf32>,
          %add3A_884 = arith.constant 208 : i32
          %add3A_885 = vector.broadcast %add3A_884 : i32 to vector<16xi32>
          %add3A_886 = arith.addi %iota3A, %add3A_885 : vector<16xi32>
          %eq3A_887 = vector.broadcast %reduce_min3A_722 : i32 to vector<16xi32>
          %eq3A_888 = arith.cmpi eq, %add3A_886, %eq3A_887 : vector<16xi32>
          %jit3A_889 = arith.constant 0.000000e+00 : f32
          %broadcast_in_dim3A_890 = vector.broadcast %jit3A_889 : f32 to vector<16xf32>
          %select_n3A_891 = arith.select %eq3A_888, %get3A_883, %broadcast_in_dim3A_890 : vector<16xi1>, vector<16xf32>
          %add3A_892 = arith.addf %add3A_880, %select_n3A_891 : vector<16xf32>
          %get3A_893 = arith.index_cast %scan3A_132 : i32 to index
          %get3A_894 = arith.constant 224 : index
          %get3A_895 = tpu.vector_load %arg8[%get3A_893, %get3A_894] {strides = array<i32>} : memref<16x1000xf32, #tpu.memory_space<vmem>>, vector<16xf32>,
          %add3A_896 = arith.constant 224 : i32
          %add3A_897 = vector.broadcast %add3A_896 : i32 to vector<16xi32>
          %add3A_898 = arith.addi %iota3A, %add3A_897 : vector<16xi32>
          %eq3A_899 = vector.broadcast %reduce_min3A_722 : i32 to vector<16xi32>
          %eq3A_900 = arith.cmpi eq, %add3A_898, %eq3A_899 : vector<16xi32>
          %jit3A_901 = arith.constant 0.000000e+00 : f32
          %broadcast_in_dim3A_902 = vector.broadcast %jit3A_901 : f32 to vector<16xf32>
          %select_n3A_903 = arith.select %eq3A_900, %get3A_895, %broadcast_in_dim3A_902 : vector<16xi1>, vector<16xf32>
          %add3A_904 = arith.addf %add3A_892, %select_n3A_903 : vector<16xf32>
          %get3A_905 = arith.index_cast %scan3A_132 : i32 to index
          %get3A_906 = arith.constant 240 : index
          %get3A_907 = tpu.vector_load %arg8[%get3A_905, %get3A_906] {strides = array<i32>} : memref<16x1000xf32, #tpu.memory_space<vmem>>, vector<16xf32>,
          %add3A_908 = arith.constant 240 : i32
          %add3A_909 = vector.broadcast %add3A_908 : i32 to vector<16xi32>
          %add3A_910 = arith.addi %iota3A, %add3A_909 : vector<16xi32>
          %eq3A_911 = vector.broadcast %reduce_min3A_722 : i32 to vector<16xi32>
          %eq3A_912 = arith.cmpi eq, %add3A_910, %eq3A_911 : vector<16xi32>
          %jit3A_913 = arith.constant 0.000000e+00 : f32
          %broadcast_in_dim3A_914 = vector.broadcast %jit3A_913 : f32 to vector<16xf32>
          %select_n3A_915 = arith.select %eq3A_912, %get3A_907, %broadcast_in_dim3A_914 : vector<16xi1>, vector<16xf32>
          %add3A_916 = arith.addf %add3A_904, %select_n3A_915 : vector<16xf32>
          %get3A_917 = arith.index_cast %scan3A_132 : i32 to index
          %get3A_918 = arith.constant 256 : index
          %get3A_919 = tpu.vector_load %arg8[%get3A_917, %get3A_918] {strides = array<i32>} : memref<16x1000xf32, #tpu.memory_space<vmem>>, vector<16xf32>,
          %add3A_920 = arith.constant 256 : i32
          %add3A_921 = vector.broadcast %add3A_920 : i32 to vector<16xi32>
          %add3A_922 = arith.addi %iota3A, %add3A_921 : vector<16xi32>
          %eq3A_923 = vector.broadcast %reduce_min3A_722 : i32 to vector<16xi32>
          %eq3A_924 = arith.cmpi eq, %add3A_922, %eq3A_923 : vector<16xi32>
          %jit3A_925 = arith.constant 0.000000e+00 : f32
          %broadcast_in_dim3A_926 = vector.broadcast %jit3A_925 : f32 to vector<16xf32>
          %select_n3A_927 = arith.select %eq3A_924, %get3A_919, %broadcast_in_dim3A_926 : vector<16xi1>, vector<16xf32>
          %add3A_928 = arith.addf %add3A_916, %select_n3A_927 : vector<16xf32>
          %get3A_929 = arith.index_cast %scan3A_132 : i32 to index
          %get3A_930 = arith.constant 272 : index
          %get3A_931 = tpu.vector_load %arg8[%get3A_929, %get3A_930] {strides = array<i32>} : memref<16x1000xf32, #tpu.memory_space<vmem>>, vector<16xf32>,
          %add3A_932 = arith.constant 272 : i32
          %add3A_933 = vector.broadcast %add3A_932 : i32 to vector<16xi32>
          %add3A_934 = arith.addi %iota3A, %add3A_933 : vector<16xi32>
          %eq3A_935 = vector.broadcast %reduce_min3A_722 : i32 to vector<16xi32>
          %eq3A_936 = arith.cmpi eq, %add3A_934, %eq3A_935 : vector<16xi32>
          %jit3A_937 = arith.constant 0.000000e+00 : f32
          %broadcast_in_dim3A_938 = vector.broadcast %jit3A_937 : f32 to vector<16xf32>
          %select_n3A_939 = arith.select %eq3A_936, %get3A_931, %broadcast_in_dim3A_938 : vector<16xi1>, vector<16xf32>
          %add3A_940 = arith.addf %add3A_928, %select_n3A_939 : vector<16xf32>
          %get3A_941 = arith.index_cast %scan3A_132 : i32 to index
          %get3A_942 = arith.constant 288 : index
          %get3A_943 = tpu.vector_load %arg8[%get3A_941, %get3A_942] {strides = array<i32>} : memref<16x1000xf32, #tpu.memory_space<vmem>>, vector<16xf32>,
          %add3A_944 = arith.constant 288 : i32
          %add3A_945 = vector.broadcast %add3A_944 : i32 to vector<16xi32>
          %add3A_946 = arith.addi %iota3A, %add3A_945 : vector<16xi32>
          %eq3A_947 = vector.broadcast %reduce_min3A_722 : i32 to vector<16xi32>
          %eq3A_948 = arith.cmpi eq, %add3A_946, %eq3A_947 : vector<16xi32>
          %jit3A_949 = arith.constant 0.000000e+00 : f32
          %broadcast_in_dim3A_950 = vector.broadcast %jit3A_949 : f32 to vector<16xf32>
          %select_n3A_951 = arith.select %eq3A_948, %get3A_943, %broadcast_in_dim3A_950 : vector<16xi1>, vector<16xf32>
          %add3A_952 = arith.addf %add3A_940, %select_n3A_951 : vector<16xf32>
          %get3A_953 = arith.index_cast %scan3A_132 : i32 to index
          %get3A_954 = arith.constant 304 : index
          %get3A_955 = tpu.vector_load %arg8[%get3A_953, %get3A_954] {strides = array<i32>} : memref<16x1000xf32, #tpu.memory_space<vmem>>, vector<16xf32>,
          %add3A_956 = arith.constant 304 : i32
          %add3A_957 = vector.broadcast %add3A_956 : i32 to vector<16xi32>
          %add3A_958 = arith.addi %iota3A, %add3A_957 : vector<16xi32>
          %eq3A_959 = vector.broadcast %reduce_min3A_722 : i32 to vector<16xi32>
          %eq3A_960 = arith.cmpi eq, %add3A_958, %eq3A_959 : vector<16xi32>
          %jit3A_961 = arith.constant 0.000000e+00 : f32
          %broadcast_in_dim3A_962 = vector.broadcast %jit3A_961 : f32 to vector<16xf32>
          %select_n3A_963 = arith.select %eq3A_960, %get3A_955, %broadcast_in_dim3A_962 : vector<16xi1>, vector<16xf32>
          %add3A_964 = arith.addf %add3A_952, %select_n3A_963 : vector<16xf32>
          %get3A_965 = arith.index_cast %scan3A_132 : i32 to index
          %get3A_966 = arith.constant 320 : index
          %get3A_967 = tpu.vector_load %arg8[%get3A_965, %get3A_966] {strides = array<i32>} : memref<16x1000xf32, #tpu.memory_space<vmem>>, vector<16xf32>,
          %add3A_968 = arith.constant 320 : i32
          %add3A_969 = vector.broadcast %add3A_968 : i32 to vector<16xi32>
          %add3A_970 = arith.addi %iota3A, %add3A_969 : vector<16xi32>
          %eq3A_971 = vector.broadcast %reduce_min3A_722 : i32 to vector<16xi32>
          %eq3A_972 = arith.cmpi eq, %add3A_970, %eq3A_971 : vector<16xi32>
          %jit3A_973 = arith.constant 0.000000e+00 : f32
          %broadcast_in_dim3A_974 = vector.broadcast %jit3A_973 : f32 to vector<16xf32>
          %select_n3A_975 = arith.select %eq3A_972, %get3A_967, %broadcast_in_dim3A_974 : vector<16xi1>, vector<16xf32>
          %add3A_976 = arith.addf %add3A_964, %select_n3A_975 : vector<16xf32>
          %get3A_977 = arith.index_cast %scan3A_132 : i32 to index
          %get3A_978 = arith.constant 336 : index
          %get3A_979 = tpu.vector_load %arg8[%get3A_977, %get3A_978] {strides = array<i32>} : memref<16x1000xf32, #tpu.memory_space<vmem>>, vector<16xf32>,
          %add3A_980 = arith.constant 336 : i32
          %add3A_981 = vector.broadcast %add3A_980 : i32 to vector<16xi32>
          %add3A_982 = arith.addi %iota3A, %add3A_981 : vector<16xi32>
          %eq3A_983 = vector.broadcast %reduce_min3A_722 : i32 to vector<16xi32>
          %eq3A_984 = arith.cmpi eq, %add3A_982, %eq3A_983 : vector<16xi32>
          %jit3A_985 = arith.constant 0.000000e+00 : f32
          %broadcast_in_dim3A_986 = vector.broadcast %jit3A_985 : f32 to vector<16xf32>
          %select_n3A_987 = arith.select %eq3A_984, %get3A_979, %broadcast_in_dim3A_986 : vector<16xi1>, vector<16xf32>
          %add3A_988 = arith.addf %add3A_976, %select_n3A_987 : vector<16xf32>
          %get3A_989 = arith.index_cast %scan3A_132 : i32 to index
          %get3A_990 = arith.constant 352 : index
          %get3A_991 = tpu.vector_load %arg8[%get3A_989, %get3A_990] {strides = array<i32>} : memref<16x1000xf32, #tpu.memory_space<vmem>>, vector<16xf32>,
          %add3A_992 = arith.constant 352 : i32
          %add3A_993 = vector.broadcast %add3A_992 : i32 to vector<16xi32>
          %add3A_994 = arith.addi %iota3A, %add3A_993 : vector<16xi32>
          %eq3A_995 = vector.broadcast %reduce_min3A_722 : i32 to vector<16xi32>
          %eq3A_996 = arith.cmpi eq, %add3A_994, %eq3A_995 : vector<16xi32>
          %jit3A_997 = arith.constant 0.000000e+00 : f32
          %broadcast_in_dim3A_998 = vector.broadcast %jit3A_997 : f32 to vector<16xf32>
          %select_n3A_999 = arith.select %eq3A_996, %get3A_991, %broadcast_in_dim3A_998 : vector<16xi1>, vector<16xf32>
          %add3A_1000 = arith.addf %add3A_988, %select_n3A_999 : vector<16xf32>
          %get3A_1001 = arith.index_cast %scan3A_132 : i32 to index
          %get3A_1002 = arith.constant 368 : index
          %get3A_1003 = tpu.vector_load %arg8[%get3A_1001, %get3A_1002] {strides = array<i32>} : memref<16x1000xf32, #tpu.memory_space<vmem>>, vector<16xf32>,
          %add3A_1004 = arith.constant 368 : i32
          %add3A_1005 = vector.broadcast %add3A_1004 : i32 to vector<16xi32>
          %add3A_1006 = arith.addi %iota3A, %add3A_1005 : vector<16xi32>
          %eq3A_1007 = vector.broadcast %reduce_min3A_722 : i32 to vector<16xi32>
          %eq3A_1008 = arith.cmpi eq, %add3A_1006, %eq3A_1007 : vector<16xi32>
          %jit3A_1009 = arith.constant 0.000000e+00 : f32
          %broadcast_in_dim3A_1010 = vector.broadcast %jit3A_1009 : f32 to vector<16xf32>
          %select_n3A_1011 = arith.select %eq3A_1008, %get3A_1003, %broadcast_in_dim3A_1010 : vector<16xi1>, vector<16xf32>
          %add3A_1012 = arith.addf %add3A_1000, %select_n3A_1011 : vector<16xf32>
          %get3A_1013 = arith.index_cast %scan3A_132 : i32 to index
          %get3A_1014 = arith.constant 384 : index
          %get3A_1015 = tpu.vector_load %arg8[%get3A_1013, %get3A_1014] {strides = array<i32>} : memref<16x1000xf32, #tpu.memory_space<vmem>>, vector<16xf32>,
          %add3A_1016 = arith.constant 384 : i32
          %add3A_1017 = vector.broadcast %add3A_1016 : i32 to vector<16xi32>
          %add3A_1018 = arith.addi %iota3A, %add3A_1017 : vector<16xi32>
          %eq3A_1019 = vector.broadcast %reduce_min3A_722 : i32 to vector<16xi32>
          %eq3A_1020 = arith.cmpi eq, %add3A_1018, %eq3A_1019 : vector<16xi32>
          %jit3A_1021 = arith.constant 0.000000e+00 : f32
          %broadcast_in_dim3A_1022 = vector.broadcast %jit3A_1021 : f32 to vector<16xf32>
          %select_n3A_1023 = arith.select %eq3A_1020, %get3A_1015, %broadcast_in_dim3A_1022 : vector<16xi1>, vector<16xf32>
          %add3A_1024 = arith.addf %add3A_1012, %select_n3A_1023 : vector<16xf32>
          %get3A_1025 = arith.index_cast %scan3A_132 : i32 to index
          %get3A_1026 = arith.constant 400 : index
          %get3A_1027 = tpu.vector_load %arg8[%get3A_1025, %get3A_1026] {strides = array<i32>} : memref<16x1000xf32, #tpu.memory_space<vmem>>, vector<16xf32>,
          %add3A_1028 = arith.constant 400 : i32
          %add3A_1029 = vector.broadcast %add3A_1028 : i32 to vector<16xi32>
          %add3A_1030 = arith.addi %iota3A, %add3A_1029 : vector<16xi32>
          %eq3A_1031 = vector.broadcast %reduce_min3A_722 : i32 to vector<16xi32>
          %eq3A_1032 = arith.cmpi eq, %add3A_1030, %eq3A_1031 : vector<16xi32>
          %jit3A_1033 = arith.constant 0.000000e+00 : f32
          %broadcast_in_dim3A_1034 = vector.broadcast %jit3A_1033 : f32 to vector<16xf32>
          %select_n3A_1035 = arith.select %eq3A_1032, %get3A_1027, %broadcast_in_dim3A_1034 : vector<16xi1>, vector<16xf32>
          %add3A_1036 = arith.addf %add3A_1024, %select_n3A_1035 : vector<16xf32>
          %get3A_1037 = arith.index_cast %scan3A_132 : i32 to index
          %get3A_1038 = arith.constant 416 : index
          %get3A_1039 = tpu.vector_load %arg8[%get3A_1037, %get3A_1038] {strides = array<i32>} : memref<16x1000xf32, #tpu.memory_space<vmem>>, vector<16xf32>,
          %add3A_1040 = arith.constant 416 : i32
          %add3A_1041 = vector.broadcast %add3A_1040 : i32 to vector<16xi32>
          %add3A_1042 = arith.addi %iota3A, %add3A_1041 : vector<16xi32>
          %eq3A_1043 = vector.broadcast %reduce_min3A_722 : i32 to vector<16xi32>
          %eq3A_1044 = arith.cmpi eq, %add3A_1042, %eq3A_1043 : vector<16xi32>
          %jit3A_1045 = arith.constant 0.000000e+00 : f32
          %broadcast_in_dim3A_1046 = vector.broadcast %jit3A_1045 : f32 to vector<16xf32>
          %select_n3A_1047 = arith.select %eq3A_1044, %get3A_1039, %broadcast_in_dim3A_1046 : vector<16xi1>, vector<16xf32>
          %add3A_1048 = arith.addf %add3A_1036, %select_n3A_1047 : vector<16xf32>
          %get3A_1049 = arith.index_cast %scan3A_132 : i32 to index
          %get3A_1050 = arith.constant 432 : index
          %get3A_1051 = tpu.vector_load %arg8[%get3A_1049, %get3A_1050] {strides = array<i32>} : memref<16x1000xf32, #tpu.memory_space<vmem>>, vector<16xf32>,
          %add3A_1052 = arith.constant 432 : i32
          %add3A_1053 = vector.broadcast %add3A_1052 : i32 to vector<16xi32>
          %add3A_1054 = arith.addi %iota3A, %add3A_1053 : vector<16xi32>
          %eq3A_1055 = vector.broadcast %reduce_min3A_722 : i32 to vector<16xi32>
          %eq3A_1056 = arith.cmpi eq, %add3A_1054, %eq3A_1055 : vector<16xi32>
          %jit3A_1057 = arith.constant 0.000000e+00 : f32
          %broadcast_in_dim3A_1058 = vector.broadcast %jit3A_1057 : f32 to vector<16xf32>
          %select_n3A_1059 = arith.select %eq3A_1056, %get3A_1051, %broadcast_in_dim3A_1058 : vector<16xi1>, vector<16xf32>
          %add3A_1060 = arith.addf %add3A_1048, %select_n3A_1059 : vector<16xf32>
          %get3A_1061 = arith.index_cast %scan3A_132 : i32 to index
          %get3A_1062 = arith.constant 448 : index
          %get3A_1063 = tpu.vector_load %arg8[%get3A_1061, %get3A_1062] {strides = array<i32>} : memref<16x1000xf32, #tpu.memory_space<vmem>>, vector<16xf32>,
          %add3A_1064 = arith.constant 448 : i32
          %add3A_1065 = vector.broadcast %add3A_1064 : i32 to vector<16xi32>
          %add3A_1066 = arith.addi %iota3A, %add3A_1065 : vector<16xi32>
          %eq3A_1067 = vector.broadcast %reduce_min3A_722 : i32 to vector<16xi32>
          %eq3A_1068 = arith.cmpi eq, %add3A_1066, %eq3A_1067 : vector<16xi32>
          %jit3A_1069 = arith.constant 0.000000e+00 : f32
          %broadcast_in_dim3A_1070 = vector.broadcast %jit3A_1069 : f32 to vector<16xf32>
          %select_n3A_1071 = arith.select %eq3A_1068, %get3A_1063, %broadcast_in_dim3A_1070 : vector<16xi1>, vector<16xf32>
          %add3A_1072 = arith.addf %add3A_1060, %select_n3A_1071 : vector<16xf32>
          %get3A_1073 = arith.index_cast %scan3A_132 : i32 to index
          %get3A_1074 = arith.constant 464 : index
          %get3A_1075 = tpu.vector_load %arg8[%get3A_1073, %get3A_1074] {strides = array<i32>} : memref<16x1000xf32, #tpu.memory_space<vmem>>, vector<16xf32>,
          %add3A_1076 = arith.constant 464 : i32
          %add3A_1077 = vector.broadcast %add3A_1076 : i32 to vector<16xi32>
          %add3A_1078 = arith.addi %iota3A, %add3A_1077 : vector<16xi32>
          %eq3A_1079 = vector.broadcast %reduce_min3A_722 : i32 to vector<16xi32>
          %eq3A_1080 = arith.cmpi eq, %add3A_1078, %eq3A_1079 : vector<16xi32>
          %jit3A_1081 = arith.constant 0.000000e+00 : f32
          %broadcast_in_dim3A_1082 = vector.broadcast %jit3A_1081 : f32 to vector<16xf32>
          %select_n3A_1083 = arith.select %eq3A_1080, %get3A_1075, %broadcast_in_dim3A_1082 : vector<16xi1>, vector<16xf32>
          %add3A_1084 = arith.addf %add3A_1072, %select_n3A_1083 : vector<16xf32>
          %get3A_1085 = arith.index_cast %scan3A_132 : i32 to index
          %get3A_1086 = arith.constant 480 : index
          %get3A_1087 = tpu.vector_load %arg8[%get3A_1085, %get3A_1086] {strides = array<i32>} : memref<16x1000xf32, #tpu.memory_space<vmem>>, vector<16xf32>,
          %add3A_1088 = arith.constant 480 : i32
          %add3A_1089 = vector.broadcast %add3A_1088 : i32 to vector<16xi32>
          %add3A_1090 = arith.addi %iota3A, %add3A_1089 : vector<16xi32>
          %eq3A_1091 = vector.broadcast %reduce_min3A_722 : i32 to vector<16xi32>
          %eq3A_1092 = arith.cmpi eq, %add3A_1090, %eq3A_1091 : vector<16xi32>
          %jit3A_1093 = arith.constant 0.000000e+00 : f32
          %broadcast_in_dim3A_1094 = vector.broadcast %jit3A_1093 : f32 to vector<16xf32>
          %select_n3A_1095 = arith.select %eq3A_1092, %get3A_1087, %broadcast_in_dim3A_1094 : vector<16xi1>, vector<16xf32>
          %add3A_1096 = arith.addf %add3A_1084, %select_n3A_1095 : vector<16xf32>
          %get3A_1097 = arith.index_cast %scan3A_132 : i32 to index
          %get3A_1098 = arith.constant 496 : index
          %get3A_1099 = tpu.vector_load %arg8[%get3A_1097, %get3A_1098] {strides = array<i32>} : memref<16x1000xf32, #tpu.memory_space<vmem>>, vector<16xf32>,
          %add3A_1100 = arith.constant 496 : i32
          %add3A_1101 = vector.broadcast %add3A_1100 : i32 to vector<16xi32>
          %add3A_1102 = arith.addi %iota3A, %add3A_1101 : vector<16xi32>
          %eq3A_1103 = vector.broadcast %reduce_min3A_722 : i32 to vector<16xi32>
          %eq3A_1104 = arith.cmpi eq, %add3A_1102, %eq3A_1103 : vector<16xi32>
          %jit3A_1105 = arith.constant 0.000000e+00 : f32
          %broadcast_in_dim3A_1106 = vector.broadcast %jit3A_1105 : f32 to vector<16xf32>
          %select_n3A_1107 = arith.select %eq3A_1104, %get3A_1099, %broadcast_in_dim3A_1106 : vector<16xi1>, vector<16xf32>
          %add3A_1108 = arith.addf %add3A_1096, %select_n3A_1107 : vector<16xf32>
          %get3A_1109 = arith.index_cast %scan3A_132 : i32 to index
          %get3A_1110 = arith.constant 512 : index
          %get3A_1111 = tpu.vector_load %arg8[%get3A_1109, %get3A_1110] {strides = array<i32>} : memref<16x1000xf32, #tpu.memory_space<vmem>>, vector<16xf32>,
          %add3A_1112 = arith.constant 512 : i32
          %add3A_1113 = vector.broadcast %add3A_1112 : i32 to vector<16xi32>
          %add3A_1114 = arith.addi %iota3A, %add3A_1113 : vector<16xi32>
          %eq3A_1115 = vector.broadcast %reduce_min3A_722 : i32 to vector<16xi32>
          %eq3A_1116 = arith.cmpi eq, %add3A_1114, %eq3A_1115 : vector<16xi32>
          %jit3A_1117 = arith.constant 0.000000e+00 : f32
          %broadcast_in_dim3A_1118 = vector.broadcast %jit3A_1117 : f32 to vector<16xf32>
          %select_n3A_1119 = arith.select %eq3A_1116, %get3A_1111, %broadcast_in_dim3A_1118 : vector<16xi1>, vector<16xf32>
          %add3A_1120 = arith.addf %add3A_1108, %select_n3A_1119 : vector<16xf32>
          %get3A_1121 = arith.index_cast %scan3A_132 : i32 to index
          %get3A_1122 = arith.constant 528 : index
          %get3A_1123 = tpu.vector_load %arg8[%get3A_1121, %get3A_1122] {strides = array<i32>} : memref<16x1000xf32, #tpu.memory_space<vmem>>, vector<16xf32>,
          %add3A_1124 = arith.constant 528 : i32
          %add3A_1125 = vector.broadcast %add3A_1124 : i32 to vector<16xi32>
          %add3A_1126 = arith.addi %iota3A, %add3A_1125 : vector<16xi32>
          %eq3A_1127 = vector.broadcast %reduce_min3A_722 : i32 to vector<16xi32>
          %eq3A_1128 = arith.cmpi eq, %add3A_1126, %eq3A_1127 : vector<16xi32>
          %jit3A_1129 = arith.constant 0.000000e+00 : f32
          %broadcast_in_dim3A_1130 = vector.broadcast %jit3A_1129 : f32 to vector<16xf32>
          %select_n3A_1131 = arith.select %eq3A_1128, %get3A_1123, %broadcast_in_dim3A_1130 : vector<16xi1>, vector<16xf32>
          %add3A_1132 = arith.addf %add3A_1120, %select_n3A_1131 : vector<16xf32>
          %get3A_1133 = arith.index_cast %scan3A_132 : i32 to index
          %get3A_1134 = arith.constant 544 : index
          %get3A_1135 = tpu.vector_load %arg8[%get3A_1133, %get3A_1134] {strides = array<i32>} : memref<16x1000xf32, #tpu.memory_space<vmem>>, vector<16xf32>,
          %add3A_1136 = arith.constant 544 : i32
          %add3A_1137 = vector.broadcast %add3A_1136 : i32 to vector<16xi32>
          %add3A_1138 = arith.addi %iota3A, %add3A_1137 : vector<16xi32>
          %eq3A_1139 = vector.broadcast %reduce_min3A_722 : i32 to vector<16xi32>
          %eq3A_1140 = arith.cmpi eq, %add3A_1138, %eq3A_1139 : vector<16xi32>
          %jit3A_1141 = arith.constant 0.000000e+00 : f32
          %broadcast_in_dim3A_1142 = vector.broadcast %jit3A_1141 : f32 to vector<16xf32>
          %select_n3A_1143 = arith.select %eq3A_1140, %get3A_1135, %broadcast_in_dim3A_1142 : vector<16xi1>, vector<16xf32>
          %add3A_1144 = arith.addf %add3A_1132, %select_n3A_1143 : vector<16xf32>
          %get3A_1145 = arith.index_cast %scan3A_132 : i32 to index
          %get3A_1146 = arith.constant 560 : index
          %get3A_1147 = tpu.vector_load %arg8[%get3A_1145, %get3A_1146] {strides = array<i32>} : memref<16x1000xf32, #tpu.memory_space<vmem>>, vector<16xf32>,
          %add3A_1148 = arith.constant 560 : i32
          %add3A_1149 = vector.broadcast %add3A_1148 : i32 to vector<16xi32>
          %add3A_1150 = arith.addi %iota3A, %add3A_1149 : vector<16xi32>
          %eq3A_1151 = vector.broadcast %reduce_min3A_722 : i32 to vector<16xi32>
          %eq3A_1152 = arith.cmpi eq, %add3A_1150, %eq3A_1151 : vector<16xi32>
          %jit3A_1153 = arith.constant 0.000000e+00 : f32
          %broadcast_in_dim3A_1154 = vector.broadcast %jit3A_1153 : f32 to vector<16xf32>
          %select_n3A_1155 = arith.select %eq3A_1152, %get3A_1147, %broadcast_in_dim3A_1154 : vector<16xi1>, vector<16xf32>
          %add3A_1156 = arith.addf %add3A_1144, %select_n3A_1155 : vector<16xf32>
          %get3A_1157 = arith.index_cast %scan3A_132 : i32 to index
          %get3A_1158 = arith.constant 576 : index
          %get3A_1159 = tpu.vector_load %arg8[%get3A_1157, %get3A_1158] {strides = array<i32>} : memref<16x1000xf32, #tpu.memory_space<vmem>>, vector<16xf32>,
          %add3A_1160 = arith.constant 576 : i32
          %add3A_1161 = vector.broadcast %add3A_1160 : i32 to vector<16xi32>
          %add3A_1162 = arith.addi %iota3A, %add3A_1161 : vector<16xi32>
          %eq3A_1163 = vector.broadcast %reduce_min3A_722 : i32 to vector<16xi32>
          %eq3A_1164 = arith.cmpi eq, %add3A_1162, %eq3A_1163 : vector<16xi32>
          %jit3A_1165 = arith.constant 0.000000e+00 : f32
          %broadcast_in_dim3A_1166 = vector.broadcast %jit3A_1165 : f32 to vector<16xf32>
          %select_n3A_1167 = arith.select %eq3A_1164, %get3A_1159, %broadcast_in_dim3A_1166 : vector<16xi1>, vector<16xf32>
          %add3A_1168 = arith.addf %add3A_1156, %select_n3A_1167 : vector<16xf32>
          %get3A_1169 = arith.index_cast %scan3A_132 : i32 to index
          %get3A_1170 = arith.constant 592 : index
          %get3A_1171 = tpu.vector_load %arg8[%get3A_1169, %get3A_1170] {strides = array<i32>} : memref<16x1000xf32, #tpu.memory_space<vmem>>, vector<16xf32>,
          %add3A_1172 = arith.constant 592 : i32
          %add3A_1173 = vector.broadcast %add3A_1172 : i32 to vector<16xi32>
          %add3A_1174 = arith.addi %iota3A, %add3A_1173 : vector<16xi32>
          %eq3A_1175 = vector.broadcast %reduce_min3A_722 : i32 to vector<16xi32>
          %eq3A_1176 = arith.cmpi eq, %add3A_1174, %eq3A_1175 : vector<16xi32>
          %jit3A_1177 = arith.constant 0.000000e+00 : f32
          %broadcast_in_dim3A_1178 = vector.broadcast %jit3A_1177 : f32 to vector<16xf32>
          %select_n3A_1179 = arith.select %eq3A_1176, %get3A_1171, %broadcast_in_dim3A_1178 : vector<16xi1>, vector<16xf32>
          %add3A_1180 = arith.addf %add3A_1168, %select_n3A_1179 : vector<16xf32>
          %get3A_1181 = arith.index_cast %scan3A_132 : i32 to index
          %get3A_1182 = arith.constant 608 : index
          %get3A_1183 = tpu.vector_load %arg8[%get3A_1181, %get3A_1182] {strides = array<i32>} : memref<16x1000xf32, #tpu.memory_space<vmem>>, vector<16xf32>,
          %add3A_1184 = arith.constant 608 : i32
          %add3A_1185 = vector.broadcast %add3A_1184 : i32 to vector<16xi32>
          %add3A_1186 = arith.addi %iota3A, %add3A_1185 : vector<16xi32>
          %eq3A_1187 = vector.broadcast %reduce_min3A_722 : i32 to vector<16xi32>
          %eq3A_1188 = arith.cmpi eq, %add3A_1186, %eq3A_1187 : vector<16xi32>
          %jit3A_1189 = arith.constant 0.000000e+00 : f32
          %broadcast_in_dim3A_1190 = vector.broadcast %jit3A_1189 : f32 to vector<16xf32>
          %select_n3A_1191 = arith.select %eq3A_1188, %get3A_1183, %broadcast_in_dim3A_1190 : vector<16xi1>, vector<16xf32>
          %add3A_1192 = arith.addf %add3A_1180, %select_n3A_1191 : vector<16xf32>
          %get3A_1193 = arith.index_cast %scan3A_132 : i32 to index
          %get3A_1194 = arith.constant 624 : index
          %get3A_1195 = tpu.vector_load %arg8[%get3A_1193, %get3A_1194] {strides = array<i32>} : memref<16x1000xf32, #tpu.memory_space<vmem>>, vector<16xf32>,
          %add3A_1196 = arith.constant 624 : i32
          %add3A_1197 = vector.broadcast %add3A_1196 : i32 to vector<16xi32>
          %add3A_1198 = arith.addi %iota3A, %add3A_1197 : vector<16xi32>
          %eq3A_1199 = vector.broadcast %reduce_min3A_722 : i32 to vector<16xi32>
          %eq3A_1200 = arith.cmpi eq, %add3A_1198, %eq3A_1199 : vector<16xi32>
          %jit3A_1201 = arith.constant 0.000000e+00 : f32
          %broadcast_in_dim3A_1202 = vector.broadcast %jit3A_1201 : f32 to vector<16xf32>
          %select_n3A_1203 = arith.select %eq3A_1200, %get3A_1195, %broadcast_in_dim3A_1202 : vector<16xi1>, vector<16xf32>
          %add3A_1204 = arith.addf %add3A_1192, %select_n3A_1203 : vector<16xf32>
          %get3A_1205 = arith.index_cast %scan3A_132 : i32 to index
          %get3A_1206 = arith.constant 640 : index
          %get3A_1207 = tpu.vector_load %arg8[%get3A_1205, %get3A_1206] {strides = array<i32>} : memref<16x1000xf32, #tpu.memory_space<vmem>>, vector<16xf32>,
          %add3A_1208 = arith.constant 640 : i32
          %add3A_1209 = vector.broadcast %add3A_1208 : i32 to vector<16xi32>
          %add3A_1210 = arith.addi %iota3A, %add3A_1209 : vector<16xi32>
          %eq3A_1211 = vector.broadcast %reduce_min3A_722 : i32 to vector<16xi32>
          %eq3A_1212 = arith.cmpi eq, %add3A_1210, %eq3A_1211 : vector<16xi32>
          %jit3A_1213 = arith.constant 0.000000e+00 : f32
          %broadcast_in_dim3A_1214 = vector.broadcast %jit3A_1213 : f32 to vector<16xf32>
          %select_n3A_1215 = arith.select %eq3A_1212, %get3A_1207, %broadcast_in_dim3A_1214 : vector<16xi1>, vector<16xf32>
          %add3A_1216 = arith.addf %add3A_1204, %select_n3A_1215 : vector<16xf32>
          %get3A_1217 = arith.index_cast %scan3A_132 : i32 to index
          %get3A_1218 = arith.constant 656 : index
          %get3A_1219 = tpu.vector_load %arg8[%get3A_1217, %get3A_1218] {strides = array<i32>} : memref<16x1000xf32, #tpu.memory_space<vmem>>, vector<16xf32>,
          %add3A_1220 = arith.constant 656 : i32
          %add3A_1221 = vector.broadcast %add3A_1220 : i32 to vector<16xi32>
          %add3A_1222 = arith.addi %iota3A, %add3A_1221 : vector<16xi32>
          %eq3A_1223 = vector.broadcast %reduce_min3A_722 : i32 to vector<16xi32>
          %eq3A_1224 = arith.cmpi eq, %add3A_1222, %eq3A_1223 : vector<16xi32>
          %jit3A_1225 = arith.constant 0.000000e+00 : f32
          %broadcast_in_dim3A_1226 = vector.broadcast %jit3A_1225 : f32 to vector<16xf32>
          %select_n3A_1227 = arith.select %eq3A_1224, %get3A_1219, %broadcast_in_dim3A_1226 : vector<16xi1>, vector<16xf32>
          %add3A_1228 = arith.addf %add3A_1216, %select_n3A_1227 : vector<16xf32>
          %get3A_1229 = arith.index_cast %scan3A_132 : i32 to index
          %get3A_1230 = arith.constant 672 : index
          %get3A_1231 = tpu.vector_load %arg8[%get3A_1229, %get3A_1230] {strides = array<i32>} : memref<16x1000xf32, #tpu.memory_space<vmem>>, vector<16xf32>,
          %add3A_1232 = arith.constant 672 : i32
          %add3A_1233 = vector.broadcast %add3A_1232 : i32 to vector<16xi32>
          %add3A_1234 = arith.addi %iota3A, %add3A_1233 : vector<16xi32>
          %eq3A_1235 = vector.broadcast %reduce_min3A_722 : i32 to vector<16xi32>
          %eq3A_1236 = arith.cmpi eq, %add3A_1234, %eq3A_1235 : vector<16xi32>
          %jit3A_1237 = arith.constant 0.000000e+00 : f32
          %broadcast_in_dim3A_1238 = vector.broadcast %jit3A_1237 : f32 to vector<16xf32>
          %select_n3A_1239 = arith.select %eq3A_1236, %get3A_1231, %broadcast_in_dim3A_1238 : vector<16xi1>, vector<16xf32>
          %add3A_1240 = arith.addf %add3A_1228, %select_n3A_1239 : vector<16xf32>
          %get3A_1241 = arith.index_cast %scan3A_132 : i32 to index
          %get3A_1242 = arith.constant 688 : index
          %get3A_1243 = tpu.vector_load %arg8[%get3A_1241, %get3A_1242] {strides = array<i32>} : memref<16x1000xf32, #tpu.memory_space<vmem>>, vector<16xf32>,
          %add3A_1244 = arith.constant 688 : i32
          %add3A_1245 = vector.broadcast %add3A_1244 : i32 to vector<16xi32>
          %add3A_1246 = arith.addi %iota3A, %add3A_1245 : vector<16xi32>
          %eq3A_1247 = vector.broadcast %reduce_min3A_722 : i32 to vector<16xi32>
          %eq3A_1248 = arith.cmpi eq, %add3A_1246, %eq3A_1247 : vector<16xi32>
          %jit3A_1249 = arith.constant 0.000000e+00 : f32
          %broadcast_in_dim3A_1250 = vector.broadcast %jit3A_1249 : f32 to vector<16xf32>
          %select_n3A_1251 = arith.select %eq3A_1248, %get3A_1243, %broadcast_in_dim3A_1250 : vector<16xi1>, vector<16xf32>
          %add3A_1252 = arith.addf %add3A_1240, %select_n3A_1251 : vector<16xf32>
          %get3A_1253 = arith.index_cast %scan3A_132 : i32 to index
          %get3A_1254 = arith.constant 704 : index
          %get3A_1255 = tpu.vector_load %arg8[%get3A_1253, %get3A_1254] {strides = array<i32>} : memref<16x1000xf32, #tpu.memory_space<vmem>>, vector<16xf32>,
          %add3A_1256 = arith.constant 704 : i32
          %add3A_1257 = vector.broadcast %add3A_1256 : i32 to vector<16xi32>
          %add3A_1258 = arith.addi %iota3A, %add3A_1257 : vector<16xi32>
          %eq3A_1259 = vector.broadcast %reduce_min3A_722 : i32 to vector<16xi32>
          %eq3A_1260 = arith.cmpi eq, %add3A_1258, %eq3A_1259 : vector<16xi32>
          %jit3A_1261 = arith.constant 0.000000e+00 : f32
          %broadcast_in_dim3A_1262 = vector.broadcast %jit3A_1261 : f32 to vector<16xf32>
          %select_n3A_1263 = arith.select %eq3A_1260, %get3A_1255, %broadcast_in_dim3A_1262 : vector<16xi1>, vector<16xf32>
          %add3A_1264 = arith.addf %add3A_1252, %select_n3A_1263 : vector<16xf32>
          %get3A_1265 = arith.index_cast %scan3A_132 : i32 to index
          %get3A_1266 = arith.constant 720 : index
          %get3A_1267 = tpu.vector_load %arg8[%get3A_1265, %get3A_1266] {strides = array<i32>} : memref<16x1000xf32, #tpu.memory_space<vmem>>, vector<16xf32>,
          %add3A_1268 = arith.constant 720 : i32
          %add3A_1269 = vector.broadcast %add3A_1268 : i32 to vector<16xi32>
          %add3A_1270 = arith.addi %iota3A, %add3A_1269 : vector<16xi32>
          %eq3A_1271 = vector.broadcast %reduce_min3A_722 : i32 to vector<16xi32>
          %eq3A_1272 = arith.cmpi eq, %add3A_1270, %eq3A_1271 : vector<16xi32>
          %jit3A_1273 = arith.constant 0.000000e+00 : f32
          %broadcast_in_dim3A_1274 = vector.broadcast %jit3A_1273 : f32 to vector<16xf32>
          %select_n3A_1275 = arith.select %eq3A_1272, %get3A_1267, %broadcast_in_dim3A_1274 : vector<16xi1>, vector<16xf32>
          %add3A_1276 = arith.addf %add3A_1264, %select_n3A_1275 : vector<16xf32>
          %get3A_1277 = arith.index_cast %scan3A_132 : i32 to index
          %get3A_1278 = arith.constant 736 : index
          %get3A_1279 = tpu.vector_load %arg8[%get3A_1277, %get3A_1278] {strides = array<i32>} : memref<16x1000xf32, #tpu.memory_space<vmem>>, vector<16xf32>,
          %add3A_1280 = arith.constant 736 : i32
          %add3A_1281 = vector.broadcast %add3A_1280 : i32 to vector<16xi32>
          %add3A_1282 = arith.addi %iota3A, %add3A_1281 : vector<16xi32>
          %eq3A_1283 = vector.broadcast %reduce_min3A_722 : i32 to vector<16xi32>
          %eq3A_1284 = arith.cmpi eq, %add3A_1282, %eq3A_1283 : vector<16xi32>
          %jit3A_1285 = arith.constant 0.000000e+00 : f32
          %broadcast_in_dim3A_1286 = vector.broadcast %jit3A_1285 : f32 to vector<16xf32>
          %select_n3A_1287 = arith.select %eq3A_1284, %get3A_1279, %broadcast_in_dim3A_1286 : vector<16xi1>, vector<16xf32>
          %add3A_1288 = arith.addf %add3A_1276, %select_n3A_1287 : vector<16xf32>
          %get3A_1289 = arith.index_cast %scan3A_132 : i32 to index
          %get3A_1290 = arith.constant 752 : index
          %get3A_1291 = tpu.vector_load %arg8[%get3A_1289, %get3A_1290] {strides = array<i32>} : memref<16x1000xf32, #tpu.memory_space<vmem>>, vector<16xf32>,
          %add3A_1292 = arith.constant 752 : i32
          %add3A_1293 = vector.broadcast %add3A_1292 : i32 to vector<16xi32>
          %add3A_1294 = arith.addi %iota3A, %add3A_1293 : vector<16xi32>
          %eq3A_1295 = vector.broadcast %reduce_min3A_722 : i32 to vector<16xi32>
          %eq3A_1296 = arith.cmpi eq, %add3A_1294, %eq3A_1295 : vector<16xi32>
          %jit3A_1297 = arith.constant 0.000000e+00 : f32
          %broadcast_in_dim3A_1298 = vector.broadcast %jit3A_1297 : f32 to vector<16xf32>
          %select_n3A_1299 = arith.select %eq3A_1296, %get3A_1291, %broadcast_in_dim3A_1298 : vector<16xi1>, vector<16xf32>
          %add3A_1300 = arith.addf %add3A_1288, %select_n3A_1299 : vector<16xf32>
          %get3A_1301 = arith.index_cast %scan3A_132 : i32 to index
          %get3A_1302 = arith.constant 768 : index
          %get3A_1303 = tpu.vector_load %arg8[%get3A_1301, %get3A_1302] {strides = array<i32>} : memref<16x1000xf32, #tpu.memory_space<vmem>>, vector<16xf32>,
          %add3A_1304 = arith.constant 768 : i32
          %add3A_1305 = vector.broadcast %add3A_1304 : i32 to vector<16xi32>
          %add3A_1306 = arith.addi %iota3A, %add3A_1305 : vector<16xi32>
          %eq3A_1307 = vector.broadcast %reduce_min3A_722 : i32 to vector<16xi32>
          %eq3A_1308 = arith.cmpi eq, %add3A_1306, %eq3A_1307 : vector<16xi32>
          %jit3A_1309 = arith.constant 0.000000e+00 : f32
          %broadcast_in_dim3A_1310 = vector.broadcast %jit3A_1309 : f32 to vector<16xf32>
          %select_n3A_1311 = arith.select %eq3A_1308, %get3A_1303, %broadcast_in_dim3A_1310 : vector<16xi1>, vector<16xf32>
          %add3A_1312 = arith.addf %add3A_1300, %select_n3A_1311 : vector<16xf32>
          %get3A_1313 = arith.index_cast %scan3A_132 : i32 to index
          %get3A_1314 = arith.constant 784 : index
          %get3A_1315 = tpu.vector_load %arg8[%get3A_1313, %get3A_1314] {strides = array<i32>} : memref<16x1000xf32, #tpu.memory_space<vmem>>, vector<16xf32>,
          %add3A_1316 = arith.constant 784 : i32
          %add3A_1317 = vector.broadcast %add3A_1316 : i32 to vector<16xi32>
          %add3A_1318 = arith.addi %iota3A, %add3A_1317 : vector<16xi32>
          %eq3A_1319 = vector.broadcast %reduce_min3A_722 : i32 to vector<16xi32>
          %eq3A_1320 = arith.cmpi eq, %add3A_1318, %eq3A_1319 : vector<16xi32>
          %jit3A_1321 = arith.constant 0.000000e+00 : f32
          %broadcast_in_dim3A_1322 = vector.broadcast %jit3A_1321 : f32 to vector<16xf32>
          %select_n3A_1323 = arith.select %eq3A_1320, %get3A_1315, %broadcast_in_dim3A_1322 : vector<16xi1>, vector<16xf32>
          %add3A_1324 = arith.addf %add3A_1312, %select_n3A_1323 : vector<16xf32>
          %get3A_1325 = arith.index_cast %scan3A_132 : i32 to index
          %get3A_1326 = arith.constant 800 : index
          %get3A_1327 = tpu.vector_load %arg8[%get3A_1325, %get3A_1326] {strides = array<i32>} : memref<16x1000xf32, #tpu.memory_space<vmem>>, vector<16xf32>,
          %add3A_1328 = arith.constant 800 : i32
          %add3A_1329 = vector.broadcast %add3A_1328 : i32 to vector<16xi32>
          %add3A_1330 = arith.addi %iota3A, %add3A_1329 : vector<16xi32>
          %eq3A_1331 = vector.broadcast %reduce_min3A_722 : i32 to vector<16xi32>
          %eq3A_1332 = arith.cmpi eq, %add3A_1330, %eq3A_1331 : vector<16xi32>
          %jit3A_1333 = arith.constant 0.000000e+00 : f32
          %broadcast_in_dim3A_1334 = vector.broadcast %jit3A_1333 : f32 to vector<16xf32>
          %select_n3A_1335 = arith.select %eq3A_1332, %get3A_1327, %broadcast_in_dim3A_1334 : vector<16xi1>, vector<16xf32>
          %add3A_1336 = arith.addf %add3A_1324, %select_n3A_1335 : vector<16xf32>
          %get3A_1337 = arith.index_cast %scan3A_132 : i32 to index
          %get3A_1338 = arith.constant 816 : index
          %get3A_1339 = tpu.vector_load %arg8[%get3A_1337, %get3A_1338] {strides = array<i32>} : memref<16x1000xf32, #tpu.memory_space<vmem>>, vector<16xf32>,
          %add3A_1340 = arith.constant 816 : i32
          %add3A_1341 = vector.broadcast %add3A_1340 : i32 to vector<16xi32>
          %add3A_1342 = arith.addi %iota3A, %add3A_1341 : vector<16xi32>
          %eq3A_1343 = vector.broadcast %reduce_min3A_722 : i32 to vector<16xi32>
          %eq3A_1344 = arith.cmpi eq, %add3A_1342, %eq3A_1343 : vector<16xi32>
          %jit3A_1345 = arith.constant 0.000000e+00 : f32
          %broadcast_in_dim3A_1346 = vector.broadcast %jit3A_1345 : f32 to vector<16xf32>
          %select_n3A_1347 = arith.select %eq3A_1344, %get3A_1339, %broadcast_in_dim3A_1346 : vector<16xi1>, vector<16xf32>
          %add3A_1348 = arith.addf %add3A_1336, %select_n3A_1347 : vector<16xf32>
          %get3A_1349 = arith.index_cast %scan3A_132 : i32 to index
          %get3A_1350 = arith.constant 832 : index
          %get3A_1351 = tpu.vector_load %arg8[%get3A_1349, %get3A_1350] {strides = array<i32>} : memref<16x1000xf32, #tpu.memory_space<vmem>>, vector<16xf32>,
          %add3A_1352 = arith.constant 832 : i32
          %add3A_1353 = vector.broadcast %add3A_1352 : i32 to vector<16xi32>
          %add3A_1354 = arith.addi %iota3A, %add3A_1353 : vector<16xi32>
          %eq3A_1355 = vector.broadcast %reduce_min3A_722 : i32 to vector<16xi32>
          %eq3A_1356 = arith.cmpi eq, %add3A_1354, %eq3A_1355 : vector<16xi32>
          %jit3A_1357 = arith.constant 0.000000e+00 : f32
          %broadcast_in_dim3A_1358 = vector.broadcast %jit3A_1357 : f32 to vector<16xf32>
          %select_n3A_1359 = arith.select %eq3A_1356, %get3A_1351, %broadcast_in_dim3A_1358 : vector<16xi1>, vector<16xf32>
          %add3A_1360 = arith.addf %add3A_1348, %select_n3A_1359 : vector<16xf32>
          %get3A_1361 = arith.index_cast %scan3A_132 : i32 to index
          %get3A_1362 = arith.constant 848 : index
          %get3A_1363 = tpu.vector_load %arg8[%get3A_1361, %get3A_1362] {strides = array<i32>} : memref<16x1000xf32, #tpu.memory_space<vmem>>, vector<16xf32>,
          %add3A_1364 = arith.constant 848 : i32
          %add3A_1365 = vector.broadcast %add3A_1364 : i32 to vector<16xi32>
          %add3A_1366 = arith.addi %iota3A, %add3A_1365 : vector<16xi32>
          %eq3A_1367 = vector.broadcast %reduce_min3A_722 : i32 to vector<16xi32>
          %eq3A_1368 = arith.cmpi eq, %add3A_1366, %eq3A_1367 : vector<16xi32>
          %jit3A_1369 = arith.constant 0.000000e+00 : f32
          %broadcast_in_dim3A_1370 = vector.broadcast %jit3A_1369 : f32 to vector<16xf32>
          %select_n3A_1371 = arith.select %eq3A_1368, %get3A_1363, %broadcast_in_dim3A_1370 : vector<16xi1>, vector<16xf32>
          %add3A_1372 = arith.addf %add3A_1360, %select_n3A_1371 : vector<16xf32>
          %get3A_1373 = arith.index_cast %scan3A_132 : i32 to index
          %get3A_1374 = arith.constant 864 : index
          %get3A_1375 = tpu.vector_load %arg8[%get3A_1373, %get3A_1374] {strides = array<i32>} : memref<16x1000xf32, #tpu.memory_space<vmem>>, vector<16xf32>,
          %add3A_1376 = arith.constant 864 : i32
          %add3A_1377 = vector.broadcast %add3A_1376 : i32 to vector<16xi32>
          %add3A_1378 = arith.addi %iota3A, %add3A_1377 : vector<16xi32>
          %eq3A_1379 = vector.broadcast %reduce_min3A_722 : i32 to vector<16xi32>
          %eq3A_1380 = arith.cmpi eq, %add3A_1378, %eq3A_1379 : vector<16xi32>
          %jit3A_1381 = arith.constant 0.000000e+00 : f32
          %broadcast_in_dim3A_1382 = vector.broadcast %jit3A_1381 : f32 to vector<16xf32>
          %select_n3A_1383 = arith.select %eq3A_1380, %get3A_1375, %broadcast_in_dim3A_1382 : vector<16xi1>, vector<16xf32>
          %add3A_1384 = arith.addf %add3A_1372, %select_n3A_1383 : vector<16xf32>
          %get3A_1385 = arith.index_cast %scan3A_132 : i32 to index
          %get3A_1386 = arith.constant 880 : index
          %get3A_1387 = tpu.vector_load %arg8[%get3A_1385, %get3A_1386] {strides = array<i32>} : memref<16x1000xf32, #tpu.memory_space<vmem>>, vector<16xf32>,
          %add3A_1388 = arith.constant 880 : i32
          %add3A_1389 = vector.broadcast %add3A_1388 : i32 to vector<16xi32>
          %add3A_1390 = arith.addi %iota3A, %add3A_1389 : vector<16xi32>
          %eq3A_1391 = vector.broadcast %reduce_min3A_722 : i32 to vector<16xi32>
          %eq3A_1392 = arith.cmpi eq, %add3A_1390, %eq3A_1391 : vector<16xi32>
          %jit3A_1393 = arith.constant 0.000000e+00 : f32
          %broadcast_in_dim3A_1394 = vector.broadcast %jit3A_1393 : f32 to vector<16xf32>
          %select_n3A_1395 = arith.select %eq3A_1392, %get3A_1387, %broadcast_in_dim3A_1394 : vector<16xi1>, vector<16xf32>
          %add3A_1396 = arith.addf %add3A_1384, %select_n3A_1395 : vector<16xf32>
          %get3A_1397 = arith.index_cast %scan3A_132 : i32 to index
          %get3A_1398 = arith.constant 896 : index
          %get3A_1399 = tpu.vector_load %arg8[%get3A_1397, %get3A_1398] {strides = array<i32>} : memref<16x1000xf32, #tpu.memory_space<vmem>>, vector<16xf32>,
          %add3A_1400 = arith.constant 896 : i32
          %add3A_1401 = vector.broadcast %add3A_1400 : i32 to vector<16xi32>
          %add3A_1402 = arith.addi %iota3A, %add3A_1401 : vector<16xi32>
          %eq3A_1403 = vector.broadcast %reduce_min3A_722 : i32 to vector<16xi32>
          %eq3A_1404 = arith.cmpi eq, %add3A_1402, %eq3A_1403 : vector<16xi32>
          %jit3A_1405 = arith.constant 0.000000e+00 : f32
          %broadcast_in_dim3A_1406 = vector.broadcast %jit3A_1405 : f32 to vector<16xf32>
          %select_n3A_1407 = arith.select %eq3A_1404, %get3A_1399, %broadcast_in_dim3A_1406 : vector<16xi1>, vector<16xf32>
          %add3A_1408 = arith.addf %add3A_1396, %select_n3A_1407 : vector<16xf32>
          %get3A_1409 = arith.index_cast %scan3A_132 : i32 to index
          %get3A_1410 = arith.constant 912 : index
          %get3A_1411 = tpu.vector_load %arg8[%get3A_1409, %get3A_1410] {strides = array<i32>} : memref<16x1000xf32, #tpu.memory_space<vmem>>, vector<16xf32>,
          %add3A_1412 = arith.constant 912 : i32
          %add3A_1413 = vector.broadcast %add3A_1412 : i32 to vector<16xi32>
          %add3A_1414 = arith.addi %iota3A, %add3A_1413 : vector<16xi32>
          %eq3A_1415 = vector.broadcast %reduce_min3A_722 : i32 to vector<16xi32>
          %eq3A_1416 = arith.cmpi eq, %add3A_1414, %eq3A_1415 : vector<16xi32>
          %jit3A_1417 = arith.constant 0.000000e+00 : f32
          %broadcast_in_dim3A_1418 = vector.broadcast %jit3A_1417 : f32 to vector<16xf32>
          %select_n3A_1419 = arith.select %eq3A_1416, %get3A_1411, %broadcast_in_dim3A_1418 : vector<16xi1>, vector<16xf32>
          %add3A_1420 = arith.addf %add3A_1408, %select_n3A_1419 : vector<16xf32>
          %get3A_1421 = arith.index_cast %scan3A_132 : i32 to index
          %get3A_1422 = arith.constant 928 : index
          %get3A_1423 = tpu.vector_load %arg8[%get3A_1421, %get3A_1422] {strides = array<i32>} : memref<16x1000xf32, #tpu.memory_space<vmem>>, vector<16xf32>,
          %add3A_1424 = arith.constant 928 : i32
          %add3A_1425 = vector.broadcast %add3A_1424 : i32 to vector<16xi32>
          %add3A_1426 = arith.addi %iota3A, %add3A_1425 : vector<16xi32>
          %eq3A_1427 = vector.broadcast %reduce_min3A_722 : i32 to vector<16xi32>
          %eq3A_1428 = arith.cmpi eq, %add3A_1426, %eq3A_1427 : vector<16xi32>
          %jit3A_1429 = arith.constant 0.000000e+00 : f32
          %broadcast_in_dim3A_1430 = vector.broadcast %jit3A_1429 : f32 to vector<16xf32>
          %select_n3A_1431 = arith.select %eq3A_1428, %get3A_1423, %broadcast_in_dim3A_1430 : vector<16xi1>, vector<16xf32>
          %add3A_1432 = arith.addf %add3A_1420, %select_n3A_1431 : vector<16xf32>
          %get3A_1433 = arith.index_cast %scan3A_132 : i32 to index
          %get3A_1434 = arith.constant 944 : index
          %get3A_1435 = tpu.vector_load %arg8[%get3A_1433, %get3A_1434] {strides = array<i32>} : memref<16x1000xf32, #tpu.memory_space<vmem>>, vector<16xf32>,
          %add3A_1436 = arith.constant 944 : i32
          %add3A_1437 = vector.broadcast %add3A_1436 : i32 to vector<16xi32>
          %add3A_1438 = arith.addi %iota3A, %add3A_1437 : vector<16xi32>
          %eq3A_1439 = vector.broadcast %reduce_min3A_722 : i32 to vector<16xi32>
          %eq3A_1440 = arith.cmpi eq, %add3A_1438, %eq3A_1439 : vector<16xi32>
          %jit3A_1441 = arith.constant 0.000000e+00 : f32
          %broadcast_in_dim3A_1442 = vector.broadcast %jit3A_1441 : f32 to vector<16xf32>
          %select_n3A_1443 = arith.select %eq3A_1440, %get3A_1435, %broadcast_in_dim3A_1442 : vector<16xi1>, vector<16xf32>
          %add3A_1444 = arith.addf %add3A_1432, %select_n3A_1443 : vector<16xf32>
          %get3A_1445 = arith.index_cast %scan3A_132 : i32 to index
          %get3A_1446 = arith.constant 960 : index
          %get3A_1447 = tpu.vector_load %arg8[%get3A_1445, %get3A_1446] {strides = array<i32>} : memref<16x1000xf32, #tpu.memory_space<vmem>>, vector<16xf32>,
          %add3A_1448 = arith.constant 960 : i32
          %add3A_1449 = vector.broadcast %add3A_1448 : i32 to vector<16xi32>
          %add3A_1450 = arith.addi %iota3A, %add3A_1449 : vector<16xi32>
          %eq3A_1451 = vector.broadcast %reduce_min3A_722 : i32 to vector<16xi32>
          %eq3A_1452 = arith.cmpi eq, %add3A_1450, %eq3A_1451 : vector<16xi32>
          %jit3A_1453 = arith.constant 0.000000e+00 : f32
          %broadcast_in_dim3A_1454 = vector.broadcast %jit3A_1453 : f32 to vector<16xf32>
          %select_n3A_1455 = arith.select %eq3A_1452, %get3A_1447, %broadcast_in_dim3A_1454 : vector<16xi1>, vector<16xf32>
          %add3A_1456 = arith.addf %add3A_1444, %select_n3A_1455 : vector<16xf32>
          %get3A_1457 = arith.index_cast %scan3A_132 : i32 to index
          %get3A_1458 = arith.constant 976 : index
          %get3A_1459 = tpu.vector_load %arg8[%get3A_1457, %get3A_1458] {strides = array<i32>} : memref<16x1000xf32, #tpu.memory_space<vmem>>, vector<16xf32>,
          %add3A_1460 = arith.constant 976 : i32
          %add3A_1461 = vector.broadcast %add3A_1460 : i32 to vector<16xi32>
          %add3A_1462 = arith.addi %iota3A, %add3A_1461 : vector<16xi32>
          %eq3A_1463 = vector.broadcast %reduce_min3A_722 : i32 to vector<16xi32>
          %eq3A_1464 = arith.cmpi eq, %add3A_1462, %eq3A_1463 : vector<16xi32>
          %jit3A_1465 = arith.constant 0.000000e+00 : f32
          %broadcast_in_dim3A_1466 = vector.broadcast %jit3A_1465 : f32 to vector<16xf32>
          %select_n3A_1467 = arith.select %eq3A_1464, %get3A_1459, %broadcast_in_dim3A_1466 : vector<16xi1>, vector<16xf32>
          %add3A_1468 = arith.addf %add3A_1456, %select_n3A_1467 : vector<16xf32>
          %get3A_1469 = arith.index_cast %scan3A_132 : i32 to index
          %get3A_1470 = arith.constant 984 : index
          %get3A_1471 = tpu.vector_load %arg8[%get3A_1469, %get3A_1470] {strides = array<i32>} : memref<16x1000xf32, #tpu.memory_space<vmem>>, vector<16xf32>,
          %add3A_1472 = arith.constant 984 : i32
          %add3A_1473 = vector.broadcast %add3A_1472 : i32 to vector<16xi32>
          %add3A_1474 = arith.addi %iota3A, %add3A_1473 : vector<16xi32>
          %eq3A_1475 = vector.broadcast %reduce_min3A_722 : i32 to vector<16xi32>
          %eq3A_1476 = arith.cmpi eq, %add3A_1474, %eq3A_1475 : vector<16xi32>
          %ge3A = arith.constant 8 : i32
          %ge3A_1477 = vector.broadcast %ge3A : i32 to vector<16xi32>
          %ge3A_1478 = arith.cmpi sge, %iota3A, %ge3A_1477 : vector<16xi32>
          %and3A_1479 = arith.andi %eq3A_1476, %ge3A_1478 : vector<16xi1>
          %jit3A_1480 = arith.constant 0.000000e+00 : f32
          %broadcast_in_dim3A_1481 = vector.broadcast %jit3A_1480 : f32 to vector<16xf32>
          %select_n3A_1482 = arith.select %and3A_1479, %get3A_1471, %broadcast_in_dim3A_1481 : vector<16xi1>, vector<16xf32>
          %add3A_1483 = arith.addf %add3A_1468, %select_n3A_1482 : vector<16xf32>
          %add3A_1484 = arith.addf %scan3A_133, %add3A_1483 : vector<16xf32>
          scf.yield %add3A_1484 : vector<16xf32>
        }
        %scan3A_128 = arith.constant 16 : i32
        %add3A_129 = arith.addf %get3A_120, %scan3A_127 : vector<16xf32>
        %swap3A_130 = arith.constant 0 : index
        %swap3A_131 = tpu.vector_load %arg9[%swap3A_130] {strides = array<i32>} : memref<16xf32, #tpu.memory_space<vmem>>, vector<16xf32>,
        tpu.vector_store %arg9[%swap3A_130], %add3A_129 {strides = array<i32>} : memref<16xf32, #tpu.memory_space<vmem>>, vector<16xf32>,
      } else {
      }
    }
    %scan3A_20 = arith.constant 8 : i32
    "tpu.region"() ({
      %run_scoped3A = tpu.sem_alloc : memref<!tpu.dma_semaphore, #tpu.memory_space<semaphore_mem>>
      %dma_start3A_21 = arith.constant 0 : i32
      %dma_start3A_22 = tpu.memref_slice %arg4[%add3A, %dma_start3A_21] : memref<32x16xf32, #tpu.memory_space<hbm>> -> memref<1x16xf32, #tpu.memory_space<hbm>>
      %dma_start3A_23 = tpu.memref_squeeze %dma_start3A_22 : memref<1x16xf32, #tpu.memory_space<hbm>> -> memref<16xf32, #tpu.memory_space<hbm>>
      %dma_start3A_24 = arith.constant 0 : i32
      %dma_start3A_25 = tpu.memref_slice %arg4[%add3A, %dma_start3A_24] : memref<32x16xf32, #tpu.memory_space<hbm>> -> memref<1x16xf32, #tpu.memory_space<hbm>>
      %dma_start3A_26 = tpu.memref_squeeze %dma_start3A_25 : memref<1x16xf32, #tpu.memory_space<hbm>> -> memref<16xf32, #tpu.memory_space<hbm>>
      tpu.enqueue_dma source(%arg9 : memref<16xf32, #tpu.memory_space<vmem>>) target(%dma_start3A_26 : memref<16xf32, #tpu.memory_space<hbm>>) target_semaphore(%run_scoped3A : memref<!tpu.dma_semaphore, #tpu.memory_space<semaphore_mem>>)
      %dma_wait3A = arith.constant 0 : i32
      %dma_wait3A_27 = tpu.memref_slice %arg4[%add3A, %dma_wait3A] : memref<32x16xf32, #tpu.memory_space<hbm>> -> memref<1x16xf32, #tpu.memory_space<hbm>>
      %dma_wait3A_28 = tpu.memref_squeeze %dma_wait3A_27 : memref<1x16xf32, #tpu.memory_space<hbm>> -> memref<16xf32, #tpu.memory_space<hbm>>
      %dma_wait3A_29 = arith.constant 0 : i32
      %dma_wait3A_30 = tpu.memref_slice %arg4[%add3A, %dma_wait3A_29] : memref<32x16xf32, #tpu.memory_space<hbm>> -> memref<1x16xf32, #tpu.memory_space<hbm>>
      %dma_wait3A_31 = tpu.memref_squeeze %dma_wait3A_30 : memref<1x16xf32, #tpu.memory_space<hbm>> -> memref<16xf32, #tpu.memory_space<hbm>>
      tpu.wait_dma2 semaphore(%run_scoped3A : memref<!tpu.dma_semaphore, #tpu.memory_space<semaphore_mem>>) src(%arg9 : memref<16xf32, #tpu.memory_space<vmem>>) dst(%dma_wait3A_31 : memref<16xf32, #tpu.memory_space<hbm>>)
      tpu.yield
    }) : () -> ()
    return
  }
}

module attributes {stable_mosaic.version = 14 : i64} {
  func.func @_tc_body(%arg0: i32, %arg1: memref<256x1000xf32, #tpu.memory_space<vmem>>, %arg2: memref<1x1xf32, #tpu.memory_space<smem>>) attributes {dimension_semantics = [#tpu.dimension_semantics<arbitrary>], iteration_bounds = array<i64: 16>, scalar_prefetch = 0 : i64, scratch_operands = 0 : i64, tpu.core_type = #tpu.core_type<tc>, window_params = [{transform_indices = @transform_0, window_bounds = array<i64: 256, 1000>}, {transform_indices = @transform_1, window_bounds = array<i64: 1, 1>}]} {
    %get3A = arith.constant 0 : index
    %get3A_0 = arith.constant 0 : index
    %get3A_1 = vector.load %arg1[%get3A, %get3A_0] : memref<256x1000xf32, #tpu.memory_space<vmem>>, vector<256x1000xf32>
    %reduce_sum3A = arith.constant dense<0.000000e+00> : vector<256xf32>
    %reduce_sum3A_2 = vector.multi_reduction <add>, %get3A_1, %reduce_sum3A [1] : vector<256x1000xf32> to vector<256xf32>
    %reduce_max3A = arith.constant dense<0xFF800000> : vector<256xf32>
    %reduce_max3A_3 = vector.multi_reduction <maximumf>, %get3A_1, %reduce_max3A [1] : vector<256x1000xf32> to vector<256xf32>
    %broadcast_in_dim3A = vector.shape_cast %reduce_max3A_3 : vector<256xf32> to vector<256x1xf32>
    %sub3A = vector.broadcast %broadcast_in_dim3A : vector<256x1xf32> to vector<256x1000xf32>
    %sub3A_4 = arith.subf %get3A_1, %sub3A : vector<256x1000xf32>
    %exp3A = math.exp %sub3A_4 : vector<256x1000xf32>
    %reduce_sum3A_5 = arith.constant dense<0.000000e+00> : vector<256xf32>
    %reduce_sum3A_6 = vector.multi_reduction <add>, %exp3A, %reduce_sum3A_5 [1] : vector<256x1000xf32> to vector<256xf32>
    %log3A = math.log %reduce_sum3A_6 : vector<256xf32>
    %squeeze3A = vector.shape_cast %broadcast_in_dim3A : vector<256x1xf32> to vector<256xf32>
    %add3A = arith.addf %squeeze3A, %log3A : vector<256xf32>
    %reduce_sum3A_7 = vector.shape_cast %reduce_sum3A_2 : vector<256xf32> to vector<1x256xf32>
    %reduce_sum3A_8 = arith.constant dense<0.000000e+00> : vector<1xf32>
    %reduce_sum3A_9 = vector.multi_reduction <add>, %reduce_sum3A_7, %reduce_sum3A_8 [1] : vector<1x256xf32> to vector<1xf32>
    %reduce_sum3A_10 = vector.shape_cast %reduce_sum3A_9 : vector<1xf32> to vector<1x1xf32>
    %reduce_sum3A_11 = vector.extract %reduce_sum3A_10[0, 0] : f32 from vector<1x1xf32>
    %mul3A = arith.constant -1.001001E-4 : f32
    %mul3A_12 = arith.mulf %mul3A, %reduce_sum3A_11 : f32
    %reduce_sum3A_13 = vector.shape_cast %add3A : vector<256xf32> to vector<1x256xf32>
    %reduce_sum3A_14 = arith.constant dense<0.000000e+00> : vector<1xf32>
    %reduce_sum3A_15 = vector.multi_reduction <add>, %reduce_sum3A_13, %reduce_sum3A_14 [1] : vector<1x256xf32> to vector<1xf32>
    %reduce_sum3A_16 = vector.shape_cast %reduce_sum3A_15 : vector<1xf32> to vector<1x1xf32>
    %reduce_sum3A_17 = vector.extract %reduce_sum3A_16[0, 0] : f32 from vector<1x1xf32>
    %mul3A_18 = arith.constant 1.000000e+00 : f32
    %mul3A_19 = arith.mulf %mul3A_18, %reduce_sum3A_17 : f32
    %add3A_20 = arith.addf %mul3A_12, %mul3A_19 : f32
    %eq3A = arith.constant 0 : i32
    %eq3A_21 = arith.cmpi eq, %arg0, %eq3A : i32
    %convert_element_type3A = arith.extui %eq3A_21 : i1 to i32
    %cond3A = arith.constant 0 : i32
    %cond3A_22 = arith.cmpi ne, %convert_element_type3A, %cond3A : i32
    scf.if %cond3A_22 {
      %swap3A_30 = arith.constant 0.000000e+00 : f32
      %swap3A_31 = arith.constant 0 : index
      %swap3A_32 = arith.constant 0 : index
      %swap3A_33 = memref.load %arg2[%swap3A_31, %swap3A_32] : memref<1x1xf32, #tpu.memory_space<smem>>
      memref.store %swap3A_30, %arg2[%swap3A_31, %swap3A_32] : memref<1x1xf32, #tpu.memory_space<smem>>
    } else {
    }
    %get3A_23 = arith.constant 0 : index
    %get3A_24 = arith.constant 0 : index
    %get3A_25 = memref.load %arg2[%get3A_23, %get3A_24] : memref<1x1xf32, #tpu.memory_space<smem>>
    %div3A = arith.constant 4.096000e+03 : f32
    %div3A_26 = arith.divf %add3A_20, %div3A : f32
    %add3A_27 = arith.addf %get3A_25, %div3A_26 : f32
    %swap3A = arith.constant 0 : index
    %swap3A_28 = arith.constant 0 : index
    %swap3A_29 = memref.load %arg2[%swap3A, %swap3A_28] : memref<1x1xf32, #tpu.memory_space<smem>>
    memref.store %add3A_27, %arg2[%swap3A, %swap3A_28] : memref<1x1xf32, #tpu.memory_space<smem>>
    return
  }
  func.func @transform_0(%arg0: i32) -> (i32, i32) {
    %c0_i32 = arith.constant 0 : i32
    %c0_i32_0 = arith.constant 0 : i32
    return %arg0, %c0_i32 : i32, i32
  }
  func.func @transform_1(%arg0: i32) -> (i32, i32) {
    %c0_i32 = arith.constant 0 : i32
    %c0_i32_0 = arith.constant 0 : i32
    %c0_i32_1 = arith.constant 0 : i32
    return %c0_i32, %c0_i32_0 : i32, i32
  }
}

</mosaic_0001>

<sc_bundles>
// kernel: kernel.4.cloned.1.call-start
scs
__scs_entry_jumppad:
0x0: {  	(pc) =	sbr.rel $0x88, $3  }
0x1: {  	(tag) =	ssettag $0x0;
	lr =	simm.s32 $0x1  }
0x2: {  	[smem:$0x3F9F] =	sst lr;
	_ =	strace $0xD0000000  }
0x3: {  	_ = 	snop  }
0x4: {  	_ = 	snop  }
0x5: {  	_ = 	snop  }
0x6: {  	_ = 	snop  }
0x7: {  	_ = 	snop  }
__scs_overlays_trampoline_lowered:
0x8: {  	[smem:$0x3FAE] =	sst s0  }
0x9: {  	[smem:$0x3FAF] =	sst s1  }
0xa: {  	[smem:$0x3FB0] =	sst s2  }
0xb: {  	[smem:$0x3FB1] =	sst s3  }
0xc: {  	[smem:$0x3FB2] =	sst s4  }
0xd: {  	[smem:$0x3FB3] =	sst s5  }
0xe: {  	[smem:$0x3FB4] =	sst s6  }
0xf: {  	[smem:$0x3FB5] =	sst s7  }
0x10: {  	[smem:$0x3FB6] =	sst s8  }
0x11: {  	[smem:$0x3FB7] =	sst s9;
	s0 =	simm.s32 @!p0 $0x0  }
0x12: {  	s1 =	sld [smem:$0x3F9D];
	s0 =	simm.s32 @p0 $0x1  }
0x13: {  	[smem:$0x3FB8] =	sst s0;
	s0 =	simm.s32 @!p1 $0x0  }
0x14: {  	s2 =	sld [smem:$0x3F9C];
	s0 =	simm.s32 @p1 $0x1  }
0x15: {  	[smem:$0x3FB9] =	sst s0;
	s0 =	simm.s32 @!p2 $0x0  }
0x16: {  	s3 =	sld [smem:$0x3FDB];
	s0 =	simm.s32 @p2 $0x1  }
0x17: {  	s4 =	simm.s32 $0x1BF5;
	[smem:$0x3FBB] =	sst s0  }
0x18: {  	s0 =	sld [smem:$0x3F9E];
	_ =	swait.ge [sflag:s4], $0x0  }
0x19: {  	s7 =	sld [smem:$0x3F9F]  }
0x1a: {  	s8 =	sadd.s32 $0xFFFFE003, lr  }
0x1b: {  	s9 =	sadd.s32 $0xFFFFFEF7, lr;
	s5 =	simm.s32 $0xFFFFFFFF;
	p2 =	slt.u32 s8, $0xFFFFF086  }
0x1c: {  	p1 =	slt.u32 s9, $0xF7A;
	s5 =	simm.s32 @!p2 $0x0  }
0x1d: {  	s5 =	simm.s32 @p1 $0x1;
	p0 =	seq.s32 s7, s2  }
0x1e: {  	s7 =	smul.u32 @!p0 $0xF7A, s2;
	p2 =	seq.s32 @!p0 s5, $0x0  }
0x1f: {  	s9 =	smul.u32 $0xF7A, s1;
	s8 =	simm.s32 @!p0 $0x1BF5;
	p2 =	por !p2, p0  }
0x20: {  	[sflag:s8] =	ssyncset.s32 @!p0 $0xFFFFF086;
	s6 =	sadd.s32 @!p0 s3, s7;
	s7 =	simm.s32 @!p0 $0x108  }
0x21: {  	s3 =	sadd.s32 s3, s9;
	s6 =	sadd.s32 @!p0 $0x88, s6;
	s7 =	simm.s32 @p2 $0x1082  }
0x22: {  	[simem:s7], [sflag:s8] =	dma.local @!p0 [hbm:s6], $0xF7A  }
0x23: {  	s9 =	sor.u32 $0xD0000000, s2;
	s6 =	simm.s32 $0x108;
	_ =	swait.ge @!p0 [sflag:s8], $0x0  }
0x24: {  	s3 =	sadd.s32 $0x88, s3;
	s6 =	simm.s32 @!p1 $0x1082;
	[sflag:s4] =	ssyncset.s32 $0xFFFFF086  }
0x25: {  	[simem:s6], [sflag:s4] =	dma.local [hbm:s3], $0xF7A  }
0x26: {  	[smem:$0x3F9F] =	sst s1;
	(tag) =	ssettag s2;
	_ =	strace s9  }
0x27: {  	s1 =	sld [smem:$0x3FAF]  }
0x28: {  	s2 =	sld [smem:$0x3FB0]  }
0x29: {  	s4 =	sld [smem:$0x3FB2]  }
0x2a: {  	p0 =	seq.s32 s5, $0x0;
	s5 =	sld [smem:$0x3FB3]  }
0x2b: {  	s6 =	sld [smem:$0x3FB4]  }
0x2c: {  	s7 =	sld [smem:$0x3FB5]  }
0x2d: {  	s3 =	simm.s32 $0x108;
	s8 =	sld [smem:$0x3FB6]  }
0x2e: {  	s3 =	simm.s32 @!p0 $0x1082;
	s9 =	sld [smem:$0x3FB7]  }
0x2f: {  	lr =	sadd.s32 s0, s3;
	s0 =	sld [smem:$0x3FAE]  }
0x30: {  	s3 =	sld [smem:$0x3FB1]  }
0x31: {  	[smem:$0x3FBA] =	sst s10  }
0x32: {  	s10 =	sld [smem:$0x3FB8];
	_ =	sdelay $0x3  }
0x33: {  	p0 =	seq.s32 s10, $0x1;
	s10 =	sld [smem:$0x3FBA];
	_ =	sdelay $0x3  }
0x34: {  	[smem:$0x3FBA] =	sst s10  }
0x35: {  	s10 =	sld [smem:$0x3FB9];
	_ =	sdelay $0x3  }
0x36: {  	p1 =	seq.s32 s10, $0x1;
	s10 =	sld [smem:$0x3FBA];
	_ =	sdelay $0x3  }
0x37: {  	[smem:$0x3FBA] =	sst s10  }
0x38: {  	s10 =	sld [smem:$0x3FBB]  }
0x39: {  	_ = 	snop;
	(pc) =	sbr.ind lr, $3  }
0x3a: {  	_ = 	snop  }
0x3b: {  	_ = 	snop  }
0x3c: {  	p2 =	seq.s32 s10, $0x1;
	s10 =	sld [smem:$0x3FBA]  }
0x3d: {  	_ =	shalt  }
0x3e: {  	_ =	shalt  }
0x3f: {  	_ =	shalt  }
0x40: {  	_ =	shalt  }
0x41: {  	_ =	shalt  }
0x42: {  	_ =	shalt  }
0x43: {  	_ =	shalt  }
0x44: {  	_ =	shalt  }
0x45: {  	_ =	shalt  }
0x46: {  	_ =	shalt  }
0x47: {  	_ =	shalt  }
0x48: {  	_ =	shalt  }
0x49: {  	_ =	shalt  }
0x4a: {  	_ =	shalt  }
0x4b: {  	_ =	shalt  }
0x4c: {  	_ =	shalt  }
0x4d: {  	_ =	shalt  }
0x4e: {  	_ =	shalt  }
0x4f: {  	_ =	shalt  }
0x50: {  	_ =	shalt  }
0x51: {  	_ =	shalt  }
0x52: {  	_ =	shalt  }
0x53: {  	_ =	shalt  }
0x54: {  	_ =	shalt  }
0x55: {  	_ =	shalt  }
0x56: {  	_ =	shalt  }
0x57: {  	_ =	shalt  }
0x58: {  	_ =	shalt  }
0x59: {  	_ =	shalt  }
0x5a: {  	_ =	shalt  }
0x5b: {  	_ =	shalt  }
0x5c: {  	_ =	shalt  }
0x5d: {  	_ =	shalt  }
0x5e: {  	_ =	shalt  }
0x5f: {  	_ =	shalt  }
0x60: {  	_ =	shalt  }
0x61: {  	_ =	shalt  }
0x62: {  	_ =	shalt  }
0x63: {  	_ =	shalt  }
0x64: {  	_ =	shalt  }
0x65: {  	_ =	shalt  }
0x66: {  	_ =	shalt  }
0x67: {  	_ =	shalt  }
0x68: {  	_ =	shalt  }
0x69: {  	_ =	shalt  }
0x6a: {  	_ =	shalt  }
0x6b: {  	_ =	shalt  }
0x6c: {  	_ =	shalt  }
0x6d: {  	_ =	shalt  }
0x6e: {  	_ =	shalt  }
0x6f: {  	_ =	shalt  }
0x70: {  	_ =	shalt  }
0x71: {  	_ =	shalt  }
0x72: {  	_ =	shalt  }
0x73: {  	_ =	shalt  }
0x74: {  	_ =	shalt  }
0x75: {  	_ =	shalt  }
0x76: {  	_ =	shalt  }
0x77: {  	_ =	shalt  }
0x78: {  	_ =	shalt  }
0x79: {  	_ =	shalt  }
0x7a: {  	_ =	shalt  }
0x7b: {  	_ =	shalt  }
0x7c: {  	_ =	shalt  }
0x7d: {  	_ =	shalt  }
0x7e: {  	_ =	shalt  }
0x7f: {  	_ =	shalt  }
0x80: {  	_ =	shalt  }
0x81: {  	_ =	shalt  }
0x82: {  	_ =	shalt  }
0x83: {  	_ =	shalt  }
0x84: {  	_ =	shalt  }
0x85: {  	_ =	shalt  }
0x86: {  	_ =	shalt  }
0x87: {  	_ =	shalt  }
.Lfunc_end0:
.L_simem_size_0:
called_computation_lowered:
.L_overlay_start_0:
0x88: {  	s2 =	sld [smem:$0x3FD9]  }
0x89: {  	s3 =	sld [smem:$0x3FFE];
	_ =	sdelay $0x1  }
0x8a: {  	s1 =	srdreg.scid  }
0x8b: {  	s0 =	sand.u32 $0x1, s1  }
0x8c: {  	s16 =	sshll.u32 s0, $0xA;
	s2 =	sadd.s32 s3, s2  }
0x8d: {  	s2 =	sadd.s32 s2, s16  }
0x8e: {  	[smem:$0x3FC6] =	sst s2  }
0x8f: {  	_ = 	snop  }
0x90: {  	(tm) =	ssettm $0x1  }
0x91: {  	s17 =	sld [smem:$0x3FFB];
	_ =	sdelay $0x3  }
0x92: {  	_ =	strace s17  }
0x93: {  	s2 =	sld [smem:$0x3FFC];
	_ =	sdelay $0x3  }
0x94: {  	_ =	strace s2  }
0x95: {  	s2 =	sld [smem:$0x3FFD];
	_ =	sdelay $0x3  }
0x96: {  	_ =	strace s2  }
0x97: {  	_ =	strace $0x8FFFFFFF  }
0x98: {  	s18 =	sld [smem:$0x3FDB];
	_ =	sdelay $0x1  }
0x99: {  	s19 =	simm.s32 $_scs_section_size  }
0x9a: {  	s4 =	simm.s32 $_size__tile_overlayer_lowered;
	s5 =	simm.s32 $_tile_overlayer_lowered  }
0x9b: {  	s22 =	simm.s32 $0x1BFF;
	s21 =	sshll.u32 s5, $0x1;
	s2 =	sadd.s32 s19, s18  }
0x9c: {  	s6 =	simm.s32 $0x0;
	s20 =	sshll.u32 s4, $0x1;
	s4 =	sadd.s32 s21, s2  }
0x9d: {  	[timem:s6], [sflag:s22] =	dma.local [hbm:s4], s20  }
0x9e: {  	_ =	swait.ge [sflag:s22], s20  }
0x9f: {  	s3 =	ssub.s32 $0x0, s20;
	[sflag:s22] =	ssyncset.done $0x0  }
0xa0: {  	[sflag:s22] =	ssyncadd.s32 s3;
	_ =	sdelay $0x1  }
0xa1: {  	s23 =	simm.s32 $0x1B8B  }
0xa2: {  	_ =	swait.ge [sflag:s23], $0x1  }
0xa3: {  	[sflag:s23] =	ssyncset.done $0x0  }
0xa4: {  	s25 =	simm.s32 $0x1B8E;
	s24 =	sld [smem:$0x3FFE];
	[sflag:s23] =	ssyncadd.s32 $0xFFFFFFFF  }
0xa5: {  	s26 =	simm.s32 $execute0_lowered;
	[smem:$0x3FD2] =	sst s25  }
0xa6: {  	s4 =	sshll.u32 s26, $0x1;
	_ =	strace $0x80000046;
	[dreg:$0x1] =	wrdreg $0xFFFFFFFF  }
0xa7: {  	s28 =	simm.s32 $_size_execute0_lowered;
	s2 =	sadd.s32 s2, s4;
	[dreg:$0x0] =	wrdreg $0x0  }
0xa8: {  	s4 =	sshll.u32 s28, $0x1;
	[dreg:$0x2] =	wrdreg s2  }
0xa9: {  	[dreg:$0x3] =	wrdreg s4  }
0xaa: {  	[dreg:$0x4] =	wrdreg $0xC0  }
0xab: {  	_ =	task [dreg:s6], $0x5FFFF  }
0xac: {  	[dreg:$0x1] =	wrdreg $0xFFFFFFFF  }
0xad: {  	[dreg:$0x0] =	wrdreg $0x60  }
0xae: {  	[dreg:$0x2] =	wrdreg s24  }
0xaf: {  	[dreg:$0x3] =	wrdreg $0x9  }
0xb0: {  	_ =	task.clear_ibuf [dreg:s6], $0x4FFFF;
	_ =	strace $0x90000046  }
0xb1: {  	s29 =	simm.s32 $0x9;
	_ =	strace $0x80000048  }
0xb2: {  	_ =	swait.ge [sflag:s29], $0x1  }
0xb3: {  	[sflag:s29] =	ssyncadd.s32 $0xFFFFFFFF  }
0xb4: {  	_ =	strace $0x90000048  }
0xb5: {  	_ =	sfence  }
0xb6: {  	s30 =	sld [smem:$0x0];
	_ =	sdelay $0x2  }
0xb7: {  	s31 =	sshll.u32 s1, $0xD;
	s1 =	sshrl.u32 s1, $0x2  }
0xb8: {  	s3 =	sand.u32 $0x4000, s31;
	s1 =	sadd.s32 s1, s30  }
0xb9: {  	s0 =	sor.u32 s3, s0;
	s1 =	sshll.u32 s1, $0x11  }
0xba: {  	s0 =	sor.u32 s1, s0  }
0xbb: {  	s0 =	sadd.s32 $0x8F2B, s0  }
0xbc: {  	[sflag:s0] =	ssyncadd.remote.s32 $0x1  }
0xbd: {  	_ =	sfence.sel $0xFFFF  }
0xbe: {  	[dreg:$0x0] =	wrdreg $0xFFFFFFFF;
	(pc) =	sbr.abs _section_cstart, $3  }
0xbf: {  	[dreg:$0x1] =	wrdreg $0xFFFFFFFF  }
0xc0: {  	_ =	task.clear_ibuf [dreg:s6], $0x2FFFF;
	_ =	strace $0x9FFFFFFF  }
0xc1: {  	(tm) =	ssettm $0x7FFFFFFF  }
tec
execute0_lowered:
.L_overlay_start_1:
0x0: {  	(tag) =	ssettag $0x1  }
0x1: {  	v0 =	vlaneseq.u32  }
0x2: {  	v1 =	vor.u32 $0x180, v0  }
0x3: {  	v46 =	vor.u32 $0x190, v0;
	[tilespmem:$0x1FC30] =	vst v1  }
0x4: {  	v48 =	vor.u32 $0x1C0, v0;
	[tilespmem:$0x1FC40] =	vst v46  }
0x5: {  	v50 =	vor.u32 $0x1D0, v0;
	[tilespmem:$0x1FC50] =	vst v48  }
0x6: {  	v53 =	vor.u32 $0x1E0, v0;
	[tilespmem:$0x1FC60] =	vst v50  }
0x7: {  	v54 =	vor.u32 $0x1F0, v0;
	[tilespmem:$0x1FC70] =	vst v53  }
0x8: {  	v55 =	vor.u32 $0x200, v0;
	[tilespmem:$0x1FC80] =	vst v54  }
0x9: {  	s7 =	simm.s32 $0x0;
	v56 =	vor.u32 $0x260, v0;
	[tilespmem:$0x1FC90] =	vst v55  }
0xa: {  	[smem:$0x7FF] =	sst s7;
	v57 =	vor.u32 $0x270, v0;
	[tilespmem:$0x1FCA0] =	vst v56  }
0xb: {  	s0 =	rddreg [dreg:$0x0];
	v62 =	vor.u32 $0x290, v0;
	_ =	strace $0x80000047;
	[tilespmem:$0x1FCB0] =	vst v57  }
0xc: {  	v9 =	vor.u32 $0x40, v0;
	[tilespmem:$0x1FCC0] =	vst v62  }
0xd: {  	v22 =	vor.u32 $0x2A0, v0;
	[tilespmem:$0x1FCD0] =	vst v9  }
0xe: {  	v63 =	vor.u32 $0x350, v0;
	[tilespmem:$0x1FCE0] =	vst v22  }
0xf: {  	v2 =	vor.u32 $0x370, v0;
	[tilespmem:$0x1FCF0] =	vst v63  }
0x10: {  	v3 =	vor.u32 $0x360, v0;
	[tilespmem:$0x1FD00] =	vst v2  }
0x11: {  	v4 =	vor.u32 $0x380, v0;
	[tilespmem:$0x1FD10] =	vst v3  }
0x12: {  	v5 =	vor.u32 $0x390, v0;
	[tilespmem:$0x1FD20] =	vst v4  }
0x13: {  	v6 =	vor.u32 $0x3A0, v0;
	[tilespmem:$0x1FD30] =	vst v5  }
0x14: {  	v7 =	vor.u32 $0x3B0, v0;
	[tilespmem:$0x1FD40] =	vst v6  }
0x15: {  	v23 =	vor.u32 $0x3C0, v0;
	[tilespmem:$0x1FD50] =	vst v7  }
0x16: {  	v10 =	vor.u32 $0x3D0, v0;
	[tilespmem:$0x1FD60] =	vst v23  }
0x17: {  	v12 =	vor.u32 $0x310, v0;
	[tilespmem:$0x1FD70] =	vst v10  }
0x18: {  	v11 =	vor.u32 $0x2B0, v0;
	[tilespmem:$0x1FD80] =	vst v12  }
0x19: {  	v13 =	vor.u32 $0x320, v0;
	[tilespmem:$0x1FD90] =	vst v11  }
0x1a: {  	v55 =	vor.u32 $0x340, v0;
	[tilespmem:$0x1FDA0] =	vst v13  }
0x1b: {  	v16 =	vor.u32 $0x330, v0;
	[tilespmem:$0x1FDB0] =	vst v55  }
0x1c: {  	v15 =	vor.u32 $0x2F0, v0;
	[tilespmem:$0x1FDC0] =	vst v16  }
0x1d: {  	v39 =	vor.u32 $0x170, v0;
	[tilespmem:$0x1FDD0] =	vst v15  }
0x1e: {  	v25 =	vor.u32 $0x1A0, v0;
	[tilespmem:$0x1FDF0] =	vst v39  }
0x1f: {  	v37 =	vor.u32 $0x1B0, v0;
	[tilespmem:$0x1FE00] =	vst v25  }
0x20: {  	v38 =	vor.u32 $0x210, v0;
	[tilespmem:$0x1FE10] =	vst v37  }
0x21: {  	v59 =	vor.u32 $0x220, v0;
	[tilespmem:$0x1FE20] =	vst v38  }
0x22: {  	v36 =	vor.u32 $0x230, v0;
	[tilespmem:$0x1FE30] =	vst v59  }
0x23: {  	v40 =	vor.u32 $0x280, v0;
	[tilespmem:$0x1FE40] =	vst v36  }
0x24: {  	v61 =	vor.u32 $0x10, v0;
	[tilespmem:$0x1FE50] =	vst v40  }
0x25: {  	v49 =	vor.u32 $0x50, v0;
	[tilespmem:$0x1FE60] =	vst v61  }
0x26: {  	v44 =	vor.u32 $0x20, v0;
	[tilespmem:$0x1FE70] =	vst v49  }
0x27: {  	v33 =	vor.u32 $0x60, v0;
	[tilespmem:$0x1FE80] =	vst v44  }
0x28: {  	v52 =	vor.u32 $0x30, v0;
	[tilespmem:$0x1FE90] =	vst v33  }
0x29: {  	v51 =	vor.u32 $0x70, v0;
	[tilespmem:$0x1FEA0] =	vst v52  }
0x2a: {  	v30 =	vor.u32 $0x80, v0;
	[tilespmem:$0x1FEB0] =	vst v51  }
0x2b: {  	v32 =	vor.u32 $0x90, v0;
	[tilespmem:$0x1FEC0] =	vst v30  }
0x2c: {  	v35 =	vor.u32 $0xA0, v0;
	[tilespmem:$0x1FED0] =	vst v32  }
0x2d: {  	v47 =	vor.u32 $0xB0, v0;
	[tilespmem:$0x1FEE0] =	vst v35  }
0x2e: {  	v28 =	vor.u32 $0xC0, v0;
	[tilespmem:$0x1FEF0] =	vst v47  }
0x2f: {  	v60 =	vor.u32 $0xD0, v0;
	[tilespmem:$0x1FF00] =	vst v28  }
0x30: {  	v58 =	vor.u32 $0xE0, v0;
	[tilespmem:$0x1FF10] =	vst v60  }
0x31: {  	v21 =	vor.u32 $0xF0, v0;
	[tilespmem:$0x1FF20] =	vst v58  }
0x32: {  	v18 =	vor.u32 $0x100, v0;
	[tilespmem:$0x1FF30] =	vst v21  }
0x33: {  	v53 =	vor.u32 $0x240, v0;
	[tilespmem:$0x1FF40] =	vst v18  }
0x34: {  	v42 =	vor.u32 $0x250, v0;
	[tilespmem:$0x1FF50] =	vst v53  }
0x35: {  	v29 =	vor.u32 $0x150, v0;
	[tilespmem:$0x1FF60] =	vst v42  }
0x36: {  	s1 =	srdreg.scid;
	s2 =	stileid.u32;
	v45 =	vor.u32 $0x160, v0;
	[tilespmem:$0x1FF70] =	vst v29  }
0x37: {  	s1 =	sand.u32 $0x1, s1;
	s2 =	sshll.u32 s2, $0x1;
	v50 =	vor.u32 $0x2C0, v0;
	[tilespmem:$0x1FF80] =	vst v45  }
0x38: {  	s11 =	simm.s32 $0x1;
	v41 =	vor.u32 $0x2D0, v0;
	s2 =	sor.u32 s1, s2;
	[tilespmem:$0x1FF90] =	vst v50  }
0x39: {  	s12 =	simm.s32 $0x3;
	v20 =	vor.u32 $0x110, v0;
	s3 =	sadd.s32 $0x82000, s0;
	s5 =	sshll.u32 s2, $0x4;
	[tilespmem:$0x1FFA0] =	vst v41  }
0x3a: {  	v34 =	vor.u32 $0x120, v0;
	s4 =	sadd.s32 $0x2000, s0;
	[tilespmem:$0x1FFB0] =	vst v20;
	s0 =	sadd.s32 s5, s0;
	s5 =	sshll.u32 s2, $0xE  }
.Ltmp0:
0x3b: {  	v26 =	vor.u32 $0x130, v0;
	s1 =	ssub.s32 $0x2, s1;
	[tilespmem:$0x1FFC0] =	vst v34;
	s2 =	sadd.s32 s3, s5;
	(pc) =	sbr.rel .LBB2_1-.Ltmp0, $4  }
0x3c: {  	v48 =	vor.u32 $0x2E0, v0;
	s6 =	sshrl.u32 s1, $0x1;
	[tilespmem:$0x1FFD0] =	vst v26;
	s30 =	sadd.s32 s4, s5;
	[dreg:$0x2] =	wrdreg s2  }
0x3d: {  	v27 =	vor.u32 $0x140, v0;
	[tilespmem:$0x1FFE0] =	vst v48;
	s1 =	ssub.s32 s1, s6;
	s0 =	sadd.s32 $0x102000, s0;
	[dreg:$0x3] =	wrdreg s30  }
0x3e: {  	s13 =	simm.s32 $0x2;
	v57 =	vor.u32 $0x300, v0;
	[tilespmem:$0x1FFF0] =	vst v27;
	s31 =	smax.u32 s1, $0x1;
	[dreg:$0x4] =	wrdreg s0  }
0x3f: {  	s14 =	simm.s32 $0x4;
	vm0 =	vcmask $0x3F20;
	s17 =	simm.s32 $0x0;
	v56 =	vmov v9;
	[tilespmem:$0x1FDE0] =	vst v57;
	[dreg:$0x5] =	wrdreg s31  }
.LBB2_11:
0x40: {  	s7 =	simm.s32 $0x0  }
0x41: {  	s0 =	rddreg [dreg:$0x4];
	s1 =	simm.s32 $0x10000;
	s30 =	simm.s32 $0x5  }
0x42: {  	[hbm4b:s0+s7] =	stream.linear.scatter [tilespmem:s1], [sflag:$0x5], $0x80, $0x38;
	[tilespmem:$0x10080] =	vst v63  }
0x43: {  	_ =	swait.ge [sflag:s30], $0x80  }
0x44: {  	s17 =	sadd.s32 $0x1, s17;
	s31 =	rddreg [dreg:$0x5]  }
0x45: {  	p0 =	sne.s32 s17, s31  }
.Ltmp1:
0x46: {  	_ = 	snop;
	(pc) =	sbr.rel @!p0 .LBB2_12-.Ltmp1, $3  }
0x47: {  	_ =	sdelay $0x1  }
0x48: {  	[sflag:s30] =	ssyncset.done $0x0  }
0x49: {  	[sflag:s30] =	ssyncadd.s32 $0xFFFFFF80  }
.LBB2_1:
.Ltmp2:
0x4a: {  	v0 =	vimm.f32 $0.0e+00;
	(pc) =	sbr.rel .LBB2_2-.Ltmp2, $4  }
0x4b: {  	s0 =	rddreg [dreg:$0x2];
	[tilespmem:$0x10000] =	vst v0  }
0x4c: {  	[tilespmem:s7], [sflag:$0x1] =	stream.linear.gather [hbm4b:s0+s7], $0x4000, $0x38;
	[tilespmem:$0x10080] =	vst v63  }
0x4d: {  	s31 =	rddreg [dreg:$0x3];
	s1 =	simm.s32 $0x8000;
	s18 =	simm.s32 $0x0  }
0x4e: {  	[tilespmem:s1], [sflag:$0x3] =	stream.linear.gather [hbm4b:s31+s7], $0x4000, $0x38;
	[tilespmem:$0x10080] =	vst v63  }
.LBB2_10:
0x4f: {  	p0 =	sne.s32 s18, $0x8  }
.Ltmp3:
0x50: {  	_ = 	snop;
	(pc) =	sbr.rel @!p0 .LBB2_11-.Ltmp3, $1  }
0x51: {  	_ =	sdelay $0x3  }
.LBB2_2:
0x52: {  	s1 =	sand.u32 $0x1, s18  }
0x53: {  	s0 =	smov.u32 s18;
	s18 =	sadd.s32 $0x1, s18;
	p0 =	seq.s32 s1, $0x1  }
0x54: {  	p1 =	seq.s32 s0, $0x7;
	s2 =	sshll.u32 @!p0 s18, $0xB  }
0x55: {  	s7 =	simm.s32 @!p0 $0x0;
	p1 =	por !p0, p1;
	s2 =	sadd.s32 @!p0 s5, s2  }
0x56: {  	s8 =	simm.s32 @!p0 $0x4000;
	s0 =	sshll.u32 @!p1 s18, $0xB;
	s6 =	sadd.s32 @!p0 s3, s2  }
0x57: {  	[tilespmem:s8], [sflag:$0x2] =	stream.linear.gather @!p0 [hbm4b:s6+s7], $0x4000, $0x38;
	[tilespmem:$0x10080] =	vst v63  }
0x58: {  	s2 =	sadd.s32 @!p0 s4, s2;
	s0 =	sadd.s32 @!p1 s5, s0;
	s6 =	simm.s32 @!p0 $0xC000  }
0x59: {  	[tilespmem:s6], [sflag:$0x4] =	stream.linear.gather @!p0 [hbm4b:s2+s7], $0x4000, $0x38;
	[tilespmem:$0x10080] =	vst v63  }
0x5a: {  	s2 =	sadd.s32 @!p1 s3, s0;
	s6 =	simm.s32 @!p1 $0x0  }
0x5b: {  	[tilespmem:s6], [sflag:$0x1] =	stream.linear.gather @!p1 [hbm4b:s2+s6], $0x4000, $0x38;
	[tilespmem:$0x10080] =	vst v63  }
0x5c: {  	s0 =	sadd.s32 @!p1 s4, s0;
	s2 =	simm.s32 @!p1 $0x8000  }
0x5d: {  	[tilespmem:s2], [sflag:$0x3] =	stream.linear.gather @!p1 [hbm4b:s0+s6], $0x4000, $0x38;
	[tilespmem:$0x10080] =	vst v63  }
0x5e: {  	p1 =	sne.s32 s1, $0x0  }
.Ltmp4:
0x5f: {  	_ = 	snop;
	(pc) =	sbr.rel @p1 .LBB2_6-.Ltmp4, $1  }
0x60: {  	_ =	sdelay $0x3  }
0x61: {  	_ =	swait.ge [sflag:s11], $0x4000  }
0x62: {  	[sflag:s11] =	ssyncset.done $0x0  }
0x63: {  	[sflag:s11] =	ssyncadd.s32 $0xFFFFC000  }
0x64: {  	s29 =	simm.s32 $0x0;
	s0 =	simm.s32 $0x0;
	_ =	swait.ge [sflag:s12], $0x4000  }
0x65: {  	s0 =	sand.u32 $0x2000, s0;
	s1 =	sand.u32 $0x380, s29;
	[sflag:s12] =	ssyncset.done $0x0  }
0x66: {  	s19 =	sor.u32 s1, s0;
	[sflag:s12] =	ssyncadd.s32 $0xFFFFC000  }
0x67: {  	v0 =	vld [tilespmem:s19+$0x30]  }
0x68: {  	v1 =	vld [tilespmem:s19+$0x70]  }
0x69: {  	v2 =	vld [tilespmem:s19+$0x20]  }
0x6a: {  	v3 =	vld [tilespmem:s19+$0x60]  }
0x6b: {  	v4 =	vld [tilespmem:s19+$0x0]  }
0x6c: {  	v5 =	vld [tilespmem:s19+$0x10]  }
0x6d: {  	v6 =	vld [tilespmem:s19+$0x40]  }
0x6e: {  	v17 =	vlaneseq.u32;
	v7 =	vld [tilespmem:s19+$0x50]  }
0x6f: {  	v17 =	vadd.s32 $0x3D8, v17;
	v8 =	vld [tilespmem:s19+$0x430]  }
0x70: {  	v9 =	vld [tilespmem:s19+$0x420]  }
0x71: {  	v62 =	vmov v10;
	v10 =	vld [tilespmem:s19+$0x400]  }
0x72: {  	[tilespmem:$0x1FBE0] =	vst v17;
	v17 =	vmov v11;
	v11 =	vld [tilespmem:s19+$0x410]  }
0x73: {  	v14 =	vld [tilespmem:s19+$0x470];
	vm1 =	vgt.f32 v3, v2;
	vm2 =	vgt.f32 v1, v0  }
0x74: {  	vm3 =	vgt.f32 v6, v4;
	vm4 =	vgt.f32 v7, v5;
	v0 =	vsel vm2, v1, v0;
	v1 =	vld [tilespmem:s19+$0x460]  }
0x75: {  	v2 =	vsel vm1, v3, v2;
	v3 =	vsel vm3, v6, v4;
	v4 =	vsel vm4, v7, v5;
	v5 =	vld [tilespmem:s19+$0x440]  }
0x76: {  	v6 =	vld [tilespmem:s19+$0x450]  }
0x77: {  	v24 =	vlaneseq.u32;
	v46 =	vmovc v12;
	v19 =	vmovc v13;
	v12 =	vsel vm2, v51, v52;
	v52 =	vmov v36;
	v36 =	vld [tilespmem:$0x1FC60]  }
0x78: {  	v63 =	vmovc v15;
	v13 =	vsel vm1, v33, v44;
	v15 =	vsel vm3, v56, v24;
	v33 =	vld [tilespmem:$0x1FCA0];
	vm3 =	vgt.f32 v9, v2  }
0x79: {  	v43 =	vmov v57;
	vm1 =	vgt.f32 v8, v0;
	v7 =	vsel vm3, v35, v13;
	v13 =	vld [tilespmem:s19+$0x830]  }
0x7a: {  	v57 =	vmovc v16;
	v16 =	vsel vm4, v49, v61;
	vm2 =	vgt.f32 v10, v3;
	v0 =	vsel vm1, v8, v0;
	v8 =	vld [tilespmem:s19+$0x820]  }
0x7b: {  	vm4 =	vgt.f32 v11, v4;
	v12 =	vsel vm1, v47, v12;
	v2 =	vsel vm3, v9, v2;
	v9 =	vld [tilespmem:s19+$0x800]  }
0x7c: {  	v15 =	vsel vm2, v30, v15;
	v3 =	vsel vm2, v10, v3;
	v10 =	vld [tilespmem:s19+$0x810];
	vm2 =	vgt.f32 v14, v0  }
0x7d: {  	v4 =	vsel vm4, v11, v4;
	v11 =	vsel vm2, v21, v12;
	v12 =	vld [tilespmem:s19+$0x870];
	vm1 =	vgt.f32 v1, v2  }
0x7e: {  	v16 =	vsel vm4, v32, v16;
	vm3 =	vgt.f32 v5, v3;
	v1 =	vsel vm1, v1, v2;
	v2 =	vld [tilespmem:s19+$0x860]  }
0x7f: {  	vm4 =	vgt.f32 v6, v4;
	v7 =	vsel vm1, v58, v7;
	v3 =	vsel vm3, v5, v3;
	v5 =	vld [tilespmem:s19+$0x840]  }
0x80: {  	v15 =	vsel vm3, v28, v15;
	v4 =	vsel vm4, v6, v4;
	v6 =	vld [tilespmem:s19+$0x850];
	vm1 =	vgt.f32 v9, v3  }
0x81: {  	v0 =	vsel vm2, v14, v0;
	v14 =	vsel vm1, v18, v15;
	v15 =	vld [tilespmem:s19+$0xC30]  }
0x82: {  	vm2 =	vgt.f32 v8, v1;
	v3 =	vsel vm1, v9, v3;
	v9 =	vld [tilespmem:s19+$0xC20]  }
0x83: {  	v16 =	vsel vm4, v60, v16;
	vm4 =	vgt.f32 v10, v4;
	v1 =	vsel vm2, v8, v1;
	v8 =	vld [tilespmem:s19+$0xC00]  }
0x84: {  	v4 =	vsel vm4, v10, v4;
	v10 =	vld [tilespmem:s19+$0xC10]  }
0x85: {  	v54 =	vmovc v49;
	v49 =	vmovc v21;
	v21 =	vmov v38;
	v38 =	vmov v18;
	vm3 =	vgt.f32 v13, v0;
	v18 =	vld [tilespmem:$0x1FC30]  }
0x86: {  	v16 =	vsel vm4, v20, v16;
	v0 =	vsel vm3, v13, v0;
	v20 =	vld [tilespmem:$0x1FC80]  }
0x87: {  	v7 =	vsel vm2, v34, v7;
	v34 =	vld [tilespmem:$0x1FCB0];
	vm2 =	vgt.f32 v12, v0  }
0x88: {  	v11 =	vsel vm3, v26, v11;
	v0 =	vsel vm2, v12, v0;
	v12 =	vld [tilespmem:s19+$0xC60];
	vm3 =	vgt.f32 v5, v3  }
0x89: {  	vm1 =	vgt.f32 v2, v1;
	vm4 =	vgt.f32 v6, v4;
	v13 =	vsel vm3, v27, v14;
	v14 =	vld [tilespmem:s19+$0xC70]  }
0x8a: {  	v1 =	vsel vm1, v2, v1;
	v2 =	vsel vm3, v5, v3;
	v3 =	vsel vm4, v6, v4;
	v4 =	vld [tilespmem:s19+$0xC40]  }
0x8b: {  	v7 =	vsel vm1, v45, v7;
	v5 =	vld [tilespmem:s19+$0xC50];
	vm1 =	vgt.f32 v15, v0  }
0x8c: {  	v11 =	vsel vm2, v39, v11;
	vm3 =	vgt.f32 v9, v1;
	v0 =	vsel vm1, v15, v0;
	v15 =	vld [tilespmem:$0x1FC40]  }
0x8d: {  	vm2 =	vgt.f32 v8, v2;
	v6 =	vsel vm3, v25, v7;
	v7 =	vsel vm1, v37, v11;
	v11 =	vld [tilespmem:s19+$0x1030]  }
0x8e: {  	v16 =	vsel vm4, v29, v16;
	vm4 =	vgt.f32 v10, v3;
	v2 =	vsel vm2, v8, v2;
	v8 =	vld [tilespmem:s19+$0x1000]  }
0x8f: {  	v3 =	vsel vm4, v10, v3;
	v10 =	vld [tilespmem:$0x1FC70]  }
0x90: {  	v37 =	vld [tilespmem:$0x1FC50]  }
0x91: {  	v1 =	vsel vm3, v9, v1;
	v15 =	vsel vm4, v15, v16;
	v16 =	vld [tilespmem:s19+$0x1020]  }
0x92: {  	v9 =	vld [tilespmem:s19+$0x1010];
	vm3 =	vgt.f32 v12, v1  }
0x93: {  	v13 =	vsel vm2, v18, v13;
	v1 =	vsel vm3, v12, v1;
	v12 =	vld [tilespmem:s19+$0x1430];
	vm1 =	vgt.f32 v14, v0  }
0x94: {  	vm2 =	vgt.f32 v4, v2;
	v7 =	vsel vm1, v20, v7;
	v6 =	vsel vm3, v10, v6;
	v10 =	vld [tilespmem:s19+$0x1070]  }
0x95: {  	v0 =	vsel vm1, v14, v0;
	v2 =	vsel vm2, v4, v2;
	v4 =	vld [tilespmem:s19+$0x1040];
	vm4 =	vgt.f32 v5, v3  }
0x96: {  	v13 =	vsel vm2, v37, v13;
	v14 =	vsel vm4, v36, v15;
	v15 =	vld [tilespmem:s19+$0x1060];
	vm3 =	vgt.f32 v16, v1  }
0x97: {  	vm1 =	vgt.f32 v11, v0;
	vm2 =	vgt.f32 v8, v2;
	v6 =	vsel vm3, v59, v6;
	v59 =	vld [tilespmem:$0x1FC90]  }
0x98: {  	v3 =	vsel vm4, v5, v3;
	v5 =	vld [tilespmem:s19+$0x1050];
	v7 =	vsel vm1, v52, v7;
	v0 =	vsel vm1, v11, v0  }
0x99: {  	v2 =	vsel vm2, v8, v2;
	v8 =	vld [tilespmem:s19+$0x1400];
	vm4 =	vgt.f32 v9, v3;
	vm1 =	vgt.f32 v10, v0  }
0x9a: {  	v3 =	vsel vm4, v9, v3;
	v9 =	vld [tilespmem:s19+$0x1410];
	v0 =	vsel vm1, v10, v0  }
0x9b: {  	v1 =	vsel vm3, v16, v1;
	v7 =	vsel vm1, v34, v7;
	v16 =	vld [tilespmem:s19+$0x1470];
	vm1 =	vgt.f32 v12, v0  }
0x9c: {  	v0 =	vsel vm1, v12, v0;
	v12 =	vld [tilespmem:s19+$0x1830];
	v11 =	vsel vm2, v59, v13  }
0x9d: {  	v13 =	vsel vm4, v21, v14;
	v14 =	vld [tilespmem:s19+$0x1420];
	vm2 =	vgt.f32 v4, v2;
	vm4 =	vgt.f32 v5, v3  }
0x9e: {  	vm3 =	vgt.f32 v15, v1;
	v10 =	vsel vm2, v53, v11;
	v11 =	vsel vm4, v42, v13;
	v13 =	vld [tilespmem:s19+$0x1460]  }
0x9f: {  	v6 =	vsel vm3, v33, v6;
	v2 =	vsel vm2, v4, v2;
	v4 =	vld [tilespmem:s19+$0x1440]  }
0xa0: {  	v1 =	vsel vm3, v15, v1;
	v3 =	vsel vm4, v5, v3;
	v5 =	vld [tilespmem:s19+$0x1450];
	vm2 =	vgt.f32 v8, v2  }
0xa1: {  	v7 =	vsel vm1, v17, v7;
	vm1 =	vgt.f32 v16, v0;
	v10 =	vsel vm2, v40, v10;
	v40 =	vld [tilespmem:$0x1FCC0]  }
0xa2: {  	v15 =	vld [tilespmem:s19+$0x1820];
	v7 =	vsel vm1, v63, v7;
	v0 =	vsel vm1, v16, v0;
	vm4 =	vgt.f32 v9, v3  }
0xa3: {  	vm1 =	vgt.f32 v12, v0;
	v2 =	vsel vm2, v8, v2;
	v8 =	vld [tilespmem:s19+$0x1800];
	vm3 =	vgt.f32 v14, v1  }
0xa4: {  	s9 =	sand.u32 $0x7, s29;
	v16 =	vld [tilespmem:s19+$0x1860];
	v3 =	vsel vm4, v9, v3;
	v0 =	vsel vm1, v12, v0;
	v1 =	vsel vm3, v14, v1  }
0xa5: {  	s0 =	sshll.u32 s9, $0x7;
	v9 =	vld [tilespmem:s19+$0x1810];
	v6 =	vsel vm3, v22, v6;
	vm2 =	vgt.f32 v4, v2;
	vm3 =	vgt.f32 v13, v1  }
0xa6: {  	s0 =	sadd.s32 $0x0, s0;
	v10 =	vsel vm2, v50, v10;
	v11 =	vsel vm4, v40, v11;
	vm4 =	vgt.f32 v5, v3  }
0xa7: {  	s23 =	sor.u32 $0x1C20, s0;
	v2 =	vsel vm2, v4, v2;
	v1 =	vsel vm3, v13, v1;
	v3 =	vsel vm4, v5, v3;
	v5 =	vld [tilespmem:s19+$0x1850]  }
0xa8: {  	s24 =	sor.u32 $0x1C10, s0;
	v12 =	vld [tilespmem:s23+$0x0];
	v6 =	vsel vm3, v48, v6;
	vm2 =	vgt.f32 v8, v2;
	vm3 =	vgt.f32 v15, v1  }
0xa9: {  	v11 =	vsel vm4, v41, v11;
	v2 =	vsel vm2, v8, v2;
	v8 =	vld [tilespmem:s24+$0x0];
	v1 =	vsel vm3, v15, v1  }
0xaa: {  	vm4 =	vgt.f32 v9, v3;
	v6 =	vsel vm3, v19, v6;
	v15 =	vld [tilespmem:$0x1FD10];
	vm3 =	vgt.f32 v16, v1  }
0xab: {  	v3 =	vsel vm4, v9, v3;
	v1 =	vsel vm3, v16, v1;
	v16 =	vld [tilespmem:$0x1FCF0]  }
0xac: {  	v4 =	vld [tilespmem:s19+$0x1840];
	v11 =	vsel vm4, v46, v11;
	vm4 =	vgt.f32 v5, v3  }
0xad: {  	s25 =	sor.u32 $0x1C00, s0;
	v3 =	vsel vm4, v5, v3;
	v5 =	vld [tilespmem:$0x1FD40]  }
0xae: {  	s21 =	sor.u32 $0x1C40, s0;
	v13 =	vld [tilespmem:s25+$0x0]  }
0xaf: {  	s20 =	sor.u32 $0x1C50, s0;
	v9 =	vld [tilespmem:s21+$0x0]  }
0xb0: {  	v6 =	vsel vm3, v15, v6;
	v15 =	vld [tilespmem:s20+$0x0];
	v11 =	vsel vm4, v16, v11;
	vm4 =	vgt.f32 v8, v3  }
0xb1: {  	vm3 =	vgt.f32 v12, v1;
	v3 =	vsel vm4, v8, v3;
	v8 =	vld [tilespmem:$0x1FD30]  }
0xb2: {  	v5 =	vsel vm3, v5, v6;
	v6 =	vld [tilespmem:$0x1FD20]  }
0xb3: {  	v10 =	vsel vm2, v43, v10;
	vm2 =	vgt.f32 v4, v2  }
0xb4: {  	v2 =	vsel vm2, v4, v2  }
0xb5: {  	v10 =	vsel vm2, v55, v10;
	vm2 =	vgt.f32 v13, v2  }
0xb6: {  	s22 =	sor.u32 $0x1C58, s0;
	v14 =	vld [tilespmem:s19+$0x1870];
	v2 =	vsel vm2, v13, v2;
	v8 =	vsel vm4, v8, v11;
	vm4 =	vgt.f32 v15, v3  }
0xb7: {  	v4 =	vld [tilespmem:s22+$0x0];
	v3 =	vsel vm4, v15, v3;
	v6 =	vsel vm2, v6, v10;
	vm2 =	vgt.f32 v9, v2  }
0xb8: {  	v46 =	vld [tilespmem:$0x1FBE0];
	v8 =	vsel vm4, v62, v8;
	v6 =	vsel vm2, v23, v6;
	v2 =	vsel vm2, v9, v2  }
0xb9: {  	s26 =	sor.u32 $0x1C30, s0;
	v1 =	vsel vm3, v12, v1;
	v10 =	vld [tilespmem:$0x1FD00];
	vm2 =	veq.f32 v3, v2;
	vm3 =	vlt.u32 v8, v6  }
0xba: {  	v9 =	vld [tilespmem:s26+$0x0];
	vm5 =	vgt.f32 v3, v2;
	vm2 =	vmand vm2, vm3  }
0xbb: {  	v7 =	vsel vm1, v57, v7;
	vm1 =	vgt.f32 v14, v0;
	vm2 =	vmor vm5, vm2  }
0xbc: {  	v0 =	vsel vm1, v14, v0;
	vm4 =	vgt.f32 v4, v1;
	v2 =	vsel vm2, v3, v2;
	v3 =	vld [tilespmem:$0x1FD50]  }
0xbd: {  	v5 =	vsel vm4, v46, v5;
	v1 =	vsel vm4, v4, v1;
	v4 =	vsel vm2, v8, v6  }
0xbe: {  	v44 =	vmovc v30;
	v26 =	vld [tilespmem:$0x1FE90];
	v7 =	vsel vm1, v10, v7;
	vm1 =	veq.f32 v1, v2;
	vm2 =	vlt.u32 v5, v4  }
0xbf: {  	v30 =	vmovc v39;
	v39 =	vmovc v29;
	v29 =	vld [tilespmem:$0x1FFC0];
	vm3 =	vgt.f32 v9, v0;
	vm4 =	vgt.f32 v1, v2;
	vm1 =	vmand vm1, vm2  }
0xc0: {  	v53 =	vld [tilespmem:$0x1FFB0];
	v0 =	vsel vm3, v9, v0;
	vm1 =	vmor vm4, vm1  }
0xc1: {  	v57 =	vld [tilespmem:$0x1FEA0];
	v1 =	vsel vm1, v1, v2;
	v2 =	vsel vm1, v5, v4;
	v3 =	vsel vm3, v3, v7  }
0xc2: {  	s10 =	simm.s32 $0x80;
	s15 =	simm.s32 $0x400;
	v50 =	vld [tilespmem:$0x1FE10];
	vm1 =	veq.f32 v0, v1;
	vm2 =	vlt.u32 v3, v2  }
0xc3: {  	s1 =	sand.u32 $0x2000, s15;
	s0 =	sand.u32 $0x380, s10;
	v48 =	vld [tilespmem:$0x1FE00];
	vm3 =	vgt.f32 v0, v1;
	vm1 =	vmand vm1, vm2  }
0xc4: {  	s28 =	sor.u32 s0, s1;
	v43 =	vld [tilespmem:$0x1FFD0];
	vm1 =	vmor vm3, vm1  }
0xc5: {  	v19 =	vld [tilespmem:s28+$0xC00];
	v0 =	vsel vm1, v0, v1  }
0xc6: {  	v55 =	vld [tilespmem:$0x1FC70];
	(xrf0) =	vmax.scan.msk.f32 $0xffff, v0  }
0xc7: {  	v12 =	vld [tilespmem:s28+$0x410]  }
0xc8: {  	v15 =	vld [tilespmem:s28+$0x470]  }
0xc9: {  	v6 =	vld [tilespmem:s28+$0x70]  }
0xca: {  	v8 =	vld [tilespmem:s28+$0x50]  }
0xcb: {  	v10 =	vld [tilespmem:s28+$0x420]  }
0xcc: {  	v4 =	vld [tilespmem:s28+$0x30];
	v5, _, _ =	vpop (xrf0)  }
0xcd: {  	v7 =	vld [tilespmem:s28+$0x20];
	v5 =	vbroadcast v5, $0xF  }
0xce: {  	v1 =	vld [tilespmem:s19+$0x8000];
	v2 =	vsel vm1, v3, v2  }
0xcf: {  	v3 =	vld [tilespmem:s28+$0x60];
	vm1 =	veq.f32 v0, v5;
	v0 =	vxor.u32 $0x80000000, v2  }
0xd0: {  	v2 =	vld [tilespmem:s28+$0x0];
	v0 =	vnsel vm1, $0xC0000000, v0  }
0xd1: {  	v5 =	vld [tilespmem:s28+$0x10];
	(xrf0) =	vmin.scan.msk.u32 $0xffff, v0  }
0xd2: {  	v0 =	vld [tilespmem:s28+$0x40]  }
0xd3: {  	v31 =	vmov v51;
	v23 =	vld [tilespmem:$0x1FE80]  }
0xd4: {  	v25 =	vlaneseq.u32;
	v9 =	vld [tilespmem:s28+$0x430];
	vm2 =	vgt.f32 v6, v4;
	vm1 =	vgt.f32 v3, v7  }
0xd5: {  	v21 =	vmovc v31;
	v14 =	vsel vm2, v31, v57;
	v11 =	vadd.f32 $0.0e+00, v1;
	v1 =	vld [tilespmem:s28+$0x400];
	v3 =	vsel vm1, v3, v7  }
0xd6: {  	v31 =	vmovc v18;
	v18 =	vld [tilespmem:s28+$0x460];
	v4 =	vsel vm2, v6, v4;
	vm2 =	vgt.f32 v10, v3;
	vm4 =	vgt.f32 v8, v5  }
0xd7: {  	v6 =	vld [tilespmem:s28+$0x450];
	v17 =	vsel vm4, v54, v61;
	v5 =	vsel vm4, v8, v5;
	vm3 =	vgt.f32 v0, v2;
	v13, _, _ =	vpop (xrf0)  }
0xd8: {  	v8 =	vld [tilespmem:s28+$0x830];
	vm4 =	vgt.f32 v12, v5;
	v16 =	vsel vm3, v56, v25;
	(v2sf) =	vpush v13, $0xF  }
0xd9: {  	v51 =	vmovc v35;
	v0 =	vsel vm3, v0, v2;
	v2 =	vld [tilespmem:s28+$0x440];
	v5 =	vsel vm4, v12, v5;
	v13 =	vsel vm1, v26, v23  }
0xda: {  	v35 =	vmovc v32;
	v12 =	vld [tilespmem:s28+$0x870];
	vm1 =	vgt.f32 v9, v4;
	vm3 =	vgt.f32 v1, v0;
	v7 =	vsel vm2, v51, v13  }
0xdb: {  	v13 =	vsel vm1, v47, v14;
	v14 =	vsel vm3, v44, v16;
	v16 =	vsel vm4, v35, v17;
	v17 =	vld [tilespmem:s28+$0x820]  }
0xdc: {  	v4 =	vsel vm1, v9, v4;
	v0 =	vsel vm3, v1, v0;
	v1 =	vsel vm2, v10, v3;
	v3 =	vld [tilespmem:s28+$0x800]  }
0xdd: {  	v9 =	vld [tilespmem:s28+$0x810];
	vm4 =	vgt.f32 v6, v5;
	vm1 =	vgt.f32 v18, v1;
	vm2 =	vgt.f32 v15, v4  }
0xde: {  	v5 =	vsel vm4, v6, v5;
	v6 =	vld [tilespmem:s28+$0x850];
	v10 =	vsel vm2, v49, v13;
	v7 =	vsel vm1, v58, v7  }
0xdf: {  	v32 =	vmovc v28;
	v1 =	vsel vm1, v18, v1;
	v4 =	vsel vm2, v15, v4;
	v15 =	vld [tilespmem:$0x10000];
	vm3 =	vgt.f32 v2, v0  }
0xe0: {  	vm2 =	vgt.f32 v8, v4;
	v13 =	vsel vm3, v32, v14;
	v14 =	vsel vm4, v60, v16;
	v16 =	vld [tilespmem:s28+$0x860]  }
0xe1: {  	v0 =	vsel vm3, v2, v0;
	v2 =	vld [tilespmem:s28+$0x840];
	v10 =	vsel vm2, v43, v10;
	v4 =	vsel vm2, v8, v4  }
0xe2: {  	v18 =	vld [tilespmem:s28+$0xC20];
	vm1 =	vgt.f32 v3, v0;
	vm3 =	vgt.f32 v17, v1;
	vm4 =	vgt.f32 v9, v5  }
0xe3: {  	v8 =	vld [tilespmem:s19+$0x8010];
	vm2 =	vgt.f32 v12, v4;
	v13 =	vsel vm1, v38, v13;
	v14 =	vsel vm4, v53, v14  }
0xe4: {  	v7 =	vsel vm3, v29, v7;
	v0 =	vsel vm1, v3, v0;
	v5 =	vsel vm4, v9, v5;
	v9 =	vld [tilespmem:s19+$0x8020]  }
0xe5: {  	v3 =	vsel vm3, v17, v1;
	v17 =	vld [tilespmem:s28+$0xC30];
	v4 =	vsel vm2, v12, v4;
	vm4 =	vgt.f32 v6, v5  }
0xe6: {  	v12 =	vld [tilespmem:s28+$0xC10];
	v14 =	vsel vm4, v39, v14;
	vm1 =	vgt.f32 v16, v3;
	vm3 =	vgt.f32 v2, v0  }
0xe7: {  	[tilespmem:$0x1FBF0] =	vst v15;
	v15 =	vld [tilespmem:s19+$0x8030];
	v13 =	vsel vm3, v27, v13;
	v7 =	vsel vm1, v45, v7;
	v3 =	vsel vm1, v16, v3;
	s16 =	spop (v2sf)  }
0xe8: {  	v0 =	vsel vm3, v2, v0;
	v2 =	vsel vm4, v6, v5;
	v6 =	vld [tilespmem:s19+$0x8070];
	vm4 =	vgt.f32 v18, v3;
	s0 =	sxor.u32 $0x80000000, s16  }
0xe9: {  	v16 =	vld [tilespmem:s28+$0xC70];
	vm3 =	vgt.f32 v19, v0;
	v3 =	vsel vm4, v18, v3;
	v1 =	vmov s0  }
0xea: {  	v0 =	vsel vm3, v19, v0;
	v18 =	vld [tilespmem:s19+$0x8420];
	vm5 =	veq.s32 v1, v25;
	vm6 =	veq.s32 v1, v61  }
0xeb: {  	v19 =	vld [tilespmem:s28+$0x1030];
	vm1 =	veq.s32 v1, v23;
	v11 =	vnsel vm5, $0x0, v11;
	v8 =	vnsel vm6, $0x0, v8  }
0xec: {  	v5 =	vnsel vm1, $0x0, v9;
	vm1 =	vgt.f32 v17, v4;
	v8 =	vadd.f32 v8, v11;
	v11 =	vld [tilespmem:s19+$0x8040]  }
0xed: {  	v4 =	vsel vm1, v17, v4;
	v17 =	vld [tilespmem:s28+$0xC40]  }
0xee: {  	v10 =	vsel vm2, v30, v10;
	vm2 =	veq.s32 v1, v57;
	v5 =	vadd.f32 v8, v5;
	v8 =	vld [tilespmem:s19+$0x8050]  }
0xef: {  	v9 =	vnsel vm2, $0x0, v15;
	v15 =	vld [tilespmem:s19+$0x8060];
	vm5 =	veq.s32 v1, v56  }
0xf0: {  	v5 =	vadd.f32 v5, v9;
	v9 =	vsel vm1, v50, v10;
	vm1 =	veq.s32 v1, v54;
	v54 =	vld [tilespmem:$0x1FC40]  }
0xf1: {  	v61 =	vld [tilespmem:s19+$0x8870];
	v11 =	vnsel vm5, $0x0, v11  }
0xf2: {  	v10 =	vld [tilespmem:s28+$0xC60];
	v5 =	vadd.f32 v5, v11;
	v11 =	vsel vm3, v31, v13;
	vm3 =	vgt.f32 v17, v0  }
0xf3: {  	v8 =	vnsel vm1, $0x0, v8;
	v0 =	vsel vm3, v17, v0;
	v17 =	vld [tilespmem:s19+$0x8460]  }
0xf4: {  	vm2 =	vgt.f32 v12, v2;
	vm1 =	veq.s32 v1, v26;
	v5 =	vadd.f32 v5, v8;
	v8 =	vld [tilespmem:s19+$0x8400]  }
0xf5: {  	v2 =	vsel vm2, v12, v2;
	v12 =	vnsel vm1, $0x0, v15;
	v13 =	vsel vm2, v54, v14;
	v14 =	vld [tilespmem:s28+$0xC50]  }
0xf6: {  	vm2 =	veq.s32 v1, v21;
	v5 =	vadd.f32 v5, v12;
	v12 =	vld [tilespmem:s19+$0x8410]  }
0xf7: {  	v7 =	vsel vm4, v48, v7;
	v15 =	vld [tilespmem:s19+$0x8430];
	vm1 =	vgt.f32 v16, v4;
	v6 =	vnsel vm2, $0x0, v6  }
0xf8: {  	vm5 =	veq.s32 v1, v44;
	v4 =	vsel vm1, v16, v4;
	v16 =	vld [tilespmem:s28+$0x1000];
	v5 =	vadd.f32 v5, v6  }
0xf9: {  	vm4 =	vgt.f32 v10, v3;
	v21 =	vsel vm1, v20, v9;
	v9 =	vld [tilespmem:s28+$0x1020];
	v8 =	vnsel vm5, $0x0, v8  }
0xfa: {  	vm1 =	veq.s32 v1, v35;
	v3 =	vsel vm4, v10, v3;
	v10 =	vld [tilespmem:s19+$0x8440];
	v5 =	vadd.f32 v5, v8  }
0xfb: {  	v57 =	vsel vm4, v55, v7;
	v7 =	vld [tilespmem:$0x1FE30];
	vm2 =	vgt.f32 v14, v2;
	v12 =	vnsel vm1, $0x0, v12  }
0xfc: {  	v6 =	vld [tilespmem:$0x1FE40];
	v8 =	vsel vm3, v37, v11;
	vm1 =	veq.s32 v1, v51;
	v5 =	vadd.f32 v5, v12  }
0xfd: {  	vm3 =	vgt.f32 v16, v0;
	v11 =	vsel vm2, v36, v13;
	v13 =	vld [tilespmem:s28+$0x1010];
	v12 =	vnsel vm1, $0x0, v18  }
0xfe: {  	v2 =	vsel vm2, v14, v2;
	vm2 =	veq.s32 v1, v47;
	v5 =	vadd.f32 v5, v12;
	v12 =	vld [tilespmem:s19+$0x8450]  }
0xff: {  	vm5 =	veq.s32 v1, v32;
	v8 =	vsel vm3, v59, v8;
	v59 =	vld [tilespmem:$0x1FE20];
	v15 =	vnsel vm2, $0x0, v15  }
0x100: {  	vm4 =	vgt.f32 v9, v3;
	v14 =	vld [tilespmem:s19+$0x8470];
	vm1 =	vgt.f32 v19, v4;
	v5 =	vadd.f32 v5, v15  }
0x101: {  	v10 =	vnsel vm5, $0x0, v10;
	v3 =	vsel vm4, v9, v3;
	v9 =	vld [tilespmem:s19+$0x8800];
	v21 =	vsel vm1, v6, v21  }
0x102: {  	v18 =	vld [tilespmem:s28+$0x1070];
	v4 =	vsel vm1, v19, v4;
	vm1 =	veq.s32 v1, v60;
	v5 =	vadd.f32 v5, v10  }
0x103: {  	[tilespmem:$0x1FC00] =	vst v8;
	v8 =	vld [tilespmem:s19+$0x8830];
	vm2 =	vgt.f32 v13, v2;
	v12 =	vnsel vm1, $0x0, v12  }
0x104: {  	v10 =	vsel vm2, v59, v11;
	v11 =	vld [tilespmem:s28+$0x1050];
	vm1 =	veq.s32 v1, v58;
	v5 =	vadd.f32 v5, v12  }
0x105: {  	v0 =	vsel vm3, v16, v0;
	v16 =	vld [tilespmem:s19+$0x8820];
	v12 =	vnsel vm1, $0x0, v17  }
0x106: {  	v2 =	vsel vm2, v13, v2;
	vm2 =	veq.s32 v1, v49;
	v5 =	vadd.f32 v5, v12;
	v12 =	vld [tilespmem:s19+$0x8810]  }
0x107: {  	v20 =	vsel vm4, v7, v57;
	vm5 =	veq.s32 v1, v38;
	v19 =	vld [tilespmem:s28+$0x1040];
	v14 =	vnsel vm2, $0x0, v14  }
0x108: {  	v7 =	vld [tilespmem:s28+$0x1400];
	v9 =	vnsel vm5, $0x0, v9;
	vm1 =	vgt.f32 v18, v4;
	v5 =	vadd.f32 v5, v14  }
0x109: {  	v60 =	vld [tilespmem:$0x1FF50];
	[tilespmem:$0x1FC10] =	vst v8;
	v8 =	vsel vm1, v34, v21;
	v4 =	vsel vm1, v18, v4;
	vm2 =	vgt.f32 v11, v2  }
0x10a: {  	vm1 =	veq.s32 v1, v53;
	v13 =	vsel vm2, v42, v10;
	v10 =	vld [tilespmem:$0x1FC10];
	v5 =	vadd.f32 v5, v9  }
0x10b: {  	v15 =	vld [tilespmem:s28+$0x1060];
	v9 =	vnsel vm1, $0x0, v12  }
0x10c: {  	v6 =	vld [tilespmem:$0x1FC00];
	vm3 =	vgt.f32 v19, v0;
	vm1 =	veq.s32 v1, v29;
	v5 =	vadd.f32 v5, v9  }
0x10d: {  	v0 =	vsel vm3, v19, v0;
	v19 =	vld [tilespmem:s19+$0x8850];
	v2 =	vsel vm2, v11, v2;
	v11 =	vnsel vm1, $0x0, v16  }
0x10e: {  	v17 =	vld [tilespmem:s28+$0x1430];
	vm2 =	veq.s32 v1, v43;
	v5 =	vadd.f32 v5, v11  }
0x10f: {  	v9 =	vld [tilespmem:s19+$0x8840];
	v11 =	vnsel vm2, $0x0, v10  }
0x110: {  	vm4 =	vgt.f32 v15, v3;
	v5 =	vadd.f32 v5, v11;
	v11 =	vld [tilespmem:$0x1FD90]  }
0x111: {  	v14 =	vsel vm4, v33, v20;
	v20 =	vld [tilespmem:s28+$0x1420]  }
0x112: {  	v18 =	vsel vm3, v60, v6;
	v6 =	vld [tilespmem:s28+$0x1410]  }
0x113: {  	vm5 =	veq.s32 v1, v27;
	vm1 =	vgt.f32 v17, v4;
	v10 =	vld [tilespmem:s19+$0x8860]  }
0x114: {  	v21 =	vld [tilespmem:$0x1FE50];
	v3 =	vsel vm4, v15, v3;
	v16 =	vsel vm1, v17, v4;
	v4 =	vnsel vm5, $0x0, v9  }
0x115: {  	v15 =	vld [tilespmem:s28+$0x1440];
	v4 =	vadd.f32 v5, v4;
	v8 =	vsel vm1, v11, v8;
	vm1 =	veq.s32 v1, v39  }
0x116: {  	vm3 =	vgt.f32 v7, v0;
	v12 =	vld [tilespmem:s28+$0x1470];
	vm4 =	vgt.f32 v20, v3;
	v5 =	vnsel vm1, $0x0, v19  }
0x117: {  	v17 =	vld [tilespmem:s28+$0x1450];
	vm2 =	vgt.f32 v6, v2;
	vm1 =	veq.s32 v1, v45;
	v4 =	vadd.f32 v4, v5  }
0x118: {  	v9 =	vsel vm4, v22, v14;
	v11 =	vld [tilespmem:s28+$0x1460];
	v19 =	vsel vm3, v7, v0;
	v0 =	vnsel vm1, $0x0, v10  }
0x119: {  	v14 =	vsel vm3, v21, v18;
	v18 =	vsel vm4, v20, v3;
	v3 =	vld [tilespmem:s19+$0x8C30];
	v0 =	vadd.f32 v4, v0  }
0x11a: {  	v63 =	vimm.f32 $0.0e+00;
	v62 =	vmov v40;
	v20 =	vsel vm2, v6, v2;
	v6 =	vld [tilespmem:s19+$0x8C10]  }
0x11b: {  	v13 =	vsel vm2, v62, v13;
	vm2 =	vgt.f32 v12, v16;
	v5 =	vld [tilespmem:s19+$0x8C00];
	vm1 =	veq.s32 v1, v30  }
0x11c: {  	[tilespmem:$0x1FC20] =	vst v46;
	vm5 =	vgt.f32 v17, v20;
	vm4 =	vgt.f32 v15, v19;
	v10 =	vld [tilespmem:s28+$0x1830];
	v2 =	vnsel vm1, $0x0, v61  }
0x11d: {  	s31 =	simm.s32 $0xFFFFC400;
	s30 =	simm.s32 $0x0;
	s0 =	simm.s32 $0x100;
	vm1 =	veq.s32 v1, v31;
	v4 =	vld [tilespmem:s19+$0x8C20];
	vm3 =	vgt.f32 v11, v18;
	v7 =	vadd.f32 v0, v2;
	v0 =	vmovc v46  }
.LBB2_4:
0x11e: {  	v57 =	vld [tilespmem:$0x1FDD0]  }
0x11f: {  	v12 =	vsel vm2, v12, v16;
	v16 =	vld [tilespmem:s28+$0x1820]  }
0x120: {  	v26 =	vld [tilespmem:$0x1FFE0]  }
0x121: {  	v21 =	vld [tilespmem:s28+$0x1800]  }
0x122: {  	v42 =	vld [tilespmem:$0x1FC40]  }
0x123: {  	v27 =	vld [tilespmem:$0x1FF90]  }
0x124: {  	v44 =	vld [tilespmem:$0x1FFA0]  }
0x125: {  	v36 =	vld [tilespmem:$0x1FE00]  }
0x126: {  	v11 =	vsel vm3, v11, v18;
	v18 =	vld [tilespmem:s19+$0x8C70]  }
0x127: {  	v37 =	vld [tilespmem:$0x1FE10]  }
0x128: {  	v15 =	vsel vm4, v15, v19;
	v19 =	vld [tilespmem:s19+$0x8C60]  }
0x129: {  	v17 =	vsel vm5, v17, v20;
	v20 =	vld [tilespmem:s28+$0x1870]  }
0x12a: {  	v2 =	vld [tilespmem:$0x1FC50]  }
0x12b: {  	v25 =	vld [tilespmem:$0x1FDC0]  }
0x12c: {  	v24 =	vld [tilespmem:$0x1FDA0]  }
0x12d: {  	v39 =	vld [tilespmem:$0x1FC60]  }
0x12e: {  	v60 =	vld [tilespmem:$0x1FDE0]  }
0x12f: {  	v23 =	vld [tilespmem:$0x1FD80]  }
0x130: {  	v40 =	vld [tilespmem:$0x1FC70]  }
0x131: {  	v41 =	vld [tilespmem:$0x1FC80]  }
0x132: {  	v31 =	vld [tilespmem:$0x1FD00]  }
0x133: {  	v28 =	vld [tilespmem:$0x1FD10]  }
0x134: {  	v53 =	vld [tilespmem:$0x1FE20]  }
0x135: {  	v62 =	vld [tilespmem:$0x1FDB0]  }
0x136: {  	v30 =	vld [tilespmem:$0x1FCF0]  }
0x137: {  	v49 =	vld [tilespmem:$0x1FE30]  }
0x138: {  	v52 =	vld [tilespmem:$0x1FE40]  }
0x139: {  	v45 =	vld [tilespmem:$0x1FF50]  }
0x13a: {  	v58 =	vld [tilespmem:$0x1FD40]  }
0x13b: {  	v29 =	vld [tilespmem:$0x1FD50]  }
0x13c: {  	v35 =	vld [tilespmem:$0x1FF60]  }
0x13d: {  	v61 =	vld [tilespmem:$0x1FD20]  }
0x13e: {  	v59 =	vld [tilespmem:$0x1FD30]  }
0x13f: {  	v33 =	vld [tilespmem:$0x1FCA0]  }
0x140: {  	v34 =	vld [tilespmem:$0x1FCB0]  }
0x141: {  	v43 =	vld [tilespmem:$0x1FE50]  }
0x142: {  	v46 =	vld [tilespmem:$0x1FD60]  }
0x143: {  	v38 =	vld [tilespmem:$0x1FCC0]  }
0x144: {  	v54 =	vld [tilespmem:$0x1FD70]  }
0x145: {  	v55 =	vld [tilespmem:$0x1FD90]  }
0x146: {  	v48 =	vld [tilespmem:$0x1FEA0]  }
0x147: {  	v50 =	vld [tilespmem:$0x1FE80];
	v5 =	vnsel vm1, $0x0, v5  }
0x148: {  	v51 =	vld [tilespmem:$0x1FE90];
	v5 =	vadd.f32 v7, v5;
	vm1 =	veq.s32 v1, v42  }
0x149: {  	v47 =	vld [tilespmem:$0x1FFF0];
	v8 =	vsel vm2, v57, v8;
	v9 =	vsel vm3, v26, v9;
	v6 =	vnsel vm1, $0x0, v6  }
0x14a: {  	v7 =	vsel vm4, v27, v14;
	vm1 =	veq.s32 v1, v36;
	v5 =	vadd.f32 v5, v6;
	v6 =	vld [tilespmem:s19+$0x8C40]  }
0x14b: {  	v13 =	vsel vm5, v44, v13;
	v14 =	vld [tilespmem:s28+$0x1810];
	vm2 =	vgt.f32 v10, v12;
	v4 =	vnsel vm1, $0x0, v4  }
0x14c: {  	vm3 =	veq.s32 v1, v37;
	vm4 =	vgt.f32 v16, v11;
	v4 =	vadd.f32 v5, v4;
	v5 =	vld [tilespmem:s19+$0x8C50]  }
0x14d: {  	vm5 =	veq.s32 v1, v2;
	v2 =	vld [tilespmem:$0x1FC90];
	vm6 =	veq.s32 v1, v24;
	v3 =	vnsel vm3, $0x0, v3  }
0x14e: {  	v9 =	vsel vm4, v24, v9;
	v24 =	vld [tilespmem:s19+$0x9860];
	vm1 =	vgt.f32 v21, v15;
	v3 =	vadd.f32 v4, v3  }
0x14f: {  	v15 =	vsel vm1, v21, v15;
	v21 =	vld [tilespmem:s19+$0x9020];
	v4 =	vsel vm2, v25, v8;
	v6 =	vnsel vm5, $0x0, v6  }
0x150: {  	v8 =	vsel vm2, v10, v12;
	v10 =	vld [tilespmem:s28+$0x1860];
	vm2 =	veq.s32 v1, v39;
	v3 =	vadd.f32 v3, v6  }
0x151: {  	vm3 =	vgt.f32 v14, v17;
	v12 =	vld [tilespmem:s28+$0x1840];
	v6 =	vsel vm1, v60, v7;
	v5 =	vnsel vm2, $0x0, v5  }
0x152: {  	s29 =	sadd.s32 $0x1, s29;
	v7 =	vsel vm4, v16, v11;
	v16 =	vld [tilespmem:s19+$0x9000];
	vm2 =	veq.s32 v1, v40;
	v3 =	vadd.f32 v3, v5  }
0x153: {  	s1 =	sand.u32 $0x7, s29;
	v14 =	vsel vm3, v14, v17;
	v17 =	vld [tilespmem:s19+$0x9030];
	v5 =	vnsel vm2, $0x0, v19  }
0x154: {  	s30 =	sadd.s32 $0x400, s30;
	s1 =	sshll.u32 s1, $0x7;
	v13 =	vsel vm3, v23, v13;
	vm3 =	veq.s32 v1, v41;
	v19 =	vld [tilespmem:s19+$0x9010];
	v5 =	vadd.f32 v3, v5  }
0x155: {  	s1 =	sadd.s32 s1, s30;
	v18 =	vnsel vm3, $0x0, v18;
	vm5 =	veq.s32 v1, v2;
	v11 =	vld [tilespmem:s28+$0x1850]  }
0x156: {  	s8 =	sor.u32 $0x1C10, s1;
	v2 =	vld [tilespmem:$0x1FC20];
	vm2 =	vgt.f32 v20, v8;
	vm4 =	vgt.f32 v10, v7;
	v18 =	vadd.f32 v5, v18  }
0x157: {  	s15 =	sor.u32 $0x1C20, s1;
	v4 =	vsel vm2, v31, v4;
	v7 =	vsel vm4, v10, v7;
	v10 =	vld [tilespmem:s8+$0x0];
	v16 =	vnsel vm5, $0x0, v16  }
0x158: {  	s9 =	sor.u32 $0x1C00, s1;
	v5 =	vsel vm2, v20, v8;
	v8 =	vld [tilespmem:s15+$0x0];
	vm2 =	veq.s32 v1, v53;
	v16 =	vadd.f32 v18, v16  }
0x159: {  	vm1 =	vgt.f32 v12, v15;
	v9 =	vsel vm4, v28, v9;
	v20 =	vld [tilespmem:s9+$0x0];
	v18 =	vnsel vm2, $0x0, v19  }
0x15a: {  	s2 =	sor.u32 $0x1C30, s1;
	vm3 =	vgt.f32 v11, v14;
	vm2 =	veq.s32 v1, v49;
	v16 =	vadd.f32 v16, v18;
	v18 =	vld [tilespmem:s19+$0x9040]  }
0x15b: {  	v3 =	vld [tilespmem:s2+$0x0];
	v6 =	vsel vm1, v62, v6;
	v11 =	vsel vm3, v11, v14;
	v14 =	vnsel vm2, $0x0, v21  }
0x15c: {  	v12 =	vsel vm1, v12, v15;
	vm2 =	veq.s32 v1, v52;
	v14 =	vadd.f32 v16, v14;
	v16 =	vld [tilespmem:s19+$0x9050]  }
0x15d: {  	s10 =	sor.u32 $0x1C58, s1;
	vm5 =	veq.s32 v1, v45;
	v13 =	vsel vm3, v30, v13;
	v19 =	vld [tilespmem:s19+$0x9060];
	v17 =	vnsel vm2, $0x0, v17  }
0x15e: {  	v21 =	vld [tilespmem:s10+$0x0];
	vm2 =	vgt.f32 v10, v11;
	vm4 =	vgt.f32 v8, v7;
	v14 =	vadd.f32 v14, v17  }
0x15f: {  	s31 =	sadd.s32 $0x400, s31;
	s6 =	sor.u32 $0x1C50, s1;
	v15 =	vld [tilespmem:s19+$0x9070];
	vm3 =	vgt.f32 v20, v12;
	v9 =	vsel vm4, v58, v9;
	v18 =	vnsel vm5, $0x0, v18  }
0x160: {  	s16 =	sadd.s32 $0x4000, s31;
	s7 =	sor.u32 $0x1C40, s1;
	v7 =	vsel vm4, v8, v7;
	v8 =	vld [tilespmem:s6+$0x0];
	vm4 =	veq.s32 v1, v35;
	v14 =	vadd.f32 v14, v18  }
0x161: {  	s1 =	sand.u32 $0x2000, s16;
	s16 =	sand.u32 $0x380, s0;
	v13 =	vsel vm2, v59, v13;
	v6 =	vsel vm3, v61, v6;
	v17 =	vld [tilespmem:s7+$0x0];
	v16 =	vnsel vm4, $0x0, v16  }
0x162: {  	s1 =	sor.u32 s16, s1;
	v12 =	vsel vm3, v20, v12;
	vm3 =	veq.s32 v1, v33;
	v14 =	vadd.f32 v14, v16;
	v16 =	vld [tilespmem:s19+$0x9400]  }
0x163: {  	v10 =	vsel vm2, v10, v11;
	v20 =	vld [tilespmem:s1+$0x70];
	v11 =	vnsel vm3, $0x0, v19;
	vm2 =	vgt.f32 v21, v7  }
0x164: {  	v9 =	vsel vm2, v0, v9;
	vm4 =	veq.s32 v1, v34;
	v11 =	vadd.f32 v14, v11;
	v14 =	vld [tilespmem:s19+$0x9410]  }
0x165: {  	v19 =	vld [tilespmem:s19+$0x9470];
	v7 =	vsel vm2, v21, v7;
	vm5 =	vgt.f32 v8, v10;
	v15 =	vnsel vm4, $0x0, v15  }
0x166: {  	vm2 =	veq.s32 v1, v43;
	v8 =	vsel vm5, v8, v10;
	v11 =	vadd.f32 v11, v15;
	v15 =	vld [tilespmem:s19+$0x9420]  }
0x167: {  	v18 =	vld [tilespmem:s19+$0x9820];
	v13 =	vsel vm5, v54, v13;
	vm3 =	vgt.f32 v17, v12;
	v16 =	vnsel vm2, $0x0, v16  }
0x168: {  	v12 =	vsel vm3, v17, v12;
	v17 =	vld [tilespmem:s19+$0x9810];
	vm2 =	veq.s32 v1, v38;
	v10 =	vadd.f32 v11, v16  }
0x169: {  	vm4 =	veq.s32 v1, v22;
	v6 =	vsel vm3, v46, v6;
	v11 =	vld [tilespmem:s19+$0x9430];
	v14 =	vnsel vm2, $0x0, v14  }
0x16a: {  	vm3 =	veq.f32 v8, v12;
	v16 =	vld [tilespmem:s19+$0x9800];
	vm2 =	vlt.u32 v13, v6;
	v10 =	vadd.f32 v10, v14  }
0x16b: {  	vm5 =	vgt.f32 v8, v12;
	v14 =	vld [tilespmem:s19+$0x9440];
	vm2 =	vmand vm3, vm2;
	v15 =	vnsel vm4, $0x0, v15  }
0x16c: {  	vm2 =	vmor vm5, vm2;
	v10 =	vadd.f32 v10, v15;
	v15 =	vld [tilespmem:s19+$0x9450]  }
0x16d: {  	v8 =	vsel vm2, v8, v12;
	v12 =	vld [tilespmem:s19+$0x9460]  }
0x16e: {  	vm1 =	vgt.f32 v3, v5;
	vm3 =	veq.s32 v1, v55;
	v6 =	vsel vm2, v13, v6;
	v13 =	vld [tilespmem:s28+$0x8000]  }
0x16f: {  	v4 =	vsel vm1, v29, v4;
	v11 =	vnsel vm3, $0x0, v11;
	vm3 =	veq.s32 v1, v27;
	v27 =	vld [tilespmem:$0x1FFC0]  }
0x170: {  	vm4 =	veq.f32 v7, v8;
	vm5 =	vlt.u32 v9, v6;
	v10 =	vadd.f32 v10, v11;
	v11 =	vld [tilespmem:s1+$0x30]  }
0x171: {  	v14 =	vnsel vm3, $0x0, v14;
	vm3 =	vmand vm4, vm5;
	vm4 =	veq.s32 v1, v44;
	v44 =	vld [tilespmem:$0x1FEB0]  }
0x172: {  	v3 =	vsel vm1, v3, v5;
	vm2 =	vgt.f32 v7, v8;
	v10 =	vadd.f32 v10, v14;
	v14 =	vld [tilespmem:s1+$0x20]  }
0x173: {  	vm1 =	vmor vm2, vm3;
	vm2 =	veq.s32 v1, v26;
	vm3 =	veq.s32 v1, v57;
	v57 =	vld [tilespmem:$0x1FE60]  }
0x174: {  	v5 =	vnsel vm4, $0x0, v15;
	v15 =	vld [tilespmem:s1+$0x60];
	v7 =	vsel vm1, v7, v8;
	v6 =	vsel vm1, v9, v6  }
0x175: {  	v8 =	vld [tilespmem:s1+$0x0];
	v9 =	vnsel vm2, $0x0, v12;
	v12 =	vnsel vm3, $0x0, v19;
	v5 =	vadd.f32 v10, v5  }
0x176: {  	v19 =	vld [tilespmem:s1+$0x50];
	vm1 =	veq.f32 v3, v7;
	vm2 =	vlt.u32 v4, v6;
	vm4 =	vgt.f32 v3, v7  }
0x177: {  	v10 =	vld [tilespmem:s1+$0x10];
	vm1 =	vmand vm1, vm2;
	vm2 =	veq.s32 v1, v60;
	vm5 =	vgt.f32 v20, v11  }
0x178: {  	v60 =	vld [tilespmem:$0x1FE70];
	v5 =	vadd.f32 v5, v9;
	vm1 =	vmor vm4, vm1;
	v11 =	vsel vm5, v20, v11  }
0x179: {  	v9 =	vld [tilespmem:s1+$0x40];
	v7 =	vsel vm1, v3, v7;
	v3 =	vadd.f32 $0.0e+00, v13;
	v4 =	vsel vm1, v4, v6  }
0x17a: {  	vm1 =	veq.s32 v1, v30;
	v30 =	vld [tilespmem:$0x1FED0];
	v5 =	vadd.f32 v5, v12;
	v12 =	vnsel vm2, $0x0, v16  }
0x17b: {  	vm2 =	veq.s32 v1, v23;
	v16 =	vsel vm5, v44, v48;
	vm5 =	veq.s32 v1, v62;
	v62 =	vld [tilespmem:$0x1FFD0]  }
0x17c: {  	v13 =	vnsel vm2, $0x0, v17;
	v17 =	vnsel vm6, $0x0, v18;
	v18 =	vld [tilespmem:s19+$0x9870];
	v5 =	vadd.f32 v5, v12  }
0x17d: {  	vm3 =	vgt.f32 v19, v10;
	v12 =	vld [tilespmem:s19+$0x9830]  }
0x17e: {  	(xrf0) =	vmax.scan.msk.f32 $0xffff, v7;
	v23 =	vsel vm3, v60, v57;
	vm2 =	vgt.f32 v9, v8;
	v5 =	vadd.f32 v5, v13;
	v13 =	vld [tilespmem:s19+$0x9840]  }
0x17f: {  	v8 =	vsel vm2, v9, v8;
	v9 =	vsel vm3, v19, v10;
	vm3 =	veq.s32 v1, v31;
	v31 =	vld [tilespmem:$0x1FEE0]  }
0x180: {  	v5 =	vadd.f32 v5, v17;
	v17 =	vld [tilespmem:s19+$0x9850];
	s19 =	smov.u32 s28;
	s28 =	smov.u32 s1  }
0x181: {  	v20 =	vld [tilespmem:s28+$0x430]  }
0x182: {  	vm6 =	veq.s32 v1, v25;
	v6 =	vld [tilespmem:s28+$0x410]  }
0x183: {  	vm4 =	vgt.f32 v15, v14;
	v12 =	vnsel vm6, $0x0, v12;
	v10 =	vld [tilespmem:s28+$0x470]  }
0x184: {  	v25, _, _ =	vpop (xrf0);
	v5 =	vadd.f32 v5, v12;
	v12 =	vsel vm4, v15, v14;
	v14 =	vld [tilespmem:s28+$0x420]  }
0x185: {  	v15 =	vbroadcast v25, $0xF;
	v25 =	vld [tilespmem:s28+$0x400]  }
0x186: {  	v13 =	vnsel vm5, $0x0, v13;
	vm5 =	veq.s32 v1, v61;
	v61 =	vld [tilespmem:$0x1FEF0]  }
0x187: {  	v4 =	vxor.u32 $0x80000000, v4;
	v21 =	vsel vm4, v51, v50;
	v5 =	vadd.f32 v5, v13;
	v13 =	vld [tilespmem:s28+$0x460]  }
0x188: {  	vm4 =	veq.f32 v7, v15;
	v15 =	vnsel vm3, $0x0, v18;
	v18 =	vld [tilespmem:s28+$0x440];
	v7 =	vnsel vm1, $0x0, v17  }
0x189: {  	v4 =	vnsel vm4, $0xC0000000, v4;
	vm1 =	veq.s32 v1, v28;
	v5 =	vadd.f32 v5, v7;
	v7 =	vld [tilespmem:s25+$0x8000]  }
0x18a: {  	(xrf0) =	vmin.scan.msk.u32 $0xffff, v4;
	v4 =	vnsel vm1, $0x0, v24;
	vm4 =	vgt.f32 v20, v11;
	v24 =	vld [tilespmem:$0x1FEC0]  }
0x18b: {  	vm3 =	vgt.f32 v6, v9;
	v11 =	vsel vm4, v20, v11;
	v20 =	vld [tilespmem:s28+$0x450]  }
0x18c: {  	v26 =	vlaneseq.u32;
	v6 =	vsel vm3, v6, v9;
	v9 =	vld [tilespmem:s20+$0x8000]  }
0x18d: {  	v22 =	vsel vm2, v56, v26;
	v4 =	vadd.f32 v5, v4;
	v5 =	vld [tilespmem:s24+$0x8000]  }
0x18e: {  	vm2 =	vgt.f32 v14, v12;
	v16 =	vsel vm4, v61, v16;
	vm4 =	veq.s32 v1, v58;
	v58 =	vld [tilespmem:$0x1FF30]  }
0x18f: {  	vm1 =	vgt.f32 v25, v8;
	v17 =	vsel vm2, v31, v21;
	v21 =	vsel vm3, v30, v23;
	v23 =	vld [tilespmem:$0x1FF00]  }
0x190: {  	v8 =	vsel vm1, v25, v8;
	vm3 =	vgt.f32 v10, v11;
	v25 =	vld [tilespmem:$0x1FF10]  }
0x191: {  	v10 =	vsel vm3, v10, v11;
	v11 =	vld [tilespmem:s28+$0x860]  }
0x192: {  	v4 =	vadd.f32 v4, v15;
	v15 =	vld [tilespmem:s23+$0x8000]  }
0x193: {  	v7 =	vnsel vm5, $0x0, v7;
	vm5 =	veq.s32 v1, v59;
	v59 =	vld [tilespmem:$0x1FFB0]  }
0x194: {  	v19 =	vsel vm1, v24, v22;
	vm1 =	veq.s32 v1, v29;
	v29 =	vld [tilespmem:$0x1FDF0]  }
0x195: {  	v4 =	vadd.f32 v4, v7;
	v7 =	vld [tilespmem:s26+$0x8000];
	v22, _, _ =	vpop (xrf0)  }
0x196: {  	v5 =	vnsel vm5, $0x0, v5;
	(v2sf) =	vpush v22, $0xF;
	v22 =	vld [tilespmem:s28+$0x800]  }
0x197: {  	vm5 =	vgt.f32 v20, v6;
	v4 =	vadd.f32 v4, v5;
	v5 =	vld [tilespmem:s21+$0x8000]  }
0x198: {  	v6 =	vsel vm5, v20, v6;
	v20 =	vld [tilespmem:s28+$0xC00]  }
0x199: {  	v12 =	vsel vm2, v14, v12;
	v14 =	vnsel vm4, $0x0, v15;
	v15 =	vsel vm3, v58, v16;
	v16 =	vld [tilespmem:s28+$0x820]  }
0x19a: {  	vm4 =	veq.s32 v1, v46;
	v46 =	vld [tilespmem:$0x1FF20];
	v4 =	vadd.f32 v4, v14  }
0x19b: {  	v14 =	vld [tilespmem:s28+$0x830];
	v7 =	vnsel vm1, $0x0, v7  }
0x19c: {  	v4 =	vadd.f32 v4, v7;
	v7 =	vld [tilespmem:s22+$0x8000]  }
0x19d: {  	vm1 =	vgt.f32 v18, v8;
	v5 =	vnsel vm4, $0x0, v5;
	vm4 =	veq.s32 v1, v54;
	v54 =	vld [tilespmem:$0x1FF40]  }
0x19e: {  	v4 =	vadd.f32 v4, v5;
	v5 =	vsel vm1, v23, v19;
	v19 =	vld [tilespmem:s28+$0x810]  }
0x19f: {  	v9 =	vnsel vm4, $0x0, v9;
	vm4 =	veq.s32 v1, v2;
	v1 =	vmov v0;
	v0 =	vld [tilespmem:$0x1FF80]  }
0x1a0: {  	vm2 =	vgt.f32 v13, v12;
	[tilespmem:$0x1FC20] =	vst v1;
	v1 =	vld [tilespmem:$0x1FBE0]  }
0x1a1: {  	vm3 =	vgt.f32 v14, v10;
	v4 =	vadd.f32 v4, v9;
	v9 =	vsel vm2, v13, v12;
	v12 =	vld [tilespmem:s28+$0x840]  }
0x1a2: {  	vm4 =	vmand vm4, vm0;
	v13 =	vsel vm3, v62, v15;
	v15 =	vld [tilespmem:s19+$0x8030]  }
0x1a3: {  	v10 =	vsel vm3, v14, v10;
	v14 =	vld [tilespmem:s19+$0x8010];
	v7 =	vnsel vm4, $0x0, v7  }
0x1a4: {  	v17 =	vsel vm2, v46, v17;
	vm2 =	vgt.f32 v16, v9;
	v4 =	vadd.f32 v4, v7;
	v7 =	vld [tilespmem:s28+$0x850]  }
0x1a5: {  	v8 =	vsel vm1, v18, v8;
	v9 =	vsel vm2, v16, v9;
	v16 =	vld [tilespmem:s19+$0x8020]  }
0x1a6: {  	vm1 =	vgt.f32 v22, v8;
	vm4 =	vgt.f32 v19, v6;
	v32 =	vmovc v1;
	v1 =	vsel vm5, v25, v21;
	v21 =	vld [tilespmem:s28+$0x870]  }
0x1a7: {  	v8 =	vsel vm1, v22, v8;
	v6 =	vsel vm4, v19, v6;
	v19 =	vld [tilespmem:s28+$0xC20]  }
0x1a8: {  	v2 =	vadd.f32 v4, v63;
	v4 =	vsel vm1, v54, v5;
	vm1 =	vgt.f32 v11, v9;
	v63 =	vld [tilespmem:$0x1FF70]  }
0x1a9: {  	v5 =	vsel vm4, v59, v1;
	v1 =	vsel vm2, v27, v17;
	vm3 =	vgt.f32 v12, v8;
	v17 =	vld [tilespmem:s28+$0xC30]  }
0x1aa: {  	v9 =	vsel vm1, v11, v9;
	v11 =	vld [tilespmem:s19+$0x8040];
	s16 =	spop (v2sf);
	v8 =	vsel vm3, v12, v8  }
0x1ab: {  	v4 =	vsel vm3, v47, v4;
	v18 =	vsel vm1, v0, v1;
	v12 =	vld [tilespmem:s19+$0x8070];
	s1 =	sxor.u32 $0x80000000, s16;
	vm3 =	vgt.f32 v20, v8  }
0x1ac: {  	vm4 =	vgt.f32 v7, v6;
	v1 =	vmov s1;
	v8 =	vsel vm3, v20, v8;
	v20 =	vld [tilespmem:s19+$0x8420]  }
0x1ad: {  	v6 =	vsel vm4, v7, v6;
	vm2 =	vgt.f32 v21, v10;
	vm1 =	veq.s32 v1, v50;
	v50 =	vld [tilespmem:$0x1FC30]  }
0x1ae: {  	v5 =	vsel vm4, v63, v5;
	vm5 =	veq.s32 v1, v26;
	vm6 =	veq.s32 v1, v57;
	v26 =	vld [tilespmem:s19+$0x8850]  }
0x1af: {  	v10 =	vsel vm2, v21, v10;
	v21 =	vld [tilespmem:s28+$0xC10];
	v3 =	vnsel vm5, $0x0, v3;
	v14 =	vnsel vm6, $0x0, v14  }
0x1b0: {  	vm4 =	vgt.f32 v19, v9;
	v7 =	vnsel vm1, $0x0, v16;
	v16 =	vld [tilespmem:s28+$0xC70];
	v3 =	vadd.f32 v14, v3  }
0x1b1: {  	v9 =	vsel vm4, v19, v9;
	v19 =	vld [tilespmem:s19+$0x8430]  }
0x1b2: {  	v13 =	vsel vm2, v29, v13;
	vm2 =	veq.s32 v1, v48;
	v3 =	vadd.f32 v3, v7;
	v7 =	vld [tilespmem:s19+$0x8050]  }
0x1b3: {  	vm5 =	veq.s32 v1, v56;
	vm1 =	vgt.f32 v17, v10;
	v14 =	vnsel vm2, $0x0, v15;
	v15 =	vld [tilespmem:s19+$0x8060]  }
0x1b4: {  	v11 =	vnsel vm5, $0x0, v11;
	v10 =	vsel vm1, v17, v10;
	v17 =	vld [tilespmem:s28+$0xC40];
	v3 =	vadd.f32 v3, v14  }
0x1b5: {  	v56 =	vld [tilespmem:$0x1FCD0];
	vm5 =	veq.s32 v1, v24;
	v13 =	vsel vm1, v37, v13;
	vm1 =	veq.s32 v1, v60  }
0x1b6: {  	vm2 =	vgt.f32 v21, v6;
	v14 =	vsel vm4, v36, v18;
	v18 =	vld [tilespmem:s28+$0xC60];
	v3 =	vadd.f32 v3, v11  }
0x1b7: {  	v4 =	vsel vm3, v50, v4;
	v5 =	vsel vm2, v42, v5;
	v11 =	vld [tilespmem:s28+$0xC50];
	v7 =	vnsel vm1, $0x0, v7  }
0x1b8: {  	v6 =	vsel vm2, v21, v6;
	vm1 =	veq.s32 v1, v51;
	v3 =	vadd.f32 v3, v7;
	v7 =	vld [tilespmem:s19+$0x8400]  }
0x1b9: {  	v24 =	vld [tilespmem:s28+$0x1410];
	vm2 =	veq.s32 v1, v44;
	vm3 =	vgt.f32 v17, v8;
	v15 =	vnsel vm1, $0x0, v15  }
0x1ba: {  	v12 =	vnsel vm2, $0x0, v12;
	vm1 =	vgt.f32 v16, v10;
	v3 =	vadd.f32 v3, v15;
	v15 =	vld [tilespmem:s19+$0x8410]  }
0x1bb: {  	v21 =	vld [tilespmem:s28+$0x1030];
	v8 =	vsel vm3, v17, v8;
	vm4 =	vgt.f32 v18, v9;
	v13 =	vsel vm1, v41, v13  }
0x1bc: {  	v17 =	vld [tilespmem:s19+$0x8470];
	v10 =	vsel vm1, v16, v10;
	vm1 =	veq.s32 v1, v30;
	v3 =	vadd.f32 v3, v12  }
0x1bd: {  	v16 =	vld [tilespmem:s28+$0x1000];
	v9 =	vsel vm4, v18, v9;
	vm2 =	vgt.f32 v11, v6;
	v7 =	vnsel vm5, $0x0, v7  }
0x1be: {  	v12 =	vsel vm4, v40, v14;
	v5 =	vsel vm2, v39, v5;
	v3 =	vadd.f32 v3, v7;
	v7 =	vld [tilespmem:$0x1FC50]  }
0x1bf: {  	v14 =	vld [tilespmem:s28+$0x1020];
	v6 =	vsel vm2, v11, v6;
	vm2 =	veq.s32 v1, v61;
	v15 =	vnsel vm1, $0x0, v15  }
0x1c0: {  	v18 =	vnsel vm2, $0x0, v19;
	v19 =	vld [tilespmem:s19+$0x8460];
	vm1 =	veq.s32 v1, v31;
	v3 =	vadd.f32 v3, v15  }
0x1c1: {  	v15 =	vld [tilespmem:s19+$0x8440];
	v11 =	vnsel vm1, $0x0, v20  }
0x1c2: {  	v3 =	vadd.f32 v3, v11;
	v11 =	vld [tilespmem:s19+$0x8450]  }
0x1c3: {  	vm1 =	vgt.f32 v21, v10;
	v4 =	vsel vm3, v7, v4;
	v7 =	vld [tilespmem:s28+$0x1010]  }
0x1c4: {  	vm5 =	veq.s32 v1, v23;
	v23 =	vld [tilespmem:s28+$0x1420];
	vm4 =	vgt.f32 v14, v9;
	v13 =	vsel vm1, v52, v13  }
0x1c5: {  	v20 =	vld [tilespmem:s28+$0x1070];
	v10 =	vsel vm1, v21, v10;
	vm1 =	veq.s32 v1, v25;
	v3 =	vadd.f32 v3, v18  }
0x1c6: {  	v12 =	vsel vm4, v49, v12;
	vm3 =	vgt.f32 v16, v8;
	v18 =	vld [tilespmem:s28+$0x1060];
	v15 =	vnsel vm5, $0x0, v15  }
0x1c7: {  	v9 =	vsel vm4, v14, v9;
	v8 =	vsel vm3, v16, v8;
	v3 =	vadd.f32 v3, v15;
	v15 =	vld [tilespmem:$0x1FC90]  }
0x1c8: {  	v21 =	vld [tilespmem:s28+$0x1040];
	vm5 =	veq.s32 v1, v54;
	v11 =	vnsel vm1, $0x0, v11;
	vm2 =	vgt.f32 v7, v6  }
0x1c9: {  	vm1 =	veq.s32 v1, v46;
	v3 =	vadd.f32 v3, v11;
	v11 =	vld [tilespmem:s19+$0x8800];
	v5 =	vsel vm2, v53, v5  }
0x1ca: {  	v14 =	vld [tilespmem:s19+$0x8830];
	v6 =	vsel vm2, v7, v6;
	v7 =	vnsel vm1, $0x0, v19;
	vm1 =	vgt.f32 v20, v10  }
0x1cb: {  	vm2 =	veq.s32 v1, v58;
	vm4 =	vgt.f32 v18, v9;
	v3 =	vadd.f32 v3, v7;
	v7 =	vld [tilespmem:s19+$0x8810]  }
0x1cc: {  	v16 =	vnsel vm2, $0x0, v17;
	v22 =	vsel vm4, v33, v12;
	v4 =	vsel vm3, v15, v4;
	v15 =	vld [tilespmem:s28+$0x1050]  }
0x1cd: {  	v17 =	vld [tilespmem:s19+$0x8820];
	v13 =	vsel vm1, v34, v13;
	v10 =	vsel vm1, v20, v10;
	v3 =	vadd.f32 v3, v16  }
0x1ce: {  	v19 =	vld [tilespmem:s28+$0x1430];
	vm1 =	veq.s32 v1, v59;
	v18 =	vsel vm4, v18, v9;
	v11 =	vnsel vm5, $0x0, v11  }
0x1cf: {  	v20 =	vld [tilespmem:s28+$0x1400];
	vm3 =	vgt.f32 v21, v8;
	vm4 =	vgt.f32 v23, v18;
	v3 =	vadd.f32 v3, v11  }
0x1d0: {  	v9 =	vld [tilespmem:$0x1FCE0];
	v4 =	vsel vm3, v45, v4;
	v21 =	vsel vm3, v21, v8;
	v7 =	vnsel vm1, $0x0, v7  }
0x1d1: {  	vm1 =	veq.s32 v1, v27;
	vm2 =	vgt.f32 v15, v6;
	v3 =	vadd.f32 v3, v7;
	v7 =	vld [tilespmem:s19+$0x8840]  }
0x1d2: {  	v25 =	vld [tilespmem:s19+$0x8870];
	v18 =	vsel vm4, v23, v18;
	v8 =	vnsel vm1, $0x0, v17;
	v5 =	vsel vm2, v35, v5  }
0x1d3: {  	v12 =	vld [tilespmem:s28+$0x1470];
	v6 =	vsel vm2, v15, v6;
	vm2 =	veq.s32 v1, v62;
	v3 =	vadd.f32 v3, v8  }
0x1d4: {  	vm5 =	veq.s32 v1, v47;
	v11 =	vld [tilespmem:s28+$0x1460];
	vm3 =	vgt.f32 v20, v21;
	v8 =	vnsel vm2, $0x0, v14  }
0x1d5: {  	v27 =	vld [tilespmem:s19+$0x8860];
	v9 =	vsel vm4, v9, v22;
	vm1 =	vgt.f32 v19, v10;
	v3 =	vadd.f32 v3, v8  }
0x1d6: {  	v22 =	vld [tilespmem:$0x1FCE0];
	v16 =	vsel vm1, v19, v10;
	v19 =	vsel vm3, v20, v21;
	v7 =	vnsel vm5, $0x0, v7  }
0x1d7: {  	v17 =	vld [tilespmem:s28+$0x1450];
	v8 =	vsel vm1, v55, v13;
	vm1 =	veq.s32 v1, v63;
	v3 =	vadd.f32 v3, v7  }
0x1d8: {  	p1 =	sne.s32 s0, $0x780;
	v15 =	vld [tilespmem:s28+$0x1440];
	vm2 =	vgt.f32 v24, v6;
	v14 =	vsel vm3, v43, v4;
	v4 =	vnsel vm1, $0x0, v26  }
.Ltmp5:
0x1d9: {  	v10 =	vld [tilespmem:s28+$0x1830];
	v20 =	vsel vm2, v24, v6;
	vm1 =	veq.s32 v1, v0;
	v4 =	vadd.f32 v3, v4;
	(pc) =	sbr.rel @p1 .LBB2_4-.Ltmp5, $4  }
0x1da: {  	vm3 =	vgt.f32 v11, v18;
	v13 =	vsel vm2, v38, v5;
	v5 =	vld [tilespmem:s19+$0x8C00];
	v6 =	vnsel vm1, $0x0, v27  }
0x1db: {  	s0 =	sadd.s32 $0x80, s0;
	s25 =	smov.u32 s9;
	vm2 =	vgt.f32 v12, v16;
	vm1 =	veq.s32 v1, v29;
	v3 =	vld [tilespmem:s19+$0x8C30];
	v7 =	vadd.f32 v4, v6  }
0x1dc: {  	s20 =	smov.u32 s6;
	s24 =	smov.u32 s8;
	s23 =	smov.u32 s15;
	v63 =	vmovc v2;
	v26 =	vlaneseq.u32;
	vm5 =	vgt.f32 v17, v20;
	v21 =	vnsel vm1, $0x0, v25;
	v6 =	vld [tilespmem:s19+$0x8C10]  }
0x1dd: {  	s26 =	smov.u32 s2;
	s21 =	smov.u32 s7;
	s22 =	smov.u32 s10;
	v0 =	vmovc v32;
	vm4 =	vgt.f32 v15, v19;
	vm1 =	veq.s32 v1, v50;
	v4 =	vld [tilespmem:s19+$0x8C20];
	v7 =	vadd.f32 v7, v21  }
0x1de: {  	v21 =	vld [tilespmem:s28+$0x1800]  }
0x1df: {  	v22 =	vld [tilespmem:s28+$0x1810]  }
0x1e0: {  	v23 =	vld [tilespmem:s28+$0x1840]  }
0x1e1: {  	v24 =	vld [tilespmem:s28+$0x1850]  }
0x1e2: {  	v50 =	vld [tilespmem:$0x1FF90]  }
0x1e3: {  	v48 =	vld [tilespmem:$0x1FFA0]  }
0x1e4: {  	s0 =	sadd.s32 $0x1, s29;
	v57 =	vld [tilespmem:$0x1FDE0]  }
0x1e5: {  	v46 =	vld [tilespmem:$0x1FD80];
	s0 =	sand.u32 $0x7, s0  }
0x1e6: {  	s1 =	sadd.s32 $0x400, s30;
	v55 =	vld [tilespmem:$0x1FDB0];
	s0 =	sshll.u32 s0, $0x7  }
0x1e7: {  	v33 =	vld [tilespmem:$0x1FCF0];
	s1 =	sadd.s32 s0, s1  }
0x1e8: {  	v49 =	vld [tilespmem:$0x1FD20];
	s2 =	sor.u32 $0x1C00, s1  }
0x1e9: {  	v15 =	vsel vm4, v15, v19;
	v19 =	vld [tilespmem:s2+$0x0]  }
0x1ea: {  	v2 =	vld [tilespmem:$0x1FD30];
	s8 =	sor.u32 $0x1C10, s1;
	vm6 =	vgt.f32 v21, v15  }
0x1eb: {  	v17 =	vsel vm5, v17, v20;
	v20 =	vld [tilespmem:s8+$0x0];
	v15 =	vsel vm6, v21, v15  }
0x1ec: {  	v28 =	vld [tilespmem:$0x1FFE0];
	s9 =	sor.u32 $0x1C40, s1;
	vm7 =	vgt.f32 v22, v17;
	vm8 =	vgt.f32 v23, v15  }
0x1ed: {  	v12 =	vsel vm2, v12, v16;
	s0 =	sor.u32 $0x1C50, s1;
	v16 =	vsel vm7, v22, v17;
	v17 =	vld [tilespmem:s9+$0x0];
	v15 =	vsel vm8, v23, v15  }
0x1ee: {  	v11 =	vsel vm3, v11, v18;
	v18 =	vld [tilespmem:s0+$0x0];
	vm9 =	vgt.f32 v24, v16;
	vm11 =	vgt.f32 v19, v15  }
0x1ef: {  	v16 =	vsel vm9, v24, v16;
	v15 =	vsel vm11, v19, v15;
	v19 =	vld [tilespmem:s28+$0x1820]  }
0x1f0: {  	v23 =	vld [tilespmem:$0x1FD60];
	vm12 =	vgt.f32 v20, v16  }
0x1f1: {  	v14 =	vsel vm4, v50, v14;
	v16 =	vsel vm12, v20, v16;
	v20 =	vld [tilespmem:s28+$0x1860]  }
0x1f2: {  	s10 =	sor.u32 $0x1C20, s1;
	v13 =	vsel vm5, v48, v13;
	v9 =	vsel vm3, v28, v9;
	v24 =	vld [tilespmem:$0x1FD70];
	vm13 =	vgt.f32 v17, v15  }
0x1f3: {  	v14 =	vsel vm6, v57, v14;
	v13 =	vsel vm7, v46, v13;
	v15 =	vsel vm13, v17, v15;
	v17 =	vld [tilespmem:s10+$0x0]  }
0x1f4: {  	v14 =	vsel vm8, v55, v14;
	v13 =	vsel vm9, v33, v13;
	vm15 =	vgt.f32 v19, v11  }
0x1f5: {  	v54 =	vld [tilespmem:$0x1FDA0];
	v14 =	vsel vm11, v49, v14;
	vm14 =	vgt.f32 v18, v16;
	v11 =	vsel vm15, v19, v11  }
0x1f6: {  	s31 =	sor.u32 $0x1C58, s1;
	v13 =	vsel vm12, v2, v13;
	v16 =	vsel vm14, v18, v16;
	v18 =	vld [tilespmem:s28+$0x1870];
	vm12 =	vgt.f32 v20, v11  }
0x1f7: {  	v14 =	vsel vm13, v23, v14;
	v13 =	vsel vm14, v24, v13;
	v19 =	vld [tilespmem:s31+$0x0];
	v11 =	vsel vm12, v20, v11  }
0x1f8: {  	vm9 =	veq.f32 v16, v15;
	vm10 =	vlt.u32 v13, v14;
	v20 =	vld [tilespmem:$0x1FD10];
	vm3 =	vgt.f32 v17, v11  }
0x1f9: {  	vm11 =	vgt.f32 v16, v15;
	vm6 =	vmand vm9, vm10;
	v11 =	vsel vm3, v17, v11;
	v17 =	vld [tilespmem:$0x1FD40]  }
0x1fa: {  	vm4 =	vgt.f32 v10, v12;
	vm6 =	vmor vm11, vm6  }
0x1fb: {  	s15 =	sor.u32 $0x1C30, s1;
	v10 =	vsel vm4, v10, v12;
	v12 =	vsel vm6, v13, v14;
	v13 =	vsel vm6, v16, v15;
	v15 =	vld [tilespmem:$0x1FDD0]  }
0x1fc: {  	v9 =	vsel vm15, v54, v9;
	v14 =	vld [tilespmem:s15+$0x0]  }
0x1fd: {  	v9 =	vsel vm12, v20, v9  }
0x1fe: {  	vm13 =	vgt.f32 v18, v10;
	v9 =	vsel vm3, v17, v9;
	vm3 =	vgt.f32 v19, v11  }
0x1ff: {  	v10 =	vsel vm13, v18, v10;
	v11 =	vsel vm3, v19, v11;
	v9 =	vsel vm3, v0, v9  }
0x200: {  	v8 =	vsel vm2, v15, v8;
	vm2 =	veq.f32 v11, v13;
	vm3 =	vlt.u32 v9, v12  }
0x201: {  	v16 =	vld [tilespmem:$0x1FDC0];
	vm14 =	vgt.f32 v14, v10;
	vm2 =	vmand vm2, vm3;
	vm3 =	vgt.f32 v11, v13  }
0x202: {  	v10 =	vsel vm14, v14, v10;
	v14 =	vld [tilespmem:$0x1FD00];
	vm2 =	vmor vm3, vm2  }
0x203: {  	v11 =	vsel vm2, v11, v13;
	v13 =	vld [tilespmem:$0x1FD50];
	_ =	sdelay $0x2  }
0x204: {  	v8 =	vsel vm4, v16, v8  }
0x205: {  	v8 =	vsel vm13, v14, v8  }
0x206: {  	v9 =	vsel vm2, v9, v12;
	v8 =	vsel vm14, v13, v8  }
0x207: {  	vm2 =	veq.f32 v10, v11;
	vm3 =	vlt.u32 v8, v9  }
0x208: {  	vm15 =	vgt.f32 v10, v11;
	vm2 =	vmand vm2, vm3  }
0x209: {  	vm2 =	vmor vm15, vm2  }
0x20a: {  	v10 =	vsel vm2, v10, v11  }
0x20b: {  	(xrf0) =	vmax.scan.msk.f32 $0xffff, v10;
	_ =	sdelay $0x5  }
0x20c: {  	v11, _, _ =	vpop (xrf0)  }
0x20d: {  	v11 =	vbroadcast v11, $0xF  }
0x20e: {  	v8 =	vsel vm2, v8, v9  }
0x20f: {  	v8 =	vxor.u32 $0x80000000, v8;
	vm2 =	veq.f32 v10, v11  }
0x210: {  	v8 =	vnsel vm2, $0xC0000000, v8  }
0x211: {  	(xrf0) =	vmin.scan.msk.u32 $0xffff, v8;
	_ =	sdelay $0x5  }
0x212: {  	v8, _, _ =	vpop (xrf0)  }
0x213: {  	(v2sf) =	vpush v8, $0xF;
	_ =	sdelay $0xb  }
0x214: {  	v8 =	vld [tilespmem:s28+$0x8000]  }
0x215: {  	v21 =	vld [tilespmem:$0x1FE60]  }
0x216: {  	v9 =	vld [tilespmem:s28+$0x8010]  }
0x217: {  	v44 =	vld [tilespmem:$0x1FE80];
	s16 =	spop (v2sf)  }
0x218: {  	v10 =	vld [tilespmem:s28+$0x8020];
	s1 =	sxor.u32 $0x80000000, s16  }
0x219: {  	v52 =	vld [tilespmem:$0x1FEA0];
	v8 =	vadd.f32 $0.0e+00, v8;
	v31 =	vmov s1  }
0x21a: {  	v11 =	vld [tilespmem:s28+$0x8030];
	vm2 =	veq.s32 v31, v26;
	vm3 =	veq.s32 v31, v21  }
0x21b: {  	v8 =	vnsel vm2, $0x0, v8;
	v9 =	vnsel vm3, $0x0, v9  }
0x21c: {  	vm2 =	veq.s32 v31, v44;
	v8 =	vadd.f32 v9, v8;
	v9 =	vld [tilespmem:s28+$0x8040]  }
0x21d: {  	v39 =	vld [tilespmem:$0x1FE70];
	v10 =	vnsel vm2, $0x0, v10  }
0x21e: {  	vm2 =	veq.s32 v31, v52;
	v8 =	vadd.f32 v8, v10;
	v10 =	vld [tilespmem:s28+$0x8050]  }
0x21f: {  	v41 =	vld [tilespmem:$0x1FE90];
	v11 =	vnsel vm2, $0x0, v11  }
0x220: {  	vm2 =	veq.s32 v31, v56;
	v8 =	vadd.f32 v8, v11;
	v11 =	vld [tilespmem:s28+$0x8060]  }
0x221: {  	v51 =	vld [tilespmem:$0x1FEB0];
	v9 =	vnsel vm2, $0x0, v9  }
0x222: {  	vm2 =	veq.s32 v31, v39;
	v8 =	vadd.f32 v8, v9;
	v9 =	vld [tilespmem:s28+$0x8070]  }
0x223: {  	v30 =	vld [tilespmem:$0x1FEC0];
	v10 =	vnsel vm2, $0x0, v10  }
0x224: {  	vm2 =	veq.s32 v31, v41;
	v8 =	vadd.f32 v8, v10;
	v10 =	vld [tilespmem:s28+$0x8400]  }
0x225: {  	v32 =	vld [tilespmem:$0x1FED0];
	v11 =	vnsel vm2, $0x0, v11  }
0x226: {  	vm2 =	veq.s32 v31, v51;
	v8 =	vadd.f32 v8, v11;
	v11 =	vld [tilespmem:s28+$0x8410]  }
0x227: {  	v35 =	vld [tilespmem:$0x1FEE0];
	v9 =	vnsel vm2, $0x0, v9  }
0x228: {  	vm2 =	veq.s32 v31, v30;
	v8 =	vadd.f32 v8, v9;
	v9 =	vld [tilespmem:s28+$0x8420]  }
0x229: {  	v47 =	vld [tilespmem:$0x1FEF0];
	v10 =	vnsel vm2, $0x0, v10  }
0x22a: {  	vm2 =	veq.s32 v31, v32;
	v8 =	vadd.f32 v8, v10;
	v10 =	vld [tilespmem:s28+$0x8430]  }
0x22b: {  	v53 =	vld [tilespmem:$0x1FF00];
	v11 =	vnsel vm2, $0x0, v11  }
0x22c: {  	vm2 =	veq.s32 v31, v35;
	v8 =	vadd.f32 v8, v11;
	v11 =	vld [tilespmem:s28+$0x8440]  }
0x22d: {  	v60 =	vld [tilespmem:$0x1FF10];
	v9 =	vnsel vm2, $0x0, v9  }
0x22e: {  	vm2 =	veq.s32 v31, v47;
	v8 =	vadd.f32 v8, v9;
	v9 =	vld [tilespmem:s28+$0x8450]  }
0x22f: {  	v58 =	vld [tilespmem:$0x1FF20];
	v10 =	vnsel vm2, $0x0, v10  }
0x230: {  	vm2 =	veq.s32 v31, v53;
	v8 =	vadd.f32 v8, v10;
	v10 =	vld [tilespmem:s28+$0x8460]  }
0x231: {  	v62 =	vld [tilespmem:$0x1FF30];
	v11 =	vnsel vm2, $0x0, v11  }
0x232: {  	vm2 =	veq.s32 v31, v60;
	v8 =	vadd.f32 v8, v11;
	v11 =	vld [tilespmem:s28+$0x8470]  }
0x233: {  	v12 =	vld [tilespmem:$0x1FF40];
	v9 =	vnsel vm2, $0x0, v9  }
0x234: {  	vm2 =	veq.s32 v31, v58;
	v8 =	vadd.f32 v8, v9;
	v9 =	vld [tilespmem:s28+$0x8800]  }
0x235: {  	v34 =	vld [tilespmem:$0x1FFB0];
	v10 =	vnsel vm2, $0x0, v10  }
0x236: {  	vm2 =	veq.s32 v31, v62;
	v8 =	vadd.f32 v8, v10;
	v10 =	vld [tilespmem:s28+$0x8810]  }
0x237: {  	v11 =	vnsel vm2, $0x0, v11  }
0x238: {  	vm2 =	veq.s32 v31, v12;
	v8 =	vadd.f32 v8, v11  }
0x239: {  	v9 =	vnsel vm2, $0x0, v9  }
0x23a: {  	v29 =	vld [tilespmem:$0x1FF70];
	vm2 =	veq.s32 v31, v34;
	v8 =	vadd.f32 v8, v9  }
0x23b: {  	v45 =	vld [tilespmem:$0x1FF80];
	v10 =	vnsel vm2, $0x0, v10  }
0x23c: {  	v8 =	vadd.f32 v8, v10;
	v10 =	vld [tilespmem:$0x1FFC0]  }
0x23d: {  	v11 =	vld [tilespmem:s28+$0x8820]  }
0x23e: {  	v26 =	vld [tilespmem:$0x1FFD0]  }
0x23f: {  	v9 =	vld [tilespmem:s28+$0x8830]  }
0x240: {  	v12 =	vld [tilespmem:$0x1FFF0]  }
0x241: {  	vm2 =	veq.s32 v31, v10;
	v10 =	vld [tilespmem:s28+$0x8840]  }
0x242: {  	v27 =	vld [tilespmem:$0x1FDF0];
	v11 =	vnsel vm2, $0x0, v11  }
0x243: {  	v25 =	vld [tilespmem:$0x1FE00];
	vm2 =	veq.s32 v31, v26;
	v8 =	vadd.f32 v8, v11  }
0x244: {  	v43 =	vld [tilespmem:s19+$0x8C40];
	v9 =	vnsel vm2, $0x0, v9  }
0x245: {  	v37 =	vld [tilespmem:$0x1FE10];
	vm2 =	veq.s32 v31, v12;
	v8 =	vadd.f32 v8, v9  }
0x246: {  	v11 =	vld [tilespmem:s28+$0x8850];
	v10 =	vnsel vm2, $0x0, v10  }
0x247: {  	v8 =	vadd.f32 v8, v10;
	v10 =	vld [tilespmem:s28+$0x8870]  }
0x248: {  	v59 =	vld [tilespmem:s19+$0x8C50]  }
0x249: {  	v9 =	vld [tilespmem:s28+$0x8860]  }
0x24a: {  	v61 =	vld [tilespmem:s19+$0x8C60]  }
0x24b: {  	v36 =	vld [tilespmem:s19+$0x8C70];
	v5 =	vnsel vm1, $0x0, v5;
	vm1 =	veq.s32 v31, v27;
	vm2 =	veq.s32 v31, v29  }
0x24c: {  	v11 =	vnsel vm2, $0x0, v11;
	v42 =	vnsel vm1, $0x0, v10;
	v10 =	vld [tilespmem:$0x1FC30]  }
0x24d: {  	vm2 =	veq.s32 v31, v45;
	v8 =	vadd.f32 v8, v11;
	v11 =	vld [tilespmem:s28+$0x8C00]  }
0x24e: {  	v18 =	vld [tilespmem:$0x1FC40];
	v9 =	vnsel vm2, $0x0, v9  }
0x24f: {  	v8 =	vadd.f32 v8, v9;
	v9 =	vld [tilespmem:s28+$0x8C10]  }
0x250: {  	v38 =	vld [tilespmem:s19+$0x9000]  }
0x251: {  	v5 =	vadd.f32 v7, v5;
	v7 =	vadd.f32 v8, v42;
	v8 =	vld [tilespmem:s28+$0x8C20];
	vm1 =	veq.s32 v31, v10  }
0x252: {  	v10 =	vnsel vm1, $0x0, v11;
	v11 =	vld [tilespmem:$0x1FC50]  }
0x253: {  	vm2 =	veq.s32 v1, v18;
	vm1 =	veq.s32 v31, v18;
	v7 =	vadd.f32 v7, v10;
	v10 =	vld [tilespmem:s28+$0x8C30]  }
0x254: {  	v40 =	vld [tilespmem:s19+$0x9010];
	v6 =	vnsel vm2, $0x0, v6;
	vm2 =	veq.s32 v1, v25;
	v9 =	vnsel vm1, $0x0, v9  }
0x255: {  	v19 =	vld [tilespmem:$0x1FC60];
	v5 =	vadd.f32 v5, v6;
	vm1 =	veq.s32 v31, v25;
	v7 =	vadd.f32 v7, v9  }
0x256: {  	v4 =	vnsel vm2, $0x0, v4;
	vm2 =	veq.s32 v1, v37;
	v8 =	vnsel vm1, $0x0, v8;
	v9 =	vld [tilespmem:s28+$0x8C40]  }
0x257: {  	v3 =	vnsel vm2, $0x0, v3;
	vm1 =	veq.s32 v31, v37;
	v7 =	vadd.f32 v7, v8;
	v8 =	vld [tilespmem:s28+$0x8C50]  }
0x258: {  	vm2 =	veq.s32 v1, v11;
	v10 =	vnsel vm1, $0x0, v10;
	vm1 =	veq.s32 v31, v11;
	v11 =	vld [tilespmem:$0x1FC70]  }
0x259: {  	v22 =	vld [tilespmem:$0x1FCE0];
	v4 =	vadd.f32 v5, v4  }
0x25a: {  	v42 =	vld [tilespmem:s19+$0x9020]  }
0x25b: {  	v3 =	vadd.f32 v4, v3;
	v18 =	vld [tilespmem:$0x1FCB0];
	v6 =	vnsel vm2, $0x0, v43;
	vm2 =	veq.s32 v1, v19  }
0x25c: {  	v5 =	vnsel vm2, $0x0, v59;
	v9 =	vnsel vm1, $0x0, v9;
	vm1 =	veq.s32 v31, v19;
	v19 =	vld [tilespmem:$0x1FC80]  }
0x25d: {  	v8 =	vnsel vm1, $0x0, v8;
	vm2 =	veq.s32 v1, v11;
	vm1 =	veq.s32 v31, v11;
	v11 =	vld [tilespmem:$0x1FC90]  }
0x25e: {  	v43 =	vld [tilespmem:s19+$0x9030];
	v7 =	vadd.f32 v7, v10  }
0x25f: {  	v3 =	vadd.f32 v3, v6;
	v10 =	vld [tilespmem:s28+$0x8C60]  }
0x260: {  	v59 =	vld [tilespmem:$0x1FE30];
	v7 =	vadd.f32 v7, v9  }
0x261: {  	v3 =	vadd.f32 v3, v5;
	v9 =	vld [tilespmem:s28+$0x8C70];
	v4 =	vnsel vm2, $0x0, v61;
	vm2 =	veq.s32 v1, v19  }
0x262: {  	v7 =	vadd.f32 v7, v8;
	v8 =	vld [tilespmem:s28+$0x9000];
	v6 =	vnsel vm2, $0x0, v36;
	vm2 =	veq.s32 v1, v11  }
0x263: {  	v5 =	vnsel vm2, $0x0, v38;
	v38 =	vld [tilespmem:$0x1FE20]  }
0x264: {  	v10 =	vnsel vm1, $0x0, v10;
	v61 =	vld [tilespmem:s19+$0x9040];
	v3 =	vadd.f32 v3, v4  }
0x265: {  	v7 =	vadd.f32 v7, v10;
	vm1 =	veq.s32 v31, v19;
	v36 =	vld [tilespmem:$0x1FE40]  }
0x266: {  	v10 =	vld [tilespmem:s28+$0x9010];
	v9 =	vnsel vm1, $0x0, v9;
	v3 =	vadd.f32 v3, v6  }
0x267: {  	v7 =	vadd.f32 v7, v9;
	v9 =	vld [tilespmem:s28+$0x9020];
	vm1 =	veq.s32 v31, v11  }
0x268: {  	v11 =	vld [tilespmem:$0x1FCA0];
	v8 =	vnsel vm1, $0x0, v8;
	v3 =	vadd.f32 v3, v5;
	vm2 =	veq.s32 v1, v38  }
0x269: {  	v7 =	vadd.f32 v7, v8;
	v8 =	vld [tilespmem:s28+$0x9030];
	v4 =	vnsel vm2, $0x0, v40;
	vm2 =	veq.s32 v1, v59  }
0x26a: {  	vm1 =	veq.s32 v31, v38;
	v40 =	vld [tilespmem:$0x1FE50];
	v6 =	vnsel vm2, $0x0, v42;
	vm2 =	veq.s32 v1, v36  }
0x26b: {  	v10 =	vnsel vm1, $0x0, v10;
	v5 =	vnsel vm2, $0x0, v43;
	v43 =	vld [tilespmem:$0x1FF50]  }
0x26c: {  	v3 =	vadd.f32 v3, v4;
	v7 =	vadd.f32 v7, v10;
	v10 =	vld [tilespmem:s28+$0x9040]  }
0x26d: {  	vm1 =	veq.s32 v31, v59;
	v42 =	vld [tilespmem:$0x1FF60]  }
0x26e: {  	v9 =	vnsel vm1, $0x0, v9;
	v3 =	vadd.f32 v3, v6;
	v6 =	vld [tilespmem:s19+$0x9050]  }
0x26f: {  	vm1 =	veq.s32 v31, v36;
	v7 =	vadd.f32 v7, v9;
	v9 =	vld [tilespmem:s28+$0x9050]  }
0x270: {  	v8 =	vnsel vm1, $0x0, v8;
	v3 =	vadd.f32 v3, v5;
	v5 =	vld [tilespmem:s19+$0x9060];
	vm2 =	veq.s32 v1, v43  }
0x271: {  	v7 =	vadd.f32 v7, v8;
	v8 =	vld [tilespmem:s28+$0x9060];
	vm1 =	veq.s32 v31, v43;
	v4 =	vnsel vm2, $0x0, v61  }
0x272: {  	v61 =	vld [tilespmem:s19+$0x9070];
	vm2 =	veq.s32 v1, v42;
	v10 =	vnsel vm1, $0x0, v10;
	vm1 =	veq.s32 v31, v42  }
0x273: {  	v3 =	vadd.f32 v3, v4;
	v6 =	vnsel vm2, $0x0, v6;
	v7 =	vadd.f32 v7, v10;
	v10 =	vld [tilespmem:s28+$0x9070]  }
0x274: {  	vm2 =	veq.s32 v1, v11;
	v9 =	vnsel vm1, $0x0, v9;
	vm1 =	veq.s32 v31, v11;
	v11 =	vld [tilespmem:$0x1FCC0]  }
0x275: {  	v3 =	vadd.f32 v3, v6;
	v6 =	vld [tilespmem:s19+$0x9400]  }
0x276: {  	v5 =	vnsel vm2, $0x0, v5;
	v7 =	vadd.f32 v7, v9;
	v9 =	vld [tilespmem:s28+$0x9400]  }
0x277: {  	vm2 =	veq.s32 v1, v18;
	v8 =	vnsel vm1, $0x0, v8;
	v3 =	vadd.f32 v3, v5;
	v5 =	vld [tilespmem:s19+$0x9410]  }
0x278: {  	vm1 =	veq.s32 v31, v18;
	v4 =	vnsel vm2, $0x0, v61;
	v61 =	vld [tilespmem:s19+$0x9420];
	v7 =	vadd.f32 v7, v8  }
0x279: {  	vm2 =	veq.s32 v1, v40;
	v8 =	vld [tilespmem:s28+$0x9410];
	v10 =	vnsel vm1, $0x0, v10;
	vm1 =	veq.s32 v31, v40  }
0x27a: {  	v3 =	vadd.f32 v3, v4;
	v7 =	vadd.f32 v7, v10;
	v10 =	vld [tilespmem:s28+$0x9420];
	v6 =	vnsel vm2, $0x0, v6  }
0x27b: {  	vm2 =	veq.s32 v1, v11;
	v9 =	vnsel vm1, $0x0, v9;
	vm1 =	veq.s32 v31, v11;
	v11 =	vld [tilespmem:$0x1FD90]  }
0x27c: {  	v3 =	vadd.f32 v3, v6;
	v6 =	vld [tilespmem:s19+$0x9430]  }
0x27d: {  	v7 =	vadd.f32 v7, v9;
	v9 =	vld [tilespmem:s28+$0x9430];
	v5 =	vnsel vm2, $0x0, v5  }
0x27e: {  	vm2 =	veq.s32 v1, v22;
	v8 =	vnsel vm1, $0x0, v8;
	v3 =	vadd.f32 v3, v5;
	v5 =	vld [tilespmem:s19+$0x9440]  }
0x27f: {  	vm1 =	veq.s32 v31, v22;
	v4 =	vnsel vm2, $0x0, v61;
	v7 =	vadd.f32 v7, v8;
	v8 =	vld [tilespmem:s28+$0x9440]  }
0x280: {  	v61 =	vld [tilespmem:s19+$0x9450];
	v10 =	vnsel vm1, $0x0, v10;
	v3 =	vadd.f32 v3, v4;
	vm2 =	veq.s32 v1, v11  }
0x281: {  	v7 =	vadd.f32 v7, v10;
	vm1 =	veq.s32 v31, v11;
	v10 =	vld [tilespmem:s28+$0x9450];
	v6 =	vnsel vm2, $0x0, v6  }
0x282: {  	vm2 =	veq.s32 v1, v50;
	v9 =	vnsel vm1, $0x0, v9;
	v3 =	vadd.f32 v3, v6;
	v6 =	vld [tilespmem:s19+$0x9460]  }
0x283: {  	vm1 =	veq.s32 v31, v50;
	v7 =	vadd.f32 v7, v9;
	v9 =	vld [tilespmem:s28+$0x9460];
	v5 =	vnsel vm2, $0x0, v5  }
0x284: {  	vm2 =	veq.s32 v1, v48;
	v8 =	vnsel vm1, $0x0, v8;
	v3 =	vadd.f32 v3, v5;
	v5 =	vld [tilespmem:s19+$0x9470]  }
0x285: {  	vm1 =	veq.s32 v31, v48;
	v4 =	vnsel vm2, $0x0, v61;
	v7 =	vadd.f32 v7, v8;
	v8 =	vld [tilespmem:s28+$0x9470]  }
0x286: {  	v61 =	vld [tilespmem:s19+$0x9800];
	vm2 =	veq.s32 v1, v28;
	v10 =	vnsel vm1, $0x0, v10;
	v3 =	vadd.f32 v3, v4  }
0x287: {  	vm1 =	veq.s32 v31, v28;
	v7 =	vadd.f32 v7, v10;
	v10 =	vld [tilespmem:s28+$0x9800];
	v6 =	vnsel vm2, $0x0, v6  }
0x288: {  	vm2 =	veq.s32 v1, v15;
	v9 =	vnsel vm1, $0x0, v9;
	v3 =	vadd.f32 v3, v6;
	v6 =	vld [tilespmem:s19+$0x9810]  }
0x289: {  	vm1 =	veq.s32 v31, v15;
	v7 =	vadd.f32 v7, v9;
	v9 =	vld [tilespmem:s28+$0x9810];
	v5 =	vnsel vm2, $0x0, v5  }
0x28a: {  	vm2 =	veq.s32 v1, v57;
	v8 =	vnsel vm1, $0x0, v8;
	v3 =	vadd.f32 v3, v5;
	v5 =	vld [tilespmem:s19+$0x9820]  }
0x28b: {  	vm1 =	veq.s32 v31, v57;
	v4 =	vnsel vm2, $0x0, v61;
	v7 =	vadd.f32 v7, v8;
	v8 =	vld [tilespmem:s28+$0x9820]  }
0x28c: {  	vm2 =	veq.s32 v1, v46;
	v61 =	vld [tilespmem:s19+$0x9830];
	v10 =	vnsel vm1, $0x0, v10;
	v3 =	vadd.f32 v3, v4  }
0x28d: {  	vm1 =	veq.s32 v31, v46;
	v7 =	vadd.f32 v7, v10;
	v10 =	vld [tilespmem:s28+$0x9830];
	v6 =	vnsel vm2, $0x0, v6  }
0x28e: {  	vm2 =	veq.s32 v1, v54;
	v9 =	vnsel vm1, $0x0, v9;
	v3 =	vadd.f32 v3, v6;
	v6 =	vld [tilespmem:s19+$0x9840]  }
0x28f: {  	vm1 =	veq.s32 v31, v54;
	v7 =	vadd.f32 v7, v9;
	v9 =	vld [tilespmem:s28+$0x9840];
	v5 =	vnsel vm2, $0x0, v5  }
0x290: {  	vm2 =	veq.s32 v1, v16;
	v8 =	vnsel vm1, $0x0, v8;
	v3 =	vadd.f32 v3, v5;
	v5 =	vld [tilespmem:s19+$0x9850]  }
0x291: {  	vm1 =	veq.s32 v31, v16;
	v4 =	vnsel vm2, $0x0, v61;
	v7 =	vadd.f32 v7, v8;
	v8 =	vld [tilespmem:s28+$0x9850]  }
0x292: {  	v61 =	vld [tilespmem:s19+$0x9860];
	vm2 =	veq.s32 v1, v55;
	v10 =	vnsel vm1, $0x0, v10;
	v3 =	vadd.f32 v3, v4  }
0x293: {  	vm1 =	veq.s32 v31, v55;
	v7 =	vadd.f32 v7, v10;
	v10 =	vld [tilespmem:s28+$0x9860];
	v6 =	vnsel vm2, $0x0, v6  }
0x294: {  	vm2 =	veq.s32 v1, v33;
	v9 =	vnsel vm1, $0x0, v9;
	v3 =	vadd.f32 v3, v6;
	v6 =	vld [tilespmem:s19+$0x9870]  }
0x295: {  	vm1 =	veq.s32 v31, v33;
	v7 =	vadd.f32 v7, v9;
	v9 =	vld [tilespmem:s28+$0x9870];
	v5 =	vnsel vm2, $0x0, v5  }
0x296: {  	vm2 =	veq.s32 v1, v20;
	v8 =	vnsel vm1, $0x0, v8;
	v3 =	vadd.f32 v3, v5;
	v5 =	vld [tilespmem:s25+$0x8000]  }
0x297: {  	vm1 =	veq.s32 v31, v20;
	v4 =	vnsel vm2, $0x0, v61;
	v61 =	vld [tilespmem:s24+$0x8000];
	v7 =	vadd.f32 v7, v8  }
0x298: {  	vm2 =	veq.s32 v1, v14;
	v8 =	vld [tilespmem:s2+$0x8000];
	v10 =	vnsel vm1, $0x0, v10;
	v3 =	vadd.f32 v3, v4  }
0x299: {  	v33 =	vld [tilespmem:s23+$0x8000];
	vm1 =	veq.s32 v31, v14;
	v7 =	vadd.f32 v7, v10;
	v6 =	vnsel vm2, $0x0, v6  }
0x29a: {  	v10 =	vld [tilespmem:s8+$0x8000];
	vm2 =	veq.s32 v1, v49;
	v9 =	vnsel vm1, $0x0, v9;
	v3 =	vadd.f32 v3, v6  }
0x29b: {  	v7 =	vadd.f32 v7, v9;
	v9 =	vld [tilespmem:s10+$0x8000];
	v5 =	vnsel vm2, $0x0, v5  }
0x29c: {  	vm1 =	veq.s32 v31, v49;
	vm2 =	veq.s32 v1, v2;
	v3 =	vadd.f32 v3, v5;
	v5 =	vld [tilespmem:s26+$0x8000]  }
0x29d: {  	v8 =	vnsel vm1, $0x0, v8;
	v4 =	vnsel vm2, $0x0, v61;
	v61 =	vld [tilespmem:s21+$0x8000]  }
0x29e: {  	vm1 =	veq.s32 v31, v2;
	vm2 =	veq.s32 v1, v17;
	v7 =	vadd.f32 v7, v8  }
0x29f: {  	v8 =	vld [tilespmem:s15+$0x8000];
	v6 =	vnsel vm2, $0x0, v33;
	v10 =	vnsel vm1, $0x0, v10;
	v3 =	vadd.f32 v3, v4  }
0x2a0: {  	vm2 =	veq.s32 v1, v13;
	v33 =	vld [tilespmem:s20+$0x8000];
	vm1 =	veq.s32 v31, v17;
	v7 =	vadd.f32 v7, v10  }
0x2a1: {  	v10 =	vld [tilespmem:s9+$0x8000];
	v3 =	vadd.f32 v3, v6;
	v5 =	vnsel vm2, $0x0, v5;
	vm2 =	veq.s32 v1, v23  }
0x2a2: {  	v9 =	vnsel vm1, $0x0, v9;
	v4 =	vnsel vm2, $0x0, v61;
	v61 =	vld [tilespmem:$0x1FC20]  }
0x2a3: {  	v7 =	vadd.f32 v7, v9;
	v9 =	vld [tilespmem:s0+$0x8000];
	v3 =	vadd.f32 v3, v5  }
0x2a4: {  	vm1 =	veq.s32 v31, v13;
	v5 =	vld [tilespmem:s22+$0x8000]  }
0x2a5: {  	v49 =	vnsel vm1, $0x0, v8;
	vm2 =	veq.s32 v1, v24;
	v3 =	vadd.f32 v3, v4  }
0x2a6: {  	vm1 =	veq.s32 v31, v23;
	v6 =	vnsel vm2, $0x0, v33;
	v4 =	vadd.f32 v7, v49;
	v7 =	vld [tilespmem:s31+$0x8000]  }
0x2a7: {  	v49 =	vnsel vm1, $0x0, v10;
	v33 =	vadd.f32 v3, v6;
	vm2 =	veq.s32 v1, v61  }
0x2a8: {  	v2 =	vadd.f32 v4, v49;
	vm1 =	vmand vm2, vm0;
	vm2 =	veq.s32 v31, v24  }
0x2a9: {  	vm3 =	veq.s32 v31, v0;
	v61 =	vnsel vm1, $0x0, v5;
	v6 =	vnsel vm2, $0x0, v9  }
0x2aa: {  	vm1 =	vmand vm3, vm0;
	v0 =	vadd.f32 v33, v61;
	v33 =	vadd.f32 v2, v6  }
0x2ab: {  	v49 =	vnsel vm1, $0x0, v7;
	v61 =	vld [tilespmem:$0x1FBF0]  }
0x2ac: {  	v0 =	vadd.f32 v0, v63;
	v1 =	vadd.f32 v33, v49;
	_ =	sdelay $0x1  }
0x2ad: {  	v0 =	vadd.f32 v1, v0  }
0x2ae: {  	v12 =	vmov v46  }
0x2af: {  	v18 =	vld [tilespmem:$0x1FF40];
	v20 =	vmovc v34;
	v13 =	vmovc v54;
	v10 =	vmov v24;
	v2 =	vmov v53;
	v0 =	vadd.f32 v0, v61  }
0x2b0: {  	v34 =	vld [tilespmem:$0x1FFC0];
	v53 =	vmovc v43;
	v63 =	vmovc v21;
	v21 =	vmov v62;
	v49 =	vmov v39;
	v39 =	vmov v27  }
0x2b1: {  	v27 =	vld [tilespmem:$0x1FFF0];
	v33 =	vmovc v41;
	v41 =	vmovc v48;
	v48 =	vmov v28;
	v28 =	vmov v2;
	v61 =	vmov v63;
	[tilespmem:$0x10000] =	vst v0  }
.LBB2_6:
.Ltmp6:
0x2b2: {  	(pc) =	sbr.rel @!p0 .LBB2_10-.Ltmp6, $1  }
0x2b3: {  	_ =	sdelay $0x3  }
0x2b4: {  	_ =	swait.ge [sflag:s13], $0x4000  }
0x2b5: {  	[sflag:s13] =	ssyncset.done $0x0  }
0x2b6: {  	[sflag:s13] =	ssyncadd.s32 $0xFFFFC000  }
0x2b7: {  	s29 =	simm.s32 $0x0;
	s0 =	simm.s32 $0x0;
	_ =	swait.ge [sflag:s14], $0x4000  }
0x2b8: {  	s0 =	sand.u32 $0x2000, s0;
	s1 =	sand.u32 $0x380, s29;
	[sflag:s14] =	ssyncset.done $0x0  }
0x2b9: {  	s19 =	sor.u32 s1, s0;
	[sflag:s14] =	ssyncadd.s32 $0xFFFFC000  }
0x2ba: {  	v0 =	vld [tilespmem:s19+$0x4030]  }
0x2bb: {  	v1 =	vld [tilespmem:s19+$0x4070]  }
0x2bc: {  	v2 =	vld [tilespmem:s19+$0x4020]  }
0x2bd: {  	v3 =	vld [tilespmem:s19+$0x4060]  }
0x2be: {  	v4 =	vld [tilespmem:s19+$0x4000]  }
0x2bf: {  	v5 =	vld [tilespmem:s19+$0x4010]  }
0x2c0: {  	v6 =	vld [tilespmem:s19+$0x4040]  }
0x2c1: {  	v7 =	vld [tilespmem:s19+$0x4050]  }
0x2c2: {  	v8 =	vld [tilespmem:s19+$0x4430]  }
0x2c3: {  	v9 =	vld [tilespmem:s19+$0x4420]  }
0x2c4: {  	v24 =	vmov v10;
	v10 =	vld [tilespmem:s19+$0x4400]  }
0x2c5: {  	v31 =	vmov v11;
	v11 =	vld [tilespmem:s19+$0x4410]  }
0x2c6: {  	v62 =	vlaneseq.u32;
	v14 =	vld [tilespmem:s19+$0x4470];
	vm1 =	vgt.f32 v3, v2;
	vm2 =	vgt.f32 v1, v0  }
0x2c7: {  	vm3 =	vgt.f32 v6, v4;
	vm4 =	vgt.f32 v7, v5;
	v0 =	vsel vm2, v1, v0;
	v1 =	vld [tilespmem:s19+$0x4460]  }
0x2c8: {  	v2 =	vsel vm1, v3, v2;
	v3 =	vsel vm3, v6, v4;
	v4 =	vsel vm4, v7, v5;
	v5 =	vld [tilespmem:s19+$0x4440]  }
0x2c9: {  	v46 =	vmov v57;
	v54 =	vmov v13;
	v43 =	vmov v15;
	v6 =	vld [tilespmem:s19+$0x4450]  }
0x2ca: {  	v13 =	vsel vm1, v33, v44;
	v15 =	vsel vm3, v56, v62;
	v62 =	vmovc v59;
	v59 =	vld [tilespmem:$0x1FC40];
	vm3 =	vgt.f32 v9, v2  }
0x2cb: {  	v19 =	vmovc v12;
	v12 =	vsel vm2, v51, v52;
	vm1 =	vgt.f32 v8, v0;
	v7 =	vsel vm3, v35, v13;
	v13 =	vld [tilespmem:s19+$0x4830]  }
0x2cc: {  	v57 =	vmovc v16;
	v16 =	vsel vm4, v49, v61;
	vm2 =	vgt.f32 v10, v3;
	v0 =	vsel vm1, v8, v0;
	v8 =	vld [tilespmem:s19+$0x4820]  }
0x2cd: {  	vm4 =	vgt.f32 v11, v4;
	v12 =	vsel vm1, v47, v12;
	v2 =	vsel vm3, v9, v2;
	v9 =	vld [tilespmem:s19+$0x4800]  }
0x2ce: {  	v15 =	vsel vm2, v30, v15;
	v3 =	vsel vm2, v10, v3;
	v10 =	vld [tilespmem:s19+$0x4810];
	vm2 =	vgt.f32 v14, v0  }
0x2cf: {  	v4 =	vsel vm4, v11, v4;
	v11 =	vsel vm2, v21, v12;
	v12 =	vld [tilespmem:s19+$0x4870];
	vm1 =	vgt.f32 v1, v2  }
0x2d0: {  	v16 =	vsel vm4, v32, v16;
	vm3 =	vgt.f32 v5, v3;
	v1 =	vsel vm1, v1, v2;
	v2 =	vld [tilespmem:s19+$0x4860]  }
0x2d1: {  	vm4 =	vgt.f32 v6, v4;
	v7 =	vsel vm1, v58, v7;
	v3 =	vsel vm3, v5, v3;
	v5 =	vld [tilespmem:s19+$0x4840]  }
0x2d2: {  	v15 =	vsel vm3, v28, v15;
	v4 =	vsel vm4, v6, v4;
	v6 =	vld [tilespmem:s19+$0x4850];
	vm1 =	vgt.f32 v9, v3  }
0x2d3: {  	v0 =	vsel vm2, v14, v0;
	v14 =	vsel vm1, v18, v15;
	v15 =	vld [tilespmem:s19+$0x4C30]  }
0x2d4: {  	v17 =	vlaneseq.u32;
	vm2 =	vgt.f32 v8, v1;
	v3 =	vsel vm1, v9, v3;
	v9 =	vld [tilespmem:s19+$0x4C20]  }
0x2d5: {  	v16 =	vsel vm4, v60, v16;
	vm4 =	vgt.f32 v10, v4;
	v1 =	vsel vm2, v8, v1;
	v8 =	vld [tilespmem:s19+$0x4C00]  }
0x2d6: {  	v17 =	vadd.s32 $0x3D8, v17;
	v52 =	vmovc v44;
	v44 =	vmovc v35;
	vm3 =	vgt.f32 v13, v0;
	v4 =	vsel vm4, v10, v4;
	v10 =	vld [tilespmem:s19+$0x4C10]  }
0x2d7: {  	v35 =	vmovc v30;
	v30 =	vmovc v21;
	v21 =	vmov v28;
	v28 =	vmov v18;
	v0 =	vsel vm3, v13, v0;
	v18 =	vld [tilespmem:$0x1FC30]  }
0x2d8: {  	v63 =	vmovc v20;
	v16 =	vsel vm4, v20, v16;
	v7 =	vsel vm2, v34, v7;
	v20 =	vld [tilespmem:$0x1FC80];
	vm2 =	vgt.f32 v12, v0  }
0x2d9: {  	v11 =	vsel vm3, v26, v11;
	v0 =	vsel vm2, v12, v0;
	v12 =	vld [tilespmem:s19+$0x4C60]  }
0x2da: {  	[tilespmem:$0x1FBA0] =	vst v17;
	v17 =	vmov v39;
	v11 =	vsel vm2, v39, v11;
	v39 =	vld [tilespmem:$0x1FC60];
	vm3 =	vgt.f32 v5, v3  }
0x2db: {  	vm1 =	vgt.f32 v2, v1;
	vm4 =	vgt.f32 v6, v4;
	v13 =	vsel vm3, v27, v14;
	v14 =	vld [tilespmem:s19+$0x4C70]  }
0x2dc: {  	v1 =	vsel vm1, v2, v1;
	v2 =	vsel vm3, v5, v3;
	v3 =	vsel vm4, v6, v4;
	v4 =	vld [tilespmem:s19+$0x4C40]  }
0x2dd: {  	v5 =	vld [tilespmem:s19+$0x4C50]  }
0x2de: {  	v7 =	vsel vm1, v45, v7;
	v45 =	vld [tilespmem:$0x1FC70]  }
0x2df: {  	v51 =	vmovc v33;
	v33 =	vmov v32;
	v16 =	vsel vm4, v29, v16;
	v29 =	vmov v38;
	v38 =	vld [tilespmem:$0x1FC90]  }
0x2e0: {  	v32 =	vmovc v26;
	v26 =	vmovc v34;
	v34 =	vmov v27;
	v27 =	vld [tilespmem:$0x1FCB0];
	vm1 =	vgt.f32 v15, v0;
	vm3 =	vgt.f32 v9, v1  }
0x2e1: {  	vm4 =	vgt.f32 v10, v3;
	v6 =	vsel vm3, v25, v7;
	v7 =	vsel vm1, v37, v11;
	v11 =	vld [tilespmem:s19+$0x5030]  }
0x2e2: {  	vm2 =	vgt.f32 v8, v2;
	v0 =	vsel vm1, v15, v0;
	v15 =	vsel vm4, v59, v16;
	v16 =	vld [tilespmem:s19+$0x5020]  }
0x2e3: {  	v2 =	vsel vm2, v8, v2;
	v8 =	vld [tilespmem:s19+$0x5000]  }
0x2e4: {  	v1 =	vsel vm3, v9, v1;
	v9 =	vld [tilespmem:s19+$0x5010]  }
0x2e5: {  	v37 =	vmov v36;
	v36 =	vld [tilespmem:$0x1FC50]  }
0x2e6: {  	v13 =	vsel vm2, v18, v13;
	v3 =	vsel vm4, v10, v3;
	v10 =	vld [tilespmem:s19+$0x5070];
	vm3 =	vgt.f32 v12, v1  }
0x2e7: {  	v25 =	vld [tilespmem:$0x1FCA0];
	v1 =	vsel vm3, v12, v1;
	vm1 =	vgt.f32 v14, v0;
	vm2 =	vgt.f32 v4, v2  }
0x2e8: {  	v12 =	vld [tilespmem:s19+$0x5430];
	vm4 =	vgt.f32 v5, v3;
	v6 =	vsel vm3, v45, v6;
	v7 =	vsel vm1, v20, v7  }
0x2e9: {  	v0 =	vsel vm1, v14, v0;
	v14 =	vsel vm4, v39, v15;
	v15 =	vld [tilespmem:s19+$0x5060];
	v2 =	vsel vm2, v4, v2  }
0x2ea: {  	v3 =	vsel vm4, v5, v3;
	v4 =	vld [tilespmem:s19+$0x5040];
	v13 =	vsel vm2, v36, v13;
	vm1 =	vgt.f32 v11, v0  }
0x2eb: {  	v5 =	vld [tilespmem:s19+$0x5050];
	vm2 =	vgt.f32 v8, v2;
	vm3 =	vgt.f32 v16, v1;
	vm4 =	vgt.f32 v9, v3  }
0x2ec: {  	v0 =	vsel vm1, v11, v0;
	v11 =	vsel vm2, v38, v13;
	v13 =	vsel vm4, v29, v14;
	v14 =	vld [tilespmem:s19+$0x5420]  }
0x2ed: {  	v6 =	vsel vm3, v62, v6;
	v7 =	vsel vm1, v37, v7;
	v2 =	vsel vm2, v8, v2;
	v8 =	vld [tilespmem:s19+$0x5400]  }
0x2ee: {  	v1 =	vsel vm3, v16, v1;
	v3 =	vsel vm4, v9, v3;
	v9 =	vld [tilespmem:s19+$0x5410];
	vm1 =	vgt.f32 v10, v0  }
0x2ef: {  	v16 =	vld [tilespmem:s19+$0x5470];
	v7 =	vsel vm1, v27, v7;
	v0 =	vsel vm1, v10, v0;
	vm2 =	vgt.f32 v4, v2  }
0x2f0: {  	v62 =	vld [tilespmem:$0x1FCC0];
	vm3 =	vgt.f32 v15, v1;
	vm4 =	vgt.f32 v5, v3;
	vm1 =	vgt.f32 v12, v0  }
0x2f1: {  	v6 =	vsel vm3, v25, v6;
	v10 =	vsel vm2, v53, v11;
	v11 =	vsel vm4, v42, v13;
	v13 =	vld [tilespmem:s19+$0x5460]  }
0x2f2: {  	v1 =	vsel vm3, v15, v1;
	v2 =	vsel vm2, v4, v2;
	v3 =	vsel vm4, v5, v3;
	v4 =	vld [tilespmem:s19+$0x5440]  }
0x2f3: {  	v5 =	vld [tilespmem:s19+$0x5450];
	v7 =	vsel vm1, v31, v7;
	v0 =	vsel vm1, v12, v0;
	vm2 =	vgt.f32 v8, v2  }
0x2f4: {  	v15 =	vld [tilespmem:s19+$0x5820];
	vm3 =	vgt.f32 v14, v1;
	vm4 =	vgt.f32 v9, v3;
	vm1 =	vgt.f32 v16, v0  }
0x2f5: {  	v6 =	vsel vm3, v22, v6;
	v10 =	vsel vm2, v40, v10;
	v2 =	vsel vm2, v8, v2;
	v8 =	vld [tilespmem:s19+$0x5800]  }
0x2f6: {  	v11 =	vsel vm4, v62, v11;
	v1 =	vsel vm3, v14, v1;
	v3 =	vsel vm4, v9, v3;
	v9 =	vld [tilespmem:s19+$0x5810]  }
0x2f7: {  	s9 =	sand.u32 $0x7, s29;
	v7 =	vsel vm1, v43, v7;
	v0 =	vsel vm1, v16, v0;
	v16 =	vld [tilespmem:s19+$0x5860];
	vm3 =	vgt.f32 v13, v1  }
0x2f8: {  	s0 =	sshll.u32 s9, $0x7;
	v12 =	vld [tilespmem:s19+$0x5830];
	vm2 =	vgt.f32 v4, v2;
	vm4 =	vgt.f32 v5, v3;
	v6 =	vsel vm3, v48, v6  }
0x2f9: {  	s0 =	sadd.s32 $0x0, s0;
	v1 =	vsel vm3, v13, v1;
	v2 =	vsel vm2, v4, v2;
	v3 =	vsel vm4, v5, v3;
	v5 =	vld [tilespmem:s19+$0x5850]  }
0x2fa: {  	s24 =	sor.u32 $0x1C10, s0;
	v10 =	vsel vm2, v50, v10;
	v4 =	vld [tilespmem:s19+$0x5840];
	vm2 =	vgt.f32 v8, v2;
	vm3 =	vgt.f32 v15, v1  }
0x2fb: {  	v11 =	vsel vm4, v41, v11;
	v1 =	vsel vm3, v15, v1;
	v2 =	vsel vm2, v8, v2;
	v8 =	vld [tilespmem:s24+$0x4000]  }
0x2fc: {  	vm4 =	vgt.f32 v9, v3;
	v6 =	vsel vm3, v54, v6;
	v15 =	vld [tilespmem:$0x1FD10];
	vm3 =	vgt.f32 v16, v1  }
0x2fd: {  	s23 =	sor.u32 $0x1C20, s0;
	vm1 =	vgt.f32 v12, v0;
	v3 =	vsel vm4, v9, v3;
	v1 =	vsel vm3, v16, v1;
	v16 =	vld [tilespmem:$0x1FCF0]  }
0x2fe: {  	v0 =	vsel vm1, v12, v0;
	v12 =	vld [tilespmem:s23+$0x4000];
	v11 =	vsel vm4, v19, v11;
	vm4 =	vgt.f32 v5, v3  }
0x2ff: {  	s25 =	sor.u32 $0x1C00, s0;
	v3 =	vsel vm4, v5, v3;
	v5 =	vld [tilespmem:$0x1FD40]  }
0x300: {  	s21 =	sor.u32 $0x1C40, s0;
	v13 =	vld [tilespmem:s25+$0x4000]  }
0x301: {  	s20 =	sor.u32 $0x1C50, s0;
	v9 =	vld [tilespmem:s21+$0x4000]  }
0x302: {  	v6 =	vsel vm3, v15, v6;
	v15 =	vld [tilespmem:s20+$0x4000];
	v11 =	vsel vm4, v16, v11;
	vm4 =	vgt.f32 v8, v3  }
0x303: {  	vm3 =	vgt.f32 v12, v1;
	v3 =	vsel vm4, v8, v3;
	v8 =	vld [tilespmem:$0x1FD30]  }
0x304: {  	v5 =	vsel vm3, v5, v6;
	v6 =	vld [tilespmem:$0x1FD20]  }
0x305: {  	v10 =	vsel vm2, v46, v10;
	vm2 =	vgt.f32 v4, v2  }
0x306: {  	v2 =	vsel vm2, v4, v2  }
0x307: {  	v10 =	vsel vm2, v55, v10;
	vm2 =	vgt.f32 v13, v2  }
0x308: {  	s22 =	sor.u32 $0x1C58, s0;
	v14 =	vld [tilespmem:s19+$0x5870];
	v2 =	vsel vm2, v13, v2;
	v8 =	vsel vm4, v8, v11;
	vm4 =	vgt.f32 v15, v3  }
0x309: {  	v4 =	vld [tilespmem:s22+$0x4000];
	v6 =	vsel vm2, v6, v10;
	vm2 =	vgt.f32 v9, v2;
	v3 =	vsel vm4, v15, v3  }
0x30a: {  	v55 =	vld [tilespmem:$0x1FBA0];
	v8 =	vsel vm4, v24, v8;
	v6 =	vsel vm2, v23, v6;
	v2 =	vsel vm2, v9, v2  }
0x30b: {  	s26 =	sor.u32 $0x1C30, s0;
	v1 =	vsel vm3, v12, v1;
	v10 =	vld [tilespmem:$0x1FD00];
	vm2 =	veq.f32 v3, v2;
	vm3 =	vlt.u32 v8, v6  }
0x30c: {  	v9 =	vld [tilespmem:s26+$0x4000];
	vm5 =	vgt.f32 v3, v2;
	vm2 =	vmand vm2, vm3  }
0x30d: {  	v7 =	vsel vm1, v57, v7;
	vm1 =	vgt.f32 v14, v0;
	vm2 =	vmor vm5, vm2  }
0x30e: {  	v0 =	vsel vm1, v14, v0;
	vm4 =	vgt.f32 v4, v1;
	v2 =	vsel vm2, v3, v2;
	v3 =	vld [tilespmem:$0x1FD50]  }
0x30f: {  	v5 =	vsel vm4, v55, v5;
	v1 =	vsel vm4, v4, v1;
	v4 =	vsel vm2, v8, v6  }
0x310: {  	v7 =	vsel vm1, v10, v7;
	vm1 =	veq.f32 v1, v2;
	vm2 =	vlt.u32 v5, v4  }
0x311: {  	vm3 =	vgt.f32 v9, v0;
	vm4 =	vgt.f32 v1, v2;
	vm1 =	vmand vm1, vm2  }
0x312: {  	v0 =	vsel vm3, v9, v0;
	vm1 =	vmor vm4, vm1  }
0x313: {  	v1 =	vsel vm1, v1, v2;
	v2 =	vsel vm1, v5, v4;
	v3 =	vsel vm3, v3, v7  }
0x314: {  	s10 =	simm.s32 $0x80;
	s15 =	simm.s32 $0x400;
	vm1 =	veq.f32 v0, v1;
	vm2 =	vlt.u32 v3, v2  }
0x315: {  	s1 =	sand.u32 $0x2000, s15;
	s0 =	sand.u32 $0x380, s10;
	vm3 =	vgt.f32 v0, v1;
	vm1 =	vmand vm1, vm2  }
0x316: {  	s28 =	sor.u32 s0, s1;
	vm1 =	vmor vm3, vm1  }
0x317: {  	v31 =	vmov v18;
	v18 =	vld [tilespmem:s28+$0x4460];
	v0 =	vsel vm1, v0, v1  }
0x318: {  	v22 =	vmov v40;
	v40 =	vld [tilespmem:$0x1FEB0];
	(xrf0) =	vmax.scan.msk.f32 $0xffff, v0  }
0x319: {  	v43 =	vld [tilespmem:$0x1FF70]  }
0x31a: {  	v48 =	vld [tilespmem:$0x1FCD0]  }
0x31b: {  	v19 =	vld [tilespmem:s28+$0x4C00]  }
0x31c: {  	v54 =	vld [tilespmem:$0x1FE30]  }
0x31d: {  	v23 =	vld [tilespmem:$0x1FEA0]  }
0x31e: {  	v6 =	vld [tilespmem:s28+$0x4070];
	v5, _, _ =	vpop (xrf0)  }
0x31f: {  	v8 =	vld [tilespmem:s28+$0x4050];
	v5 =	vbroadcast v5, $0xF  }
0x320: {  	v10 =	vld [tilespmem:s28+$0x4420];
	v2 =	vsel vm1, v3, v2  }
0x321: {  	v4 =	vld [tilespmem:s28+$0x4030];
	vm1 =	veq.f32 v0, v5;
	v0 =	vxor.u32 $0x80000000, v2  }
0x322: {  	v7 =	vld [tilespmem:s28+$0x4020];
	v0 =	vnsel vm1, $0xC0000000, v0  }
0x323: {  	v1 =	vld [tilespmem:s19+$0xC000];
	(xrf0) =	vmin.scan.msk.u32 $0xffff, v0  }
0x324: {  	v3 =	vld [tilespmem:s28+$0x4060]  }
0x325: {  	v2 =	vld [tilespmem:s28+$0x4000]  }
0x326: {  	v5 =	vld [tilespmem:s28+$0x4010]  }
0x327: {  	v0 =	vld [tilespmem:s28+$0x4040]  }
0x328: {  	v12 =	vld [tilespmem:s28+$0x4410];
	vm2 =	vgt.f32 v6, v4  }
0x329: {  	v50 =	vlaneseq.u32;
	v11 =	vimm.f32 $0.0e+00;
	v9 =	vld [tilespmem:s28+$0x4430];
	v14 =	vsel vm2, v40, v23;
	v13, _, _ =	vpop (xrf0)  }
0x32a: {  	[tilespmem:$0x1FBB0] =	vst v11;
	v11 =	vadd.f32 $0.0e+00, v1;
	v1 =	vld [tilespmem:s28+$0x4400];
	vm1 =	vgt.f32 v3, v7;
	(v2sf) =	vpush v13, $0xF  }
0x32b: {  	v15 =	vld [tilespmem:s28+$0x4470];
	v4 =	vsel vm2, v6, v4;
	v3 =	vsel vm1, v3, v7;
	vm4 =	vgt.f32 v8, v5  }
0x32c: {  	v24 =	vld [tilespmem:$0x1FF80];
	vm2 =	vgt.f32 v10, v3;
	v5 =	vsel vm4, v8, v5;
	vm3 =	vgt.f32 v0, v2  }
0x32d: {  	v53 =	vmovc v17;
	v6 =	vld [tilespmem:s28+$0x4450];
	v17 =	vsel vm4, v49, v61;
	vm4 =	vgt.f32 v12, v5;
	v16 =	vsel vm3, v48, v50  }
0x32e: {  	v8 =	vld [tilespmem:s28+$0x4830];
	v0 =	vsel vm3, v0, v2;
	v5 =	vsel vm4, v12, v5;
	v13 =	vsel vm1, v51, v52  }
0x32f: {  	v2 =	vld [tilespmem:s28+$0x4440];
	vm1 =	vgt.f32 v9, v4;
	vm3 =	vgt.f32 v1, v0;
	v7 =	vsel vm2, v44, v13  }
0x330: {  	v13 =	vsel vm1, v47, v14;
	v14 =	vsel vm3, v35, v16;
	v16 =	vsel vm4, v33, v17;
	v17 =	vld [tilespmem:s28+$0x4820]  }
0x331: {  	v4 =	vsel vm1, v9, v4;
	v0 =	vsel vm3, v1, v0;
	v1 =	vsel vm2, v10, v3;
	v3 =	vld [tilespmem:s28+$0x4800]  }
0x332: {  	v9 =	vld [tilespmem:s28+$0x4810];
	vm4 =	vgt.f32 v6, v5;
	vm1 =	vgt.f32 v18, v1;
	vm2 =	vgt.f32 v15, v4  }
0x333: {  	v12 =	vld [tilespmem:s28+$0x4870];
	v5 =	vsel vm4, v6, v5;
	v10 =	vsel vm2, v30, v13;
	v7 =	vsel vm1, v58, v7  }
0x334: {  	v6 =	vld [tilespmem:s28+$0x4850];
	v1 =	vsel vm1, v18, v1;
	v4 =	vsel vm2, v15, v4;
	vm3 =	vgt.f32 v2, v0  }
0x335: {  	v15 =	vld [tilespmem:$0x10000];
	vm2 =	vgt.f32 v8, v4;
	v13 =	vsel vm3, v21, v14;
	v14 =	vsel vm4, v60, v16  }
0x336: {  	v16 =	vld [tilespmem:s28+$0x4860];
	v0 =	vsel vm3, v2, v0;
	v10 =	vsel vm2, v32, v10;
	v4 =	vsel vm2, v8, v4  }
0x337: {  	v2 =	vld [tilespmem:s28+$0x4840];
	vm1 =	vgt.f32 v3, v0;
	vm3 =	vgt.f32 v17, v1;
	vm4 =	vgt.f32 v9, v5  }
0x338: {  	v8 =	vld [tilespmem:s19+$0xC010];
	vm2 =	vgt.f32 v12, v4;
	v13 =	vsel vm1, v28, v13;
	v14 =	vsel vm4, v63, v14  }
0x339: {  	v18 =	vld [tilespmem:s28+$0x4C20];
	v7 =	vsel vm3, v26, v7;
	v0 =	vsel vm1, v3, v0;
	v3 =	vsel vm3, v17, v1;
	s16 =	spop (v2sf)  }
0x33a: {  	v5 =	vsel vm4, v9, v5;
	v9 =	vld [tilespmem:s19+$0xC020];
	v10 =	vsel vm2, v53, v10;
	v4 =	vsel vm2, v12, v4;
	s0 =	sxor.u32 $0x80000000, s16  }
0x33b: {  	v17 =	vld [tilespmem:s28+$0x4C30];
	vm4 =	vgt.f32 v6, v5;
	vm1 =	vgt.f32 v16, v3;
	v1 =	vmov s0  }
0x33c: {  	[tilespmem:$0x1FBC0] =	vst v15;
	v15 =	vld [tilespmem:s19+$0xC030];
	vm3 =	vgt.f32 v2, v0;
	vm5 =	veq.s32 v1, v50;
	vm6 =	veq.s32 v1, v61  }
0x33d: {  	v12 =	vld [tilespmem:s28+$0x4C10];
	v7 =	vsel vm1, v24, v7;
	v11 =	vnsel vm5, $0x0, v11;
	v8 =	vnsel vm6, $0x0, v8  }
0x33e: {  	v3 =	vsel vm1, v16, v3;
	vm1 =	veq.s32 v1, v52;
	v8 =	vadd.f32 v8, v11;
	v11 =	vld [tilespmem:s19+$0xC040]  }
0x33f: {  	v0 =	vsel vm3, v2, v0;
	v2 =	vsel vm4, v6, v5;
	v52 =	vld [tilespmem:$0x1FE10];
	v5 =	vnsel vm1, $0x0, v9  }
0x340: {  	v14 =	vsel vm4, v43, v14;
	vm2 =	veq.s32 v1, v23;
	v5 =	vadd.f32 v8, v5;
	v8 =	vld [tilespmem:s19+$0xC050]  }
0x341: {  	v13 =	vsel vm3, v34, v13;
	v6 =	vld [tilespmem:s19+$0xC070];
	vm3 =	vgt.f32 v19, v0;
	v9 =	vnsel vm2, $0x0, v15  }
0x342: {  	vm1 =	vgt.f32 v17, v4;
	v15 =	vld [tilespmem:s19+$0xC060];
	vm5 =	veq.s32 v1, v48;
	v5 =	vadd.f32 v5, v9  }
0x343: {  	v16 =	vld [tilespmem:s28+$0x4C70];
	vm4 =	vgt.f32 v18, v3;
	v4 =	vsel vm1, v17, v4;
	v11 =	vnsel vm5, $0x0, v11  }
0x344: {  	v50 =	vld [tilespmem:$0x1FE00];
	v9 =	vsel vm1, v52, v10;
	vm1 =	veq.s32 v1, v49;
	v5 =	vadd.f32 v5, v11  }
0x345: {  	v3 =	vsel vm4, v18, v3;
	v0 =	vsel vm3, v19, v0;
	v10 =	vld [tilespmem:s28+$0x4C60];
	v8 =	vnsel vm1, $0x0, v8  }
0x346: {  	vm2 =	vgt.f32 v12, v2;
	vm1 =	veq.s32 v1, v51;
	v5 =	vadd.f32 v5, v8;
	v8 =	vld [tilespmem:s19+$0xC400]  }
0x347: {  	v17 =	vld [tilespmem:s28+$0x4C40];
	v2 =	vsel vm2, v12, v2;
	v11 =	vsel vm3, v31, v13;
	v12 =	vnsel vm1, $0x0, v15  }
0x348: {  	v13 =	vsel vm2, v59, v14;
	vm2 =	veq.s32 v1, v40;
	v5 =	vadd.f32 v5, v12;
	v12 =	vld [tilespmem:s19+$0xC410]  }
0x349: {  	v7 =	vsel vm4, v50, v7;
	vm5 =	veq.s32 v1, v35;
	v14 =	vld [tilespmem:s28+$0x4C50];
	v6 =	vnsel vm2, $0x0, v6  }
0x34a: {  	v18 =	vld [tilespmem:s19+$0xC420];
	vm1 =	vgt.f32 v16, v4;
	vm4 =	vgt.f32 v10, v3;
	v5 =	vadd.f32 v5, v6  }
0x34b: {  	v19 =	vld [tilespmem:s28+$0x5030];
	v4 =	vsel vm1, v16, v4;
	v6 =	vsel vm4, v45, v7;
	v8 =	vnsel vm5, $0x0, v8  }
0x34c: {  	v15 =	vld [tilespmem:s19+$0xC430];
	v7 =	vsel vm1, v20, v9;
	vm1 =	veq.s32 v1, v33;
	v5 =	vadd.f32 v5, v8  }
0x34d: {  	vm3 =	vgt.f32 v17, v0;
	v16 =	vld [tilespmem:s28+$0x5000];
	v3 =	vsel vm4, v10, v3;
	v12 =	vnsel vm1, $0x0, v12  }
0x34e: {  	v10 =	vld [tilespmem:s19+$0xC440];
	vm2 =	vgt.f32 v14, v2;
	vm1 =	veq.s32 v1, v44;
	v5 =	vadd.f32 v5, v12  }
0x34f: {  	v9 =	vld [tilespmem:s28+$0x5020];
	v2 =	vsel vm2, v14, v2;
	v8 =	vsel vm3, v36, v11;
	v12 =	vnsel vm1, $0x0, v18  }
0x350: {  	v11 =	vsel vm2, v39, v13;
	vm2 =	veq.s32 v1, v47;
	v5 =	vadd.f32 v5, v12;
	v12 =	vld [tilespmem:s19+$0xC450]  }
0x351: {  	v0 =	vsel vm3, v17, v0;
	v13 =	vld [tilespmem:s28+$0x5010];
	v15 =	vnsel vm2, $0x0, v15  }
0x352: {  	v17 =	vld [tilespmem:s19+$0xC460];
	vm5 =	veq.s32 v1, v21;
	vm1 =	vgt.f32 v19, v4;
	v5 =	vadd.f32 v5, v15  }
0x353: {  	v61 =	vmovc v22;
	v22 =	vld [tilespmem:s28+$0x5410];
	vm3 =	vgt.f32 v16, v0;
	v10 =	vnsel vm5, $0x0, v10;
	v7 =	vsel vm1, v37, v7  }
0x354: {  	v14 =	vld [tilespmem:s19+$0xC470];
	v4 =	vsel vm1, v19, v4;
	vm1 =	veq.s32 v1, v60;
	v5 =	vadd.f32 v5, v10  }
0x355: {  	v0 =	vsel vm3, v16, v0;
	v16 =	vld [tilespmem:s19+$0xC820];
	vm4 =	vgt.f32 v9, v3;
	v12 =	vnsel vm1, $0x0, v12  }
0x356: {  	v18 =	vld [tilespmem:s28+$0x5070];
	vm2 =	vgt.f32 v13, v2;
	vm1 =	veq.s32 v1, v58;
	v5 =	vadd.f32 v5, v12  }
0x357: {  	v19 =	vld [tilespmem:s28+$0x5040];
	v3 =	vsel vm4, v9, v3;
	v2 =	vsel vm2, v13, v2;
	v12 =	vnsel vm1, $0x0, v17  }
0x358: {  	v9 =	vld [tilespmem:s19+$0xC800];
	v10 =	vsel vm2, v29, v11;
	vm2 =	veq.s32 v1, v30;
	v5 =	vadd.f32 v5, v12  }
0x359: {  	v14 =	vnsel vm2, $0x0, v14;
	v12 =	vld [tilespmem:s19+$0xC810]  }
0x35a: {  	v5 =	vadd.f32 v5, v14;
	v14 =	vld [tilespmem:$0x1FF50]  }
0x35b: {  	v11 =	vld [tilespmem:s28+$0x5050]  }
0x35c: {  	v8 =	vsel vm3, v38, v8;
	vm5 =	veq.s32 v1, v28;
	v60 =	vld [tilespmem:$0x1FF60];
	vm1 =	vgt.f32 v18, v4  }
0x35d: {  	v23 =	vld [tilespmem:s19+$0xC870];
	vm3 =	vgt.f32 v19, v0;
	v9 =	vnsel vm5, $0x0, v9;
	v7 =	vsel vm1, v27, v7  }
0x35e: {  	v13 =	vld [tilespmem:s19+$0xC830];
	v4 =	vsel vm1, v18, v4;
	vm1 =	veq.s32 v1, v63;
	v5 =	vadd.f32 v5, v9  }
0x35f: {  	v20 =	vld [tilespmem:s28+$0x5420];
	v14 =	vsel vm3, v14, v8;
	v8 =	vnsel vm1, $0x0, v12  }
0x360: {  	v21 =	vld [tilespmem:s28+$0x5400];
	vm2 =	vgt.f32 v11, v2;
	vm1 =	veq.s32 v1, v26;
	v5 =	vadd.f32 v5, v8  }
0x361: {  	v15 =	vld [tilespmem:s28+$0x5060];
	v10 =	vsel vm2, v60, v10;
	v8 =	vnsel vm1, $0x0, v16  }
0x362: {  	v17 =	vld [tilespmem:s28+$0x5430];
	v2 =	vsel vm2, v11, v2;
	vm2 =	veq.s32 v1, v32;
	v5 =	vadd.f32 v5, v8  }
0x363: {  	v9 =	vld [tilespmem:s19+$0xC840];
	v8 =	vnsel vm2, $0x0, v13  }
0x364: {  	v5 =	vadd.f32 v5, v8;
	v8 =	vld [tilespmem:$0x1FD90]  }
0x365: {  	v18 =	vld [tilespmem:s19+$0xC850]  }
0x366: {  	v6 =	vsel vm4, v54, v6;
	v0 =	vsel vm3, v19, v0;
	vm4 =	vgt.f32 v15, v3;
	v63 =	vld [tilespmem:s19+$0xC860]  }
0x367: {  	vm5 =	veq.s32 v1, v34;
	v3 =	vsel vm4, v15, v3;
	v15 =	vld [tilespmem:s28+$0x5440];
	vm1 =	vgt.f32 v17, v4  }
0x368: {  	v6 =	vsel vm4, v25, v6;
	v11 =	vld [tilespmem:s28+$0x5460];
	v16 =	vsel vm1, v17, v4;
	v4 =	vnsel vm5, $0x0, v9  }
0x369: {  	v12 =	vld [tilespmem:s28+$0x5470];
	v4 =	vadd.f32 v5, v4;
	v8 =	vsel vm1, v8, v7;
	vm1 =	veq.s32 v1, v43  }
0x36a: {  	v59 =	vmovc v24;
	vm3 =	vgt.f32 v21, v0;
	v17 =	vld [tilespmem:s28+$0x5450];
	vm2 =	vgt.f32 v22, v2;
	v5 =	vnsel vm1, $0x0, v18  }
0x36b: {  	v13 =	vsel vm2, v62, v10;
	v10 =	vld [tilespmem:s28+$0x5830];
	vm1 =	veq.s32 v1, v59;
	v4 =	vadd.f32 v4, v5  }
0x36c: {  	vm4 =	vgt.f32 v20, v3;
	v19 =	vsel vm3, v21, v0;
	v7 =	vld [tilespmem:$0x1FCE0];
	v0 =	vnsel vm1, $0x0, v63  }
0x36d: {  	v18 =	vsel vm4, v20, v3;
	v20 =	vsel vm2, v22, v2;
	v22 =	vld [tilespmem:$0x1FCE0];
	v0 =	vadd.f32 v4, v0  }
0x36e: {  	v14 =	vsel vm3, v61, v14;
	v3 =	vld [tilespmem:s19+$0xCC30]  }
0x36f: {  	vm2 =	vgt.f32 v12, v16;
	v5 =	vld [tilespmem:s19+$0xCC00];
	vm1 =	veq.s32 v1, v53;
	vm3 =	vgt.f32 v11, v18  }
0x370: {  	[tilespmem:$0x1FBD0] =	vst v55;
	vm5 =	vgt.f32 v17, v20;
	v2 =	vnsel vm1, $0x0, v23;
	vm1 =	veq.s32 v1, v31;
	v4 =	vld [tilespmem:s19+$0xCC20]  }
0x371: {  	s31 =	simm.s32 $0xFFFFC400;
	s30 =	simm.s32 $0x0;
	s0 =	simm.s32 $0x100;
	v9 =	vsel vm4, v7, v6;
	v6 =	vld [tilespmem:s19+$0xCC10];
	vm4 =	vgt.f32 v15, v19;
	v7 =	vadd.f32 v0, v2;
	v0 =	vmovc v55  }
.LBB2_8:
0x372: {  	v25 =	vld [tilespmem:$0x1FDD0]  }
0x373: {  	v12 =	vsel vm2, v12, v16;
	v16 =	vld [tilespmem:s28+$0x5820]  }
0x374: {  	v2 =	vld [tilespmem:$0x1FFE0]  }
0x375: {  	v21 =	vld [tilespmem:s28+$0x5800]  }
0x376: {  	v39 =	vld [tilespmem:$0x1FC40]  }
0x377: {  	v43 =	vld [tilespmem:$0x1FF90]  }
0x378: {  	v44 =	vld [tilespmem:$0x1FFA0]  }
0x379: {  	v37 =	vld [tilespmem:$0x1FE00]  }
0x37a: {  	v11 =	vsel vm3, v11, v18;
	v18 =	vld [tilespmem:s19+$0xCC70]  }
0x37b: {  	v38 =	vld [tilespmem:$0x1FE10]  }
0x37c: {  	v15 =	vsel vm4, v15, v19;
	v19 =	vld [tilespmem:s19+$0xCC60]  }
0x37d: {  	v17 =	vsel vm5, v17, v20;
	v20 =	vld [tilespmem:s28+$0x5870]  }
0x37e: {  	v58 =	vld [tilespmem:$0x1FDC0]  }
0x37f: {  	v24 =	vld [tilespmem:$0x1FDA0]  }
0x380: {  	v40 =	vld [tilespmem:$0x1FC60]  }
0x381: {  	v61 =	vld [tilespmem:$0x1FDE0]  }
0x382: {  	v23 =	vld [tilespmem:$0x1FD80]  }
0x383: {  	v41 =	vld [tilespmem:$0x1FC70]  }
0x384: {  	v42 =	vld [tilespmem:$0x1FC80]  }
0x385: {  	v62 =	vld [tilespmem:$0x1FC90]  }
0x386: {  	v32 =	vld [tilespmem:$0x1FD00]  }
0x387: {  	v29 =	vld [tilespmem:$0x1FD10]  }
0x388: {  	v51 =	vld [tilespmem:$0x1FE20]  }
0x389: {  	v57 =	vld [tilespmem:$0x1FDB0]  }
0x38a: {  	v31 =	vld [tilespmem:$0x1FCF0]  }
0x38b: {  	v49 =	vld [tilespmem:$0x1FE30]  }
0x38c: {  	v50 =	vld [tilespmem:$0x1FE40]  }
0x38d: {  	v53 =	vld [tilespmem:$0x1FF50]  }
0x38e: {  	v59 =	vld [tilespmem:$0x1FD40]  }
0x38f: {  	v30 =	vld [tilespmem:$0x1FD50]  }
0x390: {  	v45 =	vld [tilespmem:$0x1FF60]  }
0x391: {  	v28 =	vld [tilespmem:$0x1FD20]  }
0x392: {  	v60 =	vld [tilespmem:$0x1FD30]  }
0x393: {  	v34 =	vld [tilespmem:$0x1FCA0]  }
0x394: {  	v35 =	vld [tilespmem:$0x1FCB0]  }
0x395: {  	v47 =	vld [tilespmem:$0x1FE50];
	v5 =	vnsel vm1, $0x0, v5  }
0x396: {  	v46 =	vld [tilespmem:$0x1FD60];
	v5 =	vadd.f32 v7, v5;
	vm1 =	veq.s32 v1, v39  }
0x397: {  	v36 =	vld [tilespmem:$0x1FCC0];
	v6 =	vnsel vm1, $0x0, v6  }
0x398: {  	v54 =	vld [tilespmem:$0x1FD70];
	vm1 =	veq.s32 v1, v37;
	v5 =	vadd.f32 v5, v6  }
0x399: {  	v55 =	vld [tilespmem:$0x1FD90];
	v4 =	vnsel vm1, $0x0, v4  }
0x39a: {  	v52 =	vld [tilespmem:$0x1FEA0];
	v9 =	vsel vm3, v2, v9;
	vm3 =	veq.s32 v1, v38;
	v4 =	vadd.f32 v5, v4  }
0x39b: {  	v48 =	vld [tilespmem:$0x1FE80];
	v3 =	vnsel vm3, $0x0, v3  }
0x39c: {  	v3 =	vadd.f32 v4, v3;
	v4 =	vld [tilespmem:$0x1FC50]  }
0x39d: {  	v6 =	vld [tilespmem:s19+$0xCC40]  }
0x39e: {  	v7 =	vsel vm4, v43, v14;
	v14 =	vld [tilespmem:s28+$0x5810]  }
0x39f: {  	v8 =	vsel vm2, v25, v8;
	v13 =	vsel vm5, v44, v13;
	v5 =	vld [tilespmem:s19+$0xCC50]  }
0x3a0: {  	v33 =	vld [tilespmem:s19+$0xD860];
	vm2 =	vgt.f32 v10, v12;
	vm4 =	vgt.f32 v16, v11;
	vm6 =	veq.s32 v1, v24  }
0x3a1: {  	v27 =	vld [tilespmem:$0x1FFB0];
	v9 =	vsel vm4, v24, v9;
	vm1 =	vgt.f32 v21, v15;
	vm5 =	veq.s32 v1, v4  }
0x3a2: {  	v24 =	vld [tilespmem:$0x1FEC0];
	v15 =	vsel vm1, v21, v15;
	v4 =	vsel vm2, v58, v8;
	v6 =	vnsel vm5, $0x0, v6  }
0x3a3: {  	v21 =	vld [tilespmem:s19+$0xD020];
	v8 =	vsel vm2, v10, v12;
	vm2 =	veq.s32 v1, v40;
	v3 =	vadd.f32 v3, v6  }
0x3a4: {  	vm3 =	vgt.f32 v14, v17;
	v10 =	vld [tilespmem:s28+$0x5860];
	v5 =	vnsel vm2, $0x0, v5;
	vm2 =	veq.s32 v1, v41  }
0x3a5: {  	s29 =	sadd.s32 $0x1, s29;
	v6 =	vsel vm1, v61, v7;
	v7 =	vsel vm4, v16, v11;
	v16 =	vld [tilespmem:s19+$0xD000];
	v3 =	vadd.f32 v3, v5  }
0x3a6: {  	s1 =	sand.u32 $0x7, s29;
	v13 =	vsel vm3, v23, v13;
	v12 =	vld [tilespmem:s28+$0x5840];
	v5 =	vnsel vm2, $0x0, v19  }
0x3a7: {  	s30 =	sadd.s32 $0x400, s30;
	s1 =	sshll.u32 s1, $0x7;
	v14 =	vsel vm3, v14, v17;
	vm3 =	veq.s32 v1, v42;
	v19 =	vld [tilespmem:s19+$0xD010];
	v5 =	vadd.f32 v3, v5  }
0x3a8: {  	s1 =	sadd.s32 s1, s30;
	v18 =	vnsel vm3, $0x0, v18;
	vm5 =	veq.s32 v1, v62;
	v11 =	vld [tilespmem:s28+$0x5850]  }
0x3a9: {  	s8 =	sor.u32 $0x1C10, s1;
	v17 =	vld [tilespmem:s19+$0xD030];
	vm2 =	vgt.f32 v20, v8;
	vm4 =	vgt.f32 v10, v7;
	v18 =	vadd.f32 v5, v18  }
0x3aa: {  	s15 =	sor.u32 $0x1C20, s1;
	v4 =	vsel vm2, v32, v4;
	v7 =	vsel vm4, v10, v7;
	v10 =	vld [tilespmem:s8+$0x4000];
	v16 =	vnsel vm5, $0x0, v16  }
0x3ab: {  	s9 =	sor.u32 $0x1C00, s1;
	v5 =	vsel vm2, v20, v8;
	v8 =	vld [tilespmem:s15+$0x4000];
	vm2 =	veq.s32 v1, v51;
	v16 =	vadd.f32 v18, v16  }
0x3ac: {  	vm1 =	vgt.f32 v12, v15;
	v9 =	vsel vm4, v29, v9;
	v20 =	vld [tilespmem:s9+$0x4000];
	v18 =	vnsel vm2, $0x0, v19  }
0x3ad: {  	s2 =	sor.u32 $0x1C30, s1;
	vm3 =	vgt.f32 v11, v14;
	vm2 =	veq.s32 v1, v49;
	v16 =	vadd.f32 v16, v18;
	v18 =	vld [tilespmem:s19+$0xD040]  }
0x3ae: {  	v3 =	vld [tilespmem:s2+$0x4000];
	v6 =	vsel vm1, v57, v6;
	v11 =	vsel vm3, v11, v14;
	v14 =	vnsel vm2, $0x0, v21  }
0x3af: {  	v12 =	vsel vm1, v12, v15;
	vm2 =	veq.s32 v1, v50;
	v14 =	vadd.f32 v16, v14;
	v16 =	vld [tilespmem:s19+$0xD050]  }
0x3b0: {  	s10 =	sor.u32 $0x1C58, s1;
	vm5 =	veq.s32 v1, v53;
	v13 =	vsel vm3, v31, v13;
	v19 =	vld [tilespmem:s19+$0xD060];
	v17 =	vnsel vm2, $0x0, v17  }
0x3b1: {  	v21 =	vld [tilespmem:s10+$0x4000];
	vm2 =	vgt.f32 v10, v11;
	vm4 =	vgt.f32 v8, v7;
	v14 =	vadd.f32 v14, v17  }
0x3b2: {  	s31 =	sadd.s32 $0x400, s31;
	s6 =	sor.u32 $0x1C50, s1;
	v15 =	vld [tilespmem:s19+$0xD070];
	vm3 =	vgt.f32 v20, v12;
	v9 =	vsel vm4, v59, v9;
	v18 =	vnsel vm5, $0x0, v18  }
0x3b3: {  	s16 =	sadd.s32 $0x4000, s31;
	s7 =	sor.u32 $0x1C40, s1;
	v7 =	vsel vm4, v8, v7;
	v8 =	vld [tilespmem:s6+$0x4000];
	vm4 =	veq.s32 v1, v45;
	v14 =	vadd.f32 v14, v18  }
0x3b4: {  	s1 =	sand.u32 $0x2000, s16;
	s16 =	sand.u32 $0x380, s0;
	v13 =	vsel vm2, v60, v13;
	v6 =	vsel vm3, v28, v6;
	v17 =	vld [tilespmem:s7+$0x4000];
	v16 =	vnsel vm4, $0x0, v16  }
0x3b5: {  	s1 =	sor.u32 s16, s1;
	v12 =	vsel vm3, v20, v12;
	vm3 =	veq.s32 v1, v34;
	v14 =	vadd.f32 v14, v16;
	v16 =	vld [tilespmem:s19+$0xD400]  }
0x3b6: {  	v10 =	vsel vm2, v10, v11;
	v20 =	vld [tilespmem:s1+$0x4070];
	v11 =	vnsel vm3, $0x0, v19;
	vm2 =	vgt.f32 v21, v7  }
0x3b7: {  	v9 =	vsel vm2, v0, v9;
	vm4 =	veq.s32 v1, v35;
	v11 =	vadd.f32 v14, v11;
	v14 =	vld [tilespmem:s19+$0xD410]  }
0x3b8: {  	v19 =	vld [tilespmem:s19+$0xD470];
	v7 =	vsel vm2, v21, v7;
	vm5 =	vgt.f32 v8, v10;
	v15 =	vnsel vm4, $0x0, v15  }
0x3b9: {  	vm2 =	veq.s32 v1, v47;
	v8 =	vsel vm5, v8, v10;
	v11 =	vadd.f32 v11, v15;
	v15 =	vld [tilespmem:s19+$0xD420]  }
0x3ba: {  	v18 =	vld [tilespmem:s19+$0xD820];
	v13 =	vsel vm5, v54, v13;
	vm3 =	vgt.f32 v17, v12;
	v16 =	vnsel vm2, $0x0, v16  }
0x3bb: {  	v12 =	vsel vm3, v17, v12;
	v17 =	vld [tilespmem:s19+$0xD810];
	vm2 =	veq.s32 v1, v36;
	v10 =	vadd.f32 v11, v16  }
0x3bc: {  	vm4 =	veq.s32 v1, v22;
	v6 =	vsel vm3, v46, v6;
	v11 =	vld [tilespmem:s19+$0xD430];
	v14 =	vnsel vm2, $0x0, v14  }
0x3bd: {  	vm3 =	veq.f32 v8, v12;
	v16 =	vld [tilespmem:s19+$0xD800];
	vm2 =	vlt.u32 v13, v6;
	v10 =	vadd.f32 v10, v14  }
0x3be: {  	vm5 =	vgt.f32 v8, v12;
	v14 =	vld [tilespmem:s19+$0xD440];
	vm2 =	vmand vm3, vm2;
	v15 =	vnsel vm4, $0x0, v15  }
0x3bf: {  	vm2 =	vmor vm5, vm2;
	v10 =	vadd.f32 v10, v15;
	v15 =	vld [tilespmem:s19+$0xD450]  }
0x3c0: {  	vm1 =	vgt.f32 v3, v5;
	v8 =	vsel vm2, v8, v12;
	v12 =	vld [tilespmem:s19+$0xD460]  }
0x3c1: {  	v4 =	vsel vm1, v30, v4;
	vm3 =	veq.s32 v1, v55;
	v6 =	vsel vm2, v13, v6;
	v13 =	vld [tilespmem:s28+$0xC000]  }
0x3c2: {  	v11 =	vnsel vm3, $0x0, v11;
	vm2 =	vgt.f32 v7, v8;
	vm3 =	veq.s32 v1, v43;
	v43 =	vld [tilespmem:$0x1FE90]  }
0x3c3: {  	vm4 =	veq.f32 v7, v8;
	vm5 =	vlt.u32 v9, v6;
	v10 =	vadd.f32 v10, v11;
	v11 =	vld [tilespmem:s1+$0x4030]  }
0x3c4: {  	v14 =	vnsel vm3, $0x0, v14;
	vm3 =	vmand vm4, vm5;
	vm4 =	veq.s32 v1, v44;
	v44 =	vld [tilespmem:$0x1FEB0]  }
0x3c5: {  	v3 =	vsel vm1, v3, v5;
	v10 =	vadd.f32 v10, v14;
	v14 =	vld [tilespmem:s1+$0x4020];
	vm1 =	vmor vm2, vm3  }
0x3c6: {  	vm2 =	veq.s32 v1, v2;
	vm3 =	veq.s32 v1, v25;
	v25 =	vld [tilespmem:$0x1FF10];
	v5 =	vnsel vm4, $0x0, v15  }
0x3c7: {  	v15 =	vld [tilespmem:s1+$0x4060];
	v7 =	vsel vm1, v7, v8;
	v6 =	vsel vm1, v9, v6;
	v9 =	vnsel vm2, $0x0, v12  }
0x3c8: {  	v8 =	vld [tilespmem:s1+$0x4000];
	v12 =	vnsel vm3, $0x0, v19;
	vm1 =	veq.f32 v3, v7;
	vm2 =	vlt.u32 v4, v6  }
0x3c9: {  	v19 =	vld [tilespmem:s1+$0x4050];
	v5 =	vadd.f32 v10, v5;
	vm4 =	vgt.f32 v3, v7;
	vm1 =	vmand vm1, vm2  }
0x3ca: {  	v10 =	vld [tilespmem:s1+$0x4010];
	vm2 =	veq.s32 v1, v61;
	vm5 =	vgt.f32 v20, v11;
	vm1 =	vmor vm4, vm1  }
0x3cb: {  	v61 =	vld [tilespmem:$0x1FE70];
	v5 =	vadd.f32 v5, v9;
	v11 =	vsel vm5, v20, v11;
	v7 =	vsel vm1, v3, v7  }
0x3cc: {  	v9 =	vld [tilespmem:s1+$0x4040];
	v3 =	vadd.f32 $0.0e+00, v13;
	v4 =	vsel vm1, v4, v6;
	vm1 =	veq.s32 v1, v31  }
0x3cd: {  	v31 =	vld [tilespmem:$0x1FED0];
	v5 =	vadd.f32 v5, v12;
	v12 =	vnsel vm2, $0x0, v16;
	vm2 =	veq.s32 v1, v23  }
0x3ce: {  	v16 =	vsel vm5, v44, v52;
	vm5 =	veq.s32 v1, v57;
	v57 =	vld [tilespmem:$0x1FEF0];
	v13 =	vnsel vm2, $0x0, v17  }
0x3cf: {  	v17 =	vnsel vm6, $0x0, v18;
	vm6 =	veq.s32 v1, v58;
	v58 =	vld [tilespmem:$0x1FE60];
	v5 =	vadd.f32 v5, v12  }
0x3d0: {  	v18 =	vld [tilespmem:s19+$0xD870]  }
0x3d1: {  	v12 =	vld [tilespmem:s19+$0xD830];
	v5 =	vadd.f32 v5, v13  }
0x3d2: {  	vm2 =	vgt.f32 v9, v8;
	v13 =	vld [tilespmem:s19+$0xD840]  }
0x3d3: {  	(xrf0) =	vmax.scan.msk.f32 $0xffff, v7;
	vm3 =	vgt.f32 v19, v10;
	v8 =	vsel vm2, v9, v8;
	v5 =	vadd.f32 v5, v17;
	v17 =	vld [tilespmem:s19+$0xD850]  }
0x3d4: {  	v9 =	vsel vm3, v19, v10;
	v23 =	vsel vm3, v61, v58;
	s19 =	smov.u32 s28;
	s28 =	smov.u32 s1;
	vm3 =	veq.s32 v1, v32;
	v32 =	vld [tilespmem:$0x1FEE0]  }
0x3d5: {  	v20 =	vld [tilespmem:s28+$0x4430]  }
0x3d6: {  	v63 =	vld [tilespmem:s28+$0x4400]  }
0x3d7: {  	v6 =	vld [tilespmem:s28+$0x4410]  }
0x3d8: {  	v26 =	vmovc v56;
	v2 =	vlaneseq.u32;
	vm4 =	vgt.f32 v15, v14;
	v12 =	vnsel vm6, $0x0, v12;
	v10 =	vld [tilespmem:s28+$0x4470]  }
0x3d9: {  	v22 =	vsel vm2, v56, v2;
	v56, _, _ =	vpop (xrf0);
	v5 =	vadd.f32 v5, v12;
	v12 =	vsel vm4, v15, v14;
	v14 =	vld [tilespmem:s28+$0x4420]  }
0x3da: {  	v15 =	vbroadcast v56, $0xF;
	v56 =	vld [tilespmem:$0x1FFC0];
	v13 =	vnsel vm5, $0x0, v13  }
0x3db: {  	v5 =	vadd.f32 v5, v13;
	v13 =	vld [tilespmem:s28+$0x4460]  }
0x3dc: {  	v21 =	vsel vm4, v43, v48;
	vm4 =	veq.f32 v7, v15;
	v15 =	vnsel vm3, $0x0, v18;
	v18 =	vld [tilespmem:s28+$0x4440]  }
0x3dd: {  	v4 =	vxor.u32 $0x80000000, v4;
	v7 =	vnsel vm1, $0x0, v17;
	vm1 =	veq.s32 v1, v29;
	v29 =	vld [tilespmem:$0x1FDF0]  }
0x3de: {  	v4 =	vnsel vm4, $0xC0000000, v4;
	v5 =	vadd.f32 v5, v7;
	v7 =	vld [tilespmem:s25+$0xC000]  }
0x3df: {  	(xrf0) =	vmin.scan.msk.u32 $0xffff, v4;
	v4 =	vnsel vm1, $0x0, v33;
	vm4 =	vgt.f32 v20, v11;
	v33 =	vld [tilespmem:$0x1FBD0]  }
0x3e0: {  	vm3 =	vgt.f32 v6, v9;
	v11 =	vsel vm4, v20, v11;
	v20 =	vld [tilespmem:s28+$0x4450]  }
0x3e1: {  	vm1 =	vgt.f32 v63, v8;
	v6 =	vsel vm3, v6, v9;
	v9 =	vld [tilespmem:s20+$0xC000]  }
0x3e2: {  	v19 =	vsel vm1, v24, v22;
	v8 =	vsel vm1, v63, v8;
	vm1 =	veq.s32 v1, v30;
	v30 =	vld [tilespmem:$0x1FF20]  }
0x3e3: {  	v63 =	vld [tilespmem:$0x1FFD0]  }
0x3e4: {  	v16 =	vsel vm4, v57, v16;
	vm4 =	veq.s32 v1, v59;
	v59 =	vld [tilespmem:$0x1FF70]  }
0x3e5: {  	vm2 =	vgt.f32 v14, v12;
	v4 =	vadd.f32 v5, v4;
	v5 =	vld [tilespmem:s24+$0xC000]  }
0x3e6: {  	v17 =	vsel vm2, v32, v21;
	v21 =	vsel vm3, v31, v23;
	vm3 =	vgt.f32 v10, v11;
	v23 =	vld [tilespmem:$0x1FF00]  }
0x3e7: {  	v10 =	vsel vm3, v10, v11;
	v11 =	vld [tilespmem:s28+$0x4860]  }
0x3e8: {  	vm5 =	veq.s32 v1, v28;
	v4 =	vadd.f32 v4, v15;
	v15 =	vld [tilespmem:s23+$0xC000]  }
0x3e9: {  	v7 =	vnsel vm5, $0x0, v7;
	vm5 =	veq.s32 v1, v60;
	v60 =	vld [tilespmem:$0x1FF80]  }
0x3ea: {  	v4 =	vadd.f32 v4, v7;
	v7 =	vld [tilespmem:s26+$0xC000];
	v22, _, _ =	vpop (xrf0)  }
0x3eb: {  	v5 =	vnsel vm5, $0x0, v5;
	(v2sf) =	vpush v22, $0xF;
	v22 =	vld [tilespmem:s28+$0x4800]  }
0x3ec: {  	v12 =	vsel vm2, v14, v12;
	v4 =	vadd.f32 v4, v5;
	v5 =	vld [tilespmem:s21+$0xC000]  }
0x3ed: {  	vm5 =	vgt.f32 v20, v6;
	v14 =	vnsel vm4, $0x0, v15;
	vm4 =	veq.s32 v1, v46;
	v46 =	vld [tilespmem:$0x1FF30]  }
0x3ee: {  	v6 =	vsel vm5, v20, v6;
	v20 =	vld [tilespmem:s28+$0x4C00];
	v4 =	vadd.f32 v4, v14  }
0x3ef: {  	v14 =	vld [tilespmem:s28+$0x4830];
	v7 =	vnsel vm1, $0x0, v7  }
0x3f0: {  	v4 =	vadd.f32 v4, v7;
	v7 =	vld [tilespmem:s22+$0xC000]  }
0x3f1: {  	v5 =	vnsel vm4, $0x0, v5;
	vm4 =	veq.s32 v1, v54;
	v54 =	vld [tilespmem:$0x1FF40]  }
0x3f2: {  	vm1 =	vgt.f32 v18, v8;
	v15 =	vsel vm3, v46, v16;
	v16 =	vld [tilespmem:s28+$0x4820]  }
0x3f3: {  	v4 =	vadd.f32 v4, v5;
	v5 =	vsel vm1, v23, v19;
	v19 =	vld [tilespmem:s28+$0x4810]  }
0x3f4: {  	v9 =	vnsel vm4, $0x0, v9;
	vm4 =	veq.s32 v1, v33;
	v1 =	vmov v0;
	v0 =	vld [tilespmem:$0x1FFF0]  }
0x3f5: {  	vm2 =	vgt.f32 v13, v12;
	[tilespmem:$0x1FBD0] =	vst v1;
	v1 =	vld [tilespmem:$0x1FBA0]  }
0x3f6: {  	vm3 =	vgt.f32 v14, v10;
	v4 =	vadd.f32 v4, v9;
	v9 =	vsel vm2, v13, v12;
	v12 =	vld [tilespmem:s28+$0x4840]  }
0x3f7: {  	vm4 =	vmand vm4, vm0;
	v13 =	vsel vm3, v63, v15;
	v15 =	vld [tilespmem:$0x1FBB0]  }
0x3f8: {  	v10 =	vsel vm3, v14, v10;
	v14 =	vld [tilespmem:s19+$0xC010];
	v7 =	vnsel vm4, $0x0, v7  }
0x3f9: {  	v17 =	vsel vm2, v30, v17;
	v8 =	vsel vm1, v18, v8;
	v4 =	vadd.f32 v4, v7;
	v7 =	vld [tilespmem:s28+$0x4850]  }
0x3fa: {  	vm1 =	vgt.f32 v22, v8;
	vm2 =	vgt.f32 v16, v9;
	v33 =	vmovc v1;
	v1 =	vsel vm5, v25, v21;
	v21 =	vld [tilespmem:s28+$0x4870]  }
0x3fb: {  	v8 =	vsel vm1, v22, v8;
	vm4 =	vgt.f32 v19, v6;
	v9 =	vsel vm2, v16, v9;
	v16 =	vld [tilespmem:s19+$0xC020]  }
0x3fc: {  	v6 =	vsel vm4, v19, v6;
	v19 =	vld [tilespmem:s28+$0x4C20];
	v15 =	vadd.f32 v4, v15;
	v4 =	vsel vm1, v54, v5  }
0x3fd: {  	v5 =	vsel vm4, v27, v1;
	v1 =	vsel vm2, v56, v17;
	vm1 =	vgt.f32 v11, v9;
	v17 =	vld [tilespmem:s28+$0x4C30]  }
0x3fe: {  	vm3 =	vgt.f32 v12, v8;
	v9 =	vsel vm1, v11, v9;
	v11 =	vld [tilespmem:s19+$0xC040]  }
0x3ff: {  	s16 =	spop (v2sf);
	v8 =	vsel vm3, v12, v8;
	v12 =	vld [tilespmem:s19+$0xC070]  }
0x400: {  	v4 =	vsel vm3, v0, v4;
	v18 =	vsel vm1, v60, v1;
	[tilespmem:$0x1FBB0] =	vst v15;
	v15 =	vld [tilespmem:s19+$0xC030];
	s1 =	sxor.u32 $0x80000000, s16;
	vm3 =	vgt.f32 v20, v8  }
0x401: {  	vm4 =	vgt.f32 v7, v6;
	v1 =	vmov s1;
	v8 =	vsel vm3, v20, v8;
	v20 =	vld [tilespmem:s19+$0xC420]  }
0x402: {  	v5 =	vsel vm4, v59, v5;
	vm5 =	veq.s32 v1, v2;
	v2 =	vld [tilespmem:$0x1FC50]  }
0x403: {  	vm2 =	vgt.f32 v21, v10;
	vm6 =	veq.s32 v1, v58;
	vm1 =	veq.s32 v1, v48;
	v58 =	vld [tilespmem:s28+$0x5410]  }
0x404: {  	v10 =	vsel vm2, v21, v10;
	v21 =	vld [tilespmem:s28+$0x4C10];
	v3 =	vnsel vm5, $0x0, v3;
	v14 =	vnsel vm6, $0x0, v14  }
0x405: {  	v6 =	vsel vm4, v7, v6;
	v7 =	vnsel vm1, $0x0, v16;
	v16 =	vld [tilespmem:s28+$0x4C70];
	v3 =	vadd.f32 v14, v3  }
0x406: {  	vm4 =	vgt.f32 v19, v9;
	v13 =	vsel vm2, v29, v13;
	vm2 =	veq.s32 v1, v52;
	v52 =	vld [tilespmem:$0x1FC30]  }
0x407: {  	vm5 =	veq.s32 v1, v26;
	v9 =	vsel vm4, v19, v9;
	v3 =	vadd.f32 v3, v7;
	v7 =	vld [tilespmem:s19+$0xC050]  }
0x408: {  	vm1 =	vgt.f32 v17, v10;
	v11 =	vnsel vm5, $0x0, v11;
	v14 =	vnsel vm2, $0x0, v15;
	v15 =	vld [tilespmem:s19+$0xC060]  }
0x409: {  	vm5 =	veq.s32 v1, v24;
	v10 =	vsel vm1, v17, v10;
	v17 =	vld [tilespmem:s28+$0x4C40];
	v3 =	vadd.f32 v3, v14  }
0x40a: {  	v19 =	vld [tilespmem:s19+$0xC430];
	v13 =	vsel vm1, v38, v13;
	vm1 =	veq.s32 v1, v61;
	vm2 =	vgt.f32 v21, v6  }
0x40b: {  	v14 =	vsel vm4, v37, v18;
	v18 =	vld [tilespmem:s28+$0x4C60];
	v4 =	vsel vm3, v52, v4;
	v3 =	vadd.f32 v3, v11  }
0x40c: {  	v5 =	vsel vm2, v39, v5;
	v6 =	vsel vm2, v21, v6;
	v11 =	vld [tilespmem:s28+$0x4C50];
	v7 =	vnsel vm1, $0x0, v7  }
0x40d: {  	vm2 =	veq.s32 v1, v44;
	vm1 =	veq.s32 v1, v43;
	v3 =	vadd.f32 v3, v7;
	v7 =	vld [tilespmem:s19+$0xC400]  }
0x40e: {  	v61 =	vld [tilespmem:s19+$0xC870];
	vm3 =	vgt.f32 v17, v8;
	v12 =	vnsel vm2, $0x0, v12;
	v15 =	vnsel vm1, $0x0, v15  }
0x40f: {  	v8 =	vsel vm3, v17, v8;
	vm1 =	vgt.f32 v16, v10;
	v3 =	vadd.f32 v3, v15;
	v15 =	vld [tilespmem:s19+$0xC410]  }
0x410: {  	v21 =	vld [tilespmem:s28+$0x5030];
	vm4 =	vgt.f32 v18, v9;
	v13 =	vsel vm1, v42, v13;
	v10 =	vsel vm1, v16, v10  }
0x411: {  	v17 =	vld [tilespmem:s19+$0xC470];
	vm1 =	veq.s32 v1, v31;
	vm2 =	vgt.f32 v11, v6;
	v3 =	vadd.f32 v3, v12  }
0x412: {  	v16 =	vld [tilespmem:s28+$0x5000];
	v12 =	vsel vm4, v41, v14;
	v5 =	vsel vm2, v40, v5;
	v7 =	vnsel vm5, $0x0, v7  }
0x413: {  	v14 =	vld [tilespmem:s28+$0x5020];
	v6 =	vsel vm2, v11, v6;
	vm2 =	veq.s32 v1, v57;
	v3 =	vadd.f32 v3, v7  }
0x414: {  	v9 =	vsel vm4, v18, v9;
	v18 =	vnsel vm2, $0x0, v19;
	v19 =	vld [tilespmem:s19+$0xC460];
	v15 =	vnsel vm1, $0x0, v15  }
0x415: {  	vm1 =	veq.s32 v1, v32;
	v3 =	vadd.f32 v3, v15;
	v15 =	vld [tilespmem:s19+$0xC440]  }
0x416: {  	vm5 =	veq.s32 v1, v23;
	v23 =	vld [tilespmem:s28+$0x5420];
	v11 =	vnsel vm1, $0x0, v20  }
0x417: {  	v4 =	vsel vm3, v2, v4;
	vm3 =	vgt.f32 v16, v8;
	v3 =	vadd.f32 v3, v11;
	v11 =	vld [tilespmem:s19+$0xC450]  }
0x418: {  	v2 =	vlaneseq.u32;
	v7 =	vld [tilespmem:s28+$0x5010];
	v4 =	vsel vm3, v62, v4  }
0x419: {  	v8 =	vsel vm3, v16, v8;
	v62 =	vld [tilespmem:s19+$0xC850];
	vm1 =	vgt.f32 v21, v10;
	v3 =	vadd.f32 v3, v18  }
0x41a: {  	vm4 =	vgt.f32 v14, v9;
	v10 =	vsel vm1, v21, v10;
	v21 =	vld [tilespmem:s28+$0x5040];
	v15 =	vnsel vm5, $0x0, v15  }
0x41b: {  	v20 =	vld [tilespmem:s28+$0x5070];
	v13 =	vsel vm1, v50, v13;
	vm1 =	veq.s32 v1, v25;
	v3 =	vadd.f32 v3, v15  }
0x41c: {  	v12 =	vsel vm4, v49, v12;
	v9 =	vsel vm4, v14, v9;
	v18 =	vld [tilespmem:s28+$0x5060];
	v11 =	vnsel vm1, $0x0, v11  }
0x41d: {  	vm2 =	vgt.f32 v7, v6;
	vm1 =	veq.s32 v1, v30;
	v3 =	vadd.f32 v3, v11;
	v11 =	vld [tilespmem:s19+$0xC800]  }
0x41e: {  	v14 =	vld [tilespmem:s19+$0xC830];
	v5 =	vsel vm2, v51, v5;
	v6 =	vsel vm2, v7, v6;
	v7 =	vnsel vm1, $0x0, v19  }
0x41f: {  	vm2 =	veq.s32 v1, v46;
	vm3 =	vgt.f32 v21, v8;
	v3 =	vadd.f32 v3, v7;
	v7 =	vld [tilespmem:s19+$0xC810]  }
0x420: {  	v16 =	vnsel vm2, $0x0, v17;
	vm5 =	veq.s32 v1, v54;
	v15 =	vld [tilespmem:s28+$0x5050];
	v4 =	vsel vm3, v53, v4  }
0x421: {  	v17 =	vld [tilespmem:s19+$0xC820];
	v21 =	vsel vm3, v21, v8;
	vm1 =	vgt.f32 v20, v10;
	v3 =	vadd.f32 v3, v16  }
0x422: {  	v19 =	vld [tilespmem:s28+$0x5430];
	vm4 =	vgt.f32 v18, v9;
	v13 =	vsel vm1, v35, v13;
	v11 =	vnsel vm5, $0x0, v11  }
0x423: {  	v10 =	vsel vm1, v20, v10;
	v20 =	vld [tilespmem:s28+$0x5400];
	vm1 =	veq.s32 v1, v27;
	v3 =	vadd.f32 v3, v11  }
0x424: {  	v22 =	vsel vm4, v34, v12;
	v18 =	vsel vm4, v18, v9;
	v9 =	vld [tilespmem:$0x1FCE0];
	v7 =	vnsel vm1, $0x0, v7  }
0x425: {  	vm2 =	vgt.f32 v15, v6;
	vm1 =	veq.s32 v1, v56;
	v3 =	vadd.f32 v3, v7;
	v7 =	vld [tilespmem:s19+$0xC840]  }
0x426: {  	v12 =	vld [tilespmem:s28+$0x5470];
	vm4 =	vgt.f32 v23, v18;
	v5 =	vsel vm2, v45, v5;
	v8 =	vnsel vm1, $0x0, v17  }
0x427: {  	v6 =	vsel vm2, v15, v6;
	vm2 =	veq.s32 v1, v63;
	v63 =	vld [tilespmem:s19+$0xC860];
	v3 =	vadd.f32 v3, v8  }
0x428: {  	v15 =	vld [tilespmem:s28+$0x5440];
	v18 =	vsel vm4, v23, v18;
	vm5 =	veq.s32 v1, v0;
	v8 =	vnsel vm2, $0x0, v14  }
0x429: {  	vm3 =	vgt.f32 v20, v21;
	v11 =	vld [tilespmem:s28+$0x5460];
	vm1 =	vgt.f32 v19, v10;
	v3 =	vadd.f32 v3, v8  }
0x42a: {  	v9 =	vsel vm4, v9, v22;
	v22 =	vld [tilespmem:$0x1FCE0];
	v16 =	vsel vm1, v19, v10;
	v7 =	vnsel vm5, $0x0, v7  }
0x42b: {  	v56 =	vld [tilespmem:$0x1FCD0];
	v8 =	vsel vm1, v55, v13;
	vm1 =	veq.s32 v1, v59;
	v3 =	vadd.f32 v3, v7  }
0x42c: {  	p0 =	sne.s32 s0, $0x780;
	v17 =	vld [tilespmem:s28+$0x5450];
	v19 =	vsel vm3, v20, v21;
	v14 =	vsel vm3, v47, v4;
	v4 =	vnsel vm1, $0x0, v62  }
.Ltmp7:
0x42d: {  	v10 =	vld [tilespmem:s28+$0x5830];
	vm2 =	vgt.f32 v58, v6;
	vm1 =	veq.s32 v1, v60;
	v4 =	vadd.f32 v3, v4;
	(pc) =	sbr.rel @p0 .LBB2_8-.Ltmp7, $4  }
0x42e: {  	v20 =	vsel vm2, v58, v6;
	v13 =	vsel vm2, v36, v5;
	v5 =	vld [tilespmem:s19+$0xCC00];
	v6 =	vnsel vm1, $0x0, v63  }
0x42f: {  	s0 =	sadd.s32 $0x80, s0;
	s25 =	smov.u32 s9;
	vm4 =	vgt.f32 v15, v19;
	vm1 =	veq.s32 v1, v29;
	v3 =	vld [tilespmem:s19+$0xCC30];
	v7 =	vadd.f32 v4, v6  }
0x430: {  	s20 =	smov.u32 s6;
	s24 =	smov.u32 s8;
	s23 =	smov.u32 s15;
	vm3 =	vgt.f32 v11, v18;
	vm2 =	vgt.f32 v12, v16;
	v21 =	vnsel vm1, $0x0, v61;
	v6 =	vld [tilespmem:s19+$0xCC10]  }
0x431: {  	s26 =	smov.u32 s2;
	s21 =	smov.u32 s7;
	s22 =	smov.u32 s10;
	v0 =	vmovc v33;
	vm5 =	vgt.f32 v17, v20;
	vm1 =	veq.s32 v1, v52;
	v4 =	vld [tilespmem:s19+$0xCC20];
	v7 =	vadd.f32 v7, v21  }
0x432: {  	v21 =	vld [tilespmem:s28+$0x5800]  }
0x433: {  	v22 =	vld [tilespmem:s28+$0x5810]  }
0x434: {  	v23 =	vld [tilespmem:s28+$0x5840]  }
0x435: {  	v24 =	vld [tilespmem:s28+$0x5850]  }
0x436: {  	v43 =	vld [tilespmem:$0x1FF90]  }
0x437: {  	v41 =	vld [tilespmem:$0x1FFA0]  }
0x438: {  	s0 =	sadd.s32 $0x1, s29;
	v57 =	vld [tilespmem:$0x1FDE0]  }
0x439: {  	v46 =	vld [tilespmem:$0x1FD80];
	s0 =	sand.u32 $0x7, s0  }
0x43a: {  	s1 =	sadd.s32 $0x400, s30;
	v55 =	vld [tilespmem:$0x1FDB0];
	s0 =	sshll.u32 s0, $0x7  }
0x43b: {  	v30 =	vld [tilespmem:$0x1FD20];
	s1 =	sadd.s32 s0, s1  }
0x43c: {  	v49 =	vld [tilespmem:$0x1FD30];
	s2 =	sor.u32 $0x1C00, s1  }
0x43d: {  	v15 =	vsel vm4, v15, v19;
	v19 =	vld [tilespmem:s2+$0x4000]  }
0x43e: {  	v31 =	vld [tilespmem:$0x1FD60];
	s8 =	sor.u32 $0x1C10, s1;
	vm6 =	vgt.f32 v21, v15  }
0x43f: {  	v17 =	vsel vm5, v17, v20;
	s0 =	sor.u32 $0x1C50, s1;
	v20 =	vld [tilespmem:s8+$0x4000];
	v15 =	vsel vm6, v21, v15  }
0x440: {  	v11 =	vsel vm3, v11, v18;
	s9 =	sor.u32 $0x1C40, s1;
	vm7 =	vgt.f32 v22, v17;
	v18 =	vld [tilespmem:s0+$0x4000];
	vm8 =	vgt.f32 v23, v15  }
0x441: {  	v12 =	vsel vm2, v12, v16;
	v16 =	vsel vm7, v22, v17;
	v17 =	vld [tilespmem:s9+$0x4000];
	v15 =	vsel vm8, v23, v15  }
0x442: {  	v21 =	vld [tilespmem:$0x1FCF0];
	vm9 =	vgt.f32 v24, v16;
	vm11 =	vgt.f32 v19, v15  }
0x443: {  	v16 =	vsel vm9, v24, v16;
	v15 =	vsel vm11, v19, v15;
	v19 =	vld [tilespmem:s28+$0x5820]  }
0x444: {  	v24 =	vld [tilespmem:$0x1FD70];
	vm12 =	vgt.f32 v20, v16  }
0x445: {  	v14 =	vsel vm4, v43, v14;
	v16 =	vsel vm12, v20, v16;
	v20 =	vld [tilespmem:s28+$0x5860]  }
0x446: {  	s10 =	sor.u32 $0x1C20, s1;
	v13 =	vsel vm5, v41, v13;
	v14 =	vsel vm6, v57, v14;
	v23 =	vld [tilespmem:$0x1FFE0];
	vm13 =	vgt.f32 v17, v15  }
0x447: {  	v13 =	vsel vm7, v46, v13;
	v14 =	vsel vm8, v55, v14;
	v15 =	vsel vm13, v17, v15;
	v17 =	vld [tilespmem:s10+$0x4000]  }
0x448: {  	v13 =	vsel vm9, v21, v13;
	v14 =	vsel vm11, v30, v14;
	vm15 =	vgt.f32 v19, v11  }
0x449: {  	v54 =	vld [tilespmem:$0x1FDA0];
	v13 =	vsel vm12, v49, v13;
	vm14 =	vgt.f32 v18, v16;
	v11 =	vsel vm15, v19, v11  }
0x44a: {  	v29 =	vld [tilespmem:$0x1FD10];
	v14 =	vsel vm13, v31, v14;
	v16 =	vsel vm14, v18, v16;
	vm12 =	vgt.f32 v20, v11  }
0x44b: {  	s31 =	sor.u32 $0x1C58, s1;
	v13 =	vsel vm14, v24, v13;
	v18 =	vld [tilespmem:s28+$0x5870];
	v9 =	vsel vm3, v23, v9;
	v11 =	vsel vm12, v20, v11  }
0x44c: {  	vm9 =	veq.f32 v16, v15;
	vm10 =	vlt.u32 v13, v14;
	v19 =	vld [tilespmem:s31+$0x4000];
	vm3 =	vgt.f32 v17, v11  }
0x44d: {  	vm11 =	vgt.f32 v16, v15;
	vm6 =	vmand vm9, vm10;
	v11 =	vsel vm3, v17, v11;
	v17 =	vld [tilespmem:$0x1FD40]  }
0x44e: {  	vm4 =	vgt.f32 v10, v12;
	vm6 =	vmor vm11, vm6  }
0x44f: {  	s15 =	sor.u32 $0x1C30, s1;
	v10 =	vsel vm4, v10, v12;
	v12 =	vsel vm6, v13, v14;
	v13 =	vsel vm6, v16, v15;
	v15 =	vld [tilespmem:$0x1FDD0]  }
0x450: {  	v9 =	vsel vm15, v54, v9;
	v14 =	vld [tilespmem:s15+$0x4000]  }
0x451: {  	v9 =	vsel vm12, v29, v9  }
0x452: {  	vm13 =	vgt.f32 v18, v10;
	v9 =	vsel vm3, v17, v9;
	vm3 =	vgt.f32 v19, v11  }
0x453: {  	v10 =	vsel vm13, v18, v10;
	v11 =	vsel vm3, v19, v11;
	v9 =	vsel vm3, v0, v9  }
0x454: {  	v8 =	vsel vm2, v15, v8;
	vm2 =	veq.f32 v11, v13;
	vm3 =	vlt.u32 v9, v12  }
0x455: {  	v16 =	vld [tilespmem:$0x1FDC0];
	vm14 =	vgt.f32 v14, v10;
	vm2 =	vmand vm2, vm3;
	vm3 =	vgt.f32 v11, v13  }
0x456: {  	v10 =	vsel vm14, v14, v10;
	v14 =	vld [tilespmem:$0x1FD00];
	vm2 =	vmor vm3, vm2  }
0x457: {  	v11 =	vsel vm2, v11, v13;
	v13 =	vld [tilespmem:$0x1FD50];
	_ =	sdelay $0x2  }
0x458: {  	v8 =	vsel vm4, v16, v8  }
0x459: {  	v8 =	vsel vm13, v14, v8  }
0x45a: {  	v9 =	vsel vm2, v9, v12;
	v8 =	vsel vm14, v13, v8  }
0x45b: {  	vm2 =	veq.f32 v10, v11;
	vm3 =	vlt.u32 v8, v9  }
0x45c: {  	vm15 =	vgt.f32 v10, v11;
	vm2 =	vmand vm2, vm3  }
0x45d: {  	vm2 =	vmor vm15, vm2  }
0x45e: {  	v10 =	vsel vm2, v10, v11  }
0x45f: {  	(xrf0) =	vmax.scan.msk.f32 $0xffff, v10;
	_ =	sdelay $0x5  }
0x460: {  	v11, _, _ =	vpop (xrf0)  }
0x461: {  	v11 =	vbroadcast v11, $0xF  }
0x462: {  	v8 =	vsel vm2, v8, v9  }
0x463: {  	v8 =	vxor.u32 $0x80000000, v8;
	vm2 =	veq.f32 v10, v11  }
0x464: {  	v8 =	vnsel vm2, $0xC0000000, v8  }
0x465: {  	(xrf0) =	vmin.scan.msk.u32 $0xffff, v8;
	_ =	sdelay $0x5  }
0x466: {  	v8, _, _ =	vpop (xrf0)  }
0x467: {  	(v2sf) =	vpush v8, $0xF;
	_ =	sdelay $0x6  }
0x468: {  	v44 =	vld [tilespmem:$0x1FE80]  }
0x469: {  	v52 =	vld [tilespmem:$0x1FEA0]  }
0x46a: {  	v28 =	vld [tilespmem:$0x1FE70]  }
0x46b: {  	v33 =	vld [tilespmem:$0x1FE90]  }
0x46c: {  	v48 =	vld [tilespmem:$0x1FEB0]  }
0x46d: {  	v8 =	vld [tilespmem:s28+$0xC000]  }
0x46e: {  	v18 =	vld [tilespmem:$0x1FE60]  }
0x46f: {  	v9 =	vld [tilespmem:s28+$0xC010]  }
0x470: {  	v39 =	vld [tilespmem:$0x1FEC0];
	s16 =	spop (v2sf)  }
0x471: {  	v10 =	vld [tilespmem:s28+$0xC020];
	s1 =	sxor.u32 $0x80000000, s16  }
0x472: {  	v32 =	vld [tilespmem:$0x1FED0];
	v8 =	vadd.f32 $0.0e+00, v8;
	v25 =	vmov s1  }
0x473: {  	v11 =	vld [tilespmem:s28+$0xC030];
	vm2 =	veq.s32 v25, v2;
	vm3 =	veq.s32 v25, v18  }
0x474: {  	v35 =	vld [tilespmem:$0x1FEE0];
	v8 =	vnsel vm2, $0x0, v8;
	v9 =	vnsel vm3, $0x0, v9  }
0x475: {  	vm2 =	veq.s32 v25, v44;
	v8 =	vadd.f32 v9, v8;
	v9 =	vld [tilespmem:s28+$0xC040]  }
0x476: {  	v47 =	vld [tilespmem:$0x1FEF0];
	v10 =	vnsel vm2, $0x0, v10  }
0x477: {  	vm2 =	veq.s32 v25, v52;
	v8 =	vadd.f32 v8, v10;
	v10 =	vld [tilespmem:s28+$0xC050]  }
0x478: {  	v40 =	vld [tilespmem:$0x1FF00];
	v11 =	vnsel vm2, $0x0, v11  }
0x479: {  	vm2 =	veq.s32 v25, v56;
	v8 =	vadd.f32 v8, v11;
	v11 =	vld [tilespmem:s28+$0xC060]  }
0x47a: {  	v60 =	vld [tilespmem:$0x1FF10];
	v9 =	vnsel vm2, $0x0, v9  }
0x47b: {  	vm2 =	veq.s32 v25, v28;
	v8 =	vadd.f32 v8, v9;
	v9 =	vld [tilespmem:s28+$0xC070]  }
0x47c: {  	v58 =	vld [tilespmem:$0x1FF20];
	v10 =	vnsel vm2, $0x0, v10  }
0x47d: {  	vm2 =	veq.s32 v25, v33;
	v8 =	vadd.f32 v8, v10;
	v10 =	vld [tilespmem:s28+$0xC400]  }
0x47e: {  	v59 =	vld [tilespmem:$0x1FF30];
	v11 =	vnsel vm2, $0x0, v11  }
0x47f: {  	vm2 =	veq.s32 v25, v48;
	v8 =	vadd.f32 v8, v11;
	v11 =	vld [tilespmem:s28+$0xC410]  }
0x480: {  	v63 =	vld [tilespmem:$0x1FF40];
	v9 =	vnsel vm2, $0x0, v9  }
0x481: {  	vm2 =	veq.s32 v25, v39;
	v8 =	vadd.f32 v8, v9;
	v9 =	vld [tilespmem:s28+$0xC420]  }
0x482: {  	v61 =	vld [tilespmem:$0x1FFC0];
	v10 =	vnsel vm2, $0x0, v10  }
0x483: {  	vm2 =	veq.s32 v25, v32;
	v8 =	vadd.f32 v8, v10;
	v10 =	vld [tilespmem:s28+$0xC430]  }
0x484: {  	v26 =	vld [tilespmem:$0x1FFD0];
	v11 =	vnsel vm2, $0x0, v11  }
0x485: {  	vm2 =	veq.s32 v25, v35;
	v8 =	vadd.f32 v8, v11;
	v11 =	vld [tilespmem:s28+$0xC440]  }
0x486: {  	v27 =	vld [tilespmem:$0x1FFF0];
	v9 =	vnsel vm2, $0x0, v9  }
0x487: {  	vm2 =	veq.s32 v25, v47;
	v8 =	vadd.f32 v8, v9;
	v9 =	vld [tilespmem:s28+$0xC450]  }
0x488: {  	v34 =	vld [tilespmem:$0x1FF70];
	v10 =	vnsel vm2, $0x0, v10  }
0x489: {  	vm2 =	veq.s32 v25, v40;
	v8 =	vadd.f32 v8, v10;
	v10 =	vld [tilespmem:s28+$0xC460]  }
0x48a: {  	v62 =	vld [tilespmem:$0x1FF80];
	v11 =	vnsel vm2, $0x0, v11  }
0x48b: {  	vm2 =	veq.s32 v25, v60;
	v8 =	vadd.f32 v8, v11;
	v11 =	vld [tilespmem:s28+$0xC470]  }
0x48c: {  	v36 =	vld [tilespmem:$0x1FDF0];
	v9 =	vnsel vm2, $0x0, v9  }
0x48d: {  	vm2 =	veq.s32 v25, v58;
	v8 =	vadd.f32 v8, v9;
	v9 =	vld [tilespmem:s28+$0xC800]  }
0x48e: {  	v20 =	vld [tilespmem:$0x1FFB0];
	v10 =	vnsel vm2, $0x0, v10  }
0x48f: {  	vm2 =	veq.s32 v25, v59;
	v8 =	vadd.f32 v8, v10;
	v10 =	vld [tilespmem:s28+$0xC810]  }
0x490: {  	v38 =	vld [tilespmem:$0x1FC30];
	v11 =	vnsel vm2, $0x0, v11  }
0x491: {  	vm2 =	veq.s32 v25, v63;
	v8 =	vadd.f32 v8, v11;
	v11 =	vld [tilespmem:s28+$0xC820]  }
0x492: {  	v42 =	vld [tilespmem:s19+$0xCC40];
	v9 =	vnsel vm2, $0x0, v9  }
0x493: {  	vm2 =	veq.s32 v25, v20;
	v8 =	vadd.f32 v8, v9;
	v9 =	vld [tilespmem:s28+$0xC830]  }
0x494: {  	v45 =	vld [tilespmem:s19+$0xCC50];
	v10 =	vnsel vm2, $0x0, v10  }
0x495: {  	vm2 =	veq.s32 v25, v61;
	v8 =	vadd.f32 v8, v10;
	v10 =	vld [tilespmem:s28+$0xC840]  }
0x496: {  	v50 =	vld [tilespmem:s19+$0xCC60];
	v11 =	vnsel vm2, $0x0, v11  }
0x497: {  	vm2 =	veq.s32 v25, v26;
	v8 =	vadd.f32 v8, v11;
	v11 =	vld [tilespmem:s28+$0xC850]  }
0x498: {  	v51 =	vld [tilespmem:$0x1FC50];
	v9 =	vnsel vm2, $0x0, v9  }
0x499: {  	vm2 =	veq.s32 v25, v27;
	v8 =	vadd.f32 v8, v9;
	v9 =	vld [tilespmem:s28+$0xC860]  }
0x49a: {  	v53 =	vld [tilespmem:s19+$0xCC70];
	v10 =	vnsel vm2, $0x0, v10  }
0x49b: {  	vm2 =	veq.s32 v25, v34;
	v8 =	vadd.f32 v8, v10;
	v10 =	vld [tilespmem:s28+$0xC870]  }
0x49c: {  	v22 =	vld [tilespmem:$0x1FCE0];
	v11 =	vnsel vm2, $0x0, v11  }
0x49d: {  	v12 =	vld [tilespmem:$0x1FC40];
	vm2 =	veq.s32 v25, v62;
	v8 =	vadd.f32 v8, v11  }
0x49e: {  	v11 =	vld [tilespmem:s28+$0xCC00];
	v9 =	vnsel vm2, $0x0, v9  }
0x49f: {  	v5 =	vnsel vm1, $0x0, v5;
	vm1 =	veq.s32 v25, v36;
	v36 =	vld [tilespmem:$0x1FC90];
	v8 =	vadd.f32 v8, v9  }
0x4a0: {  	v9 =	vld [tilespmem:s28+$0xCC10];
	v37 =	vnsel vm1, $0x0, v10  }
0x4a1: {  	v5 =	vadd.f32 v7, v5;
	v7 =	vadd.f32 v8, v37;
	v37 =	vld [tilespmem:$0x1FE00]  }
0x4a2: {  	vm1 =	veq.s32 v25, v38;
	v38 =	vld [tilespmem:$0x1FE10]  }
0x4a3: {  	v8 =	vld [tilespmem:s28+$0xCC20];
	v10 =	vnsel vm1, $0x0, v11  }
0x4a4: {  	vm2 =	veq.s32 v1, v12;
	vm1 =	veq.s32 v25, v12;
	v11 =	vld [tilespmem:$0x1FC60];
	v7 =	vadd.f32 v7, v10  }
0x4a5: {  	v6 =	vnsel vm2, $0x0, v6;
	v10 =	vld [tilespmem:s28+$0xCC30];
	v9 =	vnsel vm1, $0x0, v9  }
0x4a6: {  	v5 =	vadd.f32 v5, v6;
	v7 =	vadd.f32 v7, v9;
	v9 =	vld [tilespmem:s28+$0xCC40];
	vm2 =	veq.s32 v1, v37  }
0x4a7: {  	v61 =	vld [tilespmem:$0x1FC70];
	vm1 =	veq.s32 v25, v37;
	v4 =	vnsel vm2, $0x0, v4;
	vm2 =	veq.s32 v1, v38  }
0x4a8: {  	v62 =	vld [tilespmem:s19+$0xD000];
	v8 =	vnsel vm1, $0x0, v8;
	vm1 =	veq.s32 v25, v38;
	v4 =	vadd.f32 v5, v4  }
0x4a9: {  	v3 =	vnsel vm2, $0x0, v3;
	vm2 =	veq.s32 v1, v51;
	v7 =	vadd.f32 v7, v8;
	v8 =	vld [tilespmem:s28+$0xCC50]  }
0x4aa: {  	v10 =	vnsel vm1, $0x0, v10;
	vm1 =	veq.s32 v25, v51;
	v51 =	vld [tilespmem:$0x1FE30];
	v6 =	vnsel vm2, $0x0, v42  }
0x4ab: {  	vm2 =	veq.s32 v1, v11;
	v9 =	vnsel vm1, $0x0, v9;
	vm1 =	veq.s32 v25, v11;
	v11 =	vld [tilespmem:$0x1FC80]  }
0x4ac: {  	v42 =	vld [tilespmem:s19+$0xD010];
	v3 =	vadd.f32 v4, v3  }
0x4ad: {  	v7 =	vadd.f32 v7, v10;
	v10 =	vld [tilespmem:s28+$0xCC60]  }
0x4ae: {  	v5 =	vnsel vm2, $0x0, v45;
	vm2 =	veq.s32 v1, v61;
	v45 =	vld [tilespmem:s19+$0xD020];
	v3 =	vadd.f32 v3, v6  }
0x4af: {  	v4 =	vnsel vm2, $0x0, v50;
	v7 =	vadd.f32 v7, v9;
	v9 =	vld [tilespmem:s28+$0xCC70];
	v8 =	vnsel vm1, $0x0, v8  }
0x4b0: {  	vm1 =	veq.s32 v25, v61;
	v61 =	vld [tilespmem:$0x1FCA0];
	v3 =	vadd.f32 v3, v5;
	vm2 =	veq.s32 v1, v11  }
0x4b1: {  	v7 =	vadd.f32 v7, v8;
	v8 =	vld [tilespmem:s28+$0xD000];
	v6 =	vnsel vm2, $0x0, v53;
	vm2 =	veq.s32 v1, v36  }
0x4b2: {  	v10 =	vnsel vm1, $0x0, v10;
	v5 =	vnsel vm2, $0x0, v62;
	v62 =	vld [tilespmem:$0x1FE20]  }
0x4b3: {  	v3 =	vadd.f32 v3, v4;
	v7 =	vadd.f32 v7, v10;
	v10 =	vld [tilespmem:s28+$0xD010]  }
0x4b4: {  	vm1 =	veq.s32 v25, v11;
	v53 =	vld [tilespmem:$0x1FF50]  }
0x4b5: {  	v9 =	vnsel vm1, $0x0, v9;
	vm1 =	veq.s32 v25, v36;
	v36 =	vld [tilespmem:$0x1FE40];
	v3 =	vadd.f32 v3, v6  }
0x4b6: {  	v7 =	vadd.f32 v7, v9;
	v9 =	vld [tilespmem:s28+$0xD020]  }
0x4b7: {  	v3 =	vadd.f32 v3, v5;
	v5 =	vld [tilespmem:s19+$0xD030];
	vm2 =	veq.s32 v1, v62  }
0x4b8: {  	v8 =	vnsel vm1, $0x0, v8;
	v4 =	vnsel vm2, $0x0, v42;
	v42 =	vld [tilespmem:s19+$0xD040]  }
0x4b9: {  	v11 =	vld [tilespmem:$0x1FCB0];
	v7 =	vadd.f32 v7, v8;
	vm1 =	veq.s32 v25, v62  }
0x4ba: {  	v8 =	vld [tilespmem:s28+$0xD030];
	vm2 =	veq.s32 v1, v51;
	v10 =	vnsel vm1, $0x0, v10;
	vm1 =	veq.s32 v25, v51  }
0x4bb: {  	v3 =	vadd.f32 v3, v4;
	v6 =	vnsel vm2, $0x0, v45;
	vm2 =	veq.s32 v1, v36;
	v45 =	vld [tilespmem:s19+$0xD050]  }
0x4bc: {  	v7 =	vadd.f32 v7, v10;
	v10 =	vld [tilespmem:s28+$0xD040];
	v5 =	vnsel vm2, $0x0, v5;
	vm2 =	veq.s32 v1, v53  }
0x4bd: {  	v9 =	vnsel vm1, $0x0, v9;
	v3 =	vadd.f32 v3, v6;
	v4 =	vnsel vm2, $0x0, v42;
	v42 =	vld [tilespmem:$0x1FF60]  }
0x4be: {  	vm1 =	veq.s32 v25, v36;
	v7 =	vadd.f32 v7, v9;
	v9 =	vld [tilespmem:s28+$0xD050]  }
0x4bf: {  	v8 =	vnsel vm1, $0x0, v8;
	v3 =	vadd.f32 v3, v5;
	v5 =	vld [tilespmem:s19+$0xD060]  }
0x4c0: {  	v50 =	vld [tilespmem:s19+$0xD070];
	vm1 =	veq.s32 v25, v53;
	v7 =	vadd.f32 v7, v8  }
0x4c1: {  	v8 =	vld [tilespmem:s28+$0xD060];
	v10 =	vnsel vm1, $0x0, v10;
	v3 =	vadd.f32 v3, v4  }
0x4c2: {  	v7 =	vadd.f32 v7, v10;
	v10 =	vld [tilespmem:s28+$0xD070];
	vm2 =	veq.s32 v1, v42;
	vm1 =	veq.s32 v25, v42  }
0x4c3: {  	v6 =	vnsel vm2, $0x0, v45;
	vm2 =	veq.s32 v1, v61;
	v45 =	vld [tilespmem:s19+$0xD400];
	v9 =	vnsel vm1, $0x0, v9  }
0x4c4: {  	vm1 =	veq.s32 v25, v61;
	v61 =	vld [tilespmem:$0x1FCC0];
	v5 =	vnsel vm2, $0x0, v5;
	vm2 =	veq.s32 v1, v11  }
0x4c5: {  	v4 =	vnsel vm2, $0x0, v50;
	v50 =	vld [tilespmem:$0x1FE50]  }
0x4c6: {  	v3 =	vadd.f32 v3, v6;
	v7 =	vadd.f32 v7, v9;
	v9 =	vld [tilespmem:s28+$0xD400]  }
0x4c7: {  	v8 =	vnsel vm1, $0x0, v8;
	vm1 =	veq.s32 v25, v11;
	v11 =	vld [tilespmem:$0x1FD90]  }
0x4c8: {  	v3 =	vadd.f32 v3, v5;
	v5 =	vld [tilespmem:s19+$0xD410]  }
0x4c9: {  	v7 =	vadd.f32 v7, v8;
	v8 =	vld [tilespmem:s28+$0xD410]  }
0x4ca: {  	v10 =	vnsel vm1, $0x0, v10;
	v3 =	vadd.f32 v3, v4;
	v4 =	vld [tilespmem:s19+$0xD420];
	vm2 =	veq.s32 v1, v50  }
0x4cb: {  	v7 =	vadd.f32 v7, v10;
	v10 =	vld [tilespmem:s28+$0xD420];
	vm1 =	veq.s32 v25, v50;
	v6 =	vnsel vm2, $0x0, v45  }
0x4cc: {  	vm2 =	veq.s32 v1, v61;
	v45 =	vld [tilespmem:s19+$0xD430];
	v9 =	vnsel vm1, $0x0, v9;
	v3 =	vadd.f32 v3, v6  }
0x4cd: {  	vm1 =	veq.s32 v25, v61;
	v5 =	vnsel vm2, $0x0, v5;
	v7 =	vadd.f32 v7, v9;
	v9 =	vld [tilespmem:s28+$0xD430]  }
0x4ce: {  	vm2 =	veq.s32 v1, v22;
	v8 =	vnsel vm1, $0x0, v8;
	v3 =	vadd.f32 v3, v5;
	v5 =	vld [tilespmem:s19+$0xD440]  }
0x4cf: {  	vm1 =	veq.s32 v25, v22;
	v4 =	vnsel vm2, $0x0, v4;
	v7 =	vadd.f32 v7, v8;
	v8 =	vld [tilespmem:s28+$0xD440]  }
0x4d0: {  	v61 =	vld [tilespmem:s19+$0xD450];
	vm2 =	veq.s32 v1, v11;
	v10 =	vnsel vm1, $0x0, v10;
	v3 =	vadd.f32 v3, v4  }
0x4d1: {  	vm1 =	veq.s32 v25, v11;
	v6 =	vnsel vm2, $0x0, v45;
	v7 =	vadd.f32 v7, v10;
	v10 =	vld [tilespmem:s28+$0xD450]  }
0x4d2: {  	v45 =	vld [tilespmem:s19+$0xD460];
	vm2 =	veq.s32 v1, v43;
	v9 =	vnsel vm1, $0x0, v9;
	v3 =	vadd.f32 v3, v6  }
0x4d3: {  	vm1 =	veq.s32 v25, v43;
	v7 =	vadd.f32 v7, v9;
	v9 =	vld [tilespmem:s28+$0xD460];
	v5 =	vnsel vm2, $0x0, v5  }
0x4d4: {  	vm2 =	veq.s32 v1, v41;
	v8 =	vnsel vm1, $0x0, v8;
	v3 =	vadd.f32 v3, v5;
	v5 =	vld [tilespmem:s19+$0xD470]  }
0x4d5: {  	vm1 =	veq.s32 v25, v41;
	v4 =	vnsel vm2, $0x0, v61;
	v7 =	vadd.f32 v7, v8;
	v8 =	vld [tilespmem:s28+$0xD470]  }
0x4d6: {  	v61 =	vld [tilespmem:s19+$0xD800];
	vm2 =	veq.s32 v1, v23;
	v10 =	vnsel vm1, $0x0, v10;
	v3 =	vadd.f32 v3, v4  }
0x4d7: {  	v6 =	vnsel vm2, $0x0, v45;
	vm1 =	veq.s32 v25, v23;
	v7 =	vadd.f32 v7, v10;
	v10 =	vld [tilespmem:s28+$0xD800]  }
0x4d8: {  	v45 =	vld [tilespmem:s19+$0xD810];
	vm2 =	veq.s32 v1, v15;
	v9 =	vnsel vm1, $0x0, v9;
	v3 =	vadd.f32 v3, v6  }
0x4d9: {  	vm1 =	veq.s32 v25, v15;
	v7 =	vadd.f32 v7, v9;
	v9 =	vld [tilespmem:s28+$0xD810];
	v5 =	vnsel vm2, $0x0, v5  }
0x4da: {  	vm2 =	veq.s32 v1, v57;
	v8 =	vnsel vm1, $0x0, v8;
	v3 =	vadd.f32 v3, v5;
	v5 =	vld [tilespmem:s19+$0xD820]  }
0x4db: {  	vm1 =	veq.s32 v25, v57;
	v4 =	vnsel vm2, $0x0, v61;
	v7 =	vadd.f32 v7, v8;
	v8 =	vld [tilespmem:s28+$0xD820]  }
0x4dc: {  	vm2 =	veq.s32 v1, v46;
	v61 =	vld [tilespmem:s19+$0xD830];
	v10 =	vnsel vm1, $0x0, v10;
	v3 =	vadd.f32 v3, v4  }
0x4dd: {  	v6 =	vnsel vm2, $0x0, v45;
	vm1 =	veq.s32 v25, v46;
	v7 =	vadd.f32 v7, v10;
	v10 =	vld [tilespmem:s28+$0xD830]  }
0x4de: {  	vm2 =	veq.s32 v1, v54;
	v45 =	vld [tilespmem:s19+$0xD840];
	v9 =	vnsel vm1, $0x0, v9;
	v3 =	vadd.f32 v3, v6  }
0x4df: {  	vm1 =	veq.s32 v25, v54;
	v7 =	vadd.f32 v7, v9;
	v9 =	vld [tilespmem:s28+$0xD840];
	v5 =	vnsel vm2, $0x0, v5  }
0x4e0: {  	vm2 =	veq.s32 v1, v16;
	v8 =	vnsel vm1, $0x0, v8;
	v3 =	vadd.f32 v3, v5;
	v5 =	vld [tilespmem:s19+$0xD850]  }
0x4e1: {  	vm1 =	veq.s32 v25, v16;
	v4 =	vnsel vm2, $0x0, v61;
	v7 =	vadd.f32 v7, v8;
	v8 =	vld [tilespmem:s28+$0xD850]  }
0x4e2: {  	v61 =	vld [tilespmem:s19+$0xD860];
	vm2 =	veq.s32 v1, v55;
	v10 =	vnsel vm1, $0x0, v10;
	v3 =	vadd.f32 v3, v4  }
0x4e3: {  	v6 =	vnsel vm2, $0x0, v45;
	vm1 =	veq.s32 v25, v55;
	v7 =	vadd.f32 v7, v10;
	v10 =	vld [tilespmem:s28+$0xD860]  }
0x4e4: {  	v45 =	vld [tilespmem:s19+$0xD870];
	vm2 =	veq.s32 v1, v21;
	v9 =	vnsel vm1, $0x0, v9;
	v3 =	vadd.f32 v3, v6  }
0x4e5: {  	vm1 =	veq.s32 v25, v21;
	v7 =	vadd.f32 v7, v9;
	v9 =	vld [tilespmem:s28+$0xD870];
	v5 =	vnsel vm2, $0x0, v5  }
0x4e6: {  	vm2 =	veq.s32 v1, v29;
	v8 =	vnsel vm1, $0x0, v8;
	v3 =	vadd.f32 v3, v5;
	v5 =	vld [tilespmem:s25+$0xC000]  }
0x4e7: {  	vm1 =	veq.s32 v25, v29;
	v4 =	vnsel vm2, $0x0, v61;
	v61 =	vld [tilespmem:s24+$0xC000];
	v7 =	vadd.f32 v7, v8  }
0x4e8: {  	vm2 =	veq.s32 v1, v14;
	v8 =	vld [tilespmem:s2+$0xC000];
	v10 =	vnsel vm1, $0x0, v10;
	v3 =	vadd.f32 v3, v4  }
0x4e9: {  	v6 =	vnsel vm2, $0x0, v45;
	v45 =	vld [tilespmem:s23+$0xC000];
	vm1 =	veq.s32 v25, v14;
	v7 =	vadd.f32 v7, v10  }
0x4ea: {  	vm2 =	veq.s32 v1, v30;
	v10 =	vld [tilespmem:s8+$0xC000];
	v9 =	vnsel vm1, $0x0, v9;
	v3 =	vadd.f32 v3, v6  }
0x4eb: {  	v7 =	vadd.f32 v7, v9;
	v9 =	vld [tilespmem:s10+$0xC000];
	v5 =	vnsel vm2, $0x0, v5  }
0x4ec: {  	vm1 =	veq.s32 v25, v30;
	vm2 =	veq.s32 v1, v49;
	v3 =	vadd.f32 v3, v5;
	v5 =	vld [tilespmem:s26+$0xC000]  }
0x4ed: {  	v8 =	vnsel vm1, $0x0, v8;
	v4 =	vnsel vm2, $0x0, v61;
	v61 =	vld [tilespmem:s21+$0xC000]  }
0x4ee: {  	vm1 =	veq.s32 v25, v49;
	vm2 =	veq.s32 v1, v17;
	v7 =	vadd.f32 v7, v8  }
0x4ef: {  	v8 =	vld [tilespmem:s15+$0xC000];
	v6 =	vnsel vm2, $0x0, v45;
	v10 =	vnsel vm1, $0x0, v10;
	v3 =	vadd.f32 v3, v4  }
0x4f0: {  	vm2 =	veq.s32 v1, v13;
	v45 =	vld [tilespmem:s20+$0xC000];
	vm1 =	veq.s32 v25, v17;
	v7 =	vadd.f32 v7, v10  }
0x4f1: {  	v10 =	vld [tilespmem:s9+$0xC000];
	v3 =	vadd.f32 v3, v6;
	v5 =	vnsel vm2, $0x0, v5;
	vm2 =	veq.s32 v1, v31  }
0x4f2: {  	v9 =	vnsel vm1, $0x0, v9;
	v4 =	vnsel vm2, $0x0, v61;
	v61 =	vld [tilespmem:$0x1FBD0]  }
0x4f3: {  	vm1 =	veq.s32 v25, v13;
	v7 =	vadd.f32 v7, v9;
	v9 =	vld [tilespmem:s0+$0xC000];
	v3 =	vadd.f32 v3, v5  }
0x4f4: {  	v49 =	vnsel vm1, $0x0, v8;
	vm1 =	veq.s32 v25, v31;
	v5 =	vld [tilespmem:s22+$0xC000]  }
0x4f5: {  	vm2 =	veq.s32 v1, v24;
	v3 =	vadd.f32 v3, v4;
	v4 =	vadd.f32 v7, v49  }
0x4f6: {  	v6 =	vnsel vm2, $0x0, v45;
	v45 =	vnsel vm1, $0x0, v10;
	v7 =	vld [tilespmem:s31+$0xC000]  }
0x4f7: {  	v2 =	vadd.f32 v4, v45;
	v45 =	vld [tilespmem:$0x1FBB0];
	vm2 =	veq.s32 v1, v61  }
0x4f8: {  	v6 =	vadd.f32 v3, v6;
	vm1 =	vmand vm2, vm0;
	vm2 =	veq.s32 v25, v24  }
0x4f9: {  	vm3 =	veq.s32 v25, v0;
	v49 =	vnsel vm1, $0x0, v5;
	v61 =	vnsel vm2, $0x0, v9  }
0x4fa: {  	vm1 =	vmand vm3, vm0;
	v0 =	vadd.f32 v6, v49;
	v6 =	vadd.f32 v2, v61  }
0x4fb: {  	v7 =	vnsel vm1, $0x0, v7;
	v49 =	vld [tilespmem:$0x1FBC0]  }
0x4fc: {  	v0 =	vadd.f32 v0, v45;
	v1 =	vadd.f32 v6, v7;
	_ =	sdelay $0x1  }
.Ltmp8:
0x4fd: {  	v12 =	vmov v46;
	v0 =	vadd.f32 v1, v0;
	(pc) =	sbr.rel .LBB2_10-.Ltmp8, $4  }
0x4fe: {  	v21 =	vmovc v59;
	v59 =	vmovc v51;
	v51 =	vmov v48;
	v48 =	vmov v23;
	v61 =	vmov v18  }
0x4ff: {  	v23 =	vmovc v31;
	v29 =	vmovc v34;
	v34 =	vld [tilespmem:$0x1FFC0];
	v30 =	vmov v39;
	v13 =	vmov v54;
	v0 =	vadd.f32 v0, v49  }
0x500: {  	v39 =	vld [tilespmem:$0x1FDF0];
	v10 =	vmovc v24;
	v25 =	vmovc v37;
	v37 =	vmov v38;
	v38 =	vmov v62;
	v18 =	vmov v63  }
0x501: {  	v45 =	vld [tilespmem:$0x1FF80];
	v61 =	vmovc v61;
	v49 =	vmovc v28;
	v28 =	vmov v40;
	v40 =	vmov v50;
	v50 =	vmov v43;
	[tilespmem:$0x10000] =	vst v0  }
.LBB2_12:
0x502: {  	_ =	sfence.sel $0x180000  }
0x503: {  	[bflag:$0x0] =	sbarrier.arrive $0xFFFF  }
0x504: {  	_ =	strace $0x90000047  }
0x505: {  	s0 =	stileid.u32;
	[bflag:$0x2] =	sbarrier.arrive $0xFFFF  }
0x506: {  	p0 =	sne.s32 s0, $0x0;
	s0 =	rddreg [dreg:$0x1]  }
0x507: {  	s0 =	sadd.s32 @!p0 $0x100000, s0  }
0x508: {  	[sflag:s0] =	ssyncadd.tile.s32 @!p0 $0x1;
	_ =	shalt  }
.Lfunc_end2:
_tile_overlayer_lowered:
.L_overlay_start_2:
0x509: {  	(tag) =	ssettag $0x2  }
0x50a: {  	s0 =	rddreg [dreg:$0x0];
	s2 =	stileid.u32  }
0x50b: {  	s1 =	rddreg [dreg:$0x1];
	p0 =	sne.s32 s2, $0x0  }
0x50c: {  	s3 =	rddreg [dreg:$0x2];
	[bflag:$0x3] =	sbarrier.arrive $0xFFFF;
	s2 =	simm.s32 @!p0 $0x1C05  }
0x50d: {  	[timem:s3], [sflag:s2] =	dma.local @!p0 [hbm:s0], s1  }
0x50e: {  	s0 =	simm.s32 @!p0 $0x5  }
0x50f: {  	_ =	swait.ge @!p0 [sflag:s0], s1  }
0x510: {  	s1 =	ssub.s32 @!p0 $0x0, s1;
	[sflag:s0] =	ssyncset.done @!p0 $0x0  }
0x511: {  	[sflag:s0] =	ssyncadd.s32 @!p0 s1  }
0x512: {  	[bflag:$0x3] =	sbarrier.arrive $0xFFFF  }
0x513: {  	_ =	shalt  }

</sc_bundles>
